<compile_context>
chip_gen: v7x
topology: tpu7x:2x2x1
jax: 0.10.2.dev20260603
libtpu: 0.0.44.dev20260713+nightly
codegen_flags: <defaults>
</compile_context>

<pallas_src>
import functools

import jax
import jax.numpy as jnp
from jax import lax
from jax.experimental import pallas as pl
from jax.experimental.pallas import tpu as pltpu
from jax.experimental.pallas import tpu_sc as plsc

N = 10000
E = 320000
D = 128
EPS = 1e-5

NC = 2
NS = 16
NW = NC * NS
EPW = E // NW
B = 128
EPT = 10240
NB = EPT // B
NBUF = 2
CHA = 40
NCHA = NB // CHA
CHC = 8
NCHC = NB // CHC
NPT = 632
NPAD = NPT * NS
NPT_C = 640
NPAD_C = NPT_C * NS

_mesh = plsc.VectorSubcoreMesh(
    core_axis_name="c", subcore_axis_name="s", num_cores=NC, num_subcores=NS
)


@functools.partial(
    pl.kernel,
    out_type=jax.ShapeDtypeStruct((NC, NPAD_C), jnp.float32),
    mesh=_mesh,
    scratch_types=[
        pltpu.VMEM((CHC, B), jnp.int32),
        pltpu.VMEM((B,), jnp.float32),
        pltpu.VMEM((NPT_C,), jnp.float32),
        pltpu.VMEM_SHARED((NPAD_C,), jnp.float32),
    ],
)
def _sc_counts(row_hbm, cnt_out, idx_v, ones_v, zbuf, cnt_sh):
    c = lax.axis_index("c")
    s = lax.axis_index("s")
    wid = c * NS + s
    zero16 = jnp.zeros((16,), jnp.float32)
    one16 = jnp.ones((16,), jnp.float32)
    for g in range(B // 16):
        ones_v[pl.ds(g * 16, 16)] = one16

    @pl.loop(0, NPT_C // 16)
    def _(i):
        zbuf[pl.ds(i * 16, 16)] = zero16

    pltpu.sync_copy(zbuf, cnt_sh.at[pl.ds(s * NPT_C, NPT_C)])
    plsc.subcore_barrier()

    for ch in range(NCHC):
        pltpu.sync_copy(row_hbm.at[wid, ch], idx_v)

        @pl.loop(0, CHC)
        def _(b):
            pltpu.sync_copy(ones_v, cnt_sh.at[idx_v.at[b]], add=True)

    plsc.subcore_barrier()
    pltpu.sync_copy(cnt_sh.at[pl.ds(s * NPT_C, NPT_C)], cnt_out.at[c, pl.ds(s * NPT_C, NPT_C)])


@functools.partial(
    pl.kernel,
    out_type=jax.ShapeDtypeStruct((NC, NPAD, D), jnp.float32),
    mesh=_mesh,
    scratch_types=(
        [
            pltpu.VMEM((CHA, B), jnp.int32),
            pltpu.VMEM((CHA, B), jnp.int32),
            pltpu.VMEM_SHARED((NPAD, D), jnp.float32),
        ]
        + [pltpu.VMEM((B, D), jnp.float32) for _ in range(NBUF)]
        + [pltpu.SemaphoreType.DMA for _ in range(2 * NBUF)]
    ),
)
def _sc_agg(z_hbm, row_hbm, col_hbm, zeros_hbm, t_out, ridx, cidx, t_sh, *rest):
    gbufs = rest[:NBUF]
    gsems = rest[NBUF : 2 * NBUF]
    ssems = rest[2 * NBUF :]
    c = lax.axis_index("c")
    s = lax.axis_index("s")
    wid = c * NS + s
    pltpu.sync_copy(zeros_hbm, t_sh.at[pl.ds(s * NPT, NPT)])
    plsc.subcore_barrier()

    def _gather(b, j):
        return pltpu.async_copy(z_hbm.at[ridx.at[b]], gbufs[j], gsems[j])

    def _gather_wait(b, j):
        pltpu.make_async_copy(z_hbm.at[ridx.at[b]], gbufs[j], gsems[j]).wait()

    def _scatter(b, j):
        return pltpu.async_copy(gbufs[j], t_sh.at[cidx.at[b]], ssems[j], add=True)

    def _scatter_wait(b, j):
        pltpu.make_async_copy(gbufs[j], t_sh.at[cidx.at[b]], ssems[j]).wait()

    for ch in range(NCHA):
        pltpu.sync_copy(row_hbm.at[wid, ch], ridx)
        pltpu.sync_copy(col_hbm.at[wid, ch], cidx)

        _gather(0, 0)
        _gather_wait(0, 0)
        _scatter(0, 0)
        _gather(1, 1)

        _nbm = CHA - 2 if CHA % 2 == 1 else CHA - 3

        @pl.loop(1, _nbm, step=2)
        def _(b0):
            for dj, slot in ((0, 1), (1, 0)):
                b = b0 + dj
                _gather_wait(b, slot)
                _scatter(b, slot)
                _scatter_wait(b - 1, 1 - slot)
                _gather(b + 1, 1 - slot)

        for b in range(_nbm, CHA):
            slot = b % 2
            _gather_wait(b, slot)
            _scatter(b, slot)
            _scatter_wait(b - 1, 1 - slot)
            if b + 1 < CHA:
                _gather(b + 1, 1 - slot)
        _scatter_wait(CHA - 1, (CHA - 1) % 2)

    plsc.subcore_barrier()
    pltpu.sync_copy(t_sh.at[pl.ds(s * NPT, NPT)], t_out.at[c, pl.ds(s * NPT, NPT)])


R = 1000
G = N // R


def _deg_terms(cnt_ref):
    deg = jnp.sum(cnt_ref[...], axis=1, keepdims=True) + 1.0
    return lax.rsqrt(deg), 1.0 / deg


def _tc_prep_body(cnt_ref, x_ref, re_ref, z_ref, r_ref):
    dis, invd = _deg_terms(cnt_ref)
    x = x_ref[...]
    z_ref[...] = dis * jnp.maximum(x, 0.0)
    r_ref[...] = jnp.maximum(x + re_ref[...], 0.0) * invd


def _tc_mid_body(t_ref, cnt_ref, r1_ref, re_ref, g_ref, b_ref, z_ref, r2_ref):
    dis, invd = _deg_terms(cnt_ref)
    pre = dis * (t_ref[0] + t_ref[1]) + r1_ref[...]
    m = jnp.mean(pre, axis=-1, keepdims=True)
    v = jnp.mean((pre - m) ** 2, axis=-1, keepdims=True)
    h = (pre - m) * lax.rsqrt(v + EPS) * g_ref[...] + b_ref[...]
    h = jnp.maximum(h, 0.0)
    z_ref[...] = dis * h
    r2_ref[...] = jnp.maximum(h + re_ref[...], 0.0) * invd


def _tc_final_body(t_ref, cnt_ref, r2_ref, g_ref, b_ref, o_ref):
    dis, _ = _deg_terms(cnt_ref)
    pre = dis * (t_ref[0] + t_ref[1]) + r2_ref[...]
    m = jnp.mean(pre, axis=-1, keepdims=True)
    v = jnp.mean((pre - m) ** 2, axis=-1, keepdims=True)
    o_ref[...] = (pre - m) * lax.rsqrt(v + EPS) * g_ref[...] + b_ref[...]


_cnt_spec = pl.BlockSpec((R, NC), lambda i: (i, 0))
_t_spec = pl.BlockSpec((NC, R, D), lambda i: (0, i, 0))
_nd_spec = pl.BlockSpec((R, D), lambda i: (i, 0))
_vec_spec = pl.BlockSpec((1, D), lambda i: (0, 0))
_nd_shape = jax.ShapeDtypeStruct((N, D), jnp.float32)


def _tc_prep(cnt, x, re0):
    return pl.pallas_call(
        _tc_prep_body,
        grid=(G,),
        in_specs=[_cnt_spec, _nd_spec, _vec_spec],
        out_specs=[_nd_spec, _nd_spec],
        out_shape=[_nd_shape, _nd_shape],
    )(cnt, x, re0)


def _tc_mid(t, cnt, r1, re1, g0, b0):
    return pl.pallas_call(
        _tc_mid_body,
        grid=(G,),
        in_specs=[_t_spec, _cnt_spec, _nd_spec, _vec_spec, _vec_spec, _vec_spec],
        out_specs=[_nd_spec, _nd_spec],
        out_shape=[_nd_shape, _nd_shape],
    )(t, cnt, r1, re1, g0, b0)


def _tc_final(t, cnt, r2, g1, b1):
    return pl.pallas_call(
        _tc_final_body,
        grid=(G,),
        in_specs=[_t_spec, _cnt_spec, _nd_spec, _vec_spec, _vec_spec],
        out_specs=_nd_spec,
        out_shape=_nd_shape,
    )(t, cnt, r2, g1, b1)


def kernel(in_feat, edge_index, root_emb0, root_emb1, ln_g0, ln_b0, ln_g1, ln_b1):
    pad = EPT - EPW
    row = edge_index[0].astype(jnp.int32).reshape(NW, EPW)
    col = edge_index[1].astype(jnp.int32).reshape(NW, EPW)
    row_c = jnp.pad(row, ((0, 0), (0, pad)), constant_values=N)
    row = jnp.pad(row, ((0, 0), (0, pad)))
    col = jnp.pad(col, ((0, 0), (0, pad)), constant_values=N)
    row_a = row.reshape(NW, NCHA, CHA, B)
    col_a = col.reshape(NW, NCHA, CHA, B)
    zerosD = jnp.zeros((NPT, D), jnp.float32)

    cnt = _sc_counts(row_c.reshape(NW, NCHC, CHC, B)).T
    z1, r1 = _tc_prep(cnt, in_feat, root_emb0.reshape(1, D))
    t1 = _sc_agg(z1, row_a, col_a, zerosD)
    z2, r2 = _tc_mid(t1, cnt, r1, root_emb1.reshape(1, D),
                     ln_g0.reshape(1, D), ln_b0.reshape(1, D))
    t2 = _sc_agg(z2, row_a, col_a, zerosD)
    return _tc_final(t2, cnt, r2, ln_g1.reshape(1, D), ln_b1.reshape(1, D))

# --- scband reference (transcript-rebuilt; emitter-appended) ---
"""Pipeline reference for scband-ablation-gcn-56521769616161 (READ-ONLY COPY).

The authoritative reference and input builder live on the scoring server;
editing this copy changes nothing except your own understanding.
"""

import jax, jax.numpy as jnp
import numpy as np

N = 10000
E = 320000
D = 128
LAYERS = 2
EPS = 1e-5


def setup_inputs(seed: int = 0) -> dict:
    key = jax.random.key(seed)
    k1, k2, k3, k4 = jax.random.split(key, 4)
    in_feat = jax.random.normal(k1, (N, D), dtype=jnp.float32)
    edge_index = jax.random.randint(k2, (2, E), 0, N)
    root_emb0 = jax.random.normal(k3, (1, D), dtype=jnp.float32) * 0.02
    root_emb1 = jax.random.normal(k4, (1, D), dtype=jnp.float32) * 0.02
    ln_g0 = jnp.ones((D,), dtype=jnp.float32)
    ln_b0 = jnp.zeros((D,), dtype=jnp.float32)
    ln_g1 = jnp.ones((D,), dtype=jnp.float32)
    ln_b1 = jnp.zeros((D,), dtype=jnp.float32)
    return {
        "in_feat": in_feat,
        "edge_index": edge_index,
        "root_emb0": root_emb0,
        "root_emb1": root_emb1,
        "ln_g0": ln_g0,
        "ln_b0": ln_b0,
        "ln_g1": ln_g1,
        "ln_b1": ln_b1,
    }


def _layernorm(x, g, b):
    m = jnp.mean(x, axis=-1, keepdims=True)
    v = jnp.var(x, axis=-1, keepdims=True)
    return (x - m) / jnp.sqrt(v + EPS) * g + b


def _ogb_gcn_conv(x, edge_index, root_emb):
    # use_layer_linear=False: no linear. edge_embedding is zeros -> relu(x_j + 0) = relu(x_j)
    row = edge_index[0]
    col = edge_index[1]
    deg = jnp.zeros((N,), dtype=x.dtype).at[row].add(1.0) + 1.0
    deg_inv_sqrt = jnp.where(deg > 0, deg ** -0.5, 0.0)
    norm = deg_inv_sqrt[row] * deg_inv_sqrt[col]
    # message: norm * relu(x_j + edge_attr), x_j gathered from source (row)
    msg = norm[:, None] * jax.nn.relu(x[row])
    # aggregate (scatter-add) at target (col)
    agg = jnp.zeros_like(x).at[col].add(msg)
    # root contribution: relu(x + root_emb) * (1/deg)
    root_contrib = jax.nn.relu(x + root_emb) * (1.0 / deg)[:, None]
    return agg + root_contrib


def reference(in_feat, edge_index, root_emb0, root_emb1, ln_g0, ln_b0, ln_g1, ln_b1):
    # input_proj is Identity since in_feats == h_feats
    h = in_feat
    params = [(root_emb0, ln_g0, ln_b0), (root_emb1, ln_g1, ln_b1)]
    for i, (re, g, b) in enumerate(params):
        h = _ogb_gcn_conv(h, edge_index, re)
        h = _layernorm(h, g, b)
        if i < LAYERS - 1:
            h = jax.nn.relu(h)
        # dropout is identity in eval mode
    return h

if __name__ == "__main__":
    import jax
    _d = setup_inputs()
    print(jax.jit(kernel)(*tuple(_d.values())))

</pallas_src>

<mosaic_0001>
#map = affine_map<(d0, d1) -> (0, 0, 0, 0)>
#map1 = affine_map<(d0, d1) -> (0, 0)>
module attributes {stable_mosaic.version = 14 : i64} {
  func.func @_sc_counts(%arg0: i32, %arg1: i32, %arg2: memref<32x10x8x128xi32, #tpu.memory_space<hbm>>, %arg3: memref<2x10240xf32, #tpu.memory_space<hbm>>, %arg4: memref<8x128xi32, #tpu.memory_space<vmem>>, %arg5: memref<128xf32, #tpu.memory_space<vmem>>, %arg6: memref<640xf32, #tpu.memory_space<vmem>>, %arg7: memref<10240xf32, #tpu.memory_space<vmem_shared>>) attributes {dimension_semantics = [#tpu.dimension_semantics<core_parallel>, #tpu.dimension_semantics<subcore_parallel>], iteration_bounds = array<i64: 2, 16>, scalar_prefetch = 0 : i64, scratch_operands = 4 : i64, tpu.core_type = #tpu.core_type<sc_vector_subcore>, window_params = [{transform_indices = #map}, {transform_indices = #map1}]} {
    %mul3A = arith.constant 16 : i32
    %mul3A_0 = arith.muli %arg0, %mul3A : i32
    %add3A = arith.addi %mul3A_0, %arg1 : i32
    %broadcast_in_dim3A = arith.constant 0.000000e+00 : f32
    %broadcast_in_dim3A_1 = vector.broadcast %broadcast_in_dim3A : f32 to vector<16xf32>
    %broadcast_in_dim3A_2 = arith.constant 1.000000e+00 : f32
    %broadcast_in_dim3A_3 = vector.broadcast %broadcast_in_dim3A_2 : f32 to vector<16xf32>
    %swap3A = arith.constant 0 : index
    %swap3A_4 = tpu.vector_load %arg5[%swap3A] {strides = array<i32>} : memref<128xf32, #tpu.memory_space<vmem>>, vector<16xf32>,
    %swap3A_5 = vector.shape_cast %swap3A_4 : vector<16xf32> to vector<16xf32>
    %swap3A_6 = vector.shape_cast %broadcast_in_dim3A_3 : vector<16xf32> to vector<16xf32>
    tpu.vector_store %arg5[%swap3A], %swap3A_6 {strides = array<i32>} : memref<128xf32, #tpu.memory_space<vmem>>, vector<16xf32>,
    %swap3A_7 = arith.constant 16 : index
    %swap3A_8 = tpu.vector_load %arg5[%swap3A_7] {strides = array<i32>} : memref<128xf32, #tpu.memory_space<vmem>>, vector<16xf32>,
    %swap3A_9 = vector.shape_cast %swap3A_8 : vector<16xf32> to vector<16xf32>
    %swap3A_10 = vector.shape_cast %broadcast_in_dim3A_3 : vector<16xf32> to vector<16xf32>
    tpu.vector_store %arg5[%swap3A_7], %swap3A_10 {strides = array<i32>} : memref<128xf32, #tpu.memory_space<vmem>>, vector<16xf32>,
    %swap3A_11 = arith.constant 32 : index
    %swap3A_12 = tpu.vector_load %arg5[%swap3A_11] {strides = array<i32>} : memref<128xf32, #tpu.memory_space<vmem>>, vector<16xf32>,
    %swap3A_13 = vector.shape_cast %swap3A_12 : vector<16xf32> to vector<16xf32>
    %swap3A_14 = vector.shape_cast %broadcast_in_dim3A_3 : vector<16xf32> to vector<16xf32>
    tpu.vector_store %arg5[%swap3A_11], %swap3A_14 {strides = array<i32>} : memref<128xf32, #tpu.memory_space<vmem>>, vector<16xf32>,
    %swap3A_15 = arith.constant 48 : index
    %swap3A_16 = tpu.vector_load %arg5[%swap3A_15] {strides = array<i32>} : memref<128xf32, #tpu.memory_space<vmem>>, vector<16xf32>,
    %swap3A_17 = vector.shape_cast %swap3A_16 : vector<16xf32> to vector<16xf32>
    %swap3A_18 = vector.shape_cast %broadcast_in_dim3A_3 : vector<16xf32> to vector<16xf32>
    tpu.vector_store %arg5[%swap3A_15], %swap3A_18 {strides = array<i32>} : memref<128xf32, #tpu.memory_space<vmem>>, vector<16xf32>,
    %swap3A_19 = arith.constant 64 : index
    %swap3A_20 = tpu.vector_load %arg5[%swap3A_19] {strides = array<i32>} : memref<128xf32, #tpu.memory_space<vmem>>, vector<16xf32>,
    %swap3A_21 = vector.shape_cast %swap3A_20 : vector<16xf32> to vector<16xf32>
    %swap3A_22 = vector.shape_cast %broadcast_in_dim3A_3 : vector<16xf32> to vector<16xf32>
    tpu.vector_store %arg5[%swap3A_19], %swap3A_22 {strides = array<i32>} : memref<128xf32, #tpu.memory_space<vmem>>, vector<16xf32>,
    %swap3A_23 = arith.constant 80 : index
    %swap3A_24 = tpu.vector_load %arg5[%swap3A_23] {strides = array<i32>} : memref<128xf32, #tpu.memory_space<vmem>>, vector<16xf32>,
    %swap3A_25 = vector.shape_cast %swap3A_24 : vector<16xf32> to vector<16xf32>
    %swap3A_26 = vector.shape_cast %broadcast_in_dim3A_3 : vector<16xf32> to vector<16xf32>
    tpu.vector_store %arg5[%swap3A_23], %swap3A_26 {strides = array<i32>} : memref<128xf32, #tpu.memory_space<vmem>>, vector<16xf32>,
    %swap3A_27 = arith.constant 96 : index
    %swap3A_28 = tpu.vector_load %arg5[%swap3A_27] {strides = array<i32>} : memref<128xf32, #tpu.memory_space<vmem>>, vector<16xf32>,
    %swap3A_29 = vector.shape_cast %swap3A_28 : vector<16xf32> to vector<16xf32>
    %swap3A_30 = vector.shape_cast %broadcast_in_dim3A_3 : vector<16xf32> to vector<16xf32>
    tpu.vector_store %arg5[%swap3A_27], %swap3A_30 {strides = array<i32>} : memref<128xf32, #tpu.memory_space<vmem>>, vector<16xf32>,
    %swap3A_31 = arith.constant 112 : index
    %swap3A_32 = tpu.vector_load %arg5[%swap3A_31] {strides = array<i32>} : memref<128xf32, #tpu.memory_space<vmem>>, vector<16xf32>,
    %swap3A_33 = vector.shape_cast %swap3A_32 : vector<16xf32> to vector<16xf32>
    %swap3A_34 = vector.shape_cast %broadcast_in_dim3A_3 : vector<16xf32> to vector<16xf32>
    tpu.vector_store %arg5[%swap3A_31], %swap3A_34 {strides = array<i32>} : memref<128xf32, #tpu.memory_space<vmem>>, vector<16xf32>,
    %scan3A = arith.constant 0 : i32
    %scan3A_35 = arith.constant 40 : i32
    %scan3A_36 = arith.addi %scan3A, %scan3A_35 : i32
    %scan3A_37 = arith.constant 1 : i32
    scf.for %scan3A_105 = %scan3A to %scan3A_36 step %scan3A_37  : i32 {
      %mul3A_106 = arith.constant 1 : i32
      %mul3A_107 = arith.muli %scan3A_105, %mul3A_106 : i32
      %add3A_108 = arith.constant 0 : i32
      %add3A_109 = arith.addi %add3A_108, %mul3A_107 : i32
      %mul3A_110 = arith.constant 16 : i32
      %mul3A_111 = arith.muli %add3A_109, %mul3A_110 : i32
      %swap3A_112 = arith.index_cast %mul3A_111 : i32 to index
      %swap3A_113 = tpu.vector_load %arg6[%swap3A_112] {strides = array<i32>} : memref<640xf32, #tpu.memory_space<vmem>>, vector<16xf32>,
      %swap3A_114 = vector.shape_cast %swap3A_113 : vector<16xf32> to vector<16xf32>
      %swap3A_115 = vector.shape_cast %broadcast_in_dim3A_1 : vector<16xf32> to vector<16xf32>
      tpu.vector_store %arg6[%swap3A_112], %swap3A_115 {strides = array<i32>} : memref<640xf32, #tpu.memory_space<vmem>>, vector<16xf32>,
    }
    %scan3A_38 = arith.constant 40 : i32
    %mul3A_39 = arith.constant 640 : i32
    %mul3A_40 = arith.muli %arg1, %mul3A_39 : i32
    "tpu.region"() ({
      %run_scoped3A_105 = tpu.sem_alloc : memref<!tpu.dma_semaphore, #tpu.memory_space<semaphore_mem>>
      %dma_start3A = tpu.memref_slice %arg7[%mul3A_40] : memref<10240xf32, #tpu.memory_space<vmem_shared>> -> memref<640xf32, #tpu.memory_space<vmem_shared>>
      %dma_start3A_106 = tpu.memref_slice %arg7[%mul3A_40] : memref<10240xf32, #tpu.memory_space<vmem_shared>> -> memref<640xf32, #tpu.memory_space<vmem_shared>>
      tpu.enqueue_dma source(%arg6 : memref<640xf32, #tpu.memory_space<vmem>>) target(%dma_start3A_106 : memref<640xf32, #tpu.memory_space<vmem_shared>>) target_semaphore(%run_scoped3A_105 : memref<!tpu.dma_semaphore, #tpu.memory_space<semaphore_mem>>)
      %dma_wait3A = tpu.memref_slice %arg7[%mul3A_40] : memref<10240xf32, #tpu.memory_space<vmem_shared>> -> memref<640xf32, #tpu.memory_space<vmem_shared>>
      %dma_wait3A_107 = tpu.memref_slice %arg7[%mul3A_40] : memref<10240xf32, #tpu.memory_space<vmem_shared>> -> memref<640xf32, #tpu.memory_space<vmem_shared>>
      tpu.wait_dma2 semaphore(%run_scoped3A_105 : memref<!tpu.dma_semaphore, #tpu.memory_space<semaphore_mem>>) src(%arg6 : memref<640xf32, #tpu.memory_space<vmem>>) dst(%dma_wait3A_107 : memref<640xf32, #tpu.memory_space<vmem_shared>>)
      tpu.yield
    }) : () -> ()
    %barrier3A = arith.constant 0 : index
    tpu.barrier barrier_id(%barrier3A)
    %run_scoped3A = arith.constant 0 : i32
    "tpu.region"() ({
      %run_scoped3A_105 = tpu.sem_alloc : memref<!tpu.dma_semaphore, #tpu.memory_space<semaphore_mem>>
      %dma_start3A = arith.constant 0 : i32
      %dma_start3A_106 = arith.constant 0 : i32
      %dma_start3A_107 = tpu.memref_slice %arg2[%add3A, %run_scoped3A, %dma_start3A, %dma_start3A_106] : memref<32x10x8x128xi32, #tpu.memory_space<hbm>> -> memref<1x1x8x128xi32, #tpu.memory_space<hbm>>
      %dma_start3A_108 = tpu.memref_squeeze %dma_start3A_107 : memref<1x1x8x128xi32, #tpu.memory_space<hbm>> -> memref<8x128xi32, #tpu.memory_space<hbm>>
      %dma_start3A_109 = arith.constant 0 : i32
      %dma_start3A_110 = arith.constant 0 : i32
      %dma_start3A_111 = tpu.memref_slice %arg2[%add3A, %run_scoped3A, %dma_start3A_109, %dma_start3A_110] : memref<32x10x8x128xi32, #tpu.memory_space<hbm>> -> memref<1x1x8x128xi32, #tpu.memory_space<hbm>>
      %dma_start3A_112 = tpu.memref_squeeze %dma_start3A_111 : memref<1x1x8x128xi32, #tpu.memory_space<hbm>> -> memref<8x128xi32, #tpu.memory_space<hbm>>
      tpu.enqueue_dma source(%dma_start3A_112 : memref<8x128xi32, #tpu.memory_space<hbm>>) target(%arg4 : memref<8x128xi32, #tpu.memory_space<vmem>>) target_semaphore(%run_scoped3A_105 : memref<!tpu.dma_semaphore, #tpu.memory_space<semaphore_mem>>)
      %dma_wait3A = arith.constant 0 : i32
      %dma_wait3A_113 = arith.constant 0 : i32
      %dma_wait3A_114 = tpu.memref_slice %arg2[%add3A, %run_scoped3A, %dma_wait3A, %dma_wait3A_113] : memref<32x10x8x128xi32, #tpu.memory_space<hbm>> -> memref<1x1x8x128xi32, #tpu.memory_space<hbm>>
      %dma_wait3A_115 = tpu.memref_squeeze %dma_wait3A_114 : memref<1x1x8x128xi32, #tpu.memory_space<hbm>> -> memref<8x128xi32, #tpu.memory_space<hbm>>
      %dma_wait3A_116 = arith.constant 0 : i32
      %dma_wait3A_117 = arith.constant 0 : i32
      %dma_wait3A_118 = tpu.memref_slice %arg2[%add3A, %run_scoped3A, %dma_wait3A_116, %dma_wait3A_117] : memref<32x10x8x128xi32, #tpu.memory_space<hbm>> -> memref<1x1x8x128xi32, #tpu.memory_space<hbm>>
      %dma_wait3A_119 = tpu.memref_squeeze %dma_wait3A_118 : memref<1x1x8x128xi32, #tpu.memory_space<hbm>> -> memref<8x128xi32, #tpu.memory_space<hbm>>
      tpu.wait_dma2 semaphore(%run_scoped3A_105 : memref<!tpu.dma_semaphore, #tpu.memory_space<semaphore_mem>>) src(%dma_wait3A_119 : memref<8x128xi32, #tpu.memory_space<hbm>>) dst(%arg4 : memref<8x128xi32, #tpu.memory_space<vmem>>)
      tpu.yield
    }) : () -> ()
    %scan3A_41 = arith.constant 0 : i32
    %scan3A_42 = arith.constant 8 : i32
    %scan3A_43 = arith.addi %scan3A_41, %scan3A_42 : i32
    %scan3A_44 = arith.constant 1 : i32
    scf.for %scan3A_105 = %scan3A_41 to %scan3A_43 step %scan3A_44  : i32 {
      %mul3A_106 = arith.constant 1 : i32
      %mul3A_107 = arith.muli %scan3A_105, %mul3A_106 : i32
      %add3A_108 = arith.constant 0 : i32
      %add3A_109 = arith.addi %add3A_108, %mul3A_107 : i32
      "tpu.region"() ({
        %run_scoped3A_110 = tpu.sem_alloc : memref<!tpu.dma_semaphore, #tpu.memory_space<semaphore_mem>>
        %dma_start3A = arith.constant 0 : i32
        %dma_start3A_111 = tpu.memref_slice %arg4[%add3A_109, %dma_start3A] : memref<8x128xi32, #tpu.memory_space<vmem>> -> memref<1x128xi32, #tpu.memory_space<vmem>>
        %dma_start3A_112 = tpu.memref_squeeze %dma_start3A_111 : memref<1x128xi32, #tpu.memory_space<vmem>> -> memref<128xi32, #tpu.memory_space<vmem>>
        %dma_start3A_113 = arith.constant 0 : i32
        %dma_start3A_114 = tpu.memref_slice %arg7[%dma_start3A_113] : memref<10240xf32, #tpu.memory_space<vmem_shared>> -> memref<10240xf32, #tpu.memory_space<vmem_shared>>
        tpu.enqueue_indirect_dma source(%arg5 : memref<128xf32, #tpu.memory_space<vmem>>) target(%dma_start3A_114 : memref<10240xf32, #tpu.memory_space<vmem_shared>>) offsets(%dma_start3A_112 : memref<128xi32, #tpu.memory_space<vmem>>) semaphore(%run_scoped3A_110 : memref<!tpu.dma_semaphore, #tpu.memory_space<semaphore_mem>>) {add = true}
        %dma_wait3A = arith.constant 0 : i32
        %dma_wait3A_115 = tpu.memref_slice %arg4[%add3A_109, %dma_wait3A] : memref<8x128xi32, #tpu.memory_space<vmem>> -> memref<1x128xi32, #tpu.memory_space<vmem>>
        %dma_wait3A_116 = tpu.memref_squeeze %dma_wait3A_115 : memref<1x128xi32, #tpu.memory_space<vmem>> -> memref<128xi32, #tpu.memory_space<vmem>>
        %dma_wait3A_117 = arith.constant 0 : i32
        %dma_wait3A_118 = tpu.memref_slice %arg7[%dma_wait3A_117] : memref<10240xf32, #tpu.memory_space<vmem_shared>> -> memref<10240xf32, #tpu.memory_space<vmem_shared>>
        tpu.wait_indirect_dma semaphore(%run_scoped3A_110 : memref<!tpu.dma_semaphore, #tpu.memory_space<semaphore_mem>>) src(%arg5 : memref<128xf32, #tpu.memory_space<vmem>>) dst(%dma_wait3A_118 : memref<10240xf32, #tpu.memory_space<vmem_shared>>)
        tpu.yield
      }) : () -> ()
    }
    %scan3A_45 = arith.constant 8 : i32
    %run_scoped3A_46 = arith.constant 1 : i32
    "tpu.region"() ({
      %run_scoped3A_105 = tpu.sem_alloc : memref<!tpu.dma_semaphore, #tpu.memory_space<semaphore_mem>>
      %dma_start3A = arith.constant 0 : i32
      %dma_start3A_106 = arith.constant 0 : i32
      %dma_start3A_107 = tpu.memref_slice %arg2[%add3A, %run_scoped3A_46, %dma_start3A, %dma_start3A_106] : memref<32x10x8x128xi32, #tpu.memory_space<hbm>> -> memref<1x1x8x128xi32, #tpu.memory_space<hbm>>
      %dma_start3A_108 = tpu.memref_squeeze %dma_start3A_107 : memref<1x1x8x128xi32, #tpu.memory_space<hbm>> -> memref<8x128xi32, #tpu.memory_space<hbm>>
      %dma_start3A_109 = arith.constant 0 : i32
      %dma_start3A_110 = arith.constant 0 : i32
      %dma_start3A_111 = tpu.memref_slice %arg2[%add3A, %run_scoped3A_46, %dma_start3A_109, %dma_start3A_110] : memref<32x10x8x128xi32, #tpu.memory_space<hbm>> -> memref<1x1x8x128xi32, #tpu.memory_space<hbm>>
      %dma_start3A_112 = tpu.memref_squeeze %dma_start3A_111 : memref<1x1x8x128xi32, #tpu.memory_space<hbm>> -> memref<8x128xi32, #tpu.memory_space<hbm>>
      tpu.enqueue_dma source(%dma_start3A_112 : memref<8x128xi32, #tpu.memory_space<hbm>>) target(%arg4 : memref<8x128xi32, #tpu.memory_space<vmem>>) target_semaphore(%run_scoped3A_105 : memref<!tpu.dma_semaphore, #tpu.memory_space<semaphore_mem>>)
      %dma_wait3A = arith.constant 0 : i32
      %dma_wait3A_113 = arith.constant 0 : i32
      %dma_wait3A_114 = tpu.memref_slice %arg2[%add3A, %run_scoped3A_46, %dma_wait3A, %dma_wait3A_113] : memref<32x10x8x128xi32, #tpu.memory_space<hbm>> -> memref<1x1x8x128xi32, #tpu.memory_space<hbm>>
      %dma_wait3A_115 = tpu.memref_squeeze %dma_wait3A_114 : memref<1x1x8x128xi32, #tpu.memory_space<hbm>> -> memref<8x128xi32, #tpu.memory_space<hbm>>
      %dma_wait3A_116 = arith.constant 0 : i32
      %dma_wait3A_117 = arith.constant 0 : i32
      %dma_wait3A_118 = tpu.memref_slice %arg2[%add3A, %run_scoped3A_46, %dma_wait3A_116, %dma_wait3A_117] : memref<32x10x8x128xi32, #tpu.memory_space<hbm>> -> memref<1x1x8x128xi32, #tpu.memory_space<hbm>>
      %dma_wait3A_119 = tpu.memref_squeeze %dma_wait3A_118 : memref<1x1x8x128xi32, #tpu.memory_space<hbm>> -> memref<8x128xi32, #tpu.memory_space<hbm>>
      tpu.wait_dma2 semaphore(%run_scoped3A_105 : memref<!tpu.dma_semaphore, #tpu.memory_space<semaphore_mem>>) src(%dma_wait3A_119 : memref<8x128xi32, #tpu.memory_space<hbm>>) dst(%arg4 : memref<8x128xi32, #tpu.memory_space<vmem>>)
      tpu.yield
    }) : () -> ()
    %scan3A_47 = arith.constant 0 : i32
    %scan3A_48 = arith.constant 8 : i32
    %scan3A_49 = arith.addi %scan3A_47, %scan3A_48 : i32
    %scan3A_50 = arith.constant 1 : i32
    scf.for %scan3A_105 = %scan3A_47 to %scan3A_49 step %scan3A_50  : i32 {
      %mul3A_106 = arith.constant 1 : i32
      %mul3A_107 = arith.muli %scan3A_105, %mul3A_106 : i32
      %add3A_108 = arith.constant 0 : i32
      %add3A_109 = arith.addi %add3A_108, %mul3A_107 : i32
      "tpu.region"() ({
        %run_scoped3A_110 = tpu.sem_alloc : memref<!tpu.dma_semaphore, #tpu.memory_space<semaphore_mem>>
        %dma_start3A = arith.constant 0 : i32
        %dma_start3A_111 = tpu.memref_slice %arg4[%add3A_109, %dma_start3A] : memref<8x128xi32, #tpu.memory_space<vmem>> -> memref<1x128xi32, #tpu.memory_space<vmem>>
        %dma_start3A_112 = tpu.memref_squeeze %dma_start3A_111 : memref<1x128xi32, #tpu.memory_space<vmem>> -> memref<128xi32, #tpu.memory_space<vmem>>
        %dma_start3A_113 = arith.constant 0 : i32
        %dma_start3A_114 = tpu.memref_slice %arg7[%dma_start3A_113] : memref<10240xf32, #tpu.memory_space<vmem_shared>> -> memref<10240xf32, #tpu.memory_space<vmem_shared>>
        tpu.enqueue_indirect_dma source(%arg5 : memref<128xf32, #tpu.memory_space<vmem>>) target(%dma_start3A_114 : memref<10240xf32, #tpu.memory_space<vmem_shared>>) offsets(%dma_start3A_112 : memref<128xi32, #tpu.memory_space<vmem>>) semaphore(%run_scoped3A_110 : memref<!tpu.dma_semaphore, #tpu.memory_space<semaphore_mem>>) {add = true}
        %dma_wait3A = arith.constant 0 : i32
        %dma_wait3A_115 = tpu.memref_slice %arg4[%add3A_109, %dma_wait3A] : memref<8x128xi32, #tpu.memory_space<vmem>> -> memref<1x128xi32, #tpu.memory_space<vmem>>
        %dma_wait3A_116 = tpu.memref_squeeze %dma_wait3A_115 : memref<1x128xi32, #tpu.memory_space<vmem>> -> memref<128xi32, #tpu.memory_space<vmem>>
        %dma_wait3A_117 = arith.constant 0 : i32
        %dma_wait3A_118 = tpu.memref_slice %arg7[%dma_wait3A_117] : memref<10240xf32, #tpu.memory_space<vmem_shared>> -> memref<10240xf32, #tpu.memory_space<vmem_shared>>
        tpu.wait_indirect_dma semaphore(%run_scoped3A_110 : memref<!tpu.dma_semaphore, #tpu.memory_space<semaphore_mem>>) src(%arg5 : memref<128xf32, #tpu.memory_space<vmem>>) dst(%dma_wait3A_118 : memref<10240xf32, #tpu.memory_space<vmem_shared>>)
        tpu.yield
      }) : () -> ()
    }
    %scan3A_51 = arith.constant 8 : i32
    %run_scoped3A_52 = arith.constant 2 : i32
    "tpu.region"() ({
      %run_scoped3A_105 = tpu.sem_alloc : memref<!tpu.dma_semaphore, #tpu.memory_space<semaphore_mem>>
      %dma_start3A = arith.constant 0 : i32
      %dma_start3A_106 = arith.constant 0 : i32
      %dma_start3A_107 = tpu.memref_slice %arg2[%add3A, %run_scoped3A_52, %dma_start3A, %dma_start3A_106] : memref<32x10x8x128xi32, #tpu.memory_space<hbm>> -> memref<1x1x8x128xi32, #tpu.memory_space<hbm>>
      %dma_start3A_108 = tpu.memref_squeeze %dma_start3A_107 : memref<1x1x8x128xi32, #tpu.memory_space<hbm>> -> memref<8x128xi32, #tpu.memory_space<hbm>>
      %dma_start3A_109 = arith.constant 0 : i32
      %dma_start3A_110 = arith.constant 0 : i32
      %dma_start3A_111 = tpu.memref_slice %arg2[%add3A, %run_scoped3A_52, %dma_start3A_109, %dma_start3A_110] : memref<32x10x8x128xi32, #tpu.memory_space<hbm>> -> memref<1x1x8x128xi32, #tpu.memory_space<hbm>>
      %dma_start3A_112 = tpu.memref_squeeze %dma_start3A_111 : memref<1x1x8x128xi32, #tpu.memory_space<hbm>> -> memref<8x128xi32, #tpu.memory_space<hbm>>
      tpu.enqueue_dma source(%dma_start3A_112 : memref<8x128xi32, #tpu.memory_space<hbm>>) target(%arg4 : memref<8x128xi32, #tpu.memory_space<vmem>>) target_semaphore(%run_scoped3A_105 : memref<!tpu.dma_semaphore, #tpu.memory_space<semaphore_mem>>)
      %dma_wait3A = arith.constant 0 : i32
      %dma_wait3A_113 = arith.constant 0 : i32
      %dma_wait3A_114 = tpu.memref_slice %arg2[%add3A, %run_scoped3A_52, %dma_wait3A, %dma_wait3A_113] : memref<32x10x8x128xi32, #tpu.memory_space<hbm>> -> memref<1x1x8x128xi32, #tpu.memory_space<hbm>>
      %dma_wait3A_115 = tpu.memref_squeeze %dma_wait3A_114 : memref<1x1x8x128xi32, #tpu.memory_space<hbm>> -> memref<8x128xi32, #tpu.memory_space<hbm>>
      %dma_wait3A_116 = arith.constant 0 : i32
      %dma_wait3A_117 = arith.constant 0 : i32
      %dma_wait3A_118 = tpu.memref_slice %arg2[%add3A, %run_scoped3A_52, %dma_wait3A_116, %dma_wait3A_117] : memref<32x10x8x128xi32, #tpu.memory_space<hbm>> -> memref<1x1x8x128xi32, #tpu.memory_space<hbm>>
      %dma_wait3A_119 = tpu.memref_squeeze %dma_wait3A_118 : memref<1x1x8x128xi32, #tpu.memory_space<hbm>> -> memref<8x128xi32, #tpu.memory_space<hbm>>
      tpu.wait_dma2 semaphore(%run_scoped3A_105 : memref<!tpu.dma_semaphore, #tpu.memory_space<semaphore_mem>>) src(%dma_wait3A_119 : memref<8x128xi32, #tpu.memory_space<hbm>>) dst(%arg4 : memref<8x128xi32, #tpu.memory_space<vmem>>)
      tpu.yield
    }) : () -> ()
    %scan3A_53 = arith.constant 0 : i32
    %scan3A_54 = arith.constant 8 : i32
    %scan3A_55 = arith.addi %scan3A_53, %scan3A_54 : i32
    %scan3A_56 = arith.constant 1 : i32
    scf.for %scan3A_105 = %scan3A_53 to %scan3A_55 step %scan3A_56  : i32 {
      %mul3A_106 = arith.constant 1 : i32
      %mul3A_107 = arith.muli %scan3A_105, %mul3A_106 : i32
      %add3A_108 = arith.constant 0 : i32
      %add3A_109 = arith.addi %add3A_108, %mul3A_107 : i32
      "tpu.region"() ({
        %run_scoped3A_110 = tpu.sem_alloc : memref<!tpu.dma_semaphore, #tpu.memory_space<semaphore_mem>>
        %dma_start3A = arith.constant 0 : i32
        %dma_start3A_111 = tpu.memref_slice %arg4[%add3A_109, %dma_start3A] : memref<8x128xi32, #tpu.memory_space<vmem>> -> memref<1x128xi32, #tpu.memory_space<vmem>>
        %dma_start3A_112 = tpu.memref_squeeze %dma_start3A_111 : memref<1x128xi32, #tpu.memory_space<vmem>> -> memref<128xi32, #tpu.memory_space<vmem>>
        %dma_start3A_113 = arith.constant 0 : i32
        %dma_start3A_114 = tpu.memref_slice %arg7[%dma_start3A_113] : memref<10240xf32, #tpu.memory_space<vmem_shared>> -> memref<10240xf32, #tpu.memory_space<vmem_shared>>
        tpu.enqueue_indirect_dma source(%arg5 : memref<128xf32, #tpu.memory_space<vmem>>) target(%dma_start3A_114 : memref<10240xf32, #tpu.memory_space<vmem_shared>>) offsets(%dma_start3A_112 : memref<128xi32, #tpu.memory_space<vmem>>) semaphore(%run_scoped3A_110 : memref<!tpu.dma_semaphore, #tpu.memory_space<semaphore_mem>>) {add = true}
        %dma_wait3A = arith.constant 0 : i32
        %dma_wait3A_115 = tpu.memref_slice %arg4[%add3A_109, %dma_wait3A] : memref<8x128xi32, #tpu.memory_space<vmem>> -> memref<1x128xi32, #tpu.memory_space<vmem>>
        %dma_wait3A_116 = tpu.memref_squeeze %dma_wait3A_115 : memref<1x128xi32, #tpu.memory_space<vmem>> -> memref<128xi32, #tpu.memory_space<vmem>>
        %dma_wait3A_117 = arith.constant 0 : i32
        %dma_wait3A_118 = tpu.memref_slice %arg7[%dma_wait3A_117] : memref<10240xf32, #tpu.memory_space<vmem_shared>> -> memref<10240xf32, #tpu.memory_space<vmem_shared>>
        tpu.wait_indirect_dma semaphore(%run_scoped3A_110 : memref<!tpu.dma_semaphore, #tpu.memory_space<semaphore_mem>>) src(%arg5 : memref<128xf32, #tpu.memory_space<vmem>>) dst(%dma_wait3A_118 : memref<10240xf32, #tpu.memory_space<vmem_shared>>)
        tpu.yield
      }) : () -> ()
    }
    %scan3A_57 = arith.constant 8 : i32
    %run_scoped3A_58 = arith.constant 3 : i32
    "tpu.region"() ({
      %run_scoped3A_105 = tpu.sem_alloc : memref<!tpu.dma_semaphore, #tpu.memory_space<semaphore_mem>>
      %dma_start3A = arith.constant 0 : i32
      %dma_start3A_106 = arith.constant 0 : i32
      %dma_start3A_107 = tpu.memref_slice %arg2[%add3A, %run_scoped3A_58, %dma_start3A, %dma_start3A_106] : memref<32x10x8x128xi32, #tpu.memory_space<hbm>> -> memref<1x1x8x128xi32, #tpu.memory_space<hbm>>
      %dma_start3A_108 = tpu.memref_squeeze %dma_start3A_107 : memref<1x1x8x128xi32, #tpu.memory_space<hbm>> -> memref<8x128xi32, #tpu.memory_space<hbm>>
      %dma_start3A_109 = arith.constant 0 : i32
      %dma_start3A_110 = arith.constant 0 : i32
      %dma_start3A_111 = tpu.memref_slice %arg2[%add3A, %run_scoped3A_58, %dma_start3A_109, %dma_start3A_110] : memref<32x10x8x128xi32, #tpu.memory_space<hbm>> -> memref<1x1x8x128xi32, #tpu.memory_space<hbm>>
      %dma_start3A_112 = tpu.memref_squeeze %dma_start3A_111 : memref<1x1x8x128xi32, #tpu.memory_space<hbm>> -> memref<8x128xi32, #tpu.memory_space<hbm>>
      tpu.enqueue_dma source(%dma_start3A_112 : memref<8x128xi32, #tpu.memory_space<hbm>>) target(%arg4 : memref<8x128xi32, #tpu.memory_space<vmem>>) target_semaphore(%run_scoped3A_105 : memref<!tpu.dma_semaphore, #tpu.memory_space<semaphore_mem>>)
      %dma_wait3A = arith.constant 0 : i32
      %dma_wait3A_113 = arith.constant 0 : i32
      %dma_wait3A_114 = tpu.memref_slice %arg2[%add3A, %run_scoped3A_58, %dma_wait3A, %dma_wait3A_113] : memref<32x10x8x128xi32, #tpu.memory_space<hbm>> -> memref<1x1x8x128xi32, #tpu.memory_space<hbm>>
      %dma_wait3A_115 = tpu.memref_squeeze %dma_wait3A_114 : memref<1x1x8x128xi32, #tpu.memory_space<hbm>> -> memref<8x128xi32, #tpu.memory_space<hbm>>
      %dma_wait3A_116 = arith.constant 0 : i32
      %dma_wait3A_117 = arith.constant 0 : i32
      %dma_wait3A_118 = tpu.memref_slice %arg2[%add3A, %run_scoped3A_58, %dma_wait3A_116, %dma_wait3A_117] : memref<32x10x8x128xi32, #tpu.memory_space<hbm>> -> memref<1x1x8x128xi32, #tpu.memory_space<hbm>>
      %dma_wait3A_119 = tpu.memref_squeeze %dma_wait3A_118 : memref<1x1x8x128xi32, #tpu.memory_space<hbm>> -> memref<8x128xi32, #tpu.memory_space<hbm>>
      tpu.wait_dma2 semaphore(%run_scoped3A_105 : memref<!tpu.dma_semaphore, #tpu.memory_space<semaphore_mem>>) src(%dma_wait3A_119 : memref<8x128xi32, #tpu.memory_space<hbm>>) dst(%arg4 : memref<8x128xi32, #tpu.memory_space<vmem>>)
      tpu.yield
    }) : () -> ()
    %scan3A_59 = arith.constant 0 : i32
    %scan3A_60 = arith.constant 8 : i32
    %scan3A_61 = arith.addi %scan3A_59, %scan3A_60 : i32
    %scan3A_62 = arith.constant 1 : i32
    scf.for %scan3A_105 = %scan3A_59 to %scan3A_61 step %scan3A_62  : i32 {
      %mul3A_106 = arith.constant 1 : i32
      %mul3A_107 = arith.muli %scan3A_105, %mul3A_106 : i32
      %add3A_108 = arith.constant 0 : i32
      %add3A_109 = arith.addi %add3A_108, %mul3A_107 : i32
      "tpu.region"() ({
        %run_scoped3A_110 = tpu.sem_alloc : memref<!tpu.dma_semaphore, #tpu.memory_space<semaphore_mem>>
        %dma_start3A = arith.constant 0 : i32
        %dma_start3A_111 = tpu.memref_slice %arg4[%add3A_109, %dma_start3A] : memref<8x128xi32, #tpu.memory_space<vmem>> -> memref<1x128xi32, #tpu.memory_space<vmem>>
        %dma_start3A_112 = tpu.memref_squeeze %dma_start3A_111 : memref<1x128xi32, #tpu.memory_space<vmem>> -> memref<128xi32, #tpu.memory_space<vmem>>
        %dma_start3A_113 = arith.constant 0 : i32
        %dma_start3A_114 = tpu.memref_slice %arg7[%dma_start3A_113] : memref<10240xf32, #tpu.memory_space<vmem_shared>> -> memref<10240xf32, #tpu.memory_space<vmem_shared>>
        tpu.enqueue_indirect_dma source(%arg5 : memref<128xf32, #tpu.memory_space<vmem>>) target(%dma_start3A_114 : memref<10240xf32, #tpu.memory_space<vmem_shared>>) offsets(%dma_start3A_112 : memref<128xi32, #tpu.memory_space<vmem>>) semaphore(%run_scoped3A_110 : memref<!tpu.dma_semaphore, #tpu.memory_space<semaphore_mem>>) {add = true}
        %dma_wait3A = arith.constant 0 : i32
        %dma_wait3A_115 = tpu.memref_slice %arg4[%add3A_109, %dma_wait3A] : memref<8x128xi32, #tpu.memory_space<vmem>> -> memref<1x128xi32, #tpu.memory_space<vmem>>
        %dma_wait3A_116 = tpu.memref_squeeze %dma_wait3A_115 : memref<1x128xi32, #tpu.memory_space<vmem>> -> memref<128xi32, #tpu.memory_space<vmem>>
        %dma_wait3A_117 = arith.constant 0 : i32
        %dma_wait3A_118 = tpu.memref_slice %arg7[%dma_wait3A_117] : memref<10240xf32, #tpu.memory_space<vmem_shared>> -> memref<10240xf32, #tpu.memory_space<vmem_shared>>
        tpu.wait_indirect_dma semaphore(%run_scoped3A_110 : memref<!tpu.dma_semaphore, #tpu.memory_space<semaphore_mem>>) src(%arg5 : memref<128xf32, #tpu.memory_space<vmem>>) dst(%dma_wait3A_118 : memref<10240xf32, #tpu.memory_space<vmem_shared>>)
        tpu.yield
      }) : () -> ()
    }
    %scan3A_63 = arith.constant 8 : i32
    %run_scoped3A_64 = arith.constant 4 : i32
    "tpu.region"() ({
      %run_scoped3A_105 = tpu.sem_alloc : memref<!tpu.dma_semaphore, #tpu.memory_space<semaphore_mem>>
      %dma_start3A = arith.constant 0 : i32
      %dma_start3A_106 = arith.constant 0 : i32
      %dma_start3A_107 = tpu.memref_slice %arg2[%add3A, %run_scoped3A_64, %dma_start3A, %dma_start3A_106] : memref<32x10x8x128xi32, #tpu.memory_space<hbm>> -> memref<1x1x8x128xi32, #tpu.memory_space<hbm>>
      %dma_start3A_108 = tpu.memref_squeeze %dma_start3A_107 : memref<1x1x8x128xi32, #tpu.memory_space<hbm>> -> memref<8x128xi32, #tpu.memory_space<hbm>>
      %dma_start3A_109 = arith.constant 0 : i32
      %dma_start3A_110 = arith.constant 0 : i32
      %dma_start3A_111 = tpu.memref_slice %arg2[%add3A, %run_scoped3A_64, %dma_start3A_109, %dma_start3A_110] : memref<32x10x8x128xi32, #tpu.memory_space<hbm>> -> memref<1x1x8x128xi32, #tpu.memory_space<hbm>>
      %dma_start3A_112 = tpu.memref_squeeze %dma_start3A_111 : memref<1x1x8x128xi32, #tpu.memory_space<hbm>> -> memref<8x128xi32, #tpu.memory_space<hbm>>
      tpu.enqueue_dma source(%dma_start3A_112 : memref<8x128xi32, #tpu.memory_space<hbm>>) target(%arg4 : memref<8x128xi32, #tpu.memory_space<vmem>>) target_semaphore(%run_scoped3A_105 : memref<!tpu.dma_semaphore, #tpu.memory_space<semaphore_mem>>)
      %dma_wait3A = arith.constant 0 : i32
      %dma_wait3A_113 = arith.constant 0 : i32
      %dma_wait3A_114 = tpu.memref_slice %arg2[%add3A, %run_scoped3A_64, %dma_wait3A, %dma_wait3A_113] : memref<32x10x8x128xi32, #tpu.memory_space<hbm>> -> memref<1x1x8x128xi32, #tpu.memory_space<hbm>>
      %dma_wait3A_115 = tpu.memref_squeeze %dma_wait3A_114 : memref<1x1x8x128xi32, #tpu.memory_space<hbm>> -> memref<8x128xi32, #tpu.memory_space<hbm>>
      %dma_wait3A_116 = arith.constant 0 : i32
      %dma_wait3A_117 = arith.constant 0 : i32
      %dma_wait3A_118 = tpu.memref_slice %arg2[%add3A, %run_scoped3A_64, %dma_wait3A_116, %dma_wait3A_117] : memref<32x10x8x128xi32, #tpu.memory_space<hbm>> -> memref<1x1x8x128xi32, #tpu.memory_space<hbm>>
      %dma_wait3A_119 = tpu.memref_squeeze %dma_wait3A_118 : memref<1x1x8x128xi32, #tpu.memory_space<hbm>> -> memref<8x128xi32, #tpu.memory_space<hbm>>
      tpu.wait_dma2 semaphore(%run_scoped3A_105 : memref<!tpu.dma_semaphore, #tpu.memory_space<semaphore_mem>>) src(%dma_wait3A_119 : memref<8x128xi32, #tpu.memory_space<hbm>>) dst(%arg4 : memref<8x128xi32, #tpu.memory_space<vmem>>)
      tpu.yield
    }) : () -> ()
    %scan3A_65 = arith.constant 0 : i32
    %scan3A_66 = arith.constant 8 : i32
    %scan3A_67 = arith.addi %scan3A_65, %scan3A_66 : i32
    %scan3A_68 = arith.constant 1 : i32
    scf.for %scan3A_105 = %scan3A_65 to %scan3A_67 step %scan3A_68  : i32 {
      %mul3A_106 = arith.constant 1 : i32
      %mul3A_107 = arith.muli %scan3A_105, %mul3A_106 : i32
      %add3A_108 = arith.constant 0 : i32
      %add3A_109 = arith.addi %add3A_108, %mul3A_107 : i32
      "tpu.region"() ({
        %run_scoped3A_110 = tpu.sem_alloc : memref<!tpu.dma_semaphore, #tpu.memory_space<semaphore_mem>>
        %dma_start3A = arith.constant 0 : i32
        %dma_start3A_111 = tpu.memref_slice %arg4[%add3A_109, %dma_start3A] : memref<8x128xi32, #tpu.memory_space<vmem>> -> memref<1x128xi32, #tpu.memory_space<vmem>>
        %dma_start3A_112 = tpu.memref_squeeze %dma_start3A_111 : memref<1x128xi32, #tpu.memory_space<vmem>> -> memref<128xi32, #tpu.memory_space<vmem>>
        %dma_start3A_113 = arith.constant 0 : i32
        %dma_start3A_114 = tpu.memref_slice %arg7[%dma_start3A_113] : memref<10240xf32, #tpu.memory_space<vmem_shared>> -> memref<10240xf32, #tpu.memory_space<vmem_shared>>
        tpu.enqueue_indirect_dma source(%arg5 : memref<128xf32, #tpu.memory_space<vmem>>) target(%dma_start3A_114 : memref<10240xf32, #tpu.memory_space<vmem_shared>>) offsets(%dma_start3A_112 : memref<128xi32, #tpu.memory_space<vmem>>) semaphore(%run_scoped3A_110 : memref<!tpu.dma_semaphore, #tpu.memory_space<semaphore_mem>>) {add = true}
        %dma_wait3A = arith.constant 0 : i32
        %dma_wait3A_115 = tpu.memref_slice %arg4[%add3A_109, %dma_wait3A] : memref<8x128xi32, #tpu.memory_space<vmem>> -> memref<1x128xi32, #tpu.memory_space<vmem>>
        %dma_wait3A_116 = tpu.memref_squeeze %dma_wait3A_115 : memref<1x128xi32, #tpu.memory_space<vmem>> -> memref<128xi32, #tpu.memory_space<vmem>>
        %dma_wait3A_117 = arith.constant 0 : i32
        %dma_wait3A_118 = tpu.memref_slice %arg7[%dma_wait3A_117] : memref<10240xf32, #tpu.memory_space<vmem_shared>> -> memref<10240xf32, #tpu.memory_space<vmem_shared>>
        tpu.wait_indirect_dma semaphore(%run_scoped3A_110 : memref<!tpu.dma_semaphore, #tpu.memory_space<semaphore_mem>>) src(%arg5 : memref<128xf32, #tpu.memory_space<vmem>>) dst(%dma_wait3A_118 : memref<10240xf32, #tpu.memory_space<vmem_shared>>)
        tpu.yield
      }) : () -> ()
    }
    %scan3A_69 = arith.constant 8 : i32
    %run_scoped3A_70 = arith.constant 5 : i32
    "tpu.region"() ({
      %run_scoped3A_105 = tpu.sem_alloc : memref<!tpu.dma_semaphore, #tpu.memory_space<semaphore_mem>>
      %dma_start3A = arith.constant 0 : i32
      %dma_start3A_106 = arith.constant 0 : i32
      %dma_start3A_107 = tpu.memref_slice %arg2[%add3A, %run_scoped3A_70, %dma_start3A, %dma_start3A_106] : memref<32x10x8x128xi32, #tpu.memory_space<hbm>> -> memref<1x1x8x128xi32, #tpu.memory_space<hbm>>
      %dma_start3A_108 = tpu.memref_squeeze %dma_start3A_107 : memref<1x1x8x128xi32, #tpu.memory_space<hbm>> -> memref<8x128xi32, #tpu.memory_space<hbm>>
      %dma_start3A_109 = arith.constant 0 : i32
      %dma_start3A_110 = arith.constant 0 : i32
      %dma_start3A_111 = tpu.memref_slice %arg2[%add3A, %run_scoped3A_70, %dma_start3A_109, %dma_start3A_110] : memref<32x10x8x128xi32, #tpu.memory_space<hbm>> -> memref<1x1x8x128xi32, #tpu.memory_space<hbm>>
      %dma_start3A_112 = tpu.memref_squeeze %dma_start3A_111 : memref<1x1x8x128xi32, #tpu.memory_space<hbm>> -> memref<8x128xi32, #tpu.memory_space<hbm>>
      tpu.enqueue_dma source(%dma_start3A_112 : memref<8x128xi32, #tpu.memory_space<hbm>>) target(%arg4 : memref<8x128xi32, #tpu.memory_space<vmem>>) target_semaphore(%run_scoped3A_105 : memref<!tpu.dma_semaphore, #tpu.memory_space<semaphore_mem>>)
      %dma_wait3A = arith.constant 0 : i32
      %dma_wait3A_113 = arith.constant 0 : i32
      %dma_wait3A_114 = tpu.memref_slice %arg2[%add3A, %run_scoped3A_70, %dma_wait3A, %dma_wait3A_113] : memref<32x10x8x128xi32, #tpu.memory_space<hbm>> -> memref<1x1x8x128xi32, #tpu.memory_space<hbm>>
      %dma_wait3A_115 = tpu.memref_squeeze %dma_wait3A_114 : memref<1x1x8x128xi32, #tpu.memory_space<hbm>> -> memref<8x128xi32, #tpu.memory_space<hbm>>
      %dma_wait3A_116 = arith.constant 0 : i32
      %dma_wait3A_117 = arith.constant 0 : i32
      %dma_wait3A_118 = tpu.memref_slice %arg2[%add3A, %run_scoped3A_70, %dma_wait3A_116, %dma_wait3A_117] : memref<32x10x8x128xi32, #tpu.memory_space<hbm>> -> memref<1x1x8x128xi32, #tpu.memory_space<hbm>>
      %dma_wait3A_119 = tpu.memref_squeeze %dma_wait3A_118 : memref<1x1x8x128xi32, #tpu.memory_space<hbm>> -> memref<8x128xi32, #tpu.memory_space<hbm>>
      tpu.wait_dma2 semaphore(%run_scoped3A_105 : memref<!tpu.dma_semaphore, #tpu.memory_space<semaphore_mem>>) src(%dma_wait3A_119 : memref<8x128xi32, #tpu.memory_space<hbm>>) dst(%arg4 : memref<8x128xi32, #tpu.memory_space<vmem>>)
      tpu.yield
    }) : () -> ()
    %scan3A_71 = arith.constant 0 : i32
    %scan3A_72 = arith.constant 8 : i32
    %scan3A_73 = arith.addi %scan3A_71, %scan3A_72 : i32
    %scan3A_74 = arith.constant 1 : i32
    scf.for %scan3A_105 = %scan3A_71 to %scan3A_73 step %scan3A_74  : i32 {
      %mul3A_106 = arith.constant 1 : i32
      %mul3A_107 = arith.muli %scan3A_105, %mul3A_106 : i32
      %add3A_108 = arith.constant 0 : i32
      %add3A_109 = arith.addi %add3A_108, %mul3A_107 : i32
      "tpu.region"() ({
        %run_scoped3A_110 = tpu.sem_alloc : memref<!tpu.dma_semaphore, #tpu.memory_space<semaphore_mem>>
        %dma_start3A = arith.constant 0 : i32
        %dma_start3A_111 = tpu.memref_slice %arg4[%add3A_109, %dma_start3A] : memref<8x128xi32, #tpu.memory_space<vmem>> -> memref<1x128xi32, #tpu.memory_space<vmem>>
        %dma_start3A_112 = tpu.memref_squeeze %dma_start3A_111 : memref<1x128xi32, #tpu.memory_space<vmem>> -> memref<128xi32, #tpu.memory_space<vmem>>
        %dma_start3A_113 = arith.constant 0 : i32
        %dma_start3A_114 = tpu.memref_slice %arg7[%dma_start3A_113] : memref<10240xf32, #tpu.memory_space<vmem_shared>> -> memref<10240xf32, #tpu.memory_space<vmem_shared>>
        tpu.enqueue_indirect_dma source(%arg5 : memref<128xf32, #tpu.memory_space<vmem>>) target(%dma_start3A_114 : memref<10240xf32, #tpu.memory_space<vmem_shared>>) offsets(%dma_start3A_112 : memref<128xi32, #tpu.memory_space<vmem>>) semaphore(%run_scoped3A_110 : memref<!tpu.dma_semaphore, #tpu.memory_space<semaphore_mem>>) {add = true}
        %dma_wait3A = arith.constant 0 : i32
        %dma_wait3A_115 = tpu.memref_slice %arg4[%add3A_109, %dma_wait3A] : memref<8x128xi32, #tpu.memory_space<vmem>> -> memref<1x128xi32, #tpu.memory_space<vmem>>
        %dma_wait3A_116 = tpu.memref_squeeze %dma_wait3A_115 : memref<1x128xi32, #tpu.memory_space<vmem>> -> memref<128xi32, #tpu.memory_space<vmem>>
        %dma_wait3A_117 = arith.constant 0 : i32
        %dma_wait3A_118 = tpu.memref_slice %arg7[%dma_wait3A_117] : memref<10240xf32, #tpu.memory_space<vmem_shared>> -> memref<10240xf32, #tpu.memory_space<vmem_shared>>
        tpu.wait_indirect_dma semaphore(%run_scoped3A_110 : memref<!tpu.dma_semaphore, #tpu.memory_space<semaphore_mem>>) src(%arg5 : memref<128xf32, #tpu.memory_space<vmem>>) dst(%dma_wait3A_118 : memref<10240xf32, #tpu.memory_space<vmem_shared>>)
        tpu.yield
      }) : () -> ()
    }
    %scan3A_75 = arith.constant 8 : i32
    %run_scoped3A_76 = arith.constant 6 : i32
    "tpu.region"() ({
      %run_scoped3A_105 = tpu.sem_alloc : memref<!tpu.dma_semaphore, #tpu.memory_space<semaphore_mem>>
      %dma_start3A = arith.constant 0 : i32
      %dma_start3A_106 = arith.constant 0 : i32
      %dma_start3A_107 = tpu.memref_slice %arg2[%add3A, %run_scoped3A_76, %dma_start3A, %dma_start3A_106] : memref<32x10x8x128xi32, #tpu.memory_space<hbm>> -> memref<1x1x8x128xi32, #tpu.memory_space<hbm>>
      %dma_start3A_108 = tpu.memref_squeeze %dma_start3A_107 : memref<1x1x8x128xi32, #tpu.memory_space<hbm>> -> memref<8x128xi32, #tpu.memory_space<hbm>>
      %dma_start3A_109 = arith.constant 0 : i32
      %dma_start3A_110 = arith.constant 0 : i32
      %dma_start3A_111 = tpu.memref_slice %arg2[%add3A, %run_scoped3A_76, %dma_start3A_109, %dma_start3A_110] : memref<32x10x8x128xi32, #tpu.memory_space<hbm>> -> memref<1x1x8x128xi32, #tpu.memory_space<hbm>>
      %dma_start3A_112 = tpu.memref_squeeze %dma_start3A_111 : memref<1x1x8x128xi32, #tpu.memory_space<hbm>> -> memref<8x128xi32, #tpu.memory_space<hbm>>
      tpu.enqueue_dma source(%dma_start3A_112 : memref<8x128xi32, #tpu.memory_space<hbm>>) target(%arg4 : memref<8x128xi32, #tpu.memory_space<vmem>>) target_semaphore(%run_scoped3A_105 : memref<!tpu.dma_semaphore, #tpu.memory_space<semaphore_mem>>)
      %dma_wait3A = arith.constant 0 : i32
      %dma_wait3A_113 = arith.constant 0 : i32
      %dma_wait3A_114 = tpu.memref_slice %arg2[%add3A, %run_scoped3A_76, %dma_wait3A, %dma_wait3A_113] : memref<32x10x8x128xi32, #tpu.memory_space<hbm>> -> memref<1x1x8x128xi32, #tpu.memory_space<hbm>>
      %dma_wait3A_115 = tpu.memref_squeeze %dma_wait3A_114 : memref<1x1x8x128xi32, #tpu.memory_space<hbm>> -> memref<8x128xi32, #tpu.memory_space<hbm>>
      %dma_wait3A_116 = arith.constant 0 : i32
      %dma_wait3A_117 = arith.constant 0 : i32
      %dma_wait3A_118 = tpu.memref_slice %arg2[%add3A, %run_scoped3A_76, %dma_wait3A_116, %dma_wait3A_117] : memref<32x10x8x128xi32, #tpu.memory_space<hbm>> -> memref<1x1x8x128xi32, #tpu.memory_space<hbm>>
      %dma_wait3A_119 = tpu.memref_squeeze %dma_wait3A_118 : memref<1x1x8x128xi32, #tpu.memory_space<hbm>> -> memref<8x128xi32, #tpu.memory_space<hbm>>
      tpu.wait_dma2 semaphore(%run_scoped3A_105 : memref<!tpu.dma_semaphore, #tpu.memory_space<semaphore_mem>>) src(%dma_wait3A_119 : memref<8x128xi32, #tpu.memory_space<hbm>>) dst(%arg4 : memref<8x128xi32, #tpu.memory_space<vmem>>)
      tpu.yield
    }) : () -> ()
    %scan3A_77 = arith.constant 0 : i32
    %scan3A_78 = arith.constant 8 : i32
    %scan3A_79 = arith.addi %scan3A_77, %scan3A_78 : i32
    %scan3A_80 = arith.constant 1 : i32
    scf.for %scan3A_105 = %scan3A_77 to %scan3A_79 step %scan3A_80  : i32 {
      %mul3A_106 = arith.constant 1 : i32
      %mul3A_107 = arith.muli %scan3A_105, %mul3A_106 : i32
      %add3A_108 = arith.constant 0 : i32
      %add3A_109 = arith.addi %add3A_108, %mul3A_107 : i32
      "tpu.region"() ({
        %run_scoped3A_110 = tpu.sem_alloc : memref<!tpu.dma_semaphore, #tpu.memory_space<semaphore_mem>>
        %dma_start3A = arith.constant 0 : i32
        %dma_start3A_111 = tpu.memref_slice %arg4[%add3A_109, %dma_start3A] : memref<8x128xi32, #tpu.memory_space<vmem>> -> memref<1x128xi32, #tpu.memory_space<vmem>>
        %dma_start3A_112 = tpu.memref_squeeze %dma_start3A_111 : memref<1x128xi32, #tpu.memory_space<vmem>> -> memref<128xi32, #tpu.memory_space<vmem>>
        %dma_start3A_113 = arith.constant 0 : i32
        %dma_start3A_114 = tpu.memref_slice %arg7[%dma_start3A_113] : memref<10240xf32, #tpu.memory_space<vmem_shared>> -> memref<10240xf32, #tpu.memory_space<vmem_shared>>
        tpu.enqueue_indirect_dma source(%arg5 : memref<128xf32, #tpu.memory_space<vmem>>) target(%dma_start3A_114 : memref<10240xf32, #tpu.memory_space<vmem_shared>>) offsets(%dma_start3A_112 : memref<128xi32, #tpu.memory_space<vmem>>) semaphore(%run_scoped3A_110 : memref<!tpu.dma_semaphore, #tpu.memory_space<semaphore_mem>>) {add = true}
        %dma_wait3A = arith.constant 0 : i32
        %dma_wait3A_115 = tpu.memref_slice %arg4[%add3A_109, %dma_wait3A] : memref<8x128xi32, #tpu.memory_space<vmem>> -> memref<1x128xi32, #tpu.memory_space<vmem>>
        %dma_wait3A_116 = tpu.memref_squeeze %dma_wait3A_115 : memref<1x128xi32, #tpu.memory_space<vmem>> -> memref<128xi32, #tpu.memory_space<vmem>>
        %dma_wait3A_117 = arith.constant 0 : i32
        %dma_wait3A_118 = tpu.memref_slice %arg7[%dma_wait3A_117] : memref<10240xf32, #tpu.memory_space<vmem_shared>> -> memref<10240xf32, #tpu.memory_space<vmem_shared>>
        tpu.wait_indirect_dma semaphore(%run_scoped3A_110 : memref<!tpu.dma_semaphore, #tpu.memory_space<semaphore_mem>>) src(%arg5 : memref<128xf32, #tpu.memory_space<vmem>>) dst(%dma_wait3A_118 : memref<10240xf32, #tpu.memory_space<vmem_shared>>)
        tpu.yield
      }) : () -> ()
    }
    %scan3A_81 = arith.constant 8 : i32
    %run_scoped3A_82 = arith.constant 7 : i32
    "tpu.region"() ({
      %run_scoped3A_105 = tpu.sem_alloc : memref<!tpu.dma_semaphore, #tpu.memory_space<semaphore_mem>>
      %dma_start3A = arith.constant 0 : i32
      %dma_start3A_106 = arith.constant 0 : i32
      %dma_start3A_107 = tpu.memref_slice %arg2[%add3A, %run_scoped3A_82, %dma_start3A, %dma_start3A_106] : memref<32x10x8x128xi32, #tpu.memory_space<hbm>> -> memref<1x1x8x128xi32, #tpu.memory_space<hbm>>
      %dma_start3A_108 = tpu.memref_squeeze %dma_start3A_107 : memref<1x1x8x128xi32, #tpu.memory_space<hbm>> -> memref<8x128xi32, #tpu.memory_space<hbm>>
      %dma_start3A_109 = arith.constant 0 : i32
      %dma_start3A_110 = arith.constant 0 : i32
      %dma_start3A_111 = tpu.memref_slice %arg2[%add3A, %run_scoped3A_82, %dma_start3A_109, %dma_start3A_110] : memref<32x10x8x128xi32, #tpu.memory_space<hbm>> -> memref<1x1x8x128xi32, #tpu.memory_space<hbm>>
      %dma_start3A_112 = tpu.memref_squeeze %dma_start3A_111 : memref<1x1x8x128xi32, #tpu.memory_space<hbm>> -> memref<8x128xi32, #tpu.memory_space<hbm>>
      tpu.enqueue_dma source(%dma_start3A_112 : memref<8x128xi32, #tpu.memory_space<hbm>>) target(%arg4 : memref<8x128xi32, #tpu.memory_space<vmem>>) target_semaphore(%run_scoped3A_105 : memref<!tpu.dma_semaphore, #tpu.memory_space<semaphore_mem>>)
      %dma_wait3A = arith.constant 0 : i32
      %dma_wait3A_113 = arith.constant 0 : i32
      %dma_wait3A_114 = tpu.memref_slice %arg2[%add3A, %run_scoped3A_82, %dma_wait3A, %dma_wait3A_113] : memref<32x10x8x128xi32, #tpu.memory_space<hbm>> -> memref<1x1x8x128xi32, #tpu.memory_space<hbm>>
      %dma_wait3A_115 = tpu.memref_squeeze %dma_wait3A_114 : memref<1x1x8x128xi32, #tpu.memory_space<hbm>> -> memref<8x128xi32, #tpu.memory_space<hbm>>
      %dma_wait3A_116 = arith.constant 0 : i32
      %dma_wait3A_117 = arith.constant 0 : i32
      %dma_wait3A_118 = tpu.memref_slice %arg2[%add3A, %run_scoped3A_82, %dma_wait3A_116, %dma_wait3A_117] : memref<32x10x8x128xi32, #tpu.memory_space<hbm>> -> memref<1x1x8x128xi32, #tpu.memory_space<hbm>>
      %dma_wait3A_119 = tpu.memref_squeeze %dma_wait3A_118 : memref<1x1x8x128xi32, #tpu.memory_space<hbm>> -> memref<8x128xi32, #tpu.memory_space<hbm>>
      tpu.wait_dma2 semaphore(%run_scoped3A_105 : memref<!tpu.dma_semaphore, #tpu.memory_space<semaphore_mem>>) src(%dma_wait3A_119 : memref<8x128xi32, #tpu.memory_space<hbm>>) dst(%arg4 : memref<8x128xi32, #tpu.memory_space<vmem>>)
      tpu.yield
    }) : () -> ()
    %scan3A_83 = arith.constant 0 : i32
    %scan3A_84 = arith.constant 8 : i32
    %scan3A_85 = arith.addi %scan3A_83, %scan3A_84 : i32
    %scan3A_86 = arith.constant 1 : i32
    scf.for %scan3A_105 = %scan3A_83 to %scan3A_85 step %scan3A_86  : i32 {
      %mul3A_106 = arith.constant 1 : i32
      %mul3A_107 = arith.muli %scan3A_105, %mul3A_106 : i32
      %add3A_108 = arith.constant 0 : i32
      %add3A_109 = arith.addi %add3A_108, %mul3A_107 : i32
      "tpu.region"() ({
        %run_scoped3A_110 = tpu.sem_alloc : memref<!tpu.dma_semaphore, #tpu.memory_space<semaphore_mem>>
        %dma_start3A = arith.constant 0 : i32
        %dma_start3A_111 = tpu.memref_slice %arg4[%add3A_109, %dma_start3A] : memref<8x128xi32, #tpu.memory_space<vmem>> -> memref<1x128xi32, #tpu.memory_space<vmem>>
        %dma_start3A_112 = tpu.memref_squeeze %dma_start3A_111 : memref<1x128xi32, #tpu.memory_space<vmem>> -> memref<128xi32, #tpu.memory_space<vmem>>
        %dma_start3A_113 = arith.constant 0 : i32
        %dma_start3A_114 = tpu.memref_slice %arg7[%dma_start3A_113] : memref<10240xf32, #tpu.memory_space<vmem_shared>> -> memref<10240xf32, #tpu.memory_space<vmem_shared>>
        tpu.enqueue_indirect_dma source(%arg5 : memref<128xf32, #tpu.memory_space<vmem>>) target(%dma_start3A_114 : memref<10240xf32, #tpu.memory_space<vmem_shared>>) offsets(%dma_start3A_112 : memref<128xi32, #tpu.memory_space<vmem>>) semaphore(%run_scoped3A_110 : memref<!tpu.dma_semaphore, #tpu.memory_space<semaphore_mem>>) {add = true}
        %dma_wait3A = arith.constant 0 : i32
        %dma_wait3A_115 = tpu.memref_slice %arg4[%add3A_109, %dma_wait3A] : memref<8x128xi32, #tpu.memory_space<vmem>> -> memref<1x128xi32, #tpu.memory_space<vmem>>
        %dma_wait3A_116 = tpu.memref_squeeze %dma_wait3A_115 : memref<1x128xi32, #tpu.memory_space<vmem>> -> memref<128xi32, #tpu.memory_space<vmem>>
        %dma_wait3A_117 = arith.constant 0 : i32
        %dma_wait3A_118 = tpu.memref_slice %arg7[%dma_wait3A_117] : memref<10240xf32, #tpu.memory_space<vmem_shared>> -> memref<10240xf32, #tpu.memory_space<vmem_shared>>
        tpu.wait_indirect_dma semaphore(%run_scoped3A_110 : memref<!tpu.dma_semaphore, #tpu.memory_space<semaphore_mem>>) src(%arg5 : memref<128xf32, #tpu.memory_space<vmem>>) dst(%dma_wait3A_118 : memref<10240xf32, #tpu.memory_space<vmem_shared>>)
        tpu.yield
      }) : () -> ()
    }
    %scan3A_87 = arith.constant 8 : i32
    %run_scoped3A_88 = arith.constant 8 : i32
    "tpu.region"() ({
      %run_scoped3A_105 = tpu.sem_alloc : memref<!tpu.dma_semaphore, #tpu.memory_space<semaphore_mem>>
      %dma_start3A = arith.constant 0 : i32
      %dma_start3A_106 = arith.constant 0 : i32
      %dma_start3A_107 = tpu.memref_slice %arg2[%add3A, %run_scoped3A_88, %dma_start3A, %dma_start3A_106] : memref<32x10x8x128xi32, #tpu.memory_space<hbm>> -> memref<1x1x8x128xi32, #tpu.memory_space<hbm>>
      %dma_start3A_108 = tpu.memref_squeeze %dma_start3A_107 : memref<1x1x8x128xi32, #tpu.memory_space<hbm>> -> memref<8x128xi32, #tpu.memory_space<hbm>>
      %dma_start3A_109 = arith.constant 0 : i32
      %dma_start3A_110 = arith.constant 0 : i32
      %dma_start3A_111 = tpu.memref_slice %arg2[%add3A, %run_scoped3A_88, %dma_start3A_109, %dma_start3A_110] : memref<32x10x8x128xi32, #tpu.memory_space<hbm>> -> memref<1x1x8x128xi32, #tpu.memory_space<hbm>>
      %dma_start3A_112 = tpu.memref_squeeze %dma_start3A_111 : memref<1x1x8x128xi32, #tpu.memory_space<hbm>> -> memref<8x128xi32, #tpu.memory_space<hbm>>
      tpu.enqueue_dma source(%dma_start3A_112 : memref<8x128xi32, #tpu.memory_space<hbm>>) target(%arg4 : memref<8x128xi32, #tpu.memory_space<vmem>>) target_semaphore(%run_scoped3A_105 : memref<!tpu.dma_semaphore, #tpu.memory_space<semaphore_mem>>)
      %dma_wait3A = arith.constant 0 : i32
      %dma_wait3A_113 = arith.constant 0 : i32
      %dma_wait3A_114 = tpu.memref_slice %arg2[%add3A, %run_scoped3A_88, %dma_wait3A, %dma_wait3A_113] : memref<32x10x8x128xi32, #tpu.memory_space<hbm>> -> memref<1x1x8x128xi32, #tpu.memory_space<hbm>>
      %dma_wait3A_115 = tpu.memref_squeeze %dma_wait3A_114 : memref<1x1x8x128xi32, #tpu.memory_space<hbm>> -> memref<8x128xi32, #tpu.memory_space<hbm>>
      %dma_wait3A_116 = arith.constant 0 : i32
      %dma_wait3A_117 = arith.constant 0 : i32
      %dma_wait3A_118 = tpu.memref_slice %arg2[%add3A, %run_scoped3A_88, %dma_wait3A_116, %dma_wait3A_117] : memref<32x10x8x128xi32, #tpu.memory_space<hbm>> -> memref<1x1x8x128xi32, #tpu.memory_space<hbm>>
      %dma_wait3A_119 = tpu.memref_squeeze %dma_wait3A_118 : memref<1x1x8x128xi32, #tpu.memory_space<hbm>> -> memref<8x128xi32, #tpu.memory_space<hbm>>
      tpu.wait_dma2 semaphore(%run_scoped3A_105 : memref<!tpu.dma_semaphore, #tpu.memory_space<semaphore_mem>>) src(%dma_wait3A_119 : memref<8x128xi32, #tpu.memory_space<hbm>>) dst(%arg4 : memref<8x128xi32, #tpu.memory_space<vmem>>)
      tpu.yield
    }) : () -> ()
    %scan3A_89 = arith.constant 0 : i32
    %scan3A_90 = arith.constant 8 : i32
    %scan3A_91 = arith.addi %scan3A_89, %scan3A_90 : i32
    %scan3A_92 = arith.constant 1 : i32
    scf.for %scan3A_105 = %scan3A_89 to %scan3A_91 step %scan3A_92  : i32 {
      %mul3A_106 = arith.constant 1 : i32
      %mul3A_107 = arith.muli %scan3A_105, %mul3A_106 : i32
      %add3A_108 = arith.constant 0 : i32
      %add3A_109 = arith.addi %add3A_108, %mul3A_107 : i32
      "tpu.region"() ({
        %run_scoped3A_110 = tpu.sem_alloc : memref<!tpu.dma_semaphore, #tpu.memory_space<semaphore_mem>>
        %dma_start3A = arith.constant 0 : i32
        %dma_start3A_111 = tpu.memref_slice %arg4[%add3A_109, %dma_start3A] : memref<8x128xi32, #tpu.memory_space<vmem>> -> memref<1x128xi32, #tpu.memory_space<vmem>>
        %dma_start3A_112 = tpu.memref_squeeze %dma_start3A_111 : memref<1x128xi32, #tpu.memory_space<vmem>> -> memref<128xi32, #tpu.memory_space<vmem>>
        %dma_start3A_113 = arith.constant 0 : i32
        %dma_start3A_114 = tpu.memref_slice %arg7[%dma_start3A_113] : memref<10240xf32, #tpu.memory_space<vmem_shared>> -> memref<10240xf32, #tpu.memory_space<vmem_shared>>
        tpu.enqueue_indirect_dma source(%arg5 : memref<128xf32, #tpu.memory_space<vmem>>) target(%dma_start3A_114 : memref<10240xf32, #tpu.memory_space<vmem_shared>>) offsets(%dma_start3A_112 : memref<128xi32, #tpu.memory_space<vmem>>) semaphore(%run_scoped3A_110 : memref<!tpu.dma_semaphore, #tpu.memory_space<semaphore_mem>>) {add = true}
        %dma_wait3A = arith.constant 0 : i32
        %dma_wait3A_115 = tpu.memref_slice %arg4[%add3A_109, %dma_wait3A] : memref<8x128xi32, #tpu.memory_space<vmem>> -> memref<1x128xi32, #tpu.memory_space<vmem>>
        %dma_wait3A_116 = tpu.memref_squeeze %dma_wait3A_115 : memref<1x128xi32, #tpu.memory_space<vmem>> -> memref<128xi32, #tpu.memory_space<vmem>>
        %dma_wait3A_117 = arith.constant 0 : i32
        %dma_wait3A_118 = tpu.memref_slice %arg7[%dma_wait3A_117] : memref<10240xf32, #tpu.memory_space<vmem_shared>> -> memref<10240xf32, #tpu.memory_space<vmem_shared>>
        tpu.wait_indirect_dma semaphore(%run_scoped3A_110 : memref<!tpu.dma_semaphore, #tpu.memory_space<semaphore_mem>>) src(%arg5 : memref<128xf32, #tpu.memory_space<vmem>>) dst(%dma_wait3A_118 : memref<10240xf32, #tpu.memory_space<vmem_shared>>)
        tpu.yield
      }) : () -> ()
    }
    %scan3A_93 = arith.constant 8 : i32
    %run_scoped3A_94 = arith.constant 9 : i32
    "tpu.region"() ({
      %run_scoped3A_105 = tpu.sem_alloc : memref<!tpu.dma_semaphore, #tpu.memory_space<semaphore_mem>>
      %dma_start3A = arith.constant 0 : i32
      %dma_start3A_106 = arith.constant 0 : i32
      %dma_start3A_107 = tpu.memref_slice %arg2[%add3A, %run_scoped3A_94, %dma_start3A, %dma_start3A_106] : memref<32x10x8x128xi32, #tpu.memory_space<hbm>> -> memref<1x1x8x128xi32, #tpu.memory_space<hbm>>
      %dma_start3A_108 = tpu.memref_squeeze %dma_start3A_107 : memref<1x1x8x128xi32, #tpu.memory_space<hbm>> -> memref<8x128xi32, #tpu.memory_space<hbm>>
      %dma_start3A_109 = arith.constant 0 : i32
      %dma_start3A_110 = arith.constant 0 : i32
      %dma_start3A_111 = tpu.memref_slice %arg2[%add3A, %run_scoped3A_94, %dma_start3A_109, %dma_start3A_110] : memref<32x10x8x128xi32, #tpu.memory_space<hbm>> -> memref<1x1x8x128xi32, #tpu.memory_space<hbm>>
      %dma_start3A_112 = tpu.memref_squeeze %dma_start3A_111 : memref<1x1x8x128xi32, #tpu.memory_space<hbm>> -> memref<8x128xi32, #tpu.memory_space<hbm>>
      tpu.enqueue_dma source(%dma_start3A_112 : memref<8x128xi32, #tpu.memory_space<hbm>>) target(%arg4 : memref<8x128xi32, #tpu.memory_space<vmem>>) target_semaphore(%run_scoped3A_105 : memref<!tpu.dma_semaphore, #tpu.memory_space<semaphore_mem>>)
      %dma_wait3A = arith.constant 0 : i32
      %dma_wait3A_113 = arith.constant 0 : i32
      %dma_wait3A_114 = tpu.memref_slice %arg2[%add3A, %run_scoped3A_94, %dma_wait3A, %dma_wait3A_113] : memref<32x10x8x128xi32, #tpu.memory_space<hbm>> -> memref<1x1x8x128xi32, #tpu.memory_space<hbm>>
      %dma_wait3A_115 = tpu.memref_squeeze %dma_wait3A_114 : memref<1x1x8x128xi32, #tpu.memory_space<hbm>> -> memref<8x128xi32, #tpu.memory_space<hbm>>
      %dma_wait3A_116 = arith.constant 0 : i32
      %dma_wait3A_117 = arith.constant 0 : i32
      %dma_wait3A_118 = tpu.memref_slice %arg2[%add3A, %run_scoped3A_94, %dma_wait3A_116, %dma_wait3A_117] : memref<32x10x8x128xi32, #tpu.memory_space<hbm>> -> memref<1x1x8x128xi32, #tpu.memory_space<hbm>>
      %dma_wait3A_119 = tpu.memref_squeeze %dma_wait3A_118 : memref<1x1x8x128xi32, #tpu.memory_space<hbm>> -> memref<8x128xi32, #tpu.memory_space<hbm>>
      tpu.wait_dma2 semaphore(%run_scoped3A_105 : memref<!tpu.dma_semaphore, #tpu.memory_space<semaphore_mem>>) src(%dma_wait3A_119 : memref<8x128xi32, #tpu.memory_space<hbm>>) dst(%arg4 : memref<8x128xi32, #tpu.memory_space<vmem>>)
      tpu.yield
    }) : () -> ()
    %scan3A_95 = arith.constant 0 : i32
    %scan3A_96 = arith.constant 8 : i32
    %scan3A_97 = arith.addi %scan3A_95, %scan3A_96 : i32
    %scan3A_98 = arith.constant 1 : i32
    scf.for %scan3A_105 = %scan3A_95 to %scan3A_97 step %scan3A_98  : i32 {
      %mul3A_106 = arith.constant 1 : i32
      %mul3A_107 = arith.muli %scan3A_105, %mul3A_106 : i32
      %add3A_108 = arith.constant 0 : i32
      %add3A_109 = arith.addi %add3A_108, %mul3A_107 : i32
      "tpu.region"() ({
        %run_scoped3A_110 = tpu.sem_alloc : memref<!tpu.dma_semaphore, #tpu.memory_space<semaphore_mem>>
        %dma_start3A = arith.constant 0 : i32
        %dma_start3A_111 = tpu.memref_slice %arg4[%add3A_109, %dma_start3A] : memref<8x128xi32, #tpu.memory_space<vmem>> -> memref<1x128xi32, #tpu.memory_space<vmem>>
        %dma_start3A_112 = tpu.memref_squeeze %dma_start3A_111 : memref<1x128xi32, #tpu.memory_space<vmem>> -> memref<128xi32, #tpu.memory_space<vmem>>
        %dma_start3A_113 = arith.constant 0 : i32
        %dma_start3A_114 = tpu.memref_slice %arg7[%dma_start3A_113] : memref<10240xf32, #tpu.memory_space<vmem_shared>> -> memref<10240xf32, #tpu.memory_space<vmem_shared>>
        tpu.enqueue_indirect_dma source(%arg5 : memref<128xf32, #tpu.memory_space<vmem>>) target(%dma_start3A_114 : memref<10240xf32, #tpu.memory_space<vmem_shared>>) offsets(%dma_start3A_112 : memref<128xi32, #tpu.memory_space<vmem>>) semaphore(%run_scoped3A_110 : memref<!tpu.dma_semaphore, #tpu.memory_space<semaphore_mem>>) {add = true}
        %dma_wait3A = arith.constant 0 : i32
        %dma_wait3A_115 = tpu.memref_slice %arg4[%add3A_109, %dma_wait3A] : memref<8x128xi32, #tpu.memory_space<vmem>> -> memref<1x128xi32, #tpu.memory_space<vmem>>
        %dma_wait3A_116 = tpu.memref_squeeze %dma_wait3A_115 : memref<1x128xi32, #tpu.memory_space<vmem>> -> memref<128xi32, #tpu.memory_space<vmem>>
        %dma_wait3A_117 = arith.constant 0 : i32
        %dma_wait3A_118 = tpu.memref_slice %arg7[%dma_wait3A_117] : memref<10240xf32, #tpu.memory_space<vmem_shared>> -> memref<10240xf32, #tpu.memory_space<vmem_shared>>
        tpu.wait_indirect_dma semaphore(%run_scoped3A_110 : memref<!tpu.dma_semaphore, #tpu.memory_space<semaphore_mem>>) src(%arg5 : memref<128xf32, #tpu.memory_space<vmem>>) dst(%dma_wait3A_118 : memref<10240xf32, #tpu.memory_space<vmem_shared>>)
        tpu.yield
      }) : () -> ()
    }
    %scan3A_99 = arith.constant 8 : i32
    %barrier3A_100 = arith.constant 0 : index
    tpu.barrier barrier_id(%barrier3A_100)
    %mul3A_101 = arith.constant 640 : i32
    %mul3A_102 = arith.muli %arg1, %mul3A_101 : i32
    %mul3A_103 = arith.constant 640 : i32
    %mul3A_104 = arith.muli %arg1, %mul3A_103 : i32
    "tpu.region"() ({
      %run_scoped3A_105 = tpu.sem_alloc : memref<!tpu.dma_semaphore, #tpu.memory_space<semaphore_mem>>
      %dma_start3A = tpu.memref_slice %arg3[%arg0, %mul3A_104] : memref<2x10240xf32, #tpu.memory_space<hbm>> -> memref<1x640xf32, #tpu.memory_space<hbm>>
      %dma_start3A_106 = tpu.memref_squeeze %dma_start3A : memref<1x640xf32, #tpu.memory_space<hbm>> -> memref<640xf32, #tpu.memory_space<hbm>>
      %dma_start3A_107 = tpu.memref_slice %arg7[%mul3A_102] : memref<10240xf32, #tpu.memory_space<vmem_shared>> -> memref<640xf32, #tpu.memory_space<vmem_shared>>
      tpu.enqueue_dma source(%dma_start3A_107 : memref<640xf32, #tpu.memory_space<vmem_shared>>) target(%dma_start3A_106 : memref<640xf32, #tpu.memory_space<hbm>>) target_semaphore(%run_scoped3A_105 : memref<!tpu.dma_semaphore, #tpu.memory_space<semaphore_mem>>)
      %dma_wait3A = tpu.memref_slice %arg3[%arg0, %mul3A_104] : memref<2x10240xf32, #tpu.memory_space<hbm>> -> memref<1x640xf32, #tpu.memory_space<hbm>>
      %dma_wait3A_108 = tpu.memref_squeeze %dma_wait3A : memref<1x640xf32, #tpu.memory_space<hbm>> -> memref<640xf32, #tpu.memory_space<hbm>>
      %dma_wait3A_109 = tpu.memref_slice %arg7[%mul3A_102] : memref<10240xf32, #tpu.memory_space<vmem_shared>> -> memref<640xf32, #tpu.memory_space<vmem_shared>>
      tpu.wait_dma2 semaphore(%run_scoped3A_105 : memref<!tpu.dma_semaphore, #tpu.memory_space<semaphore_mem>>) src(%dma_wait3A_109 : memref<640xf32, #tpu.memory_space<vmem_shared>>) dst(%dma_wait3A_108 : memref<640xf32, #tpu.memory_space<hbm>>)
      tpu.yield
    }) : () -> ()
    return
  }
}

#map = affine_map<(d0, d1) -> (0, 0)>
#map1 = affine_map<(d0, d1) -> (0, 0, 0, 0)>
#map2 = affine_map<(d0, d1) -> (0, 0, 0)>
module attributes {stable_mosaic.version = 14 : i64} {
  func.func @_sc_agg(%arg0: i32, %arg1: i32, %arg2: memref<10000x128xf32, #tpu.memory_space<hbm>>, %arg3: memref<32x2x40x128xi32, #tpu.memory_space<hbm>>, %arg4: memref<32x2x40x128xi32, #tpu.memory_space<hbm>>, %arg5: memref<632x128xf32, #tpu.memory_space<hbm>>, %arg6: memref<2x10112x128xf32, #tpu.memory_space<hbm>>, %arg7: memref<40x128xi32, #tpu.memory_space<vmem>>, %arg8: memref<40x128xi32, #tpu.memory_space<vmem>>, %arg9: memref<10112x128xf32, #tpu.memory_space<vmem_shared>>, %arg10: memref<128x128xf32, #tpu.memory_space<vmem>>, %arg11: memref<128x128xf32, #tpu.memory_space<vmem>>, %arg12: memref<!tpu.dma_semaphore, #tpu.memory_space<semaphore_mem>>, %arg13: memref<!tpu.dma_semaphore, #tpu.memory_space<semaphore_mem>>, %arg14: memref<!tpu.dma_semaphore, #tpu.memory_space<semaphore_mem>>, %arg15: memref<!tpu.dma_semaphore, #tpu.memory_space<semaphore_mem>>) attributes {dimension_semantics = [#tpu.dimension_semantics<core_parallel>, #tpu.dimension_semantics<subcore_parallel>], iteration_bounds = array<i64: 2, 16>, scalar_prefetch = 0 : i64, scratch_operands = 9 : i64, tpu.core_type = #tpu.core_type<sc_vector_subcore>, window_params = [{transform_indices = #map}, {transform_indices = #map1}, {transform_indices = #map1}, {transform_indices = #map}, {transform_indices = #map2}]} {
    %mul3A = arith.constant 16 : i32
    %mul3A_0 = arith.muli %arg0, %mul3A : i32
    %add3A = arith.addi %mul3A_0, %arg1 : i32
    %mul3A_1 = arith.constant 632 : i32
    %mul3A_2 = arith.muli %arg1, %mul3A_1 : i32
    "tpu.region"() ({
      %run_scoped3A_242 = tpu.sem_alloc : memref<!tpu.dma_semaphore, #tpu.memory_space<semaphore_mem>>
      %dma_start3A_243 = arith.constant 0 : i32
      %dma_start3A_244 = tpu.memref_slice %arg9[%mul3A_2, %dma_start3A_243] : memref<10112x128xf32, #tpu.memory_space<vmem_shared>> -> memref<632x128xf32, #tpu.memory_space<vmem_shared>>
      tpu.enqueue_dma source(%arg5 : memref<632x128xf32, #tpu.memory_space<hbm>>) target(%dma_start3A_244 : memref<632x128xf32, #tpu.memory_space<vmem_shared>>) target_semaphore(%run_scoped3A_242 : memref<!tpu.dma_semaphore, #tpu.memory_space<semaphore_mem>>)
      %dma_wait3A_245 = arith.constant 0 : i32
      %dma_wait3A_246 = tpu.memref_slice %arg9[%mul3A_2, %dma_wait3A_245] : memref<10112x128xf32, #tpu.memory_space<vmem_shared>> -> memref<632x128xf32, #tpu.memory_space<vmem_shared>>
      tpu.wait_dma2 semaphore(%run_scoped3A_242 : memref<!tpu.dma_semaphore, #tpu.memory_space<semaphore_mem>>) src(%arg5 : memref<632x128xf32, #tpu.memory_space<hbm>>) dst(%dma_wait3A_246 : memref<632x128xf32, #tpu.memory_space<vmem_shared>>)
      tpu.yield
    }) : () -> ()
    %barrier3A = arith.constant 0 : index
    tpu.barrier barrier_id(%barrier3A)
    %run_scoped3A = arith.constant 0 : i32
    "tpu.region"() ({
      %run_scoped3A_242 = tpu.sem_alloc : memref<!tpu.dma_semaphore, #tpu.memory_space<semaphore_mem>>
      %dma_start3A_243 = arith.constant 0 : i32
      %dma_start3A_244 = arith.constant 0 : i32
      %dma_start3A_245 = tpu.memref_slice %arg3[%add3A, %run_scoped3A, %dma_start3A_243, %dma_start3A_244] : memref<32x2x40x128xi32, #tpu.memory_space<hbm>> -> memref<1x1x40x128xi32, #tpu.memory_space<hbm>>
      %dma_start3A_246 = tpu.memref_squeeze %dma_start3A_245 : memref<1x1x40x128xi32, #tpu.memory_space<hbm>> -> memref<40x128xi32, #tpu.memory_space<hbm>>
      %dma_start3A_247 = arith.constant 0 : i32
      %dma_start3A_248 = arith.constant 0 : i32
      %dma_start3A_249 = tpu.memref_slice %arg3[%add3A, %run_scoped3A, %dma_start3A_247, %dma_start3A_248] : memref<32x2x40x128xi32, #tpu.memory_space<hbm>> -> memref<1x1x40x128xi32, #tpu.memory_space<hbm>>
      %dma_start3A_250 = tpu.memref_squeeze %dma_start3A_249 : memref<1x1x40x128xi32, #tpu.memory_space<hbm>> -> memref<40x128xi32, #tpu.memory_space<hbm>>
      tpu.enqueue_dma source(%dma_start3A_250 : memref<40x128xi32, #tpu.memory_space<hbm>>) target(%arg7 : memref<40x128xi32, #tpu.memory_space<vmem>>) target_semaphore(%run_scoped3A_242 : memref<!tpu.dma_semaphore, #tpu.memory_space<semaphore_mem>>)
      %dma_wait3A_251 = arith.constant 0 : i32
      %dma_wait3A_252 = arith.constant 0 : i32
      %dma_wait3A_253 = tpu.memref_slice %arg3[%add3A, %run_scoped3A, %dma_wait3A_251, %dma_wait3A_252] : memref<32x2x40x128xi32, #tpu.memory_space<hbm>> -> memref<1x1x40x128xi32, #tpu.memory_space<hbm>>
      %dma_wait3A_254 = tpu.memref_squeeze %dma_wait3A_253 : memref<1x1x40x128xi32, #tpu.memory_space<hbm>> -> memref<40x128xi32, #tpu.memory_space<hbm>>
      %dma_wait3A_255 = arith.constant 0 : i32
      %dma_wait3A_256 = arith.constant 0 : i32
      %dma_wait3A_257 = tpu.memref_slice %arg3[%add3A, %run_scoped3A, %dma_wait3A_255, %dma_wait3A_256] : memref<32x2x40x128xi32, #tpu.memory_space<hbm>> -> memref<1x1x40x128xi32, #tpu.memory_space<hbm>>
      %dma_wait3A_258 = tpu.memref_squeeze %dma_wait3A_257 : memref<1x1x40x128xi32, #tpu.memory_space<hbm>> -> memref<40x128xi32, #tpu.memory_space<hbm>>
      tpu.wait_dma2 semaphore(%run_scoped3A_242 : memref<!tpu.dma_semaphore, #tpu.memory_space<semaphore_mem>>) src(%dma_wait3A_258 : memref<40x128xi32, #tpu.memory_space<hbm>>) dst(%arg7 : memref<40x128xi32, #tpu.memory_space<vmem>>)
      tpu.yield
    }) : () -> ()
    %run_scoped3A_3 = arith.constant 0 : i32
    "tpu.region"() ({
      %run_scoped3A_242 = tpu.sem_alloc : memref<!tpu.dma_semaphore, #tpu.memory_space<semaphore_mem>>
      %dma_start3A_243 = arith.constant 0 : i32
      %dma_start3A_244 = arith.constant 0 : i32
      %dma_start3A_245 = tpu.memref_slice %arg4[%add3A, %run_scoped3A_3, %dma_start3A_243, %dma_start3A_244] : memref<32x2x40x128xi32, #tpu.memory_space<hbm>> -> memref<1x1x40x128xi32, #tpu.memory_space<hbm>>
      %dma_start3A_246 = tpu.memref_squeeze %dma_start3A_245 : memref<1x1x40x128xi32, #tpu.memory_space<hbm>> -> memref<40x128xi32, #tpu.memory_space<hbm>>
      %dma_start3A_247 = arith.constant 0 : i32
      %dma_start3A_248 = arith.constant 0 : i32
      %dma_start3A_249 = tpu.memref_slice %arg4[%add3A, %run_scoped3A_3, %dma_start3A_247, %dma_start3A_248] : memref<32x2x40x128xi32, #tpu.memory_space<hbm>> -> memref<1x1x40x128xi32, #tpu.memory_space<hbm>>
      %dma_start3A_250 = tpu.memref_squeeze %dma_start3A_249 : memref<1x1x40x128xi32, #tpu.memory_space<hbm>> -> memref<40x128xi32, #tpu.memory_space<hbm>>
      tpu.enqueue_dma source(%dma_start3A_250 : memref<40x128xi32, #tpu.memory_space<hbm>>) target(%arg8 : memref<40x128xi32, #tpu.memory_space<vmem>>) target_semaphore(%run_scoped3A_242 : memref<!tpu.dma_semaphore, #tpu.memory_space<semaphore_mem>>)
      %dma_wait3A_251 = arith.constant 0 : i32
      %dma_wait3A_252 = arith.constant 0 : i32
      %dma_wait3A_253 = tpu.memref_slice %arg4[%add3A, %run_scoped3A_3, %dma_wait3A_251, %dma_wait3A_252] : memref<32x2x40x128xi32, #tpu.memory_space<hbm>> -> memref<1x1x40x128xi32, #tpu.memory_space<hbm>>
      %dma_wait3A_254 = tpu.memref_squeeze %dma_wait3A_253 : memref<1x1x40x128xi32, #tpu.memory_space<hbm>> -> memref<40x128xi32, #tpu.memory_space<hbm>>
      %dma_wait3A_255 = arith.constant 0 : i32
      %dma_wait3A_256 = arith.constant 0 : i32
      %dma_wait3A_257 = tpu.memref_slice %arg4[%add3A, %run_scoped3A_3, %dma_wait3A_255, %dma_wait3A_256] : memref<32x2x40x128xi32, #tpu.memory_space<hbm>> -> memref<1x1x40x128xi32, #tpu.memory_space<hbm>>
      %dma_wait3A_258 = tpu.memref_squeeze %dma_wait3A_257 : memref<1x1x40x128xi32, #tpu.memory_space<hbm>> -> memref<40x128xi32, #tpu.memory_space<hbm>>
      tpu.wait_dma2 semaphore(%run_scoped3A_242 : memref<!tpu.dma_semaphore, #tpu.memory_space<semaphore_mem>>) src(%dma_wait3A_258 : memref<40x128xi32, #tpu.memory_space<hbm>>) dst(%arg8 : memref<40x128xi32, #tpu.memory_space<vmem>>)
      tpu.yield
    }) : () -> ()
    %dma_start3A = arith.constant 0 : i32
    %dma_start3A_4 = arith.constant 0 : i32
    %dma_start3A_5 = tpu.memref_slice %arg7[%dma_start3A, %dma_start3A_4] : memref<40x128xi32, #tpu.memory_space<vmem>> -> memref<1x128xi32, #tpu.memory_space<vmem>>
    %dma_start3A_6 = tpu.memref_squeeze %dma_start3A_5 : memref<1x128xi32, #tpu.memory_space<vmem>> -> memref<128xi32, #tpu.memory_space<vmem>>
    %dma_start3A_7 = arith.constant 0 : i32
    %dma_start3A_8 = arith.constant 0 : i32
    %dma_start3A_9 = tpu.memref_slice %arg2[%dma_start3A_7, %dma_start3A_8] : memref<10000x128xf32, #tpu.memory_space<hbm>> -> memref<10000x128xf32, #tpu.memory_space<hbm>>
    tpu.enqueue_indirect_dma source(%dma_start3A_9 : memref<10000x128xf32, #tpu.memory_space<hbm>>) target(%arg10 : memref<128x128xf32, #tpu.memory_space<vmem>>) offsets(%dma_start3A_6 : memref<128xi32, #tpu.memory_space<vmem>>) semaphore(%arg12 : memref<!tpu.dma_semaphore, #tpu.memory_space<semaphore_mem>>)
    %dma_wait3A = arith.constant 0 : i32
    %dma_wait3A_10 = arith.constant 0 : i32
    %dma_wait3A_11 = tpu.memref_slice %arg7[%dma_wait3A, %dma_wait3A_10] : memref<40x128xi32, #tpu.memory_space<vmem>> -> memref<1x128xi32, #tpu.memory_space<vmem>>
    %dma_wait3A_12 = tpu.memref_squeeze %dma_wait3A_11 : memref<1x128xi32, #tpu.memory_space<vmem>> -> memref<128xi32, #tpu.memory_space<vmem>>
    %dma_wait3A_13 = arith.constant 0 : i32
    %dma_wait3A_14 = arith.constant 0 : i32
    %dma_wait3A_15 = tpu.memref_slice %arg2[%dma_wait3A_13, %dma_wait3A_14] : memref<10000x128xf32, #tpu.memory_space<hbm>> -> memref<10000x128xf32, #tpu.memory_space<hbm>>
    tpu.wait_indirect_dma semaphore(%arg12 : memref<!tpu.dma_semaphore, #tpu.memory_space<semaphore_mem>>) src(%dma_wait3A_15 : memref<10000x128xf32, #tpu.memory_space<hbm>>) dst(%arg10 : memref<128x128xf32, #tpu.memory_space<vmem>>)
    %dma_start3A_16 = arith.constant 0 : i32
    %dma_start3A_17 = arith.constant 0 : i32
    %dma_start3A_18 = tpu.memref_slice %arg8[%dma_start3A_16, %dma_start3A_17] : memref<40x128xi32, #tpu.memory_space<vmem>> -> memref<1x128xi32, #tpu.memory_space<vmem>>
    %dma_start3A_19 = tpu.memref_squeeze %dma_start3A_18 : memref<1x128xi32, #tpu.memory_space<vmem>> -> memref<128xi32, #tpu.memory_space<vmem>>
    %dma_start3A_20 = arith.constant 0 : i32
    %dma_start3A_21 = arith.constant 0 : i32
    %dma_start3A_22 = tpu.memref_slice %arg9[%dma_start3A_20, %dma_start3A_21] : memref<10112x128xf32, #tpu.memory_space<vmem_shared>> -> memref<10112x128xf32, #tpu.memory_space<vmem_shared>>
    tpu.enqueue_indirect_dma source(%arg10 : memref<128x128xf32, #tpu.memory_space<vmem>>) target(%dma_start3A_22 : memref<10112x128xf32, #tpu.memory_space<vmem_shared>>) offsets(%dma_start3A_19 : memref<128xi32, #tpu.memory_space<vmem>>) semaphore(%arg14 : memref<!tpu.dma_semaphore, #tpu.memory_space<semaphore_mem>>) {add = true}
    %dma_start3A_23 = arith.constant 1 : i32
    %dma_start3A_24 = arith.constant 0 : i32
    %dma_start3A_25 = tpu.memref_slice %arg7[%dma_start3A_23, %dma_start3A_24] : memref<40x128xi32, #tpu.memory_space<vmem>> -> memref<1x128xi32, #tpu.memory_space<vmem>>
    %dma_start3A_26 = tpu.memref_squeeze %dma_start3A_25 : memref<1x128xi32, #tpu.memory_space<vmem>> -> memref<128xi32, #tpu.memory_space<vmem>>
    %dma_start3A_27 = arith.constant 0 : i32
    %dma_start3A_28 = arith.constant 0 : i32
    %dma_start3A_29 = tpu.memref_slice %arg2[%dma_start3A_27, %dma_start3A_28] : memref<10000x128xf32, #tpu.memory_space<hbm>> -> memref<10000x128xf32, #tpu.memory_space<hbm>>
    tpu.enqueue_indirect_dma source(%dma_start3A_29 : memref<10000x128xf32, #tpu.memory_space<hbm>>) target(%arg11 : memref<128x128xf32, #tpu.memory_space<vmem>>) offsets(%dma_start3A_26 : memref<128xi32, #tpu.memory_space<vmem>>) semaphore(%arg13 : memref<!tpu.dma_semaphore, #tpu.memory_space<semaphore_mem>>)
    %scan3A = arith.constant 0 : i32
    %scan3A_30 = arith.constant 18 : i32
    %scan3A_31 = arith.addi %scan3A, %scan3A_30 : i32
    %scan3A_32 = arith.constant 1 : i32
    scf.for %scan3A_242 = %scan3A to %scan3A_31 step %scan3A_32  : i32 {
      %mul3A_243 = arith.constant 2 : i32
      %mul3A_244 = arith.muli %scan3A_242, %mul3A_243 : i32
      %add3A_245 = arith.constant 1 : i32
      %add3A_246 = arith.addi %add3A_245, %mul3A_244 : i32
      %add3A_247 = arith.constant 0 : i32
      %add3A_248 = arith.addi %add3A_246, %add3A_247 : i32
      %dma_wait3A_249 = arith.constant 0 : i32
      %dma_wait3A_250 = tpu.memref_slice %arg7[%add3A_248, %dma_wait3A_249] : memref<40x128xi32, #tpu.memory_space<vmem>> -> memref<1x128xi32, #tpu.memory_space<vmem>>
      %dma_wait3A_251 = tpu.memref_squeeze %dma_wait3A_250 : memref<1x128xi32, #tpu.memory_space<vmem>> -> memref<128xi32, #tpu.memory_space<vmem>>
      %dma_wait3A_252 = arith.constant 0 : i32
      %dma_wait3A_253 = arith.constant 0 : i32
      %dma_wait3A_254 = tpu.memref_slice %arg2[%dma_wait3A_252, %dma_wait3A_253] : memref<10000x128xf32, #tpu.memory_space<hbm>> -> memref<10000x128xf32, #tpu.memory_space<hbm>>
      tpu.wait_indirect_dma semaphore(%arg13 : memref<!tpu.dma_semaphore, #tpu.memory_space<semaphore_mem>>) src(%dma_wait3A_254 : memref<10000x128xf32, #tpu.memory_space<hbm>>) dst(%arg11 : memref<128x128xf32, #tpu.memory_space<vmem>>)
      %dma_start3A_255 = arith.constant 0 : i32
      %dma_start3A_256 = tpu.memref_slice %arg8[%add3A_248, %dma_start3A_255] : memref<40x128xi32, #tpu.memory_space<vmem>> -> memref<1x128xi32, #tpu.memory_space<vmem>>
      %dma_start3A_257 = tpu.memref_squeeze %dma_start3A_256 : memref<1x128xi32, #tpu.memory_space<vmem>> -> memref<128xi32, #tpu.memory_space<vmem>>
      %dma_start3A_258 = arith.constant 0 : i32
      %dma_start3A_259 = arith.constant 0 : i32
      %dma_start3A_260 = tpu.memref_slice %arg9[%dma_start3A_258, %dma_start3A_259] : memref<10112x128xf32, #tpu.memory_space<vmem_shared>> -> memref<10112x128xf32, #tpu.memory_space<vmem_shared>>
      tpu.enqueue_indirect_dma source(%arg11 : memref<128x128xf32, #tpu.memory_space<vmem>>) target(%dma_start3A_260 : memref<10112x128xf32, #tpu.memory_space<vmem_shared>>) offsets(%dma_start3A_257 : memref<128xi32, #tpu.memory_space<vmem>>) semaphore(%arg15 : memref<!tpu.dma_semaphore, #tpu.memory_space<semaphore_mem>>) {add = true}
      %sub3A = arith.constant 1 : i32
      %sub3A_261 = arith.subi %add3A_248, %sub3A : i32
      %dma_wait3A_262 = arith.constant 0 : i32
      %dma_wait3A_263 = tpu.memref_slice %arg8[%sub3A_261, %dma_wait3A_262] : memref<40x128xi32, #tpu.memory_space<vmem>> -> memref<1x128xi32, #tpu.memory_space<vmem>>
      %dma_wait3A_264 = tpu.memref_squeeze %dma_wait3A_263 : memref<1x128xi32, #tpu.memory_space<vmem>> -> memref<128xi32, #tpu.memory_space<vmem>>
      %dma_wait3A_265 = arith.constant 0 : i32
      %dma_wait3A_266 = arith.constant 0 : i32
      %dma_wait3A_267 = tpu.memref_slice %arg9[%dma_wait3A_265, %dma_wait3A_266] : memref<10112x128xf32, #tpu.memory_space<vmem_shared>> -> memref<10112x128xf32, #tpu.memory_space<vmem_shared>>
      tpu.wait_indirect_dma semaphore(%arg14 : memref<!tpu.dma_semaphore, #tpu.memory_space<semaphore_mem>>) src(%arg10 : memref<128x128xf32, #tpu.memory_space<vmem>>) dst(%dma_wait3A_267 : memref<10112x128xf32, #tpu.memory_space<vmem_shared>>)
      %add3A_268 = arith.constant 1 : i32
      %add3A_269 = arith.addi %add3A_248, %add3A_268 : i32
      %dma_start3A_270 = arith.constant 0 : i32
      %dma_start3A_271 = tpu.memref_slice %arg7[%add3A_269, %dma_start3A_270] : memref<40x128xi32, #tpu.memory_space<vmem>> -> memref<1x128xi32, #tpu.memory_space<vmem>>
      %dma_start3A_272 = tpu.memref_squeeze %dma_start3A_271 : memref<1x128xi32, #tpu.memory_space<vmem>> -> memref<128xi32, #tpu.memory_space<vmem>>
      %dma_start3A_273 = arith.constant 0 : i32
      %dma_start3A_274 = arith.constant 0 : i32
      %dma_start3A_275 = tpu.memref_slice %arg2[%dma_start3A_273, %dma_start3A_274] : memref<10000x128xf32, #tpu.memory_space<hbm>> -> memref<10000x128xf32, #tpu.memory_space<hbm>>
      tpu.enqueue_indirect_dma source(%dma_start3A_275 : memref<10000x128xf32, #tpu.memory_space<hbm>>) target(%arg10 : memref<128x128xf32, #tpu.memory_space<vmem>>) offsets(%dma_start3A_272 : memref<128xi32, #tpu.memory_space<vmem>>) semaphore(%arg12 : memref<!tpu.dma_semaphore, #tpu.memory_space<semaphore_mem>>)
      %add3A_276 = arith.constant 1 : i32
      %add3A_277 = arith.addi %add3A_246, %add3A_276 : i32
      %dma_wait3A_278 = arith.constant 0 : i32
      %dma_wait3A_279 = tpu.memref_slice %arg7[%add3A_277, %dma_wait3A_278] : memref<40x128xi32, #tpu.memory_space<vmem>> -> memref<1x128xi32, #tpu.memory_space<vmem>>
      %dma_wait3A_280 = tpu.memref_squeeze %dma_wait3A_279 : memref<1x128xi32, #tpu.memory_space<vmem>> -> memref<128xi32, #tpu.memory_space<vmem>>
      %dma_wait3A_281 = arith.constant 0 : i32
      %dma_wait3A_282 = arith.constant 0 : i32
      %dma_wait3A_283 = tpu.memref_slice %arg2[%dma_wait3A_281, %dma_wait3A_282] : memref<10000x128xf32, #tpu.memory_space<hbm>> -> memref<10000x128xf32, #tpu.memory_space<hbm>>
      tpu.wait_indirect_dma semaphore(%arg12 : memref<!tpu.dma_semaphore, #tpu.memory_space<semaphore_mem>>) src(%dma_wait3A_283 : memref<10000x128xf32, #tpu.memory_space<hbm>>) dst(%arg10 : memref<128x128xf32, #tpu.memory_space<vmem>>)
      %dma_start3A_284 = arith.constant 0 : i32
      %dma_start3A_285 = tpu.memref_slice %arg8[%add3A_277, %dma_start3A_284] : memref<40x128xi32, #tpu.memory_space<vmem>> -> memref<1x128xi32, #tpu.memory_space<vmem>>
      %dma_start3A_286 = tpu.memref_squeeze %dma_start3A_285 : memref<1x128xi32, #tpu.memory_space<vmem>> -> memref<128xi32, #tpu.memory_space<vmem>>
      %dma_start3A_287 = arith.constant 0 : i32
      %dma_start3A_288 = arith.constant 0 : i32
      %dma_start3A_289 = tpu.memref_slice %arg9[%dma_start3A_287, %dma_start3A_288] : memref<10112x128xf32, #tpu.memory_space<vmem_shared>> -> memref<10112x128xf32, #tpu.memory_space<vmem_shared>>
      tpu.enqueue_indirect_dma source(%arg10 : memref<128x128xf32, #tpu.memory_space<vmem>>) target(%dma_start3A_289 : memref<10112x128xf32, #tpu.memory_space<vmem_shared>>) offsets(%dma_start3A_286 : memref<128xi32, #tpu.memory_space<vmem>>) semaphore(%arg14 : memref<!tpu.dma_semaphore, #tpu.memory_space<semaphore_mem>>) {add = true}
      %sub3A_290 = arith.constant 1 : i32
      %sub3A_291 = arith.subi %add3A_277, %sub3A_290 : i32
      %dma_wait3A_292 = arith.constant 0 : i32
      %dma_wait3A_293 = tpu.memref_slice %arg8[%sub3A_291, %dma_wait3A_292] : memref<40x128xi32, #tpu.memory_space<vmem>> -> memref<1x128xi32, #tpu.memory_space<vmem>>
      %dma_wait3A_294 = tpu.memref_squeeze %dma_wait3A_293 : memref<1x128xi32, #tpu.memory_space<vmem>> -> memref<128xi32, #tpu.memory_space<vmem>>
      %dma_wait3A_295 = arith.constant 0 : i32
      %dma_wait3A_296 = arith.constant 0 : i32
      %dma_wait3A_297 = tpu.memref_slice %arg9[%dma_wait3A_295, %dma_wait3A_296] : memref<10112x128xf32, #tpu.memory_space<vmem_shared>> -> memref<10112x128xf32, #tpu.memory_space<vmem_shared>>
      tpu.wait_indirect_dma semaphore(%arg15 : memref<!tpu.dma_semaphore, #tpu.memory_space<semaphore_mem>>) src(%arg11 : memref<128x128xf32, #tpu.memory_space<vmem>>) dst(%dma_wait3A_297 : memref<10112x128xf32, #tpu.memory_space<vmem_shared>>)
      %add3A_298 = arith.constant 1 : i32
      %add3A_299 = arith.addi %add3A_277, %add3A_298 : i32
      %dma_start3A_300 = arith.constant 0 : i32
      %dma_start3A_301 = tpu.memref_slice %arg7[%add3A_299, %dma_start3A_300] : memref<40x128xi32, #tpu.memory_space<vmem>> -> memref<1x128xi32, #tpu.memory_space<vmem>>
      %dma_start3A_302 = tpu.memref_squeeze %dma_start3A_301 : memref<1x128xi32, #tpu.memory_space<vmem>> -> memref<128xi32, #tpu.memory_space<vmem>>
      %dma_start3A_303 = arith.constant 0 : i32
      %dma_start3A_304 = arith.constant 0 : i32
      %dma_start3A_305 = tpu.memref_slice %arg2[%dma_start3A_303, %dma_start3A_304] : memref<10000x128xf32, #tpu.memory_space<hbm>> -> memref<10000x128xf32, #tpu.memory_space<hbm>>
      tpu.enqueue_indirect_dma source(%dma_start3A_305 : memref<10000x128xf32, #tpu.memory_space<hbm>>) target(%arg11 : memref<128x128xf32, #tpu.memory_space<vmem>>) offsets(%dma_start3A_302 : memref<128xi32, #tpu.memory_space<vmem>>) semaphore(%arg13 : memref<!tpu.dma_semaphore, #tpu.memory_space<semaphore_mem>>)
    }
    %scan3A_33 = arith.constant 18 : i32
    %dma_wait3A_34 = arith.constant 37 : i32
    %dma_wait3A_35 = arith.constant 0 : i32
    %dma_wait3A_36 = tpu.memref_slice %arg7[%dma_wait3A_34, %dma_wait3A_35] : memref<40x128xi32, #tpu.memory_space<vmem>> -> memref<1x128xi32, #tpu.memory_space<vmem>>
    %dma_wait3A_37 = tpu.memref_squeeze %dma_wait3A_36 : memref<1x128xi32, #tpu.memory_space<vmem>> -> memref<128xi32, #tpu.memory_space<vmem>>
    %dma_wait3A_38 = arith.constant 0 : i32
    %dma_wait3A_39 = arith.constant 0 : i32
    %dma_wait3A_40 = tpu.memref_slice %arg2[%dma_wait3A_38, %dma_wait3A_39] : memref<10000x128xf32, #tpu.memory_space<hbm>> -> memref<10000x128xf32, #tpu.memory_space<hbm>>
    tpu.wait_indirect_dma semaphore(%arg13 : memref<!tpu.dma_semaphore, #tpu.memory_space<semaphore_mem>>) src(%dma_wait3A_40 : memref<10000x128xf32, #tpu.memory_space<hbm>>) dst(%arg11 : memref<128x128xf32, #tpu.memory_space<vmem>>)
    %dma_start3A_41 = arith.constant 37 : i32
    %dma_start3A_42 = arith.constant 0 : i32
    %dma_start3A_43 = tpu.memref_slice %arg8[%dma_start3A_41, %dma_start3A_42] : memref<40x128xi32, #tpu.memory_space<vmem>> -> memref<1x128xi32, #tpu.memory_space<vmem>>
    %dma_start3A_44 = tpu.memref_squeeze %dma_start3A_43 : memref<1x128xi32, #tpu.memory_space<vmem>> -> memref<128xi32, #tpu.memory_space<vmem>>
    %dma_start3A_45 = arith.constant 0 : i32
    %dma_start3A_46 = arith.constant 0 : i32
    %dma_start3A_47 = tpu.memref_slice %arg9[%dma_start3A_45, %dma_start3A_46] : memref<10112x128xf32, #tpu.memory_space<vmem_shared>> -> memref<10112x128xf32, #tpu.memory_space<vmem_shared>>
    tpu.enqueue_indirect_dma source(%arg11 : memref<128x128xf32, #tpu.memory_space<vmem>>) target(%dma_start3A_47 : memref<10112x128xf32, #tpu.memory_space<vmem_shared>>) offsets(%dma_start3A_44 : memref<128xi32, #tpu.memory_space<vmem>>) semaphore(%arg15 : memref<!tpu.dma_semaphore, #tpu.memory_space<semaphore_mem>>) {add = true}
    %dma_wait3A_48 = arith.constant 36 : i32
    %dma_wait3A_49 = arith.constant 0 : i32
    %dma_wait3A_50 = tpu.memref_slice %arg8[%dma_wait3A_48, %dma_wait3A_49] : memref<40x128xi32, #tpu.memory_space<vmem>> -> memref<1x128xi32, #tpu.memory_space<vmem>>
    %dma_wait3A_51 = tpu.memref_squeeze %dma_wait3A_50 : memref<1x128xi32, #tpu.memory_space<vmem>> -> memref<128xi32, #tpu.memory_space<vmem>>
    %dma_wait3A_52 = arith.constant 0 : i32
    %dma_wait3A_53 = arith.constant 0 : i32
    %dma_wait3A_54 = tpu.memref_slice %arg9[%dma_wait3A_52, %dma_wait3A_53] : memref<10112x128xf32, #tpu.memory_space<vmem_shared>> -> memref<10112x128xf32, #tpu.memory_space<vmem_shared>>
    tpu.wait_indirect_dma semaphore(%arg14 : memref<!tpu.dma_semaphore, #tpu.memory_space<semaphore_mem>>) src(%arg10 : memref<128x128xf32, #tpu.memory_space<vmem>>) dst(%dma_wait3A_54 : memref<10112x128xf32, #tpu.memory_space<vmem_shared>>)
    %dma_start3A_55 = arith.constant 38 : i32
    %dma_start3A_56 = arith.constant 0 : i32
    %dma_start3A_57 = tpu.memref_slice %arg7[%dma_start3A_55, %dma_start3A_56] : memref<40x128xi32, #tpu.memory_space<vmem>> -> memref<1x128xi32, #tpu.memory_space<vmem>>
    %dma_start3A_58 = tpu.memref_squeeze %dma_start3A_57 : memref<1x128xi32, #tpu.memory_space<vmem>> -> memref<128xi32, #tpu.memory_space<vmem>>
    %dma_start3A_59 = arith.constant 0 : i32
    %dma_start3A_60 = arith.constant 0 : i32
    %dma_start3A_61 = tpu.memref_slice %arg2[%dma_start3A_59, %dma_start3A_60] : memref<10000x128xf32, #tpu.memory_space<hbm>> -> memref<10000x128xf32, #tpu.memory_space<hbm>>
    tpu.enqueue_indirect_dma source(%dma_start3A_61 : memref<10000x128xf32, #tpu.memory_space<hbm>>) target(%arg10 : memref<128x128xf32, #tpu.memory_space<vmem>>) offsets(%dma_start3A_58 : memref<128xi32, #tpu.memory_space<vmem>>) semaphore(%arg12 : memref<!tpu.dma_semaphore, #tpu.memory_space<semaphore_mem>>)
    %dma_wait3A_62 = arith.constant 38 : i32
    %dma_wait3A_63 = arith.constant 0 : i32
    %dma_wait3A_64 = tpu.memref_slice %arg7[%dma_wait3A_62, %dma_wait3A_63] : memref<40x128xi32, #tpu.memory_space<vmem>> -> memref<1x128xi32, #tpu.memory_space<vmem>>
    %dma_wait3A_65 = tpu.memref_squeeze %dma_wait3A_64 : memref<1x128xi32, #tpu.memory_space<vmem>> -> memref<128xi32, #tpu.memory_space<vmem>>
    %dma_wait3A_66 = arith.constant 0 : i32
    %dma_wait3A_67 = arith.constant 0 : i32
    %dma_wait3A_68 = tpu.memref_slice %arg2[%dma_wait3A_66, %dma_wait3A_67] : memref<10000x128xf32, #tpu.memory_space<hbm>> -> memref<10000x128xf32, #tpu.memory_space<hbm>>
    tpu.wait_indirect_dma semaphore(%arg12 : memref<!tpu.dma_semaphore, #tpu.memory_space<semaphore_mem>>) src(%dma_wait3A_68 : memref<10000x128xf32, #tpu.memory_space<hbm>>) dst(%arg10 : memref<128x128xf32, #tpu.memory_space<vmem>>)
    %dma_start3A_69 = arith.constant 38 : i32
    %dma_start3A_70 = arith.constant 0 : i32
    %dma_start3A_71 = tpu.memref_slice %arg8[%dma_start3A_69, %dma_start3A_70] : memref<40x128xi32, #tpu.memory_space<vmem>> -> memref<1x128xi32, #tpu.memory_space<vmem>>
    %dma_start3A_72 = tpu.memref_squeeze %dma_start3A_71 : memref<1x128xi32, #tpu.memory_space<vmem>> -> memref<128xi32, #tpu.memory_space<vmem>>
    %dma_start3A_73 = arith.constant 0 : i32
    %dma_start3A_74 = arith.constant 0 : i32
    %dma_start3A_75 = tpu.memref_slice %arg9[%dma_start3A_73, %dma_start3A_74] : memref<10112x128xf32, #tpu.memory_space<vmem_shared>> -> memref<10112x128xf32, #tpu.memory_space<vmem_shared>>
    tpu.enqueue_indirect_dma source(%arg10 : memref<128x128xf32, #tpu.memory_space<vmem>>) target(%dma_start3A_75 : memref<10112x128xf32, #tpu.memory_space<vmem_shared>>) offsets(%dma_start3A_72 : memref<128xi32, #tpu.memory_space<vmem>>) semaphore(%arg14 : memref<!tpu.dma_semaphore, #tpu.memory_space<semaphore_mem>>) {add = true}
    %dma_wait3A_76 = arith.constant 37 : i32
    %dma_wait3A_77 = arith.constant 0 : i32
    %dma_wait3A_78 = tpu.memref_slice %arg8[%dma_wait3A_76, %dma_wait3A_77] : memref<40x128xi32, #tpu.memory_space<vmem>> -> memref<1x128xi32, #tpu.memory_space<vmem>>
    %dma_wait3A_79 = tpu.memref_squeeze %dma_wait3A_78 : memref<1x128xi32, #tpu.memory_space<vmem>> -> memref<128xi32, #tpu.memory_space<vmem>>
    %dma_wait3A_80 = arith.constant 0 : i32
    %dma_wait3A_81 = arith.constant 0 : i32
    %dma_wait3A_82 = tpu.memref_slice %arg9[%dma_wait3A_80, %dma_wait3A_81] : memref<10112x128xf32, #tpu.memory_space<vmem_shared>> -> memref<10112x128xf32, #tpu.memory_space<vmem_shared>>
    tpu.wait_indirect_dma semaphore(%arg15 : memref<!tpu.dma_semaphore, #tpu.memory_space<semaphore_mem>>) src(%arg11 : memref<128x128xf32, #tpu.memory_space<vmem>>) dst(%dma_wait3A_82 : memref<10112x128xf32, #tpu.memory_space<vmem_shared>>)
    %dma_start3A_83 = arith.constant 39 : i32
    %dma_start3A_84 = arith.constant 0 : i32
    %dma_start3A_85 = tpu.memref_slice %arg7[%dma_start3A_83, %dma_start3A_84] : memref<40x128xi32, #tpu.memory_space<vmem>> -> memref<1x128xi32, #tpu.memory_space<vmem>>
    %dma_start3A_86 = tpu.memref_squeeze %dma_start3A_85 : memref<1x128xi32, #tpu.memory_space<vmem>> -> memref<128xi32, #tpu.memory_space<vmem>>
    %dma_start3A_87 = arith.constant 0 : i32
    %dma_start3A_88 = arith.constant 0 : i32
    %dma_start3A_89 = tpu.memref_slice %arg2[%dma_start3A_87, %dma_start3A_88] : memref<10000x128xf32, #tpu.memory_space<hbm>> -> memref<10000x128xf32, #tpu.memory_space<hbm>>
    tpu.enqueue_indirect_dma source(%dma_start3A_89 : memref<10000x128xf32, #tpu.memory_space<hbm>>) target(%arg11 : memref<128x128xf32, #tpu.memory_space<vmem>>) offsets(%dma_start3A_86 : memref<128xi32, #tpu.memory_space<vmem>>) semaphore(%arg13 : memref<!tpu.dma_semaphore, #tpu.memory_space<semaphore_mem>>)
    %dma_wait3A_90 = arith.constant 39 : i32
    %dma_wait3A_91 = arith.constant 0 : i32
    %dma_wait3A_92 = tpu.memref_slice %arg7[%dma_wait3A_90, %dma_wait3A_91] : memref<40x128xi32, #tpu.memory_space<vmem>> -> memref<1x128xi32, #tpu.memory_space<vmem>>
    %dma_wait3A_93 = tpu.memref_squeeze %dma_wait3A_92 : memref<1x128xi32, #tpu.memory_space<vmem>> -> memref<128xi32, #tpu.memory_space<vmem>>
    %dma_wait3A_94 = arith.constant 0 : i32
    %dma_wait3A_95 = arith.constant 0 : i32
    %dma_wait3A_96 = tpu.memref_slice %arg2[%dma_wait3A_94, %dma_wait3A_95] : memref<10000x128xf32, #tpu.memory_space<hbm>> -> memref<10000x128xf32, #tpu.memory_space<hbm>>
    tpu.wait_indirect_dma semaphore(%arg13 : memref<!tpu.dma_semaphore, #tpu.memory_space<semaphore_mem>>) src(%dma_wait3A_96 : memref<10000x128xf32, #tpu.memory_space<hbm>>) dst(%arg11 : memref<128x128xf32, #tpu.memory_space<vmem>>)
    %dma_start3A_97 = arith.constant 39 : i32
    %dma_start3A_98 = arith.constant 0 : i32
    %dma_start3A_99 = tpu.memref_slice %arg8[%dma_start3A_97, %dma_start3A_98] : memref<40x128xi32, #tpu.memory_space<vmem>> -> memref<1x128xi32, #tpu.memory_space<vmem>>
    %dma_start3A_100 = tpu.memref_squeeze %dma_start3A_99 : memref<1x128xi32, #tpu.memory_space<vmem>> -> memref<128xi32, #tpu.memory_space<vmem>>
    %dma_start3A_101 = arith.constant 0 : i32
    %dma_start3A_102 = arith.constant 0 : i32
    %dma_start3A_103 = tpu.memref_slice %arg9[%dma_start3A_101, %dma_start3A_102] : memref<10112x128xf32, #tpu.memory_space<vmem_shared>> -> memref<10112x128xf32, #tpu.memory_space<vmem_shared>>
    tpu.enqueue_indirect_dma source(%arg11 : memref<128x128xf32, #tpu.memory_space<vmem>>) target(%dma_start3A_103 : memref<10112x128xf32, #tpu.memory_space<vmem_shared>>) offsets(%dma_start3A_100 : memref<128xi32, #tpu.memory_space<vmem>>) semaphore(%arg15 : memref<!tpu.dma_semaphore, #tpu.memory_space<semaphore_mem>>) {add = true}
    %dma_wait3A_104 = arith.constant 38 : i32
    %dma_wait3A_105 = arith.constant 0 : i32
    %dma_wait3A_106 = tpu.memref_slice %arg8[%dma_wait3A_104, %dma_wait3A_105] : memref<40x128xi32, #tpu.memory_space<vmem>> -> memref<1x128xi32, #tpu.memory_space<vmem>>
    %dma_wait3A_107 = tpu.memref_squeeze %dma_wait3A_106 : memref<1x128xi32, #tpu.memory_space<vmem>> -> memref<128xi32, #tpu.memory_space<vmem>>
    %dma_wait3A_108 = arith.constant 0 : i32
    %dma_wait3A_109 = arith.constant 0 : i32
    %dma_wait3A_110 = tpu.memref_slice %arg9[%dma_wait3A_108, %dma_wait3A_109] : memref<10112x128xf32, #tpu.memory_space<vmem_shared>> -> memref<10112x128xf32, #tpu.memory_space<vmem_shared>>
    tpu.wait_indirect_dma semaphore(%arg14 : memref<!tpu.dma_semaphore, #tpu.memory_space<semaphore_mem>>) src(%arg10 : memref<128x128xf32, #tpu.memory_space<vmem>>) dst(%dma_wait3A_110 : memref<10112x128xf32, #tpu.memory_space<vmem_shared>>)
    %dma_wait3A_111 = arith.constant 39 : i32
    %dma_wait3A_112 = arith.constant 0 : i32
    %dma_wait3A_113 = tpu.memref_slice %arg8[%dma_wait3A_111, %dma_wait3A_112] : memref<40x128xi32, #tpu.memory_space<vmem>> -> memref<1x128xi32, #tpu.memory_space<vmem>>
    %dma_wait3A_114 = tpu.memref_squeeze %dma_wait3A_113 : memref<1x128xi32, #tpu.memory_space<vmem>> -> memref<128xi32, #tpu.memory_space<vmem>>
    %dma_wait3A_115 = arith.constant 0 : i32
    %dma_wait3A_116 = arith.constant 0 : i32
    %dma_wait3A_117 = tpu.memref_slice %arg9[%dma_wait3A_115, %dma_wait3A_116] : memref<10112x128xf32, #tpu.memory_space<vmem_shared>> -> memref<10112x128xf32, #tpu.memory_space<vmem_shared>>
    tpu.wait_indirect_dma semaphore(%arg15 : memref<!tpu.dma_semaphore, #tpu.memory_space<semaphore_mem>>) src(%arg11 : memref<128x128xf32, #tpu.memory_space<vmem>>) dst(%dma_wait3A_117 : memref<10112x128xf32, #tpu.memory_space<vmem_shared>>)
    %run_scoped3A_118 = arith.constant 1 : i32
    "tpu.region"() ({
      %run_scoped3A_242 = tpu.sem_alloc : memref<!tpu.dma_semaphore, #tpu.memory_space<semaphore_mem>>
      %dma_start3A_243 = arith.constant 0 : i32
      %dma_start3A_244 = arith.constant 0 : i32
      %dma_start3A_245 = tpu.memref_slice %arg3[%add3A, %run_scoped3A_118, %dma_start3A_243, %dma_start3A_244] : memref<32x2x40x128xi32, #tpu.memory_space<hbm>> -> memref<1x1x40x128xi32, #tpu.memory_space<hbm>>
      %dma_start3A_246 = tpu.memref_squeeze %dma_start3A_245 : memref<1x1x40x128xi32, #tpu.memory_space<hbm>> -> memref<40x128xi32, #tpu.memory_space<hbm>>
      %dma_start3A_247 = arith.constant 0 : i32
      %dma_start3A_248 = arith.constant 0 : i32
      %dma_start3A_249 = tpu.memref_slice %arg3[%add3A, %run_scoped3A_118, %dma_start3A_247, %dma_start3A_248] : memref<32x2x40x128xi32, #tpu.memory_space<hbm>> -> memref<1x1x40x128xi32, #tpu.memory_space<hbm>>
      %dma_start3A_250 = tpu.memref_squeeze %dma_start3A_249 : memref<1x1x40x128xi32, #tpu.memory_space<hbm>> -> memref<40x128xi32, #tpu.memory_space<hbm>>
      tpu.enqueue_dma source(%dma_start3A_250 : memref<40x128xi32, #tpu.memory_space<hbm>>) target(%arg7 : memref<40x128xi32, #tpu.memory_space<vmem>>) target_semaphore(%run_scoped3A_242 : memref<!tpu.dma_semaphore, #tpu.memory_space<semaphore_mem>>)
      %dma_wait3A_251 = arith.constant 0 : i32
      %dma_wait3A_252 = arith.constant 0 : i32
      %dma_wait3A_253 = tpu.memref_slice %arg3[%add3A, %run_scoped3A_118, %dma_wait3A_251, %dma_wait3A_252] : memref<32x2x40x128xi32, #tpu.memory_space<hbm>> -> memref<1x1x40x128xi32, #tpu.memory_space<hbm>>
      %dma_wait3A_254 = tpu.memref_squeeze %dma_wait3A_253 : memref<1x1x40x128xi32, #tpu.memory_space<hbm>> -> memref<40x128xi32, #tpu.memory_space<hbm>>
      %dma_wait3A_255 = arith.constant 0 : i32
      %dma_wait3A_256 = arith.constant 0 : i32
      %dma_wait3A_257 = tpu.memref_slice %arg3[%add3A, %run_scoped3A_118, %dma_wait3A_255, %dma_wait3A_256] : memref<32x2x40x128xi32, #tpu.memory_space<hbm>> -> memref<1x1x40x128xi32, #tpu.memory_space<hbm>>
      %dma_wait3A_258 = tpu.memref_squeeze %dma_wait3A_257 : memref<1x1x40x128xi32, #tpu.memory_space<hbm>> -> memref<40x128xi32, #tpu.memory_space<hbm>>
      tpu.wait_dma2 semaphore(%run_scoped3A_242 : memref<!tpu.dma_semaphore, #tpu.memory_space<semaphore_mem>>) src(%dma_wait3A_258 : memref<40x128xi32, #tpu.memory_space<hbm>>) dst(%arg7 : memref<40x128xi32, #tpu.memory_space<vmem>>)
      tpu.yield
    }) : () -> ()
    %run_scoped3A_119 = arith.constant 1 : i32
    "tpu.region"() ({
      %run_scoped3A_242 = tpu.sem_alloc : memref<!tpu.dma_semaphore, #tpu.memory_space<semaphore_mem>>
      %dma_start3A_243 = arith.constant 0 : i32
      %dma_start3A_244 = arith.constant 0 : i32
      %dma_start3A_245 = tpu.memref_slice %arg4[%add3A, %run_scoped3A_119, %dma_start3A_243, %dma_start3A_244] : memref<32x2x40x128xi32, #tpu.memory_space<hbm>> -> memref<1x1x40x128xi32, #tpu.memory_space<hbm>>
      %dma_start3A_246 = tpu.memref_squeeze %dma_start3A_245 : memref<1x1x40x128xi32, #tpu.memory_space<hbm>> -> memref<40x128xi32, #tpu.memory_space<hbm>>
      %dma_start3A_247 = arith.constant 0 : i32
      %dma_start3A_248 = arith.constant 0 : i32
      %dma_start3A_249 = tpu.memref_slice %arg4[%add3A, %run_scoped3A_119, %dma_start3A_247, %dma_start3A_248] : memref<32x2x40x128xi32, #tpu.memory_space<hbm>> -> memref<1x1x40x128xi32, #tpu.memory_space<hbm>>
      %dma_start3A_250 = tpu.memref_squeeze %dma_start3A_249 : memref<1x1x40x128xi32, #tpu.memory_space<hbm>> -> memref<40x128xi32, #tpu.memory_space<hbm>>
      tpu.enqueue_dma source(%dma_start3A_250 : memref<40x128xi32, #tpu.memory_space<hbm>>) target(%arg8 : memref<40x128xi32, #tpu.memory_space<vmem>>) target_semaphore(%run_scoped3A_242 : memref<!tpu.dma_semaphore, #tpu.memory_space<semaphore_mem>>)
      %dma_wait3A_251 = arith.constant 0 : i32
      %dma_wait3A_252 = arith.constant 0 : i32
      %dma_wait3A_253 = tpu.memref_slice %arg4[%add3A, %run_scoped3A_119, %dma_wait3A_251, %dma_wait3A_252] : memref<32x2x40x128xi32, #tpu.memory_space<hbm>> -> memref<1x1x40x128xi32, #tpu.memory_space<hbm>>
      %dma_wait3A_254 = tpu.memref_squeeze %dma_wait3A_253 : memref<1x1x40x128xi32, #tpu.memory_space<hbm>> -> memref<40x128xi32, #tpu.memory_space<hbm>>
      %dma_wait3A_255 = arith.constant 0 : i32
      %dma_wait3A_256 = arith.constant 0 : i32
      %dma_wait3A_257 = tpu.memref_slice %arg4[%add3A, %run_scoped3A_119, %dma_wait3A_255, %dma_wait3A_256] : memref<32x2x40x128xi32, #tpu.memory_space<hbm>> -> memref<1x1x40x128xi32, #tpu.memory_space<hbm>>
      %dma_wait3A_258 = tpu.memref_squeeze %dma_wait3A_257 : memref<1x1x40x128xi32, #tpu.memory_space<hbm>> -> memref<40x128xi32, #tpu.memory_space<hbm>>
      tpu.wait_dma2 semaphore(%run_scoped3A_242 : memref<!tpu.dma_semaphore, #tpu.memory_space<semaphore_mem>>) src(%dma_wait3A_258 : memref<40x128xi32, #tpu.memory_space<hbm>>) dst(%arg8 : memref<40x128xi32, #tpu.memory_space<vmem>>)
      tpu.yield
    }) : () -> ()
    %dma_start3A_120 = arith.constant 0 : i32
    %dma_start3A_121 = arith.constant 0 : i32
    %dma_start3A_122 = tpu.memref_slice %arg7[%dma_start3A_120, %dma_start3A_121] : memref<40x128xi32, #tpu.memory_space<vmem>> -> memref<1x128xi32, #tpu.memory_space<vmem>>
    %dma_start3A_123 = tpu.memref_squeeze %dma_start3A_122 : memref<1x128xi32, #tpu.memory_space<vmem>> -> memref<128xi32, #tpu.memory_space<vmem>>
    %dma_start3A_124 = arith.constant 0 : i32
    %dma_start3A_125 = arith.constant 0 : i32
    %dma_start3A_126 = tpu.memref_slice %arg2[%dma_start3A_124, %dma_start3A_125] : memref<10000x128xf32, #tpu.memory_space<hbm>> -> memref<10000x128xf32, #tpu.memory_space<hbm>>
    tpu.enqueue_indirect_dma source(%dma_start3A_126 : memref<10000x128xf32, #tpu.memory_space<hbm>>) target(%arg10 : memref<128x128xf32, #tpu.memory_space<vmem>>) offsets(%dma_start3A_123 : memref<128xi32, #tpu.memory_space<vmem>>) semaphore(%arg12 : memref<!tpu.dma_semaphore, #tpu.memory_space<semaphore_mem>>)
    %dma_wait3A_127 = arith.constant 0 : i32
    %dma_wait3A_128 = arith.constant 0 : i32
    %dma_wait3A_129 = tpu.memref_slice %arg7[%dma_wait3A_127, %dma_wait3A_128] : memref<40x128xi32, #tpu.memory_space<vmem>> -> memref<1x128xi32, #tpu.memory_space<vmem>>
    %dma_wait3A_130 = tpu.memref_squeeze %dma_wait3A_129 : memref<1x128xi32, #tpu.memory_space<vmem>> -> memref<128xi32, #tpu.memory_space<vmem>>
    %dma_wait3A_131 = arith.constant 0 : i32
    %dma_wait3A_132 = arith.constant 0 : i32
    %dma_wait3A_133 = tpu.memref_slice %arg2[%dma_wait3A_131, %dma_wait3A_132] : memref<10000x128xf32, #tpu.memory_space<hbm>> -> memref<10000x128xf32, #tpu.memory_space<hbm>>
    tpu.wait_indirect_dma semaphore(%arg12 : memref<!tpu.dma_semaphore, #tpu.memory_space<semaphore_mem>>) src(%dma_wait3A_133 : memref<10000x128xf32, #tpu.memory_space<hbm>>) dst(%arg10 : memref<128x128xf32, #tpu.memory_space<vmem>>)
    %dma_start3A_134 = arith.constant 0 : i32
    %dma_start3A_135 = arith.constant 0 : i32
    %dma_start3A_136 = tpu.memref_slice %arg8[%dma_start3A_134, %dma_start3A_135] : memref<40x128xi32, #tpu.memory_space<vmem>> -> memref<1x128xi32, #tpu.memory_space<vmem>>
    %dma_start3A_137 = tpu.memref_squeeze %dma_start3A_136 : memref<1x128xi32, #tpu.memory_space<vmem>> -> memref<128xi32, #tpu.memory_space<vmem>>
    %dma_start3A_138 = arith.constant 0 : i32
    %dma_start3A_139 = arith.constant 0 : i32
    %dma_start3A_140 = tpu.memref_slice %arg9[%dma_start3A_138, %dma_start3A_139] : memref<10112x128xf32, #tpu.memory_space<vmem_shared>> -> memref<10112x128xf32, #tpu.memory_space<vmem_shared>>
    tpu.enqueue_indirect_dma source(%arg10 : memref<128x128xf32, #tpu.memory_space<vmem>>) target(%dma_start3A_140 : memref<10112x128xf32, #tpu.memory_space<vmem_shared>>) offsets(%dma_start3A_137 : memref<128xi32, #tpu.memory_space<vmem>>) semaphore(%arg14 : memref<!tpu.dma_semaphore, #tpu.memory_space<semaphore_mem>>) {add = true}
    %dma_start3A_141 = arith.constant 1 : i32
    %dma_start3A_142 = arith.constant 0 : i32
    %dma_start3A_143 = tpu.memref_slice %arg7[%dma_start3A_141, %dma_start3A_142] : memref<40x128xi32, #tpu.memory_space<vmem>> -> memref<1x128xi32, #tpu.memory_space<vmem>>
    %dma_start3A_144 = tpu.memref_squeeze %dma_start3A_143 : memref<1x128xi32, #tpu.memory_space<vmem>> -> memref<128xi32, #tpu.memory_space<vmem>>
    %dma_start3A_145 = arith.constant 0 : i32
    %dma_start3A_146 = arith.constant 0 : i32
    %dma_start3A_147 = tpu.memref_slice %arg2[%dma_start3A_145, %dma_start3A_146] : memref<10000x128xf32, #tpu.memory_space<hbm>> -> memref<10000x128xf32, #tpu.memory_space<hbm>>
    tpu.enqueue_indirect_dma source(%dma_start3A_147 : memref<10000x128xf32, #tpu.memory_space<hbm>>) target(%arg11 : memref<128x128xf32, #tpu.memory_space<vmem>>) offsets(%dma_start3A_144 : memref<128xi32, #tpu.memory_space<vmem>>) semaphore(%arg13 : memref<!tpu.dma_semaphore, #tpu.memory_space<semaphore_mem>>)
    %scan3A_148 = arith.constant 0 : i32
    %scan3A_149 = arith.constant 18 : i32
    %scan3A_150 = arith.addi %scan3A_148, %scan3A_149 : i32
    %scan3A_151 = arith.constant 1 : i32
    scf.for %scan3A_242 = %scan3A_148 to %scan3A_150 step %scan3A_151  : i32 {
      %mul3A_243 = arith.constant 2 : i32
      %mul3A_244 = arith.muli %scan3A_242, %mul3A_243 : i32
      %add3A_245 = arith.constant 1 : i32
      %add3A_246 = arith.addi %add3A_245, %mul3A_244 : i32
      %add3A_247 = arith.constant 0 : i32
      %add3A_248 = arith.addi %add3A_246, %add3A_247 : i32
      %dma_wait3A_249 = arith.constant 0 : i32
      %dma_wait3A_250 = tpu.memref_slice %arg7[%add3A_248, %dma_wait3A_249] : memref<40x128xi32, #tpu.memory_space<vmem>> -> memref<1x128xi32, #tpu.memory_space<vmem>>
      %dma_wait3A_251 = tpu.memref_squeeze %dma_wait3A_250 : memref<1x128xi32, #tpu.memory_space<vmem>> -> memref<128xi32, #tpu.memory_space<vmem>>
      %dma_wait3A_252 = arith.constant 0 : i32
      %dma_wait3A_253 = arith.constant 0 : i32
      %dma_wait3A_254 = tpu.memref_slice %arg2[%dma_wait3A_252, %dma_wait3A_253] : memref<10000x128xf32, #tpu.memory_space<hbm>> -> memref<10000x128xf32, #tpu.memory_space<hbm>>
      tpu.wait_indirect_dma semaphore(%arg13 : memref<!tpu.dma_semaphore, #tpu.memory_space<semaphore_mem>>) src(%dma_wait3A_254 : memref<10000x128xf32, #tpu.memory_space<hbm>>) dst(%arg11 : memref<128x128xf32, #tpu.memory_space<vmem>>)
      %dma_start3A_255 = arith.constant 0 : i32
      %dma_start3A_256 = tpu.memref_slice %arg8[%add3A_248, %dma_start3A_255] : memref<40x128xi32, #tpu.memory_space<vmem>> -> memref<1x128xi32, #tpu.memory_space<vmem>>
      %dma_start3A_257 = tpu.memref_squeeze %dma_start3A_256 : memref<1x128xi32, #tpu.memory_space<vmem>> -> memref<128xi32, #tpu.memory_space<vmem>>
      %dma_start3A_258 = arith.constant 0 : i32
      %dma_start3A_259 = arith.constant 0 : i32
      %dma_start3A_260 = tpu.memref_slice %arg9[%dma_start3A_258, %dma_start3A_259] : memref<10112x128xf32, #tpu.memory_space<vmem_shared>> -> memref<10112x128xf32, #tpu.memory_space<vmem_shared>>
      tpu.enqueue_indirect_dma source(%arg11 : memref<128x128xf32, #tpu.memory_space<vmem>>) target(%dma_start3A_260 : memref<10112x128xf32, #tpu.memory_space<vmem_shared>>) offsets(%dma_start3A_257 : memref<128xi32, #tpu.memory_space<vmem>>) semaphore(%arg15 : memref<!tpu.dma_semaphore, #tpu.memory_space<semaphore_mem>>) {add = true}
      %sub3A = arith.constant 1 : i32
      %sub3A_261 = arith.subi %add3A_248, %sub3A : i32
      %dma_wait3A_262 = arith.constant 0 : i32
      %dma_wait3A_263 = tpu.memref_slice %arg8[%sub3A_261, %dma_wait3A_262] : memref<40x128xi32, #tpu.memory_space<vmem>> -> memref<1x128xi32, #tpu.memory_space<vmem>>
      %dma_wait3A_264 = tpu.memref_squeeze %dma_wait3A_263 : memref<1x128xi32, #tpu.memory_space<vmem>> -> memref<128xi32, #tpu.memory_space<vmem>>
      %dma_wait3A_265 = arith.constant 0 : i32
      %dma_wait3A_266 = arith.constant 0 : i32
      %dma_wait3A_267 = tpu.memref_slice %arg9[%dma_wait3A_265, %dma_wait3A_266] : memref<10112x128xf32, #tpu.memory_space<vmem_shared>> -> memref<10112x128xf32, #tpu.memory_space<vmem_shared>>
      tpu.wait_indirect_dma semaphore(%arg14 : memref<!tpu.dma_semaphore, #tpu.memory_space<semaphore_mem>>) src(%arg10 : memref<128x128xf32, #tpu.memory_space<vmem>>) dst(%dma_wait3A_267 : memref<10112x128xf32, #tpu.memory_space<vmem_shared>>)
      %add3A_268 = arith.constant 1 : i32
      %add3A_269 = arith.addi %add3A_248, %add3A_268 : i32
      %dma_start3A_270 = arith.constant 0 : i32
      %dma_start3A_271 = tpu.memref_slice %arg7[%add3A_269, %dma_start3A_270] : memref<40x128xi32, #tpu.memory_space<vmem>> -> memref<1x128xi32, #tpu.memory_space<vmem>>
      %dma_start3A_272 = tpu.memref_squeeze %dma_start3A_271 : memref<1x128xi32, #tpu.memory_space<vmem>> -> memref<128xi32, #tpu.memory_space<vmem>>
      %dma_start3A_273 = arith.constant 0 : i32
      %dma_start3A_274 = arith.constant 0 : i32
      %dma_start3A_275 = tpu.memref_slice %arg2[%dma_start3A_273, %dma_start3A_274] : memref<10000x128xf32, #tpu.memory_space<hbm>> -> memref<10000x128xf32, #tpu.memory_space<hbm>>
      tpu.enqueue_indirect_dma source(%dma_start3A_275 : memref<10000x128xf32, #tpu.memory_space<hbm>>) target(%arg10 : memref<128x128xf32, #tpu.memory_space<vmem>>) offsets(%dma_start3A_272 : memref<128xi32, #tpu.memory_space<vmem>>) semaphore(%arg12 : memref<!tpu.dma_semaphore, #tpu.memory_space<semaphore_mem>>)
      %add3A_276 = arith.constant 1 : i32
      %add3A_277 = arith.addi %add3A_246, %add3A_276 : i32
      %dma_wait3A_278 = arith.constant 0 : i32
      %dma_wait3A_279 = tpu.memref_slice %arg7[%add3A_277, %dma_wait3A_278] : memref<40x128xi32, #tpu.memory_space<vmem>> -> memref<1x128xi32, #tpu.memory_space<vmem>>
      %dma_wait3A_280 = tpu.memref_squeeze %dma_wait3A_279 : memref<1x128xi32, #tpu.memory_space<vmem>> -> memref<128xi32, #tpu.memory_space<vmem>>
      %dma_wait3A_281 = arith.constant 0 : i32
      %dma_wait3A_282 = arith.constant 0 : i32
      %dma_wait3A_283 = tpu.memref_slice %arg2[%dma_wait3A_281, %dma_wait3A_282] : memref<10000x128xf32, #tpu.memory_space<hbm>> -> memref<10000x128xf32, #tpu.memory_space<hbm>>
      tpu.wait_indirect_dma semaphore(%arg12 : memref<!tpu.dma_semaphore, #tpu.memory_space<semaphore_mem>>) src(%dma_wait3A_283 : memref<10000x128xf32, #tpu.memory_space<hbm>>) dst(%arg10 : memref<128x128xf32, #tpu.memory_space<vmem>>)
      %dma_start3A_284 = arith.constant 0 : i32
      %dma_start3A_285 = tpu.memref_slice %arg8[%add3A_277, %dma_start3A_284] : memref<40x128xi32, #tpu.memory_space<vmem>> -> memref<1x128xi32, #tpu.memory_space<vmem>>
      %dma_start3A_286 = tpu.memref_squeeze %dma_start3A_285 : memref<1x128xi32, #tpu.memory_space<vmem>> -> memref<128xi32, #tpu.memory_space<vmem>>
      %dma_start3A_287 = arith.constant 0 : i32
      %dma_start3A_288 = arith.constant 0 : i32
      %dma_start3A_289 = tpu.memref_slice %arg9[%dma_start3A_287, %dma_start3A_288] : memref<10112x128xf32, #tpu.memory_space<vmem_shared>> -> memref<10112x128xf32, #tpu.memory_space<vmem_shared>>
      tpu.enqueue_indirect_dma source(%arg10 : memref<128x128xf32, #tpu.memory_space<vmem>>) target(%dma_start3A_289 : memref<10112x128xf32, #tpu.memory_space<vmem_shared>>) offsets(%dma_start3A_286 : memref<128xi32, #tpu.memory_space<vmem>>) semaphore(%arg14 : memref<!tpu.dma_semaphore, #tpu.memory_space<semaphore_mem>>) {add = true}
      %sub3A_290 = arith.constant 1 : i32
      %sub3A_291 = arith.subi %add3A_277, %sub3A_290 : i32
      %dma_wait3A_292 = arith.constant 0 : i32
      %dma_wait3A_293 = tpu.memref_slice %arg8[%sub3A_291, %dma_wait3A_292] : memref<40x128xi32, #tpu.memory_space<vmem>> -> memref<1x128xi32, #tpu.memory_space<vmem>>
      %dma_wait3A_294 = tpu.memref_squeeze %dma_wait3A_293 : memref<1x128xi32, #tpu.memory_space<vmem>> -> memref<128xi32, #tpu.memory_space<vmem>>
      %dma_wait3A_295 = arith.constant 0 : i32
      %dma_wait3A_296 = arith.constant 0 : i32
      %dma_wait3A_297 = tpu.memref_slice %arg9[%dma_wait3A_295, %dma_wait3A_296] : memref<10112x128xf32, #tpu.memory_space<vmem_shared>> -> memref<10112x128xf32, #tpu.memory_space<vmem_shared>>
      tpu.wait_indirect_dma semaphore(%arg15 : memref<!tpu.dma_semaphore, #tpu.memory_space<semaphore_mem>>) src(%arg11 : memref<128x128xf32, #tpu.memory_space<vmem>>) dst(%dma_wait3A_297 : memref<10112x128xf32, #tpu.memory_space<vmem_shared>>)
      %add3A_298 = arith.constant 1 : i32
      %add3A_299 = arith.addi %add3A_277, %add3A_298 : i32
      %dma_start3A_300 = arith.constant 0 : i32
      %dma_start3A_301 = tpu.memref_slice %arg7[%add3A_299, %dma_start3A_300] : memref<40x128xi32, #tpu.memory_space<vmem>> -> memref<1x128xi32, #tpu.memory_space<vmem>>
      %dma_start3A_302 = tpu.memref_squeeze %dma_start3A_301 : memref<1x128xi32, #tpu.memory_space<vmem>> -> memref<128xi32, #tpu.memory_space<vmem>>
      %dma_start3A_303 = arith.constant 0 : i32
      %dma_start3A_304 = arith.constant 0 : i32
      %dma_start3A_305 = tpu.memref_slice %arg2[%dma_start3A_303, %dma_start3A_304] : memref<10000x128xf32, #tpu.memory_space<hbm>> -> memref<10000x128xf32, #tpu.memory_space<hbm>>
      tpu.enqueue_indirect_dma source(%dma_start3A_305 : memref<10000x128xf32, #tpu.memory_space<hbm>>) target(%arg11 : memref<128x128xf32, #tpu.memory_space<vmem>>) offsets(%dma_start3A_302 : memref<128xi32, #tpu.memory_space<vmem>>) semaphore(%arg13 : memref<!tpu.dma_semaphore, #tpu.memory_space<semaphore_mem>>)
    }
    %scan3A_152 = arith.constant 18 : i32
    %dma_wait3A_153 = arith.constant 37 : i32
    %dma_wait3A_154 = arith.constant 0 : i32
    %dma_wait3A_155 = tpu.memref_slice %arg7[%dma_wait3A_153, %dma_wait3A_154] : memref<40x128xi32, #tpu.memory_space<vmem>> -> memref<1x128xi32, #tpu.memory_space<vmem>>
    %dma_wait3A_156 = tpu.memref_squeeze %dma_wait3A_155 : memref<1x128xi32, #tpu.memory_space<vmem>> -> memref<128xi32, #tpu.memory_space<vmem>>
    %dma_wait3A_157 = arith.constant 0 : i32
    %dma_wait3A_158 = arith.constant 0 : i32
    %dma_wait3A_159 = tpu.memref_slice %arg2[%dma_wait3A_157, %dma_wait3A_158] : memref<10000x128xf32, #tpu.memory_space<hbm>> -> memref<10000x128xf32, #tpu.memory_space<hbm>>
    tpu.wait_indirect_dma semaphore(%arg13 : memref<!tpu.dma_semaphore, #tpu.memory_space<semaphore_mem>>) src(%dma_wait3A_159 : memref<10000x128xf32, #tpu.memory_space<hbm>>) dst(%arg11 : memref<128x128xf32, #tpu.memory_space<vmem>>)
    %dma_start3A_160 = arith.constant 37 : i32
    %dma_start3A_161 = arith.constant 0 : i32
    %dma_start3A_162 = tpu.memref_slice %arg8[%dma_start3A_160, %dma_start3A_161] : memref<40x128xi32, #tpu.memory_space<vmem>> -> memref<1x128xi32, #tpu.memory_space<vmem>>
    %dma_start3A_163 = tpu.memref_squeeze %dma_start3A_162 : memref<1x128xi32, #tpu.memory_space<vmem>> -> memref<128xi32, #tpu.memory_space<vmem>>
    %dma_start3A_164 = arith.constant 0 : i32
    %dma_start3A_165 = arith.constant 0 : i32
    %dma_start3A_166 = tpu.memref_slice %arg9[%dma_start3A_164, %dma_start3A_165] : memref<10112x128xf32, #tpu.memory_space<vmem_shared>> -> memref<10112x128xf32, #tpu.memory_space<vmem_shared>>
    tpu.enqueue_indirect_dma source(%arg11 : memref<128x128xf32, #tpu.memory_space<vmem>>) target(%dma_start3A_166 : memref<10112x128xf32, #tpu.memory_space<vmem_shared>>) offsets(%dma_start3A_163 : memref<128xi32, #tpu.memory_space<vmem>>) semaphore(%arg15 : memref<!tpu.dma_semaphore, #tpu.memory_space<semaphore_mem>>) {add = true}
    %dma_wait3A_167 = arith.constant 36 : i32
    %dma_wait3A_168 = arith.constant 0 : i32
    %dma_wait3A_169 = tpu.memref_slice %arg8[%dma_wait3A_167, %dma_wait3A_168] : memref<40x128xi32, #tpu.memory_space<vmem>> -> memref<1x128xi32, #tpu.memory_space<vmem>>
    %dma_wait3A_170 = tpu.memref_squeeze %dma_wait3A_169 : memref<1x128xi32, #tpu.memory_space<vmem>> -> memref<128xi32, #tpu.memory_space<vmem>>
    %dma_wait3A_171 = arith.constant 0 : i32
    %dma_wait3A_172 = arith.constant 0 : i32
    %dma_wait3A_173 = tpu.memref_slice %arg9[%dma_wait3A_171, %dma_wait3A_172] : memref<10112x128xf32, #tpu.memory_space<vmem_shared>> -> memref<10112x128xf32, #tpu.memory_space<vmem_shared>>
    tpu.wait_indirect_dma semaphore(%arg14 : memref<!tpu.dma_semaphore, #tpu.memory_space<semaphore_mem>>) src(%arg10 : memref<128x128xf32, #tpu.memory_space<vmem>>) dst(%dma_wait3A_173 : memref<10112x128xf32, #tpu.memory_space<vmem_shared>>)
    %dma_start3A_174 = arith.constant 38 : i32
    %dma_start3A_175 = arith.constant 0 : i32
    %dma_start3A_176 = tpu.memref_slice %arg7[%dma_start3A_174, %dma_start3A_175] : memref<40x128xi32, #tpu.memory_space<vmem>> -> memref<1x128xi32, #tpu.memory_space<vmem>>
    %dma_start3A_177 = tpu.memref_squeeze %dma_start3A_176 : memref<1x128xi32, #tpu.memory_space<vmem>> -> memref<128xi32, #tpu.memory_space<vmem>>
    %dma_start3A_178 = arith.constant 0 : i32
    %dma_start3A_179 = arith.constant 0 : i32
    %dma_start3A_180 = tpu.memref_slice %arg2[%dma_start3A_178, %dma_start3A_179] : memref<10000x128xf32, #tpu.memory_space<hbm>> -> memref<10000x128xf32, #tpu.memory_space<hbm>>
    tpu.enqueue_indirect_dma source(%dma_start3A_180 : memref<10000x128xf32, #tpu.memory_space<hbm>>) target(%arg10 : memref<128x128xf32, #tpu.memory_space<vmem>>) offsets(%dma_start3A_177 : memref<128xi32, #tpu.memory_space<vmem>>) semaphore(%arg12 : memref<!tpu.dma_semaphore, #tpu.memory_space<semaphore_mem>>)
    %dma_wait3A_181 = arith.constant 38 : i32
    %dma_wait3A_182 = arith.constant 0 : i32
    %dma_wait3A_183 = tpu.memref_slice %arg7[%dma_wait3A_181, %dma_wait3A_182] : memref<40x128xi32, #tpu.memory_space<vmem>> -> memref<1x128xi32, #tpu.memory_space<vmem>>
    %dma_wait3A_184 = tpu.memref_squeeze %dma_wait3A_183 : memref<1x128xi32, #tpu.memory_space<vmem>> -> memref<128xi32, #tpu.memory_space<vmem>>
    %dma_wait3A_185 = arith.constant 0 : i32
    %dma_wait3A_186 = arith.constant 0 : i32
    %dma_wait3A_187 = tpu.memref_slice %arg2[%dma_wait3A_185, %dma_wait3A_186] : memref<10000x128xf32, #tpu.memory_space<hbm>> -> memref<10000x128xf32, #tpu.memory_space<hbm>>
    tpu.wait_indirect_dma semaphore(%arg12 : memref<!tpu.dma_semaphore, #tpu.memory_space<semaphore_mem>>) src(%dma_wait3A_187 : memref<10000x128xf32, #tpu.memory_space<hbm>>) dst(%arg10 : memref<128x128xf32, #tpu.memory_space<vmem>>)
    %dma_start3A_188 = arith.constant 38 : i32
    %dma_start3A_189 = arith.constant 0 : i32
    %dma_start3A_190 = tpu.memref_slice %arg8[%dma_start3A_188, %dma_start3A_189] : memref<40x128xi32, #tpu.memory_space<vmem>> -> memref<1x128xi32, #tpu.memory_space<vmem>>
    %dma_start3A_191 = tpu.memref_squeeze %dma_start3A_190 : memref<1x128xi32, #tpu.memory_space<vmem>> -> memref<128xi32, #tpu.memory_space<vmem>>
    %dma_start3A_192 = arith.constant 0 : i32
    %dma_start3A_193 = arith.constant 0 : i32
    %dma_start3A_194 = tpu.memref_slice %arg9[%dma_start3A_192, %dma_start3A_193] : memref<10112x128xf32, #tpu.memory_space<vmem_shared>> -> memref<10112x128xf32, #tpu.memory_space<vmem_shared>>
    tpu.enqueue_indirect_dma source(%arg10 : memref<128x128xf32, #tpu.memory_space<vmem>>) target(%dma_start3A_194 : memref<10112x128xf32, #tpu.memory_space<vmem_shared>>) offsets(%dma_start3A_191 : memref<128xi32, #tpu.memory_space<vmem>>) semaphore(%arg14 : memref<!tpu.dma_semaphore, #tpu.memory_space<semaphore_mem>>) {add = true}
    %dma_wait3A_195 = arith.constant 37 : i32
    %dma_wait3A_196 = arith.constant 0 : i32
    %dma_wait3A_197 = tpu.memref_slice %arg8[%dma_wait3A_195, %dma_wait3A_196] : memref<40x128xi32, #tpu.memory_space<vmem>> -> memref<1x128xi32, #tpu.memory_space<vmem>>
    %dma_wait3A_198 = tpu.memref_squeeze %dma_wait3A_197 : memref<1x128xi32, #tpu.memory_space<vmem>> -> memref<128xi32, #tpu.memory_space<vmem>>
    %dma_wait3A_199 = arith.constant 0 : i32
    %dma_wait3A_200 = arith.constant 0 : i32
    %dma_wait3A_201 = tpu.memref_slice %arg9[%dma_wait3A_199, %dma_wait3A_200] : memref<10112x128xf32, #tpu.memory_space<vmem_shared>> -> memref<10112x128xf32, #tpu.memory_space<vmem_shared>>
    tpu.wait_indirect_dma semaphore(%arg15 : memref<!tpu.dma_semaphore, #tpu.memory_space<semaphore_mem>>) src(%arg11 : memref<128x128xf32, #tpu.memory_space<vmem>>) dst(%dma_wait3A_201 : memref<10112x128xf32, #tpu.memory_space<vmem_shared>>)
    %dma_start3A_202 = arith.constant 39 : i32
    %dma_start3A_203 = arith.constant 0 : i32
    %dma_start3A_204 = tpu.memref_slice %arg7[%dma_start3A_202, %dma_start3A_203] : memref<40x128xi32, #tpu.memory_space<vmem>> -> memref<1x128xi32, #tpu.memory_space<vmem>>
    %dma_start3A_205 = tpu.memref_squeeze %dma_start3A_204 : memref<1x128xi32, #tpu.memory_space<vmem>> -> memref<128xi32, #tpu.memory_space<vmem>>
    %dma_start3A_206 = arith.constant 0 : i32
    %dma_start3A_207 = arith.constant 0 : i32
    %dma_start3A_208 = tpu.memref_slice %arg2[%dma_start3A_206, %dma_start3A_207] : memref<10000x128xf32, #tpu.memory_space<hbm>> -> memref<10000x128xf32, #tpu.memory_space<hbm>>
    tpu.enqueue_indirect_dma source(%dma_start3A_208 : memref<10000x128xf32, #tpu.memory_space<hbm>>) target(%arg11 : memref<128x128xf32, #tpu.memory_space<vmem>>) offsets(%dma_start3A_205 : memref<128xi32, #tpu.memory_space<vmem>>) semaphore(%arg13 : memref<!tpu.dma_semaphore, #tpu.memory_space<semaphore_mem>>)
    %dma_wait3A_209 = arith.constant 39 : i32
    %dma_wait3A_210 = arith.constant 0 : i32
    %dma_wait3A_211 = tpu.memref_slice %arg7[%dma_wait3A_209, %dma_wait3A_210] : memref<40x128xi32, #tpu.memory_space<vmem>> -> memref<1x128xi32, #tpu.memory_space<vmem>>
    %dma_wait3A_212 = tpu.memref_squeeze %dma_wait3A_211 : memref<1x128xi32, #tpu.memory_space<vmem>> -> memref<128xi32, #tpu.memory_space<vmem>>
    %dma_wait3A_213 = arith.constant 0 : i32
    %dma_wait3A_214 = arith.constant 0 : i32
    %dma_wait3A_215 = tpu.memref_slice %arg2[%dma_wait3A_213, %dma_wait3A_214] : memref<10000x128xf32, #tpu.memory_space<hbm>> -> memref<10000x128xf32, #tpu.memory_space<hbm>>
    tpu.wait_indirect_dma semaphore(%arg13 : memref<!tpu.dma_semaphore, #tpu.memory_space<semaphore_mem>>) src(%dma_wait3A_215 : memref<10000x128xf32, #tpu.memory_space<hbm>>) dst(%arg11 : memref<128x128xf32, #tpu.memory_space<vmem>>)
    %dma_start3A_216 = arith.constant 39 : i32
    %dma_start3A_217 = arith.constant 0 : i32
    %dma_start3A_218 = tpu.memref_slice %arg8[%dma_start3A_216, %dma_start3A_217] : memref<40x128xi32, #tpu.memory_space<vmem>> -> memref<1x128xi32, #tpu.memory_space<vmem>>
    %dma_start3A_219 = tpu.memref_squeeze %dma_start3A_218 : memref<1x128xi32, #tpu.memory_space<vmem>> -> memref<128xi32, #tpu.memory_space<vmem>>
    %dma_start3A_220 = arith.constant 0 : i32
    %dma_start3A_221 = arith.constant 0 : i32
    %dma_start3A_222 = tpu.memref_slice %arg9[%dma_start3A_220, %dma_start3A_221] : memref<10112x128xf32, #tpu.memory_space<vmem_shared>> -> memref<10112x128xf32, #tpu.memory_space<vmem_shared>>
    tpu.enqueue_indirect_dma source(%arg11 : memref<128x128xf32, #tpu.memory_space<vmem>>) target(%dma_start3A_222 : memref<10112x128xf32, #tpu.memory_space<vmem_shared>>) offsets(%dma_start3A_219 : memref<128xi32, #tpu.memory_space<vmem>>) semaphore(%arg15 : memref<!tpu.dma_semaphore, #tpu.memory_space<semaphore_mem>>) {add = true}
    %dma_wait3A_223 = arith.constant 38 : i32
    %dma_wait3A_224 = arith.constant 0 : i32
    %dma_wait3A_225 = tpu.memref_slice %arg8[%dma_wait3A_223, %dma_wait3A_224] : memref<40x128xi32, #tpu.memory_space<vmem>> -> memref<1x128xi32, #tpu.memory_space<vmem>>
    %dma_wait3A_226 = tpu.memref_squeeze %dma_wait3A_225 : memref<1x128xi32, #tpu.memory_space<vmem>> -> memref<128xi32, #tpu.memory_space<vmem>>
    %dma_wait3A_227 = arith.constant 0 : i32
    %dma_wait3A_228 = arith.constant 0 : i32
    %dma_wait3A_229 = tpu.memref_slice %arg9[%dma_wait3A_227, %dma_wait3A_228] : memref<10112x128xf32, #tpu.memory_space<vmem_shared>> -> memref<10112x128xf32, #tpu.memory_space<vmem_shared>>
    tpu.wait_indirect_dma semaphore(%arg14 : memref<!tpu.dma_semaphore, #tpu.memory_space<semaphore_mem>>) src(%arg10 : memref<128x128xf32, #tpu.memory_space<vmem>>) dst(%dma_wait3A_229 : memref<10112x128xf32, #tpu.memory_space<vmem_shared>>)
    %dma_wait3A_230 = arith.constant 39 : i32
    %dma_wait3A_231 = arith.constant 0 : i32
    %dma_wait3A_232 = tpu.memref_slice %arg8[%dma_wait3A_230, %dma_wait3A_231] : memref<40x128xi32, #tpu.memory_space<vmem>> -> memref<1x128xi32, #tpu.memory_space<vmem>>
    %dma_wait3A_233 = tpu.memref_squeeze %dma_wait3A_232 : memref<1x128xi32, #tpu.memory_space<vmem>> -> memref<128xi32, #tpu.memory_space<vmem>>
    %dma_wait3A_234 = arith.constant 0 : i32
    %dma_wait3A_235 = arith.constant 0 : i32
    %dma_wait3A_236 = tpu.memref_slice %arg9[%dma_wait3A_234, %dma_wait3A_235] : memref<10112x128xf32, #tpu.memory_space<vmem_shared>> -> memref<10112x128xf32, #tpu.memory_space<vmem_shared>>
    tpu.wait_indirect_dma semaphore(%arg15 : memref<!tpu.dma_semaphore, #tpu.memory_space<semaphore_mem>>) src(%arg11 : memref<128x128xf32, #tpu.memory_space<vmem>>) dst(%dma_wait3A_236 : memref<10112x128xf32, #tpu.memory_space<vmem_shared>>)
    %barrier3A_237 = arith.constant 0 : index
    tpu.barrier barrier_id(%barrier3A_237)
    %mul3A_238 = arith.constant 632 : i32
    %mul3A_239 = arith.muli %arg1, %mul3A_238 : i32
    %mul3A_240 = arith.constant 632 : i32
    %mul3A_241 = arith.muli %arg1, %mul3A_240 : i32
    "tpu.region"() ({
      %run_scoped3A_242 = tpu.sem_alloc : memref<!tpu.dma_semaphore, #tpu.memory_space<semaphore_mem>>
      %dma_start3A_243 = arith.constant 0 : i32
      %dma_start3A_244 = tpu.memref_slice %arg6[%arg0, %mul3A_241, %dma_start3A_243] : memref<2x10112x128xf32, #tpu.memory_space<hbm>> -> memref<1x632x128xf32, #tpu.memory_space<hbm>>
      %dma_start3A_245 = tpu.memref_squeeze %dma_start3A_244 : memref<1x632x128xf32, #tpu.memory_space<hbm>> -> memref<632x128xf32, #tpu.memory_space<hbm>>
      %dma_start3A_246 = arith.constant 0 : i32
      %dma_start3A_247 = tpu.memref_slice %arg9[%mul3A_239, %dma_start3A_246] : memref<10112x128xf32, #tpu.memory_space<vmem_shared>> -> memref<632x128xf32, #tpu.memory_space<vmem_shared>>
      tpu.enqueue_dma source(%dma_start3A_247 : memref<632x128xf32, #tpu.memory_space<vmem_shared>>) target(%dma_start3A_245 : memref<632x128xf32, #tpu.memory_space<hbm>>) target_semaphore(%run_scoped3A_242 : memref<!tpu.dma_semaphore, #tpu.memory_space<semaphore_mem>>)
      %dma_wait3A_248 = arith.constant 0 : i32
      %dma_wait3A_249 = tpu.memref_slice %arg6[%arg0, %mul3A_241, %dma_wait3A_248] : memref<2x10112x128xf32, #tpu.memory_space<hbm>> -> memref<1x632x128xf32, #tpu.memory_space<hbm>>
      %dma_wait3A_250 = tpu.memref_squeeze %dma_wait3A_249 : memref<1x632x128xf32, #tpu.memory_space<hbm>> -> memref<632x128xf32, #tpu.memory_space<hbm>>
      %dma_wait3A_251 = arith.constant 0 : i32
      %dma_wait3A_252 = tpu.memref_slice %arg9[%mul3A_239, %dma_wait3A_251] : memref<10112x128xf32, #tpu.memory_space<vmem_shared>> -> memref<632x128xf32, #tpu.memory_space<vmem_shared>>
      tpu.wait_dma2 semaphore(%run_scoped3A_242 : memref<!tpu.dma_semaphore, #tpu.memory_space<semaphore_mem>>) src(%dma_wait3A_252 : memref<632x128xf32, #tpu.memory_space<vmem_shared>>) dst(%dma_wait3A_250 : memref<632x128xf32, #tpu.memory_space<hbm>>)
      tpu.yield
    }) : () -> ()
    return
  }
}

#map = affine_map<(d0, d1) -> (0, 0)>
#map1 = affine_map<(d0, d1) -> (0, 0, 0, 0)>
#map2 = affine_map<(d0, d1) -> (0, 0, 0)>
module attributes {stable_mosaic.version = 14 : i64} {
  func.func @_sc_agg(%arg0: i32, %arg1: i32, %arg2: memref<10000x128xf32, #tpu.memory_space<hbm>>, %arg3: memref<32x2x40x128xi32, #tpu.memory_space<hbm>>, %arg4: memref<32x2x40x128xi32, #tpu.memory_space<hbm>>, %arg5: memref<632x128xf32, #tpu.memory_space<hbm>>, %arg6: memref<2x10112x128xf32, #tpu.memory_space<hbm>>, %arg7: memref<40x128xi32, #tpu.memory_space<vmem>>, %arg8: memref<40x128xi32, #tpu.memory_space<vmem>>, %arg9: memref<10112x128xf32, #tpu.memory_space<vmem_shared>>, %arg10: memref<128x128xf32, #tpu.memory_space<vmem>>, %arg11: memref<128x128xf32, #tpu.memory_space<vmem>>, %arg12: memref<!tpu.dma_semaphore, #tpu.memory_space<semaphore_mem>>, %arg13: memref<!tpu.dma_semaphore, #tpu.memory_space<semaphore_mem>>, %arg14: memref<!tpu.dma_semaphore, #tpu.memory_space<semaphore_mem>>, %arg15: memref<!tpu.dma_semaphore, #tpu.memory_space<semaphore_mem>>) attributes {dimension_semantics = [#tpu.dimension_semantics<core_parallel>, #tpu.dimension_semantics<subcore_parallel>], iteration_bounds = array<i64: 2, 16>, scalar_prefetch = 0 : i64, scratch_operands = 9 : i64, tpu.core_type = #tpu.core_type<sc_vector_subcore>, window_params = [{transform_indices = #map}, {transform_indices = #map1}, {transform_indices = #map1}, {transform_indices = #map}, {transform_indices = #map2}]} {
    %mul3A = arith.constant 16 : i32
    %mul3A_0 = arith.muli %arg0, %mul3A : i32
    %add3A = arith.addi %mul3A_0, %arg1 : i32
    %mul3A_1 = arith.constant 632 : i32
    %mul3A_2 = arith.muli %arg1, %mul3A_1 : i32
    "tpu.region"() ({
      %run_scoped3A_242 = tpu.sem_alloc : memref<!tpu.dma_semaphore, #tpu.memory_space<semaphore_mem>>
      %dma_start3A_243 = arith.constant 0 : i32
      %dma_start3A_244 = tpu.memref_slice %arg9[%mul3A_2, %dma_start3A_243] : memref<10112x128xf32, #tpu.memory_space<vmem_shared>> -> memref<632x128xf32, #tpu.memory_space<vmem_shared>>
      tpu.enqueue_dma source(%arg5 : memref<632x128xf32, #tpu.memory_space<hbm>>) target(%dma_start3A_244 : memref<632x128xf32, #tpu.memory_space<vmem_shared>>) target_semaphore(%run_scoped3A_242 : memref<!tpu.dma_semaphore, #tpu.memory_space<semaphore_mem>>)
      %dma_wait3A_245 = arith.constant 0 : i32
      %dma_wait3A_246 = tpu.memref_slice %arg9[%mul3A_2, %dma_wait3A_245] : memref<10112x128xf32, #tpu.memory_space<vmem_shared>> -> memref<632x128xf32, #tpu.memory_space<vmem_shared>>
      tpu.wait_dma2 semaphore(%run_scoped3A_242 : memref<!tpu.dma_semaphore, #tpu.memory_space<semaphore_mem>>) src(%arg5 : memref<632x128xf32, #tpu.memory_space<hbm>>) dst(%dma_wait3A_246 : memref<632x128xf32, #tpu.memory_space<vmem_shared>>)
      tpu.yield
    }) : () -> ()
    %barrier3A = arith.constant 0 : index
    tpu.barrier barrier_id(%barrier3A)
    %run_scoped3A = arith.constant 0 : i32
    "tpu.region"() ({
      %run_scoped3A_242 = tpu.sem_alloc : memref<!tpu.dma_semaphore, #tpu.memory_space<semaphore_mem>>
      %dma_start3A_243 = arith.constant 0 : i32
      %dma_start3A_244 = arith.constant 0 : i32
      %dma_start3A_245 = tpu.memref_slice %arg3[%add3A, %run_scoped3A, %dma_start3A_243, %dma_start3A_244] : memref<32x2x40x128xi32, #tpu.memory_space<hbm>> -> memref<1x1x40x128xi32, #tpu.memory_space<hbm>>
      %dma_start3A_246 = tpu.memref_squeeze %dma_start3A_245 : memref<1x1x40x128xi32, #tpu.memory_space<hbm>> -> memref<40x128xi32, #tpu.memory_space<hbm>>
      %dma_start3A_247 = arith.constant 0 : i32
      %dma_start3A_248 = arith.constant 0 : i32
      %dma_start3A_249 = tpu.memref_slice %arg3[%add3A, %run_scoped3A, %dma_start3A_247, %dma_start3A_248] : memref<32x2x40x128xi32, #tpu.memory_space<hbm>> -> memref<1x1x40x128xi32, #tpu.memory_space<hbm>>
      %dma_start3A_250 = tpu.memref_squeeze %dma_start3A_249 : memref<1x1x40x128xi32, #tpu.memory_space<hbm>> -> memref<40x128xi32, #tpu.memory_space<hbm>>
      tpu.enqueue_dma source(%dma_start3A_250 : memref<40x128xi32, #tpu.memory_space<hbm>>) target(%arg7 : memref<40x128xi32, #tpu.memory_space<vmem>>) target_semaphore(%run_scoped3A_242 : memref<!tpu.dma_semaphore, #tpu.memory_space<semaphore_mem>>)
      %dma_wait3A_251 = arith.constant 0 : i32
      %dma_wait3A_252 = arith.constant 0 : i32
      %dma_wait3A_253 = tpu.memref_slice %arg3[%add3A, %run_scoped3A, %dma_wait3A_251, %dma_wait3A_252] : memref<32x2x40x128xi32, #tpu.memory_space<hbm>> -> memref<1x1x40x128xi32, #tpu.memory_space<hbm>>
      %dma_wait3A_254 = tpu.memref_squeeze %dma_wait3A_253 : memref<1x1x40x128xi32, #tpu.memory_space<hbm>> -> memref<40x128xi32, #tpu.memory_space<hbm>>
      %dma_wait3A_255 = arith.constant 0 : i32
      %dma_wait3A_256 = arith.constant 0 : i32
      %dma_wait3A_257 = tpu.memref_slice %arg3[%add3A, %run_scoped3A, %dma_wait3A_255, %dma_wait3A_256] : memref<32x2x40x128xi32, #tpu.memory_space<hbm>> -> memref<1x1x40x128xi32, #tpu.memory_space<hbm>>
      %dma_wait3A_258 = tpu.memref_squeeze %dma_wait3A_257 : memref<1x1x40x128xi32, #tpu.memory_space<hbm>> -> memref<40x128xi32, #tpu.memory_space<hbm>>
      tpu.wait_dma2 semaphore(%run_scoped3A_242 : memref<!tpu.dma_semaphore, #tpu.memory_space<semaphore_mem>>) src(%dma_wait3A_258 : memref<40x128xi32, #tpu.memory_space<hbm>>) dst(%arg7 : memref<40x128xi32, #tpu.memory_space<vmem>>)
      tpu.yield
    }) : () -> ()
    %run_scoped3A_3 = arith.constant 0 : i32
    "tpu.region"() ({
      %run_scoped3A_242 = tpu.sem_alloc : memref<!tpu.dma_semaphore, #tpu.memory_space<semaphore_mem>>
      %dma_start3A_243 = arith.constant 0 : i32
      %dma_start3A_244 = arith.constant 0 : i32
      %dma_start3A_245 = tpu.memref_slice %arg4[%add3A, %run_scoped3A_3, %dma_start3A_243, %dma_start3A_244] : memref<32x2x40x128xi32, #tpu.memory_space<hbm>> -> memref<1x1x40x128xi32, #tpu.memory_space<hbm>>
      %dma_start3A_246 = tpu.memref_squeeze %dma_start3A_245 : memref<1x1x40x128xi32, #tpu.memory_space<hbm>> -> memref<40x128xi32, #tpu.memory_space<hbm>>
      %dma_start3A_247 = arith.constant 0 : i32
      %dma_start3A_248 = arith.constant 0 : i32
      %dma_start3A_249 = tpu.memref_slice %arg4[%add3A, %run_scoped3A_3, %dma_start3A_247, %dma_start3A_248] : memref<32x2x40x128xi32, #tpu.memory_space<hbm>> -> memref<1x1x40x128xi32, #tpu.memory_space<hbm>>
      %dma_start3A_250 = tpu.memref_squeeze %dma_start3A_249 : memref<1x1x40x128xi32, #tpu.memory_space<hbm>> -> memref<40x128xi32, #tpu.memory_space<hbm>>
      tpu.enqueue_dma source(%dma_start3A_250 : memref<40x128xi32, #tpu.memory_space<hbm>>) target(%arg8 : memref<40x128xi32, #tpu.memory_space<vmem>>) target_semaphore(%run_scoped3A_242 : memref<!tpu.dma_semaphore, #tpu.memory_space<semaphore_mem>>)
      %dma_wait3A_251 = arith.constant 0 : i32
      %dma_wait3A_252 = arith.constant 0 : i32
      %dma_wait3A_253 = tpu.memref_slice %arg4[%add3A, %run_scoped3A_3, %dma_wait3A_251, %dma_wait3A_252] : memref<32x2x40x128xi32, #tpu.memory_space<hbm>> -> memref<1x1x40x128xi32, #tpu.memory_space<hbm>>
      %dma_wait3A_254 = tpu.memref_squeeze %dma_wait3A_253 : memref<1x1x40x128xi32, #tpu.memory_space<hbm>> -> memref<40x128xi32, #tpu.memory_space<hbm>>
      %dma_wait3A_255 = arith.constant 0 : i32
      %dma_wait3A_256 = arith.constant 0 : i32
      %dma_wait3A_257 = tpu.memref_slice %arg4[%add3A, %run_scoped3A_3, %dma_wait3A_255, %dma_wait3A_256] : memref<32x2x40x128xi32, #tpu.memory_space<hbm>> -> memref<1x1x40x128xi32, #tpu.memory_space<hbm>>
      %dma_wait3A_258 = tpu.memref_squeeze %dma_wait3A_257 : memref<1x1x40x128xi32, #tpu.memory_space<hbm>> -> memref<40x128xi32, #tpu.memory_space<hbm>>
      tpu.wait_dma2 semaphore(%run_scoped3A_242 : memref<!tpu.dma_semaphore, #tpu.memory_space<semaphore_mem>>) src(%dma_wait3A_258 : memref<40x128xi32, #tpu.memory_space<hbm>>) dst(%arg8 : memref<40x128xi32, #tpu.memory_space<vmem>>)
      tpu.yield
    }) : () -> ()
    %dma_start3A = arith.constant 0 : i32
    %dma_start3A_4 = arith.constant 0 : i32
    %dma_start3A_5 = tpu.memref_slice %arg7[%dma_start3A, %dma_start3A_4] : memref<40x128xi32, #tpu.memory_space<vmem>> -> memref<1x128xi32, #tpu.memory_space<vmem>>
    %dma_start3A_6 = tpu.memref_squeeze %dma_start3A_5 : memref<1x128xi32, #tpu.memory_space<vmem>> -> memref<128xi32, #tpu.memory_space<vmem>>
    %dma_start3A_7 = arith.constant 0 : i32
    %dma_start3A_8 = arith.constant 0 : i32
    %dma_start3A_9 = tpu.memref_slice %arg2[%dma_start3A_7, %dma_start3A_8] : memref<10000x128xf32, #tpu.memory_space<hbm>> -> memref<10000x128xf32, #tpu.memory_space<hbm>>
    tpu.enqueue_indirect_dma source(%dma_start3A_9 : memref<10000x128xf32, #tpu.memory_space<hbm>>) target(%arg10 : memref<128x128xf32, #tpu.memory_space<vmem>>) offsets(%dma_start3A_6 : memref<128xi32, #tpu.memory_space<vmem>>) semaphore(%arg12 : memref<!tpu.dma_semaphore, #tpu.memory_space<semaphore_mem>>)
    %dma_wait3A = arith.constant 0 : i32
    %dma_wait3A_10 = arith.constant 0 : i32
    %dma_wait3A_11 = tpu.memref_slice %arg7[%dma_wait3A, %dma_wait3A_10] : memref<40x128xi32, #tpu.memory_space<vmem>> -> memref<1x128xi32, #tpu.memory_space<vmem>>
    %dma_wait3A_12 = tpu.memref_squeeze %dma_wait3A_11 : memref<1x128xi32, #tpu.memory_space<vmem>> -> memref<128xi32, #tpu.memory_space<vmem>>
    %dma_wait3A_13 = arith.constant 0 : i32
    %dma_wait3A_14 = arith.constant 0 : i32
    %dma_wait3A_15 = tpu.memref_slice %arg2[%dma_wait3A_13, %dma_wait3A_14] : memref<10000x128xf32, #tpu.memory_space<hbm>> -> memref<10000x128xf32, #tpu.memory_space<hbm>>
    tpu.wait_indirect_dma semaphore(%arg12 : memref<!tpu.dma_semaphore, #tpu.memory_space<semaphore_mem>>) src(%dma_wait3A_15 : memref<10000x128xf32, #tpu.memory_space<hbm>>) dst(%arg10 : memref<128x128xf32, #tpu.memory_space<vmem>>)
    %dma_start3A_16 = arith.constant 0 : i32
    %dma_start3A_17 = arith.constant 0 : i32
    %dma_start3A_18 = tpu.memref_slice %arg8[%dma_start3A_16, %dma_start3A_17] : memref<40x128xi32, #tpu.memory_space<vmem>> -> memref<1x128xi32, #tpu.memory_space<vmem>>
    %dma_start3A_19 = tpu.memref_squeeze %dma_start3A_18 : memref<1x128xi32, #tpu.memory_space<vmem>> -> memref<128xi32, #tpu.memory_space<vmem>>
    %dma_start3A_20 = arith.constant 0 : i32
    %dma_start3A_21 = arith.constant 0 : i32
    %dma_start3A_22 = tpu.memref_slice %arg9[%dma_start3A_20, %dma_start3A_21] : memref<10112x128xf32, #tpu.memory_space<vmem_shared>> -> memref<10112x128xf32, #tpu.memory_space<vmem_shared>>
    tpu.enqueue_indirect_dma source(%arg10 : memref<128x128xf32, #tpu.memory_space<vmem>>) target(%dma_start3A_22 : memref<10112x128xf32, #tpu.memory_space<vmem_shared>>) offsets(%dma_start3A_19 : memref<128xi32, #tpu.memory_space<vmem>>) semaphore(%arg14 : memref<!tpu.dma_semaphore, #tpu.memory_space<semaphore_mem>>) {add = true}
    %dma_start3A_23 = arith.constant 1 : i32
    %dma_start3A_24 = arith.constant 0 : i32
    %dma_start3A_25 = tpu.memref_slice %arg7[%dma_start3A_23, %dma_start3A_24] : memref<40x128xi32, #tpu.memory_space<vmem>> -> memref<1x128xi32, #tpu.memory_space<vmem>>
    %dma_start3A_26 = tpu.memref_squeeze %dma_start3A_25 : memref<1x128xi32, #tpu.memory_space<vmem>> -> memref<128xi32, #tpu.memory_space<vmem>>
    %dma_start3A_27 = arith.constant 0 : i32
    %dma_start3A_28 = arith.constant 0 : i32
    %dma_start3A_29 = tpu.memref_slice %arg2[%dma_start3A_27, %dma_start3A_28] : memref<10000x128xf32, #tpu.memory_space<hbm>> -> memref<10000x128xf32, #tpu.memory_space<hbm>>
    tpu.enqueue_indirect_dma source(%dma_start3A_29 : memref<10000x128xf32, #tpu.memory_space<hbm>>) target(%arg11 : memref<128x128xf32, #tpu.memory_space<vmem>>) offsets(%dma_start3A_26 : memref<128xi32, #tpu.memory_space<vmem>>) semaphore(%arg13 : memref<!tpu.dma_semaphore, #tpu.memory_space<semaphore_mem>>)
    %scan3A = arith.constant 0 : i32
    %scan3A_30 = arith.constant 18 : i32
    %scan3A_31 = arith.addi %scan3A, %scan3A_30 : i32
    %scan3A_32 = arith.constant 1 : i32
    scf.for %scan3A_242 = %scan3A to %scan3A_31 step %scan3A_32  : i32 {
      %mul3A_243 = arith.constant 2 : i32
      %mul3A_244 = arith.muli %scan3A_242, %mul3A_243 : i32
      %add3A_245 = arith.constant 1 : i32
      %add3A_246 = arith.addi %add3A_245, %mul3A_244 : i32
      %add3A_247 = arith.constant 0 : i32
      %add3A_248 = arith.addi %add3A_246, %add3A_247 : i32
      %dma_wait3A_249 = arith.constant 0 : i32
      %dma_wait3A_250 = tpu.memref_slice %arg7[%add3A_248, %dma_wait3A_249] : memref<40x128xi32, #tpu.memory_space<vmem>> -> memref<1x128xi32, #tpu.memory_space<vmem>>
      %dma_wait3A_251 = tpu.memref_squeeze %dma_wait3A_250 : memref<1x128xi32, #tpu.memory_space<vmem>> -> memref<128xi32, #tpu.memory_space<vmem>>
      %dma_wait3A_252 = arith.constant 0 : i32
      %dma_wait3A_253 = arith.constant 0 : i32
      %dma_wait3A_254 = tpu.memref_slice %arg2[%dma_wait3A_252, %dma_wait3A_253] : memref<10000x128xf32, #tpu.memory_space<hbm>> -> memref<10000x128xf32, #tpu.memory_space<hbm>>
      tpu.wait_indirect_dma semaphore(%arg13 : memref<!tpu.dma_semaphore, #tpu.memory_space<semaphore_mem>>) src(%dma_wait3A_254 : memref<10000x128xf32, #tpu.memory_space<hbm>>) dst(%arg11 : memref<128x128xf32, #tpu.memory_space<vmem>>)
      %dma_start3A_255 = arith.constant 0 : i32
      %dma_start3A_256 = tpu.memref_slice %arg8[%add3A_248, %dma_start3A_255] : memref<40x128xi32, #tpu.memory_space<vmem>> -> memref<1x128xi32, #tpu.memory_space<vmem>>
      %dma_start3A_257 = tpu.memref_squeeze %dma_start3A_256 : memref<1x128xi32, #tpu.memory_space<vmem>> -> memref<128xi32, #tpu.memory_space<vmem>>
      %dma_start3A_258 = arith.constant 0 : i32
      %dma_start3A_259 = arith.constant 0 : i32
      %dma_start3A_260 = tpu.memref_slice %arg9[%dma_start3A_258, %dma_start3A_259] : memref<10112x128xf32, #tpu.memory_space<vmem_shared>> -> memref<10112x128xf32, #tpu.memory_space<vmem_shared>>
      tpu.enqueue_indirect_dma source(%arg11 : memref<128x128xf32, #tpu.memory_space<vmem>>) target(%dma_start3A_260 : memref<10112x128xf32, #tpu.memory_space<vmem_shared>>) offsets(%dma_start3A_257 : memref<128xi32, #tpu.memory_space<vmem>>) semaphore(%arg15 : memref<!tpu.dma_semaphore, #tpu.memory_space<semaphore_mem>>) {add = true}
      %sub3A = arith.constant 1 : i32
      %sub3A_261 = arith.subi %add3A_248, %sub3A : i32
      %dma_wait3A_262 = arith.constant 0 : i32
      %dma_wait3A_263 = tpu.memref_slice %arg8[%sub3A_261, %dma_wait3A_262] : memref<40x128xi32, #tpu.memory_space<vmem>> -> memref<1x128xi32, #tpu.memory_space<vmem>>
      %dma_wait3A_264 = tpu.memref_squeeze %dma_wait3A_263 : memref<1x128xi32, #tpu.memory_space<vmem>> -> memref<128xi32, #tpu.memory_space<vmem>>
      %dma_wait3A_265 = arith.constant 0 : i32
      %dma_wait3A_266 = arith.constant 0 : i32
      %dma_wait3A_267 = tpu.memref_slice %arg9[%dma_wait3A_265, %dma_wait3A_266] : memref<10112x128xf32, #tpu.memory_space<vmem_shared>> -> memref<10112x128xf32, #tpu.memory_space<vmem_shared>>
      tpu.wait_indirect_dma semaphore(%arg14 : memref<!tpu.dma_semaphore, #tpu.memory_space<semaphore_mem>>) src(%arg10 : memref<128x128xf32, #tpu.memory_space<vmem>>) dst(%dma_wait3A_267 : memref<10112x128xf32, #tpu.memory_space<vmem_shared>>)
      %add3A_268 = arith.constant 1 : i32
      %add3A_269 = arith.addi %add3A_248, %add3A_268 : i32
      %dma_start3A_270 = arith.constant 0 : i32
      %dma_start3A_271 = tpu.memref_slice %arg7[%add3A_269, %dma_start3A_270] : memref<40x128xi32, #tpu.memory_space<vmem>> -> memref<1x128xi32, #tpu.memory_space<vmem>>
      %dma_start3A_272 = tpu.memref_squeeze %dma_start3A_271 : memref<1x128xi32, #tpu.memory_space<vmem>> -> memref<128xi32, #tpu.memory_space<vmem>>
      %dma_start3A_273 = arith.constant 0 : i32
      %dma_start3A_274 = arith.constant 0 : i32
      %dma_start3A_275 = tpu.memref_slice %arg2[%dma_start3A_273, %dma_start3A_274] : memref<10000x128xf32, #tpu.memory_space<hbm>> -> memref<10000x128xf32, #tpu.memory_space<hbm>>
      tpu.enqueue_indirect_dma source(%dma_start3A_275 : memref<10000x128xf32, #tpu.memory_space<hbm>>) target(%arg10 : memref<128x128xf32, #tpu.memory_space<vmem>>) offsets(%dma_start3A_272 : memref<128xi32, #tpu.memory_space<vmem>>) semaphore(%arg12 : memref<!tpu.dma_semaphore, #tpu.memory_space<semaphore_mem>>)
      %add3A_276 = arith.constant 1 : i32
      %add3A_277 = arith.addi %add3A_246, %add3A_276 : i32
      %dma_wait3A_278 = arith.constant 0 : i32
      %dma_wait3A_279 = tpu.memref_slice %arg7[%add3A_277, %dma_wait3A_278] : memref<40x128xi32, #tpu.memory_space<vmem>> -> memref<1x128xi32, #tpu.memory_space<vmem>>
      %dma_wait3A_280 = tpu.memref_squeeze %dma_wait3A_279 : memref<1x128xi32, #tpu.memory_space<vmem>> -> memref<128xi32, #tpu.memory_space<vmem>>
      %dma_wait3A_281 = arith.constant 0 : i32
      %dma_wait3A_282 = arith.constant 0 : i32
      %dma_wait3A_283 = tpu.memref_slice %arg2[%dma_wait3A_281, %dma_wait3A_282] : memref<10000x128xf32, #tpu.memory_space<hbm>> -> memref<10000x128xf32, #tpu.memory_space<hbm>>
      tpu.wait_indirect_dma semaphore(%arg12 : memref<!tpu.dma_semaphore, #tpu.memory_space<semaphore_mem>>) src(%dma_wait3A_283 : memref<10000x128xf32, #tpu.memory_space<hbm>>) dst(%arg10 : memref<128x128xf32, #tpu.memory_space<vmem>>)
      %dma_start3A_284 = arith.constant 0 : i32
      %dma_start3A_285 = tpu.memref_slice %arg8[%add3A_277, %dma_start3A_284] : memref<40x128xi32, #tpu.memory_space<vmem>> -> memref<1x128xi32, #tpu.memory_space<vmem>>
      %dma_start3A_286 = tpu.memref_squeeze %dma_start3A_285 : memref<1x128xi32, #tpu.memory_space<vmem>> -> memref<128xi32, #tpu.memory_space<vmem>>
      %dma_start3A_287 = arith.constant 0 : i32
      %dma_start3A_288 = arith.constant 0 : i32
      %dma_start3A_289 = tpu.memref_slice %arg9[%dma_start3A_287, %dma_start3A_288] : memref<10112x128xf32, #tpu.memory_space<vmem_shared>> -> memref<10112x128xf32, #tpu.memory_space<vmem_shared>>
      tpu.enqueue_indirect_dma source(%arg10 : memref<128x128xf32, #tpu.memory_space<vmem>>) target(%dma_start3A_289 : memref<10112x128xf32, #tpu.memory_space<vmem_shared>>) offsets(%dma_start3A_286 : memref<128xi32, #tpu.memory_space<vmem>>) semaphore(%arg14 : memref<!tpu.dma_semaphore, #tpu.memory_space<semaphore_mem>>) {add = true}
      %sub3A_290 = arith.constant 1 : i32
      %sub3A_291 = arith.subi %add3A_277, %sub3A_290 : i32
      %dma_wait3A_292 = arith.constant 0 : i32
      %dma_wait3A_293 = tpu.memref_slice %arg8[%sub3A_291, %dma_wait3A_292] : memref<40x128xi32, #tpu.memory_space<vmem>> -> memref<1x128xi32, #tpu.memory_space<vmem>>
      %dma_wait3A_294 = tpu.memref_squeeze %dma_wait3A_293 : memref<1x128xi32, #tpu.memory_space<vmem>> -> memref<128xi32, #tpu.memory_space<vmem>>
      %dma_wait3A_295 = arith.constant 0 : i32
      %dma_wait3A_296 = arith.constant 0 : i32
      %dma_wait3A_297 = tpu.memref_slice %arg9[%dma_wait3A_295, %dma_wait3A_296] : memref<10112x128xf32, #tpu.memory_space<vmem_shared>> -> memref<10112x128xf32, #tpu.memory_space<vmem_shared>>
      tpu.wait_indirect_dma semaphore(%arg15 : memref<!tpu.dma_semaphore, #tpu.memory_space<semaphore_mem>>) src(%arg11 : memref<128x128xf32, #tpu.memory_space<vmem>>) dst(%dma_wait3A_297 : memref<10112x128xf32, #tpu.memory_space<vmem_shared>>)
      %add3A_298 = arith.constant 1 : i32
      %add3A_299 = arith.addi %add3A_277, %add3A_298 : i32
      %dma_start3A_300 = arith.constant 0 : i32
      %dma_start3A_301 = tpu.memref_slice %arg7[%add3A_299, %dma_start3A_300] : memref<40x128xi32, #tpu.memory_space<vmem>> -> memref<1x128xi32, #tpu.memory_space<vmem>>
      %dma_start3A_302 = tpu.memref_squeeze %dma_start3A_301 : memref<1x128xi32, #tpu.memory_space<vmem>> -> memref<128xi32, #tpu.memory_space<vmem>>
      %dma_start3A_303 = arith.constant 0 : i32
      %dma_start3A_304 = arith.constant 0 : i32
      %dma_start3A_305 = tpu.memref_slice %arg2[%dma_start3A_303, %dma_start3A_304] : memref<10000x128xf32, #tpu.memory_space<hbm>> -> memref<10000x128xf32, #tpu.memory_space<hbm>>
      tpu.enqueue_indirect_dma source(%dma_start3A_305 : memref<10000x128xf32, #tpu.memory_space<hbm>>) target(%arg11 : memref<128x128xf32, #tpu.memory_space<vmem>>) offsets(%dma_start3A_302 : memref<128xi32, #tpu.memory_space<vmem>>) semaphore(%arg13 : memref<!tpu.dma_semaphore, #tpu.memory_space<semaphore_mem>>)
    }
    %scan3A_33 = arith.constant 18 : i32
    %dma_wait3A_34 = arith.constant 37 : i32
    %dma_wait3A_35 = arith.constant 0 : i32
    %dma_wait3A_36 = tpu.memref_slice %arg7[%dma_wait3A_34, %dma_wait3A_35] : memref<40x128xi32, #tpu.memory_space<vmem>> -> memref<1x128xi32, #tpu.memory_space<vmem>>
    %dma_wait3A_37 = tpu.memref_squeeze %dma_wait3A_36 : memref<1x128xi32, #tpu.memory_space<vmem>> -> memref<128xi32, #tpu.memory_space<vmem>>
    %dma_wait3A_38 = arith.constant 0 : i32
    %dma_wait3A_39 = arith.constant 0 : i32
    %dma_wait3A_40 = tpu.memref_slice %arg2[%dma_wait3A_38, %dma_wait3A_39] : memref<10000x128xf32, #tpu.memory_space<hbm>> -> memref<10000x128xf32, #tpu.memory_space<hbm>>
    tpu.wait_indirect_dma semaphore(%arg13 : memref<!tpu.dma_semaphore, #tpu.memory_space<semaphore_mem>>) src(%dma_wait3A_40 : memref<10000x128xf32, #tpu.memory_space<hbm>>) dst(%arg11 : memref<128x128xf32, #tpu.memory_space<vmem>>)
    %dma_start3A_41 = arith.constant 37 : i32
    %dma_start3A_42 = arith.constant 0 : i32
    %dma_start3A_43 = tpu.memref_slice %arg8[%dma_start3A_41, %dma_start3A_42] : memref<40x128xi32, #tpu.memory_space<vmem>> -> memref<1x128xi32, #tpu.memory_space<vmem>>
    %dma_start3A_44 = tpu.memref_squeeze %dma_start3A_43 : memref<1x128xi32, #tpu.memory_space<vmem>> -> memref<128xi32, #tpu.memory_space<vmem>>
    %dma_start3A_45 = arith.constant 0 : i32
    %dma_start3A_46 = arith.constant 0 : i32
    %dma_start3A_47 = tpu.memref_slice %arg9[%dma_start3A_45, %dma_start3A_46] : memref<10112x128xf32, #tpu.memory_space<vmem_shared>> -> memref<10112x128xf32, #tpu.memory_space<vmem_shared>>
    tpu.enqueue_indirect_dma source(%arg11 : memref<128x128xf32, #tpu.memory_space<vmem>>) target(%dma_start3A_47 : memref<10112x128xf32, #tpu.memory_space<vmem_shared>>) offsets(%dma_start3A_44 : memref<128xi32, #tpu.memory_space<vmem>>) semaphore(%arg15 : memref<!tpu.dma_semaphore, #tpu.memory_space<semaphore_mem>>) {add = true}
    %dma_wait3A_48 = arith.constant 36 : i32
    %dma_wait3A_49 = arith.constant 0 : i32
    %dma_wait3A_50 = tpu.memref_slice %arg8[%dma_wait3A_48, %dma_wait3A_49] : memref<40x128xi32, #tpu.memory_space<vmem>> -> memref<1x128xi32, #tpu.memory_space<vmem>>
    %dma_wait3A_51 = tpu.memref_squeeze %dma_wait3A_50 : memref<1x128xi32, #tpu.memory_space<vmem>> -> memref<128xi32, #tpu.memory_space<vmem>>
    %dma_wait3A_52 = arith.constant 0 : i32
    %dma_wait3A_53 = arith.constant 0 : i32
    %dma_wait3A_54 = tpu.memref_slice %arg9[%dma_wait3A_52, %dma_wait3A_53] : memref<10112x128xf32, #tpu.memory_space<vmem_shared>> -> memref<10112x128xf32, #tpu.memory_space<vmem_shared>>
    tpu.wait_indirect_dma semaphore(%arg14 : memref<!tpu.dma_semaphore, #tpu.memory_space<semaphore_mem>>) src(%arg10 : memref<128x128xf32, #tpu.memory_space<vmem>>) dst(%dma_wait3A_54 : memref<10112x128xf32, #tpu.memory_space<vmem_shared>>)
    %dma_start3A_55 = arith.constant 38 : i32
    %dma_start3A_56 = arith.constant 0 : i32
    %dma_start3A_57 = tpu.memref_slice %arg7[%dma_start3A_55, %dma_start3A_56] : memref<40x128xi32, #tpu.memory_space<vmem>> -> memref<1x128xi32, #tpu.memory_space<vmem>>
    %dma_start3A_58 = tpu.memref_squeeze %dma_start3A_57 : memref<1x128xi32, #tpu.memory_space<vmem>> -> memref<128xi32, #tpu.memory_space<vmem>>
    %dma_start3A_59 = arith.constant 0 : i32
    %dma_start3A_60 = arith.constant 0 : i32
    %dma_start3A_61 = tpu.memref_slice %arg2[%dma_start3A_59, %dma_start3A_60] : memref<10000x128xf32, #tpu.memory_space<hbm>> -> memref<10000x128xf32, #tpu.memory_space<hbm>>
    tpu.enqueue_indirect_dma source(%dma_start3A_61 : memref<10000x128xf32, #tpu.memory_space<hbm>>) target(%arg10 : memref<128x128xf32, #tpu.memory_space<vmem>>) offsets(%dma_start3A_58 : memref<128xi32, #tpu.memory_space<vmem>>) semaphore(%arg12 : memref<!tpu.dma_semaphore, #tpu.memory_space<semaphore_mem>>)
    %dma_wait3A_62 = arith.constant 38 : i32
    %dma_wait3A_63 = arith.constant 0 : i32
    %dma_wait3A_64 = tpu.memref_slice %arg7[%dma_wait3A_62, %dma_wait3A_63] : memref<40x128xi32, #tpu.memory_space<vmem>> -> memref<1x128xi32, #tpu.memory_space<vmem>>
    %dma_wait3A_65 = tpu.memref_squeeze %dma_wait3A_64 : memref<1x128xi32, #tpu.memory_space<vmem>> -> memref<128xi32, #tpu.memory_space<vmem>>
    %dma_wait3A_66 = arith.constant 0 : i32
    %dma_wait3A_67 = arith.constant 0 : i32
    %dma_wait3A_68 = tpu.memref_slice %arg2[%dma_wait3A_66, %dma_wait3A_67] : memref<10000x128xf32, #tpu.memory_space<hbm>> -> memref<10000x128xf32, #tpu.memory_space<hbm>>
    tpu.wait_indirect_dma semaphore(%arg12 : memref<!tpu.dma_semaphore, #tpu.memory_space<semaphore_mem>>) src(%dma_wait3A_68 : memref<10000x128xf32, #tpu.memory_space<hbm>>) dst(%arg10 : memref<128x128xf32, #tpu.memory_space<vmem>>)
    %dma_start3A_69 = arith.constant 38 : i32
    %dma_start3A_70 = arith.constant 0 : i32
    %dma_start3A_71 = tpu.memref_slice %arg8[%dma_start3A_69, %dma_start3A_70] : memref<40x128xi32, #tpu.memory_space<vmem>> -> memref<1x128xi32, #tpu.memory_space<vmem>>
    %dma_start3A_72 = tpu.memref_squeeze %dma_start3A_71 : memref<1x128xi32, #tpu.memory_space<vmem>> -> memref<128xi32, #tpu.memory_space<vmem>>
    %dma_start3A_73 = arith.constant 0 : i32
    %dma_start3A_74 = arith.constant 0 : i32
    %dma_start3A_75 = tpu.memref_slice %arg9[%dma_start3A_73, %dma_start3A_74] : memref<10112x128xf32, #tpu.memory_space<vmem_shared>> -> memref<10112x128xf32, #tpu.memory_space<vmem_shared>>
    tpu.enqueue_indirect_dma source(%arg10 : memref<128x128xf32, #tpu.memory_space<vmem>>) target(%dma_start3A_75 : memref<10112x128xf32, #tpu.memory_space<vmem_shared>>) offsets(%dma_start3A_72 : memref<128xi32, #tpu.memory_space<vmem>>) semaphore(%arg14 : memref<!tpu.dma_semaphore, #tpu.memory_space<semaphore_mem>>) {add = true}
    %dma_wait3A_76 = arith.constant 37 : i32
    %dma_wait3A_77 = arith.constant 0 : i32
    %dma_wait3A_78 = tpu.memref_slice %arg8[%dma_wait3A_76, %dma_wait3A_77] : memref<40x128xi32, #tpu.memory_space<vmem>> -> memref<1x128xi32, #tpu.memory_space<vmem>>
    %dma_wait3A_79 = tpu.memref_squeeze %dma_wait3A_78 : memref<1x128xi32, #tpu.memory_space<vmem>> -> memref<128xi32, #tpu.memory_space<vmem>>
    %dma_wait3A_80 = arith.constant 0 : i32
    %dma_wait3A_81 = arith.constant 0 : i32
    %dma_wait3A_82 = tpu.memref_slice %arg9[%dma_wait3A_80, %dma_wait3A_81] : memref<10112x128xf32, #tpu.memory_space<vmem_shared>> -> memref<10112x128xf32, #tpu.memory_space<vmem_shared>>
    tpu.wait_indirect_dma semaphore(%arg15 : memref<!tpu.dma_semaphore, #tpu.memory_space<semaphore_mem>>) src(%arg11 : memref<128x128xf32, #tpu.memory_space<vmem>>) dst(%dma_wait3A_82 : memref<10112x128xf32, #tpu.memory_space<vmem_shared>>)
    %dma_start3A_83 = arith.constant 39 : i32
    %dma_start3A_84 = arith.constant 0 : i32
    %dma_start3A_85 = tpu.memref_slice %arg7[%dma_start3A_83, %dma_start3A_84] : memref<40x128xi32, #tpu.memory_space<vmem>> -> memref<1x128xi32, #tpu.memory_space<vmem>>
    %dma_start3A_86 = tpu.memref_squeeze %dma_start3A_85 : memref<1x128xi32, #tpu.memory_space<vmem>> -> memref<128xi32, #tpu.memory_space<vmem>>
    %dma_start3A_87 = arith.constant 0 : i32
    %dma_start3A_88 = arith.constant 0 : i32
    %dma_start3A_89 = tpu.memref_slice %arg2[%dma_start3A_87, %dma_start3A_88] : memref<10000x128xf32, #tpu.memory_space<hbm>> -> memref<10000x128xf32, #tpu.memory_space<hbm>>
    tpu.enqueue_indirect_dma source(%dma_start3A_89 : memref<10000x128xf32, #tpu.memory_space<hbm>>) target(%arg11 : memref<128x128xf32, #tpu.memory_space<vmem>>) offsets(%dma_start3A_86 : memref<128xi32, #tpu.memory_space<vmem>>) semaphore(%arg13 : memref<!tpu.dma_semaphore, #tpu.memory_space<semaphore_mem>>)
    %dma_wait3A_90 = arith.constant 39 : i32
    %dma_wait3A_91 = arith.constant 0 : i32
    %dma_wait3A_92 = tpu.memref_slice %arg7[%dma_wait3A_90, %dma_wait3A_91] : memref<40x128xi32, #tpu.memory_space<vmem>> -> memref<1x128xi32, #tpu.memory_space<vmem>>
    %dma_wait3A_93 = tpu.memref_squeeze %dma_wait3A_92 : memref<1x128xi32, #tpu.memory_space<vmem>> -> memref<128xi32, #tpu.memory_space<vmem>>
    %dma_wait3A_94 = arith.constant 0 : i32
    %dma_wait3A_95 = arith.constant 0 : i32
    %dma_wait3A_96 = tpu.memref_slice %arg2[%dma_wait3A_94, %dma_wait3A_95] : memref<10000x128xf32, #tpu.memory_space<hbm>> -> memref<10000x128xf32, #tpu.memory_space<hbm>>
    tpu.wait_indirect_dma semaphore(%arg13 : memref<!tpu.dma_semaphore, #tpu.memory_space<semaphore_mem>>) src(%dma_wait3A_96 : memref<10000x128xf32, #tpu.memory_space<hbm>>) dst(%arg11 : memref<128x128xf32, #tpu.memory_space<vmem>>)
    %dma_start3A_97 = arith.constant 39 : i32
    %dma_start3A_98 = arith.constant 0 : i32
    %dma_start3A_99 = tpu.memref_slice %arg8[%dma_start3A_97, %dma_start3A_98] : memref<40x128xi32, #tpu.memory_space<vmem>> -> memref<1x128xi32, #tpu.memory_space<vmem>>
    %dma_start3A_100 = tpu.memref_squeeze %dma_start3A_99 : memref<1x128xi32, #tpu.memory_space<vmem>> -> memref<128xi32, #tpu.memory_space<vmem>>
    %dma_start3A_101 = arith.constant 0 : i32
    %dma_start3A_102 = arith.constant 0 : i32
    %dma_start3A_103 = tpu.memref_slice %arg9[%dma_start3A_101, %dma_start3A_102] : memref<10112x128xf32, #tpu.memory_space<vmem_shared>> -> memref<10112x128xf32, #tpu.memory_space<vmem_shared>>
    tpu.enqueue_indirect_dma source(%arg11 : memref<128x128xf32, #tpu.memory_space<vmem>>) target(%dma_start3A_103 : memref<10112x128xf32, #tpu.memory_space<vmem_shared>>) offsets(%dma_start3A_100 : memref<128xi32, #tpu.memory_space<vmem>>) semaphore(%arg15 : memref<!tpu.dma_semaphore, #tpu.memory_space<semaphore_mem>>) {add = true}
    %dma_wait3A_104 = arith.constant 38 : i32
    %dma_wait3A_105 = arith.constant 0 : i32
    %dma_wait3A_106 = tpu.memref_slice %arg8[%dma_wait3A_104, %dma_wait3A_105] : memref<40x128xi32, #tpu.memory_space<vmem>> -> memref<1x128xi32, #tpu.memory_space<vmem>>
    %dma_wait3A_107 = tpu.memref_squeeze %dma_wait3A_106 : memref<1x128xi32, #tpu.memory_space<vmem>> -> memref<128xi32, #tpu.memory_space<vmem>>
    %dma_wait3A_108 = arith.constant 0 : i32
    %dma_wait3A_109 = arith.constant 0 : i32
    %dma_wait3A_110 = tpu.memref_slice %arg9[%dma_wait3A_108, %dma_wait3A_109] : memref<10112x128xf32, #tpu.memory_space<vmem_shared>> -> memref<10112x128xf32, #tpu.memory_space<vmem_shared>>
    tpu.wait_indirect_dma semaphore(%arg14 : memref<!tpu.dma_semaphore, #tpu.memory_space<semaphore_mem>>) src(%arg10 : memref<128x128xf32, #tpu.memory_space<vmem>>) dst(%dma_wait3A_110 : memref<10112x128xf32, #tpu.memory_space<vmem_shared>>)
    %dma_wait3A_111 = arith.constant 39 : i32
    %dma_wait3A_112 = arith.constant 0 : i32
    %dma_wait3A_113 = tpu.memref_slice %arg8[%dma_wait3A_111, %dma_wait3A_112] : memref<40x128xi32, #tpu.memory_space<vmem>> -> memref<1x128xi32, #tpu.memory_space<vmem>>
    %dma_wait3A_114 = tpu.memref_squeeze %dma_wait3A_113 : memref<1x128xi32, #tpu.memory_space<vmem>> -> memref<128xi32, #tpu.memory_space<vmem>>
    %dma_wait3A_115 = arith.constant 0 : i32
    %dma_wait3A_116 = arith.constant 0 : i32
    %dma_wait3A_117 = tpu.memref_slice %arg9[%dma_wait3A_115, %dma_wait3A_116] : memref<10112x128xf32, #tpu.memory_space<vmem_shared>> -> memref<10112x128xf32, #tpu.memory_space<vmem_shared>>
    tpu.wait_indirect_dma semaphore(%arg15 : memref<!tpu.dma_semaphore, #tpu.memory_space<semaphore_mem>>) src(%arg11 : memref<128x128xf32, #tpu.memory_space<vmem>>) dst(%dma_wait3A_117 : memref<10112x128xf32, #tpu.memory_space<vmem_shared>>)
    %run_scoped3A_118 = arith.constant 1 : i32
    "tpu.region"() ({
      %run_scoped3A_242 = tpu.sem_alloc : memref<!tpu.dma_semaphore, #tpu.memory_space<semaphore_mem>>
      %dma_start3A_243 = arith.constant 0 : i32
      %dma_start3A_244 = arith.constant 0 : i32
      %dma_start3A_245 = tpu.memref_slice %arg3[%add3A, %run_scoped3A_118, %dma_start3A_243, %dma_start3A_244] : memref<32x2x40x128xi32, #tpu.memory_space<hbm>> -> memref<1x1x40x128xi32, #tpu.memory_space<hbm>>
      %dma_start3A_246 = tpu.memref_squeeze %dma_start3A_245 : memref<1x1x40x128xi32, #tpu.memory_space<hbm>> -> memref<40x128xi32, #tpu.memory_space<hbm>>
      %dma_start3A_247 = arith.constant 0 : i32
      %dma_start3A_248 = arith.constant 0 : i32
      %dma_start3A_249 = tpu.memref_slice %arg3[%add3A, %run_scoped3A_118, %dma_start3A_247, %dma_start3A_248] : memref<32x2x40x128xi32, #tpu.memory_space<hbm>> -> memref<1x1x40x128xi32, #tpu.memory_space<hbm>>
      %dma_start3A_250 = tpu.memref_squeeze %dma_start3A_249 : memref<1x1x40x128xi32, #tpu.memory_space<hbm>> -> memref<40x128xi32, #tpu.memory_space<hbm>>
      tpu.enqueue_dma source(%dma_start3A_250 : memref<40x128xi32, #tpu.memory_space<hbm>>) target(%arg7 : memref<40x128xi32, #tpu.memory_space<vmem>>) target_semaphore(%run_scoped3A_242 : memref<!tpu.dma_semaphore, #tpu.memory_space<semaphore_mem>>)
      %dma_wait3A_251 = arith.constant 0 : i32
      %dma_wait3A_252 = arith.constant 0 : i32
      %dma_wait3A_253 = tpu.memref_slice %arg3[%add3A, %run_scoped3A_118, %dma_wait3A_251, %dma_wait3A_252] : memref<32x2x40x128xi32, #tpu.memory_space<hbm>> -> memref<1x1x40x128xi32, #tpu.memory_space<hbm>>
      %dma_wait3A_254 = tpu.memref_squeeze %dma_wait3A_253 : memref<1x1x40x128xi32, #tpu.memory_space<hbm>> -> memref<40x128xi32, #tpu.memory_space<hbm>>
      %dma_wait3A_255 = arith.constant 0 : i32
      %dma_wait3A_256 = arith.constant 0 : i32
      %dma_wait3A_257 = tpu.memref_slice %arg3[%add3A, %run_scoped3A_118, %dma_wait3A_255, %dma_wait3A_256] : memref<32x2x40x128xi32, #tpu.memory_space<hbm>> -> memref<1x1x40x128xi32, #tpu.memory_space<hbm>>
      %dma_wait3A_258 = tpu.memref_squeeze %dma_wait3A_257 : memref<1x1x40x128xi32, #tpu.memory_space<hbm>> -> memref<40x128xi32, #tpu.memory_space<hbm>>
      tpu.wait_dma2 semaphore(%run_scoped3A_242 : memref<!tpu.dma_semaphore, #tpu.memory_space<semaphore_mem>>) src(%dma_wait3A_258 : memref<40x128xi32, #tpu.memory_space<hbm>>) dst(%arg7 : memref<40x128xi32, #tpu.memory_space<vmem>>)
      tpu.yield
    }) : () -> ()
    %run_scoped3A_119 = arith.constant 1 : i32
    "tpu.region"() ({
      %run_scoped3A_242 = tpu.sem_alloc : memref<!tpu.dma_semaphore, #tpu.memory_space<semaphore_mem>>
      %dma_start3A_243 = arith.constant 0 : i32
      %dma_start3A_244 = arith.constant 0 : i32
      %dma_start3A_245 = tpu.memref_slice %arg4[%add3A, %run_scoped3A_119, %dma_start3A_243, %dma_start3A_244] : memref<32x2x40x128xi32, #tpu.memory_space<hbm>> -> memref<1x1x40x128xi32, #tpu.memory_space<hbm>>
      %dma_start3A_246 = tpu.memref_squeeze %dma_start3A_245 : memref<1x1x40x128xi32, #tpu.memory_space<hbm>> -> memref<40x128xi32, #tpu.memory_space<hbm>>
      %dma_start3A_247 = arith.constant 0 : i32
      %dma_start3A_248 = arith.constant 0 : i32
      %dma_start3A_249 = tpu.memref_slice %arg4[%add3A, %run_scoped3A_119, %dma_start3A_247, %dma_start3A_248] : memref<32x2x40x128xi32, #tpu.memory_space<hbm>> -> memref<1x1x40x128xi32, #tpu.memory_space<hbm>>
      %dma_start3A_250 = tpu.memref_squeeze %dma_start3A_249 : memref<1x1x40x128xi32, #tpu.memory_space<hbm>> -> memref<40x128xi32, #tpu.memory_space<hbm>>
      tpu.enqueue_dma source(%dma_start3A_250 : memref<40x128xi32, #tpu.memory_space<hbm>>) target(%arg8 : memref<40x128xi32, #tpu.memory_space<vmem>>) target_semaphore(%run_scoped3A_242 : memref<!tpu.dma_semaphore, #tpu.memory_space<semaphore_mem>>)
      %dma_wait3A_251 = arith.constant 0 : i32
      %dma_wait3A_252 = arith.constant 0 : i32
      %dma_wait3A_253 = tpu.memref_slice %arg4[%add3A, %run_scoped3A_119, %dma_wait3A_251, %dma_wait3A_252] : memref<32x2x40x128xi32, #tpu.memory_space<hbm>> -> memref<1x1x40x128xi32, #tpu.memory_space<hbm>>
      %dma_wait3A_254 = tpu.memref_squeeze %dma_wait3A_253 : memref<1x1x40x128xi32, #tpu.memory_space<hbm>> -> memref<40x128xi32, #tpu.memory_space<hbm>>
      %dma_wait3A_255 = arith.constant 0 : i32
      %dma_wait3A_256 = arith.constant 0 : i32
      %dma_wait3A_257 = tpu.memref_slice %arg4[%add3A, %run_scoped3A_119, %dma_wait3A_255, %dma_wait3A_256] : memref<32x2x40x128xi32, #tpu.memory_space<hbm>> -> memref<1x1x40x128xi32, #tpu.memory_space<hbm>>
      %dma_wait3A_258 = tpu.memref_squeeze %dma_wait3A_257 : memref<1x1x40x128xi32, #tpu.memory_space<hbm>> -> memref<40x128xi32, #tpu.memory_space<hbm>>
      tpu.wait_dma2 semaphore(%run_scoped3A_242 : memref<!tpu.dma_semaphore, #tpu.memory_space<semaphore_mem>>) src(%dma_wait3A_258 : memref<40x128xi32, #tpu.memory_space<hbm>>) dst(%arg8 : memref<40x128xi32, #tpu.memory_space<vmem>>)
      tpu.yield
    }) : () -> ()
    %dma_start3A_120 = arith.constant 0 : i32
    %dma_start3A_121 = arith.constant 0 : i32
    %dma_start3A_122 = tpu.memref_slice %arg7[%dma_start3A_120, %dma_start3A_121] : memref<40x128xi32, #tpu.memory_space<vmem>> -> memref<1x128xi32, #tpu.memory_space<vmem>>
    %dma_start3A_123 = tpu.memref_squeeze %dma_start3A_122 : memref<1x128xi32, #tpu.memory_space<vmem>> -> memref<128xi32, #tpu.memory_space<vmem>>
    %dma_start3A_124 = arith.constant 0 : i32
    %dma_start3A_125 = arith.constant 0 : i32
    %dma_start3A_126 = tpu.memref_slice %arg2[%dma_start3A_124, %dma_start3A_125] : memref<10000x128xf32, #tpu.memory_space<hbm>> -> memref<10000x128xf32, #tpu.memory_space<hbm>>
    tpu.enqueue_indirect_dma source(%dma_start3A_126 : memref<10000x128xf32, #tpu.memory_space<hbm>>) target(%arg10 : memref<128x128xf32, #tpu.memory_space<vmem>>) offsets(%dma_start3A_123 : memref<128xi32, #tpu.memory_space<vmem>>) semaphore(%arg12 : memref<!tpu.dma_semaphore, #tpu.memory_space<semaphore_mem>>)
    %dma_wait3A_127 = arith.constant 0 : i32
    %dma_wait3A_128 = arith.constant 0 : i32
    %dma_wait3A_129 = tpu.memref_slice %arg7[%dma_wait3A_127, %dma_wait3A_128] : memref<40x128xi32, #tpu.memory_space<vmem>> -> memref<1x128xi32, #tpu.memory_space<vmem>>
    %dma_wait3A_130 = tpu.memref_squeeze %dma_wait3A_129 : memref<1x128xi32, #tpu.memory_space<vmem>> -> memref<128xi32, #tpu.memory_space<vmem>>
    %dma_wait3A_131 = arith.constant 0 : i32
    %dma_wait3A_132 = arith.constant 0 : i32
    %dma_wait3A_133 = tpu.memref_slice %arg2[%dma_wait3A_131, %dma_wait3A_132] : memref<10000x128xf32, #tpu.memory_space<hbm>> -> memref<10000x128xf32, #tpu.memory_space<hbm>>
    tpu.wait_indirect_dma semaphore(%arg12 : memref<!tpu.dma_semaphore, #tpu.memory_space<semaphore_mem>>) src(%dma_wait3A_133 : memref<10000x128xf32, #tpu.memory_space<hbm>>) dst(%arg10 : memref<128x128xf32, #tpu.memory_space<vmem>>)
    %dma_start3A_134 = arith.constant 0 : i32
    %dma_start3A_135 = arith.constant 0 : i32
    %dma_start3A_136 = tpu.memref_slice %arg8[%dma_start3A_134, %dma_start3A_135] : memref<40x128xi32, #tpu.memory_space<vmem>> -> memref<1x128xi32, #tpu.memory_space<vmem>>
    %dma_start3A_137 = tpu.memref_squeeze %dma_start3A_136 : memref<1x128xi32, #tpu.memory_space<vmem>> -> memref<128xi32, #tpu.memory_space<vmem>>
    %dma_start3A_138 = arith.constant 0 : i32
    %dma_start3A_139 = arith.constant 0 : i32
    %dma_start3A_140 = tpu.memref_slice %arg9[%dma_start3A_138, %dma_start3A_139] : memref<10112x128xf32, #tpu.memory_space<vmem_shared>> -> memref<10112x128xf32, #tpu.memory_space<vmem_shared>>
    tpu.enqueue_indirect_dma source(%arg10 : memref<128x128xf32, #tpu.memory_space<vmem>>) target(%dma_start3A_140 : memref<10112x128xf32, #tpu.memory_space<vmem_shared>>) offsets(%dma_start3A_137 : memref<128xi32, #tpu.memory_space<vmem>>) semaphore(%arg14 : memref<!tpu.dma_semaphore, #tpu.memory_space<semaphore_mem>>) {add = true}
    %dma_start3A_141 = arith.constant 1 : i32
    %dma_start3A_142 = arith.constant 0 : i32
    %dma_start3A_143 = tpu.memref_slice %arg7[%dma_start3A_141, %dma_start3A_142] : memref<40x128xi32, #tpu.memory_space<vmem>> -> memref<1x128xi32, #tpu.memory_space<vmem>>
    %dma_start3A_144 = tpu.memref_squeeze %dma_start3A_143 : memref<1x128xi32, #tpu.memory_space<vmem>> -> memref<128xi32, #tpu.memory_space<vmem>>
    %dma_start3A_145 = arith.constant 0 : i32
    %dma_start3A_146 = arith.constant 0 : i32
    %dma_start3A_147 = tpu.memref_slice %arg2[%dma_start3A_145, %dma_start3A_146] : memref<10000x128xf32, #tpu.memory_space<hbm>> -> memref<10000x128xf32, #tpu.memory_space<hbm>>
    tpu.enqueue_indirect_dma source(%dma_start3A_147 : memref<10000x128xf32, #tpu.memory_space<hbm>>) target(%arg11 : memref<128x128xf32, #tpu.memory_space<vmem>>) offsets(%dma_start3A_144 : memref<128xi32, #tpu.memory_space<vmem>>) semaphore(%arg13 : memref<!tpu.dma_semaphore, #tpu.memory_space<semaphore_mem>>)
    %scan3A_148 = arith.constant 0 : i32
    %scan3A_149 = arith.constant 18 : i32
    %scan3A_150 = arith.addi %scan3A_148, %scan3A_149 : i32
    %scan3A_151 = arith.constant 1 : i32
    scf.for %scan3A_242 = %scan3A_148 to %scan3A_150 step %scan3A_151  : i32 {
      %mul3A_243 = arith.constant 2 : i32
      %mul3A_244 = arith.muli %scan3A_242, %mul3A_243 : i32
      %add3A_245 = arith.constant 1 : i32
      %add3A_246 = arith.addi %add3A_245, %mul3A_244 : i32
      %add3A_247 = arith.constant 0 : i32
      %add3A_248 = arith.addi %add3A_246, %add3A_247 : i32
      %dma_wait3A_249 = arith.constant 0 : i32
      %dma_wait3A_250 = tpu.memref_slice %arg7[%add3A_248, %dma_wait3A_249] : memref<40x128xi32, #tpu.memory_space<vmem>> -> memref<1x128xi32, #tpu.memory_space<vmem>>
      %dma_wait3A_251 = tpu.memref_squeeze %dma_wait3A_250 : memref<1x128xi32, #tpu.memory_space<vmem>> -> memref<128xi32, #tpu.memory_space<vmem>>
      %dma_wait3A_252 = arith.constant 0 : i32
      %dma_wait3A_253 = arith.constant 0 : i32
      %dma_wait3A_254 = tpu.memref_slice %arg2[%dma_wait3A_252, %dma_wait3A_253] : memref<10000x128xf32, #tpu.memory_space<hbm>> -> memref<10000x128xf32, #tpu.memory_space<hbm>>
      tpu.wait_indirect_dma semaphore(%arg13 : memref<!tpu.dma_semaphore, #tpu.memory_space<semaphore_mem>>) src(%dma_wait3A_254 : memref<10000x128xf32, #tpu.memory_space<hbm>>) dst(%arg11 : memref<128x128xf32, #tpu.memory_space<vmem>>)
      %dma_start3A_255 = arith.constant 0 : i32
      %dma_start3A_256 = tpu.memref_slice %arg8[%add3A_248, %dma_start3A_255] : memref<40x128xi32, #tpu.memory_space<vmem>> -> memref<1x128xi32, #tpu.memory_space<vmem>>
      %dma_start3A_257 = tpu.memref_squeeze %dma_start3A_256 : memref<1x128xi32, #tpu.memory_space<vmem>> -> memref<128xi32, #tpu.memory_space<vmem>>
      %dma_start3A_258 = arith.constant 0 : i32
      %dma_start3A_259 = arith.constant 0 : i32
      %dma_start3A_260 = tpu.memref_slice %arg9[%dma_start3A_258, %dma_start3A_259] : memref<10112x128xf32, #tpu.memory_space<vmem_shared>> -> memref<10112x128xf32, #tpu.memory_space<vmem_shared>>
      tpu.enqueue_indirect_dma source(%arg11 : memref<128x128xf32, #tpu.memory_space<vmem>>) target(%dma_start3A_260 : memref<10112x128xf32, #tpu.memory_space<vmem_shared>>) offsets(%dma_start3A_257 : memref<128xi32, #tpu.memory_space<vmem>>) semaphore(%arg15 : memref<!tpu.dma_semaphore, #tpu.memory_space<semaphore_mem>>) {add = true}
      %sub3A = arith.constant 1 : i32
      %sub3A_261 = arith.subi %add3A_248, %sub3A : i32
      %dma_wait3A_262 = arith.constant 0 : i32
      %dma_wait3A_263 = tpu.memref_slice %arg8[%sub3A_261, %dma_wait3A_262] : memref<40x128xi32, #tpu.memory_space<vmem>> -> memref<1x128xi32, #tpu.memory_space<vmem>>
      %dma_wait3A_264 = tpu.memref_squeeze %dma_wait3A_263 : memref<1x128xi32, #tpu.memory_space<vmem>> -> memref<128xi32, #tpu.memory_space<vmem>>
      %dma_wait3A_265 = arith.constant 0 : i32
      %dma_wait3A_266 = arith.constant 0 : i32
      %dma_wait3A_267 = tpu.memref_slice %arg9[%dma_wait3A_265, %dma_wait3A_266] : memref<10112x128xf32, #tpu.memory_space<vmem_shared>> -> memref<10112x128xf32, #tpu.memory_space<vmem_shared>>
      tpu.wait_indirect_dma semaphore(%arg14 : memref<!tpu.dma_semaphore, #tpu.memory_space<semaphore_mem>>) src(%arg10 : memref<128x128xf32, #tpu.memory_space<vmem>>) dst(%dma_wait3A_267 : memref<10112x128xf32, #tpu.memory_space<vmem_shared>>)
      %add3A_268 = arith.constant 1 : i32
      %add3A_269 = arith.addi %add3A_248, %add3A_268 : i32
      %dma_start3A_270 = arith.constant 0 : i32
      %dma_start3A_271 = tpu.memref_slice %arg7[%add3A_269, %dma_start3A_270] : memref<40x128xi32, #tpu.memory_space<vmem>> -> memref<1x128xi32, #tpu.memory_space<vmem>>
      %dma_start3A_272 = tpu.memref_squeeze %dma_start3A_271 : memref<1x128xi32, #tpu.memory_space<vmem>> -> memref<128xi32, #tpu.memory_space<vmem>>
      %dma_start3A_273 = arith.constant 0 : i32
      %dma_start3A_274 = arith.constant 0 : i32
      %dma_start3A_275 = tpu.memref_slice %arg2[%dma_start3A_273, %dma_start3A_274] : memref<10000x128xf32, #tpu.memory_space<hbm>> -> memref<10000x128xf32, #tpu.memory_space<hbm>>
      tpu.enqueue_indirect_dma source(%dma_start3A_275 : memref<10000x128xf32, #tpu.memory_space<hbm>>) target(%arg10 : memref<128x128xf32, #tpu.memory_space<vmem>>) offsets(%dma_start3A_272 : memref<128xi32, #tpu.memory_space<vmem>>) semaphore(%arg12 : memref<!tpu.dma_semaphore, #tpu.memory_space<semaphore_mem>>)
      %add3A_276 = arith.constant 1 : i32
      %add3A_277 = arith.addi %add3A_246, %add3A_276 : i32
      %dma_wait3A_278 = arith.constant 0 : i32
      %dma_wait3A_279 = tpu.memref_slice %arg7[%add3A_277, %dma_wait3A_278] : memref<40x128xi32, #tpu.memory_space<vmem>> -> memref<1x128xi32, #tpu.memory_space<vmem>>
      %dma_wait3A_280 = tpu.memref_squeeze %dma_wait3A_279 : memref<1x128xi32, #tpu.memory_space<vmem>> -> memref<128xi32, #tpu.memory_space<vmem>>
      %dma_wait3A_281 = arith.constant 0 : i32
      %dma_wait3A_282 = arith.constant 0 : i32
      %dma_wait3A_283 = tpu.memref_slice %arg2[%dma_wait3A_281, %dma_wait3A_282] : memref<10000x128xf32, #tpu.memory_space<hbm>> -> memref<10000x128xf32, #tpu.memory_space<hbm>>
      tpu.wait_indirect_dma semaphore(%arg12 : memref<!tpu.dma_semaphore, #tpu.memory_space<semaphore_mem>>) src(%dma_wait3A_283 : memref<10000x128xf32, #tpu.memory_space<hbm>>) dst(%arg10 : memref<128x128xf32, #tpu.memory_space<vmem>>)
      %dma_start3A_284 = arith.constant 0 : i32
      %dma_start3A_285 = tpu.memref_slice %arg8[%add3A_277, %dma_start3A_284] : memref<40x128xi32, #tpu.memory_space<vmem>> -> memref<1x128xi32, #tpu.memory_space<vmem>>
      %dma_start3A_286 = tpu.memref_squeeze %dma_start3A_285 : memref<1x128xi32, #tpu.memory_space<vmem>> -> memref<128xi32, #tpu.memory_space<vmem>>
      %dma_start3A_287 = arith.constant 0 : i32
      %dma_start3A_288 = arith.constant 0 : i32
      %dma_start3A_289 = tpu.memref_slice %arg9[%dma_start3A_287, %dma_start3A_288] : memref<10112x128xf32, #tpu.memory_space<vmem_shared>> -> memref<10112x128xf32, #tpu.memory_space<vmem_shared>>
      tpu.enqueue_indirect_dma source(%arg10 : memref<128x128xf32, #tpu.memory_space<vmem>>) target(%dma_start3A_289 : memref<10112x128xf32, #tpu.memory_space<vmem_shared>>) offsets(%dma_start3A_286 : memref<128xi32, #tpu.memory_space<vmem>>) semaphore(%arg14 : memref<!tpu.dma_semaphore, #tpu.memory_space<semaphore_mem>>) {add = true}
      %sub3A_290 = arith.constant 1 : i32
      %sub3A_291 = arith.subi %add3A_277, %sub3A_290 : i32
      %dma_wait3A_292 = arith.constant 0 : i32
      %dma_wait3A_293 = tpu.memref_slice %arg8[%sub3A_291, %dma_wait3A_292] : memref<40x128xi32, #tpu.memory_space<vmem>> -> memref<1x128xi32, #tpu.memory_space<vmem>>
      %dma_wait3A_294 = tpu.memref_squeeze %dma_wait3A_293 : memref<1x128xi32, #tpu.memory_space<vmem>> -> memref<128xi32, #tpu.memory_space<vmem>>
      %dma_wait3A_295 = arith.constant 0 : i32
      %dma_wait3A_296 = arith.constant 0 : i32
      %dma_wait3A_297 = tpu.memref_slice %arg9[%dma_wait3A_295, %dma_wait3A_296] : memref<10112x128xf32, #tpu.memory_space<vmem_shared>> -> memref<10112x128xf32, #tpu.memory_space<vmem_shared>>
      tpu.wait_indirect_dma semaphore(%arg15 : memref<!tpu.dma_semaphore, #tpu.memory_space<semaphore_mem>>) src(%arg11 : memref<128x128xf32, #tpu.memory_space<vmem>>) dst(%dma_wait3A_297 : memref<10112x128xf32, #tpu.memory_space<vmem_shared>>)
      %add3A_298 = arith.constant 1 : i32
      %add3A_299 = arith.addi %add3A_277, %add3A_298 : i32
      %dma_start3A_300 = arith.constant 0 : i32
      %dma_start3A_301 = tpu.memref_slice %arg7[%add3A_299, %dma_start3A_300] : memref<40x128xi32, #tpu.memory_space<vmem>> -> memref<1x128xi32, #tpu.memory_space<vmem>>
      %dma_start3A_302 = tpu.memref_squeeze %dma_start3A_301 : memref<1x128xi32, #tpu.memory_space<vmem>> -> memref<128xi32, #tpu.memory_space<vmem>>
      %dma_start3A_303 = arith.constant 0 : i32
      %dma_start3A_304 = arith.constant 0 : i32
      %dma_start3A_305 = tpu.memref_slice %arg2[%dma_start3A_303, %dma_start3A_304] : memref<10000x128xf32, #tpu.memory_space<hbm>> -> memref<10000x128xf32, #tpu.memory_space<hbm>>
      tpu.enqueue_indirect_dma source(%dma_start3A_305 : memref<10000x128xf32, #tpu.memory_space<hbm>>) target(%arg11 : memref<128x128xf32, #tpu.memory_space<vmem>>) offsets(%dma_start3A_302 : memref<128xi32, #tpu.memory_space<vmem>>) semaphore(%arg13 : memref<!tpu.dma_semaphore, #tpu.memory_space<semaphore_mem>>)
    }
    %scan3A_152 = arith.constant 18 : i32
    %dma_wait3A_153 = arith.constant 37 : i32
    %dma_wait3A_154 = arith.constant 0 : i32
    %dma_wait3A_155 = tpu.memref_slice %arg7[%dma_wait3A_153, %dma_wait3A_154] : memref<40x128xi32, #tpu.memory_space<vmem>> -> memref<1x128xi32, #tpu.memory_space<vmem>>
    %dma_wait3A_156 = tpu.memref_squeeze %dma_wait3A_155 : memref<1x128xi32, #tpu.memory_space<vmem>> -> memref<128xi32, #tpu.memory_space<vmem>>
    %dma_wait3A_157 = arith.constant 0 : i32
    %dma_wait3A_158 = arith.constant 0 : i32
    %dma_wait3A_159 = tpu.memref_slice %arg2[%dma_wait3A_157, %dma_wait3A_158] : memref<10000x128xf32, #tpu.memory_space<hbm>> -> memref<10000x128xf32, #tpu.memory_space<hbm>>
    tpu.wait_indirect_dma semaphore(%arg13 : memref<!tpu.dma_semaphore, #tpu.memory_space<semaphore_mem>>) src(%dma_wait3A_159 : memref<10000x128xf32, #tpu.memory_space<hbm>>) dst(%arg11 : memref<128x128xf32, #tpu.memory_space<vmem>>)
    %dma_start3A_160 = arith.constant 37 : i32
    %dma_start3A_161 = arith.constant 0 : i32
    %dma_start3A_162 = tpu.memref_slice %arg8[%dma_start3A_160, %dma_start3A_161] : memref<40x128xi32, #tpu.memory_space<vmem>> -> memref<1x128xi32, #tpu.memory_space<vmem>>
    %dma_start3A_163 = tpu.memref_squeeze %dma_start3A_162 : memref<1x128xi32, #tpu.memory_space<vmem>> -> memref<128xi32, #tpu.memory_space<vmem>>
    %dma_start3A_164 = arith.constant 0 : i32
    %dma_start3A_165 = arith.constant 0 : i32
    %dma_start3A_166 = tpu.memref_slice %arg9[%dma_start3A_164, %dma_start3A_165] : memref<10112x128xf32, #tpu.memory_space<vmem_shared>> -> memref<10112x128xf32, #tpu.memory_space<vmem_shared>>
    tpu.enqueue_indirect_dma source(%arg11 : memref<128x128xf32, #tpu.memory_space<vmem>>) target(%dma_start3A_166 : memref<10112x128xf32, #tpu.memory_space<vmem_shared>>) offsets(%dma_start3A_163 : memref<128xi32, #tpu.memory_space<vmem>>) semaphore(%arg15 : memref<!tpu.dma_semaphore, #tpu.memory_space<semaphore_mem>>) {add = true}
    %dma_wait3A_167 = arith.constant 36 : i32
    %dma_wait3A_168 = arith.constant 0 : i32
    %dma_wait3A_169 = tpu.memref_slice %arg8[%dma_wait3A_167, %dma_wait3A_168] : memref<40x128xi32, #tpu.memory_space<vmem>> -> memref<1x128xi32, #tpu.memory_space<vmem>>
    %dma_wait3A_170 = tpu.memref_squeeze %dma_wait3A_169 : memref<1x128xi32, #tpu.memory_space<vmem>> -> memref<128xi32, #tpu.memory_space<vmem>>
    %dma_wait3A_171 = arith.constant 0 : i32
    %dma_wait3A_172 = arith.constant 0 : i32
    %dma_wait3A_173 = tpu.memref_slice %arg9[%dma_wait3A_171, %dma_wait3A_172] : memref<10112x128xf32, #tpu.memory_space<vmem_shared>> -> memref<10112x128xf32, #tpu.memory_space<vmem_shared>>
    tpu.wait_indirect_dma semaphore(%arg14 : memref<!tpu.dma_semaphore, #tpu.memory_space<semaphore_mem>>) src(%arg10 : memref<128x128xf32, #tpu.memory_space<vmem>>) dst(%dma_wait3A_173 : memref<10112x128xf32, #tpu.memory_space<vmem_shared>>)
    %dma_start3A_174 = arith.constant 38 : i32
    %dma_start3A_175 = arith.constant 0 : i32
    %dma_start3A_176 = tpu.memref_slice %arg7[%dma_start3A_174, %dma_start3A_175] : memref<40x128xi32, #tpu.memory_space<vmem>> -> memref<1x128xi32, #tpu.memory_space<vmem>>
    %dma_start3A_177 = tpu.memref_squeeze %dma_start3A_176 : memref<1x128xi32, #tpu.memory_space<vmem>> -> memref<128xi32, #tpu.memory_space<vmem>>
    %dma_start3A_178 = arith.constant 0 : i32
    %dma_start3A_179 = arith.constant 0 : i32
    %dma_start3A_180 = tpu.memref_slice %arg2[%dma_start3A_178, %dma_start3A_179] : memref<10000x128xf32, #tpu.memory_space<hbm>> -> memref<10000x128xf32, #tpu.memory_space<hbm>>
    tpu.enqueue_indirect_dma source(%dma_start3A_180 : memref<10000x128xf32, #tpu.memory_space<hbm>>) target(%arg10 : memref<128x128xf32, #tpu.memory_space<vmem>>) offsets(%dma_start3A_177 : memref<128xi32, #tpu.memory_space<vmem>>) semaphore(%arg12 : memref<!tpu.dma_semaphore, #tpu.memory_space<semaphore_mem>>)
    %dma_wait3A_181 = arith.constant 38 : i32
    %dma_wait3A_182 = arith.constant 0 : i32
    %dma_wait3A_183 = tpu.memref_slice %arg7[%dma_wait3A_181, %dma_wait3A_182] : memref<40x128xi32, #tpu.memory_space<vmem>> -> memref<1x128xi32, #tpu.memory_space<vmem>>
    %dma_wait3A_184 = tpu.memref_squeeze %dma_wait3A_183 : memref<1x128xi32, #tpu.memory_space<vmem>> -> memref<128xi32, #tpu.memory_space<vmem>>
    %dma_wait3A_185 = arith.constant 0 : i32
    %dma_wait3A_186 = arith.constant 0 : i32
    %dma_wait3A_187 = tpu.memref_slice %arg2[%dma_wait3A_185, %dma_wait3A_186] : memref<10000x128xf32, #tpu.memory_space<hbm>> -> memref<10000x128xf32, #tpu.memory_space<hbm>>
    tpu.wait_indirect_dma semaphore(%arg12 : memref<!tpu.dma_semaphore, #tpu.memory_space<semaphore_mem>>) src(%dma_wait3A_187 : memref<10000x128xf32, #tpu.memory_space<hbm>>) dst(%arg10 : memref<128x128xf32, #tpu.memory_space<vmem>>)
    %dma_start3A_188 = arith.constant 38 : i32
    %dma_start3A_189 = arith.constant 0 : i32
    %dma_start3A_190 = tpu.memref_slice %arg8[%dma_start3A_188, %dma_start3A_189] : memref<40x128xi32, #tpu.memory_space<vmem>> -> memref<1x128xi32, #tpu.memory_space<vmem>>
    %dma_start3A_191 = tpu.memref_squeeze %dma_start3A_190 : memref<1x128xi32, #tpu.memory_space<vmem>> -> memref<128xi32, #tpu.memory_space<vmem>>
    %dma_start3A_192 = arith.constant 0 : i32
    %dma_start3A_193 = arith.constant 0 : i32
    %dma_start3A_194 = tpu.memref_slice %arg9[%dma_start3A_192, %dma_start3A_193] : memref<10112x128xf32, #tpu.memory_space<vmem_shared>> -> memref<10112x128xf32, #tpu.memory_space<vmem_shared>>
    tpu.enqueue_indirect_dma source(%arg10 : memref<128x128xf32, #tpu.memory_space<vmem>>) target(%dma_start3A_194 : memref<10112x128xf32, #tpu.memory_space<vmem_shared>>) offsets(%dma_start3A_191 : memref<128xi32, #tpu.memory_space<vmem>>) semaphore(%arg14 : memref<!tpu.dma_semaphore, #tpu.memory_space<semaphore_mem>>) {add = true}
    %dma_wait3A_195 = arith.constant 37 : i32
    %dma_wait3A_196 = arith.constant 0 : i32
    %dma_wait3A_197 = tpu.memref_slice %arg8[%dma_wait3A_195, %dma_wait3A_196] : memref<40x128xi32, #tpu.memory_space<vmem>> -> memref<1x128xi32, #tpu.memory_space<vmem>>
    %dma_wait3A_198 = tpu.memref_squeeze %dma_wait3A_197 : memref<1x128xi32, #tpu.memory_space<vmem>> -> memref<128xi32, #tpu.memory_space<vmem>>
    %dma_wait3A_199 = arith.constant 0 : i32
    %dma_wait3A_200 = arith.constant 0 : i32
    %dma_wait3A_201 = tpu.memref_slice %arg9[%dma_wait3A_199, %dma_wait3A_200] : memref<10112x128xf32, #tpu.memory_space<vmem_shared>> -> memref<10112x128xf32, #tpu.memory_space<vmem_shared>>
    tpu.wait_indirect_dma semaphore(%arg15 : memref<!tpu.dma_semaphore, #tpu.memory_space<semaphore_mem>>) src(%arg11 : memref<128x128xf32, #tpu.memory_space<vmem>>) dst(%dma_wait3A_201 : memref<10112x128xf32, #tpu.memory_space<vmem_shared>>)
    %dma_start3A_202 = arith.constant 39 : i32
    %dma_start3A_203 = arith.constant 0 : i32
    %dma_start3A_204 = tpu.memref_slice %arg7[%dma_start3A_202, %dma_start3A_203] : memref<40x128xi32, #tpu.memory_space<vmem>> -> memref<1x128xi32, #tpu.memory_space<vmem>>
    %dma_start3A_205 = tpu.memref_squeeze %dma_start3A_204 : memref<1x128xi32, #tpu.memory_space<vmem>> -> memref<128xi32, #tpu.memory_space<vmem>>
    %dma_start3A_206 = arith.constant 0 : i32
    %dma_start3A_207 = arith.constant 0 : i32
    %dma_start3A_208 = tpu.memref_slice %arg2[%dma_start3A_206, %dma_start3A_207] : memref<10000x128xf32, #tpu.memory_space<hbm>> -> memref<10000x128xf32, #tpu.memory_space<hbm>>
    tpu.enqueue_indirect_dma source(%dma_start3A_208 : memref<10000x128xf32, #tpu.memory_space<hbm>>) target(%arg11 : memref<128x128xf32, #tpu.memory_space<vmem>>) offsets(%dma_start3A_205 : memref<128xi32, #tpu.memory_space<vmem>>) semaphore(%arg13 : memref<!tpu.dma_semaphore, #tpu.memory_space<semaphore_mem>>)
    %dma_wait3A_209 = arith.constant 39 : i32
    %dma_wait3A_210 = arith.constant 0 : i32
    %dma_wait3A_211 = tpu.memref_slice %arg7[%dma_wait3A_209, %dma_wait3A_210] : memref<40x128xi32, #tpu.memory_space<vmem>> -> memref<1x128xi32, #tpu.memory_space<vmem>>
    %dma_wait3A_212 = tpu.memref_squeeze %dma_wait3A_211 : memref<1x128xi32, #tpu.memory_space<vmem>> -> memref<128xi32, #tpu.memory_space<vmem>>
    %dma_wait3A_213 = arith.constant 0 : i32
    %dma_wait3A_214 = arith.constant 0 : i32
    %dma_wait3A_215 = tpu.memref_slice %arg2[%dma_wait3A_213, %dma_wait3A_214] : memref<10000x128xf32, #tpu.memory_space<hbm>> -> memref<10000x128xf32, #tpu.memory_space<hbm>>
    tpu.wait_indirect_dma semaphore(%arg13 : memref<!tpu.dma_semaphore, #tpu.memory_space<semaphore_mem>>) src(%dma_wait3A_215 : memref<10000x128xf32, #tpu.memory_space<hbm>>) dst(%arg11 : memref<128x128xf32, #tpu.memory_space<vmem>>)
    %dma_start3A_216 = arith.constant 39 : i32
    %dma_start3A_217 = arith.constant 0 : i32
    %dma_start3A_218 = tpu.memref_slice %arg8[%dma_start3A_216, %dma_start3A_217] : memref<40x128xi32, #tpu.memory_space<vmem>> -> memref<1x128xi32, #tpu.memory_space<vmem>>
    %dma_start3A_219 = tpu.memref_squeeze %dma_start3A_218 : memref<1x128xi32, #tpu.memory_space<vmem>> -> memref<128xi32, #tpu.memory_space<vmem>>
    %dma_start3A_220 = arith.constant 0 : i32
    %dma_start3A_221 = arith.constant 0 : i32
    %dma_start3A_222 = tpu.memref_slice %arg9[%dma_start3A_220, %dma_start3A_221] : memref<10112x128xf32, #tpu.memory_space<vmem_shared>> -> memref<10112x128xf32, #tpu.memory_space<vmem_shared>>
    tpu.enqueue_indirect_dma source(%arg11 : memref<128x128xf32, #tpu.memory_space<vmem>>) target(%dma_start3A_222 : memref<10112x128xf32, #tpu.memory_space<vmem_shared>>) offsets(%dma_start3A_219 : memref<128xi32, #tpu.memory_space<vmem>>) semaphore(%arg15 : memref<!tpu.dma_semaphore, #tpu.memory_space<semaphore_mem>>) {add = true}
    %dma_wait3A_223 = arith.constant 38 : i32
    %dma_wait3A_224 = arith.constant 0 : i32
    %dma_wait3A_225 = tpu.memref_slice %arg8[%dma_wait3A_223, %dma_wait3A_224] : memref<40x128xi32, #tpu.memory_space<vmem>> -> memref<1x128xi32, #tpu.memory_space<vmem>>
    %dma_wait3A_226 = tpu.memref_squeeze %dma_wait3A_225 : memref<1x128xi32, #tpu.memory_space<vmem>> -> memref<128xi32, #tpu.memory_space<vmem>>
    %dma_wait3A_227 = arith.constant 0 : i32
    %dma_wait3A_228 = arith.constant 0 : i32
    %dma_wait3A_229 = tpu.memref_slice %arg9[%dma_wait3A_227, %dma_wait3A_228] : memref<10112x128xf32, #tpu.memory_space<vmem_shared>> -> memref<10112x128xf32, #tpu.memory_space<vmem_shared>>
    tpu.wait_indirect_dma semaphore(%arg14 : memref<!tpu.dma_semaphore, #tpu.memory_space<semaphore_mem>>) src(%arg10 : memref<128x128xf32, #tpu.memory_space<vmem>>) dst(%dma_wait3A_229 : memref<10112x128xf32, #tpu.memory_space<vmem_shared>>)
    %dma_wait3A_230 = arith.constant 39 : i32
    %dma_wait3A_231 = arith.constant 0 : i32
    %dma_wait3A_232 = tpu.memref_slice %arg8[%dma_wait3A_230, %dma_wait3A_231] : memref<40x128xi32, #tpu.memory_space<vmem>> -> memref<1x128xi32, #tpu.memory_space<vmem>>
    %dma_wait3A_233 = tpu.memref_squeeze %dma_wait3A_232 : memref<1x128xi32, #tpu.memory_space<vmem>> -> memref<128xi32, #tpu.memory_space<vmem>>
    %dma_wait3A_234 = arith.constant 0 : i32
    %dma_wait3A_235 = arith.constant 0 : i32
    %dma_wait3A_236 = tpu.memref_slice %arg9[%dma_wait3A_234, %dma_wait3A_235] : memref<10112x128xf32, #tpu.memory_space<vmem_shared>> -> memref<10112x128xf32, #tpu.memory_space<vmem_shared>>
    tpu.wait_indirect_dma semaphore(%arg15 : memref<!tpu.dma_semaphore, #tpu.memory_space<semaphore_mem>>) src(%arg11 : memref<128x128xf32, #tpu.memory_space<vmem>>) dst(%dma_wait3A_236 : memref<10112x128xf32, #tpu.memory_space<vmem_shared>>)
    %barrier3A_237 = arith.constant 0 : index
    tpu.barrier barrier_id(%barrier3A_237)
    %mul3A_238 = arith.constant 632 : i32
    %mul3A_239 = arith.muli %arg1, %mul3A_238 : i32
    %mul3A_240 = arith.constant 632 : i32
    %mul3A_241 = arith.muli %arg1, %mul3A_240 : i32
    "tpu.region"() ({
      %run_scoped3A_242 = tpu.sem_alloc : memref<!tpu.dma_semaphore, #tpu.memory_space<semaphore_mem>>
      %dma_start3A_243 = arith.constant 0 : i32
      %dma_start3A_244 = tpu.memref_slice %arg6[%arg0, %mul3A_241, %dma_start3A_243] : memref<2x10112x128xf32, #tpu.memory_space<hbm>> -> memref<1x632x128xf32, #tpu.memory_space<hbm>>
      %dma_start3A_245 = tpu.memref_squeeze %dma_start3A_244 : memref<1x632x128xf32, #tpu.memory_space<hbm>> -> memref<632x128xf32, #tpu.memory_space<hbm>>
      %dma_start3A_246 = arith.constant 0 : i32
      %dma_start3A_247 = tpu.memref_slice %arg9[%mul3A_239, %dma_start3A_246] : memref<10112x128xf32, #tpu.memory_space<vmem_shared>> -> memref<632x128xf32, #tpu.memory_space<vmem_shared>>
      tpu.enqueue_dma source(%dma_start3A_247 : memref<632x128xf32, #tpu.memory_space<vmem_shared>>) target(%dma_start3A_245 : memref<632x128xf32, #tpu.memory_space<hbm>>) target_semaphore(%run_scoped3A_242 : memref<!tpu.dma_semaphore, #tpu.memory_space<semaphore_mem>>)
      %dma_wait3A_248 = arith.constant 0 : i32
      %dma_wait3A_249 = tpu.memref_slice %arg6[%arg0, %mul3A_241, %dma_wait3A_248] : memref<2x10112x128xf32, #tpu.memory_space<hbm>> -> memref<1x632x128xf32, #tpu.memory_space<hbm>>
      %dma_wait3A_250 = tpu.memref_squeeze %dma_wait3A_249 : memref<1x632x128xf32, #tpu.memory_space<hbm>> -> memref<632x128xf32, #tpu.memory_space<hbm>>
      %dma_wait3A_251 = arith.constant 0 : i32
      %dma_wait3A_252 = tpu.memref_slice %arg9[%mul3A_239, %dma_wait3A_251] : memref<10112x128xf32, #tpu.memory_space<vmem_shared>> -> memref<632x128xf32, #tpu.memory_space<vmem_shared>>
      tpu.wait_dma2 semaphore(%run_scoped3A_242 : memref<!tpu.dma_semaphore, #tpu.memory_space<semaphore_mem>>) src(%dma_wait3A_252 : memref<632x128xf32, #tpu.memory_space<vmem_shared>>) dst(%dma_wait3A_250 : memref<632x128xf32, #tpu.memory_space<hbm>>)
      tpu.yield
    }) : () -> ()
    return
  }
}

module attributes {stable_mosaic.version = 14 : i64} {
  func.func @_tc_prep_body(%arg0: i32, %arg1: memref<1000x2xf32, #tpu.memory_space<vmem>>, %arg2: memref<1000x128xf32, #tpu.memory_space<vmem>>, %arg3: memref<1x128xf32, #tpu.memory_space<vmem>>, %arg4: memref<1000x128xf32, #tpu.memory_space<vmem>>, %arg5: memref<1000x128xf32, #tpu.memory_space<vmem>>) attributes {dimension_semantics = [#tpu.dimension_semantics<arbitrary>], iteration_bounds = array<i64: 10>, scalar_prefetch = 0 : i64, scratch_operands = 0 : i64, tpu.core_type = #tpu.core_type<tc>, window_params = [{transform_indices = @transform_0, window_bounds = array<i64: 1000, 2>}, {transform_indices = @transform_1, window_bounds = array<i64: 1000, 128>}, {pipeline_mode = #tpu.pipeline_mode<synchronous>, transform_indices = @transform_2, window_bounds = array<i64: 1, 128>}, {transform_indices = @transform_3, window_bounds = array<i64: 1000, 128>}, {transform_indices = @transform_4, window_bounds = array<i64: 1000, 128>}]} {
    %get3A = arith.constant 0 : index
    %get3A_0 = arith.constant 0 : index
    %get3A_1 = vector.load %arg1[%get3A, %get3A_0] : memref<1000x2xf32, #tpu.memory_space<vmem>>, vector<1000x2xf32>
    %reduce_sum3A = arith.constant dense<0.000000e+00> : vector<1000xf32>
    %reduce_sum3A_2 = vector.multi_reduction <add>, %get3A_1, %reduce_sum3A [1] : vector<1000x2xf32> to vector<1000xf32>
    %broadcast_in_dim3A = vector.shape_cast %reduce_sum3A_2 : vector<1000xf32> to vector<1000x1xf32>
    %add3A = arith.constant 1.000000e+00 : f32
    %add3A_3 = vector.broadcast %add3A : f32 to vector<1000x1xf32>
    %add3A_4 = arith.addf %broadcast_in_dim3A, %add3A_3 : vector<1000x1xf32>
    %rsqrt3A = math.rsqrt %add3A_4 : vector<1000x1xf32>
    %div3A = arith.constant 1.000000e+00 : f32
    %div3A_5 = vector.broadcast %div3A : f32 to vector<1000x1xf32>
    %div3A_6 = arith.divf %div3A_5, %add3A_4 : vector<1000x1xf32>
    %get3A_7 = arith.constant 0 : index
    %get3A_8 = arith.constant 0 : index
    %get3A_9 = vector.load %arg2[%get3A_7, %get3A_8] : memref<1000x128xf32, #tpu.memory_space<vmem>>, vector<1000x128xf32>
    %max3A = arith.constant 0.000000e+00 : f32
    %max3A_10 = vector.broadcast %max3A : f32 to vector<1000x128xf32>
    %max3A_11 = arith.maximumf %get3A_9, %max3A_10 : vector<1000x128xf32>
    %mul3A = vector.broadcast %rsqrt3A : vector<1000x1xf32> to vector<1000x128xf32>
    %mul3A_12 = arith.mulf %mul3A, %max3A_11 : vector<1000x128xf32>
    %swap3A = arith.constant 0 : index
    %swap3A_13 = arith.constant 0 : index
    %swap3A_14 = vector.load %arg4[%swap3A, %swap3A_13] : memref<1000x128xf32, #tpu.memory_space<vmem>>, vector<1000x128xf32>
    tpu.vector_store %arg4[%swap3A, %swap3A_13], %mul3A_12 {strides = array<i32>} : memref<1000x128xf32, #tpu.memory_space<vmem>>, vector<1000x128xf32>,
    %get3A_15 = arith.constant 0 : index
    %get3A_16 = arith.constant 0 : index
    %get3A_17 = vector.load %arg3[%get3A_15, %get3A_16] : memref<1x128xf32, #tpu.memory_space<vmem>>, vector<1x128xf32>
    %add3A_18 = vector.broadcast %get3A_17 : vector<1x128xf32> to vector<1000x128xf32>
    %add3A_19 = arith.addf %get3A_9, %add3A_18 : vector<1000x128xf32>
    %max3A_20 = arith.constant 0.000000e+00 : f32
    %max3A_21 = vector.broadcast %max3A_20 : f32 to vector<1000x128xf32>
    %max3A_22 = arith.maximumf %add3A_19, %max3A_21 : vector<1000x128xf32>
    %mul3A_23 = vector.broadcast %div3A_6 : vector<1000x1xf32> to vector<1000x128xf32>
    %mul3A_24 = arith.mulf %max3A_22, %mul3A_23 : vector<1000x128xf32>
    %swap3A_25 = arith.constant 0 : index
    %swap3A_26 = arith.constant 0 : index
    %swap3A_27 = vector.load %arg5[%swap3A_25, %swap3A_26] : memref<1000x128xf32, #tpu.memory_space<vmem>>, vector<1000x128xf32>
    tpu.vector_store %arg5[%swap3A_25, %swap3A_26], %mul3A_24 {strides = array<i32>} : memref<1000x128xf32, #tpu.memory_space<vmem>>, vector<1000x128xf32>,
    return
  }
  func.func @transform_0(%arg0: i32) -> (i32, i32) {
    %c0_i32 = arith.constant 0 : i32
    %c0_i32_0 = arith.constant 0 : i32
    return %arg0, %c0_i32 : i32, i32
  }
  func.func @transform_1(%arg0: i32) -> (i32, i32) {
    %c0_i32 = arith.constant 0 : i32
    %c0_i32_0 = arith.constant 0 : i32
    return %arg0, %c0_i32 : i32, i32
  }
  func.func @transform_2(%arg0: i32) -> (i32, i32) {
    %c0_i32 = arith.constant 0 : i32
    %c0_i32_0 = arith.constant 0 : i32
    %c0_i32_1 = arith.constant 0 : i32
    return %c0_i32, %c0_i32_0 : i32, i32
  }
  func.func @transform_3(%arg0: i32) -> (i32, i32) {
    %c0_i32 = arith.constant 0 : i32
    %c0_i32_0 = arith.constant 0 : i32
    return %arg0, %c0_i32 : i32, i32
  }
  func.func @transform_4(%arg0: i32) -> (i32, i32) {
    %c0_i32 = arith.constant 0 : i32
    %c0_i32_0 = arith.constant 0 : i32
    return %arg0, %c0_i32 : i32, i32
  }
}

module attributes {stable_mosaic.version = 14 : i64} {
  func.func @_tc_mid_body(%arg0: i32, %arg1: memref<2x1000x128xf32, #tpu.memory_space<vmem>>, %arg2: memref<1000x2xf32, #tpu.memory_space<vmem>>, %arg3: memref<1000x128xf32, #tpu.memory_space<vmem>>, %arg4: memref<1x128xf32, #tpu.memory_space<vmem>>, %arg5: memref<1x128xf32, #tpu.memory_space<vmem>>, %arg6: memref<1x128xf32, #tpu.memory_space<vmem>>, %arg7: memref<1000x128xf32, #tpu.memory_space<vmem>>, %arg8: memref<1000x128xf32, #tpu.memory_space<vmem>>) attributes {dimension_semantics = [#tpu.dimension_semantics<arbitrary>], iteration_bounds = array<i64: 10>, scalar_prefetch = 0 : i64, scratch_operands = 0 : i64, tpu.core_type = #tpu.core_type<tc>, window_params = [{transform_indices = @transform_0, window_bounds = array<i64: 2, 1000, 128>}, {transform_indices = @transform_1, window_bounds = array<i64: 1000, 2>}, {transform_indices = @transform_2, window_bounds = array<i64: 1000, 128>}, {pipeline_mode = #tpu.pipeline_mode<synchronous>, transform_indices = @transform_3, window_bounds = array<i64: 1, 128>}, {pipeline_mode = #tpu.pipeline_mode<synchronous>, transform_indices = @transform_4, window_bounds = array<i64: 1, 128>}, {pipeline_mode = #tpu.pipeline_mode<synchronous>, transform_indices = @transform_5, window_bounds = array<i64: 1, 128>}, {transform_indices = @transform_6, window_bounds = array<i64: 1000, 128>}, {transform_indices = @transform_7, window_bounds = array<i64: 1000, 128>}]} {
    %get3A = arith.constant 0 : index
    %get3A_0 = arith.constant 0 : index
    %get3A_1 = vector.load %arg2[%get3A, %get3A_0] : memref<1000x2xf32, #tpu.memory_space<vmem>>, vector<1000x2xf32>
    %reduce_sum3A = arith.constant dense<0.000000e+00> : vector<1000xf32>
    %reduce_sum3A_2 = vector.multi_reduction <add>, %get3A_1, %reduce_sum3A [1] : vector<1000x2xf32> to vector<1000xf32>
    %broadcast_in_dim3A = vector.shape_cast %reduce_sum3A_2 : vector<1000xf32> to vector<1000x1xf32>
    %add3A = arith.constant 1.000000e+00 : f32
    %add3A_3 = vector.broadcast %add3A : f32 to vector<1000x1xf32>
    %add3A_4 = arith.addf %broadcast_in_dim3A, %add3A_3 : vector<1000x1xf32>
    %rsqrt3A = math.rsqrt %add3A_4 : vector<1000x1xf32>
    %div3A = arith.constant 1.000000e+00 : f32
    %div3A_5 = vector.broadcast %div3A : f32 to vector<1000x1xf32>
    %div3A_6 = arith.divf %div3A_5, %add3A_4 : vector<1000x1xf32>
    %get3A_7 = arith.constant 0 : index
    %get3A_8 = arith.constant 0 : index
    %get3A_9 = arith.constant 0 : index
    %get3A_10 = vector.load %arg1[%get3A_7, %get3A_8, %get3A_9] : memref<2x1000x128xf32, #tpu.memory_space<vmem>>, vector<1x1000x128xf32>
    %get3A_11 = vector.shape_cast %get3A_10 : vector<1x1000x128xf32> to vector<1000x128xf32>
    %get3A_12 = arith.constant 1 : index
    %get3A_13 = arith.constant 0 : index
    %get3A_14 = arith.constant 0 : index
    %get3A_15 = vector.load %arg1[%get3A_12, %get3A_13, %get3A_14] : memref<2x1000x128xf32, #tpu.memory_space<vmem>>, vector<1x1000x128xf32>
    %get3A_16 = vector.shape_cast %get3A_15 : vector<1x1000x128xf32> to vector<1000x128xf32>
    %add3A_17 = arith.addf %get3A_11, %get3A_16 : vector<1000x128xf32>
    %mul3A = vector.broadcast %rsqrt3A : vector<1000x1xf32> to vector<1000x128xf32>
    %mul3A_18 = arith.mulf %mul3A, %add3A_17 : vector<1000x128xf32>
    %get3A_19 = arith.constant 0 : index
    %get3A_20 = arith.constant 0 : index
    %get3A_21 = vector.load %arg3[%get3A_19, %get3A_20] : memref<1000x128xf32, #tpu.memory_space<vmem>>, vector<1000x128xf32>
    %add3A_22 = arith.addf %mul3A_18, %get3A_21 : vector<1000x128xf32>
    %reduce_sum3A_23 = arith.constant dense<0.000000e+00> : vector<1000xf32>
    %reduce_sum3A_24 = vector.multi_reduction <add>, %add3A_22, %reduce_sum3A_23 [1] : vector<1000x128xf32> to vector<1000xf32>
    %broadcast_in_dim3A_25 = vector.shape_cast %reduce_sum3A_24 : vector<1000xf32> to vector<1000x1xf32>
    %div3A_26 = arith.constant 1.280000e+02 : f32
    %div3A_27 = vector.broadcast %div3A_26 : f32 to vector<1000x1xf32>
    %div3A_28 = arith.divf %broadcast_in_dim3A_25, %div3A_27 : vector<1000x1xf32>
    %sub3A = vector.broadcast %div3A_28 : vector<1000x1xf32> to vector<1000x128xf32>
    %sub3A_29 = arith.subf %add3A_22, %sub3A : vector<1000x128xf32>
    %integer_pow3A = arith.mulf %sub3A_29, %sub3A_29 : vector<1000x128xf32>
    %reduce_sum3A_30 = arith.constant dense<0.000000e+00> : vector<1000xf32>
    %reduce_sum3A_31 = vector.multi_reduction <add>, %integer_pow3A, %reduce_sum3A_30 [1] : vector<1000x128xf32> to vector<1000xf32>
    %broadcast_in_dim3A_32 = vector.shape_cast %reduce_sum3A_31 : vector<1000xf32> to vector<1000x1xf32>
    %div3A_33 = arith.constant 1.280000e+02 : f32
    %div3A_34 = vector.broadcast %div3A_33 : f32 to vector<1000x1xf32>
    %div3A_35 = arith.divf %broadcast_in_dim3A_32, %div3A_34 : vector<1000x1xf32>
    %sub3A_36 = vector.broadcast %div3A_28 : vector<1000x1xf32> to vector<1000x128xf32>
    %sub3A_37 = arith.subf %add3A_22, %sub3A_36 : vector<1000x128xf32>
    %add3A_38 = arith.constant 9.99999974E-6 : f32
    %add3A_39 = vector.broadcast %add3A_38 : f32 to vector<1000x1xf32>
    %add3A_40 = arith.addf %div3A_35, %add3A_39 : vector<1000x1xf32>
    %rsqrt3A_41 = math.rsqrt %add3A_40 : vector<1000x1xf32>
    %mul3A_42 = vector.broadcast %rsqrt3A_41 : vector<1000x1xf32> to vector<1000x128xf32>
    %mul3A_43 = arith.mulf %sub3A_37, %mul3A_42 : vector<1000x128xf32>
    %get3A_44 = arith.constant 0 : index
    %get3A_45 = arith.constant 0 : index
    %get3A_46 = vector.load %arg5[%get3A_44, %get3A_45] : memref<1x128xf32, #tpu.memory_space<vmem>>, vector<1x128xf32>
    %mul3A_47 = vector.broadcast %get3A_46 : vector<1x128xf32> to vector<1000x128xf32>
    %mul3A_48 = arith.mulf %mul3A_43, %mul3A_47 : vector<1000x128xf32>
    %get3A_49 = arith.constant 0 : index
    %get3A_50 = arith.constant 0 : index
    %get3A_51 = vector.load %arg6[%get3A_49, %get3A_50] : memref<1x128xf32, #tpu.memory_space<vmem>>, vector<1x128xf32>
    %add3A_52 = vector.broadcast %get3A_51 : vector<1x128xf32> to vector<1000x128xf32>
    %add3A_53 = arith.addf %mul3A_48, %add3A_52 : vector<1000x128xf32>
    %max3A = arith.constant 0.000000e+00 : f32
    %max3A_54 = vector.broadcast %max3A : f32 to vector<1000x128xf32>
    %max3A_55 = arith.maximumf %add3A_53, %max3A_54 : vector<1000x128xf32>
    %mul3A_56 = vector.broadcast %rsqrt3A : vector<1000x1xf32> to vector<1000x128xf32>
    %mul3A_57 = arith.mulf %mul3A_56, %max3A_55 : vector<1000x128xf32>
    %swap3A = arith.constant 0 : index
    %swap3A_58 = arith.constant 0 : index
    %swap3A_59 = vector.load %arg7[%swap3A, %swap3A_58] : memref<1000x128xf32, #tpu.memory_space<vmem>>, vector<1000x128xf32>
    tpu.vector_store %arg7[%swap3A, %swap3A_58], %mul3A_57 {strides = array<i32>} : memref<1000x128xf32, #tpu.memory_space<vmem>>, vector<1000x128xf32>,
    %get3A_60 = arith.constant 0 : index
    %get3A_61 = arith.constant 0 : index
    %get3A_62 = vector.load %arg4[%get3A_60, %get3A_61] : memref<1x128xf32, #tpu.memory_space<vmem>>, vector<1x128xf32>
    %add3A_63 = vector.broadcast %get3A_62 : vector<1x128xf32> to vector<1000x128xf32>
    %add3A_64 = arith.addf %max3A_55, %add3A_63 : vector<1000x128xf32>
    %max3A_65 = arith.constant 0.000000e+00 : f32
    %max3A_66 = vector.broadcast %max3A_65 : f32 to vector<1000x128xf32>
    %max3A_67 = arith.maximumf %add3A_64, %max3A_66 : vector<1000x128xf32>
    %mul3A_68 = vector.broadcast %div3A_6 : vector<1000x1xf32> to vector<1000x128xf32>
    %mul3A_69 = arith.mulf %max3A_67, %mul3A_68 : vector<1000x128xf32>
    %swap3A_70 = arith.constant 0 : index
    %swap3A_71 = arith.constant 0 : index
    %swap3A_72 = vector.load %arg8[%swap3A_70, %swap3A_71] : memref<1000x128xf32, #tpu.memory_space<vmem>>, vector<1000x128xf32>
    tpu.vector_store %arg8[%swap3A_70, %swap3A_71], %mul3A_69 {strides = array<i32>} : memref<1000x128xf32, #tpu.memory_space<vmem>>, vector<1000x128xf32>,
    return
  }
  func.func @transform_0(%arg0: i32) -> (i32, i32, i32) {
    %c0_i32 = arith.constant 0 : i32
    %c0_i32_0 = arith.constant 0 : i32
    %c0_i32_1 = arith.constant 0 : i32
    return %c0_i32, %arg0, %c0_i32_0 : i32, i32, i32
  }
  func.func @transform_1(%arg0: i32) -> (i32, i32) {
    %c0_i32 = arith.constant 0 : i32
    %c0_i32_0 = arith.constant 0 : i32
    return %arg0, %c0_i32 : i32, i32
  }
  func.func @transform_2(%arg0: i32) -> (i32, i32) {
    %c0_i32 = arith.constant 0 : i32
    %c0_i32_0 = arith.constant 0 : i32
    return %arg0, %c0_i32 : i32, i32
  }
  func.func @transform_3(%arg0: i32) -> (i32, i32) {
    %c0_i32 = arith.constant 0 : i32
    %c0_i32_0 = arith.constant 0 : i32
    %c0_i32_1 = arith.constant 0 : i32
    return %c0_i32, %c0_i32_0 : i32, i32
  }
  func.func @transform_4(%arg0: i32) -> (i32, i32) {
    %c0_i32 = arith.constant 0 : i32
    %c0_i32_0 = arith.constant 0 : i32
    %c0_i32_1 = arith.constant 0 : i32
    return %c0_i32, %c0_i32_0 : i32, i32
  }
  func.func @transform_5(%arg0: i32) -> (i32, i32) {
    %c0_i32 = arith.constant 0 : i32
    %c0_i32_0 = arith.constant 0 : i32
    %c0_i32_1 = arith.constant 0 : i32
    return %c0_i32, %c0_i32_0 : i32, i32
  }
  func.func @transform_6(%arg0: i32) -> (i32, i32) {
    %c0_i32 = arith.constant 0 : i32
    %c0_i32_0 = arith.constant 0 : i32
    return %arg0, %c0_i32 : i32, i32
  }
  func.func @transform_7(%arg0: i32) -> (i32, i32) {
    %c0_i32 = arith.constant 0 : i32
    %c0_i32_0 = arith.constant 0 : i32
    return %arg0, %c0_i32 : i32, i32
  }
}

module attributes {stable_mosaic.version = 14 : i64} {
  func.func @_tc_final_body(%arg0: i32, %arg1: memref<2x1000x128xf32, #tpu.memory_space<vmem>>, %arg2: memref<1000x2xf32, #tpu.memory_space<vmem>>, %arg3: memref<1000x128xf32, #tpu.memory_space<vmem>>, %arg4: memref<1x128xf32, #tpu.memory_space<vmem>>, %arg5: memref<1x128xf32, #tpu.memory_space<vmem>>, %arg6: memref<1000x128xf32, #tpu.memory_space<vmem>>) attributes {dimension_semantics = [#tpu.dimension_semantics<arbitrary>], iteration_bounds = array<i64: 10>, scalar_prefetch = 0 : i64, scratch_operands = 0 : i64, tpu.core_type = #tpu.core_type<tc>, window_params = [{transform_indices = @transform_0, window_bounds = array<i64: 2, 1000, 128>}, {transform_indices = @transform_1, window_bounds = array<i64: 1000, 2>}, {transform_indices = @transform_2, window_bounds = array<i64: 1000, 128>}, {pipeline_mode = #tpu.pipeline_mode<synchronous>, transform_indices = @transform_3, window_bounds = array<i64: 1, 128>}, {pipeline_mode = #tpu.pipeline_mode<synchronous>, transform_indices = @transform_4, window_bounds = array<i64: 1, 128>}, {transform_indices = @transform_5, window_bounds = array<i64: 1000, 128>}]} {
    %get3A = arith.constant 0 : index
    %get3A_0 = arith.constant 0 : index
    %get3A_1 = vector.load %arg2[%get3A, %get3A_0] : memref<1000x2xf32, #tpu.memory_space<vmem>>, vector<1000x2xf32>
    %reduce_sum3A = arith.constant dense<0.000000e+00> : vector<1000xf32>
    %reduce_sum3A_2 = vector.multi_reduction <add>, %get3A_1, %reduce_sum3A [1] : vector<1000x2xf32> to vector<1000xf32>
    %broadcast_in_dim3A = vector.shape_cast %reduce_sum3A_2 : vector<1000xf32> to vector<1000x1xf32>
    %add3A = arith.constant 1.000000e+00 : f32
    %add3A_3 = vector.broadcast %add3A : f32 to vector<1000x1xf32>
    %add3A_4 = arith.addf %broadcast_in_dim3A, %add3A_3 : vector<1000x1xf32>
    %rsqrt3A = math.rsqrt %add3A_4 : vector<1000x1xf32>
    %get3A_5 = arith.constant 0 : index
    %get3A_6 = arith.constant 0 : index
    %get3A_7 = arith.constant 0 : index
    %get3A_8 = vector.load %arg1[%get3A_5, %get3A_6, %get3A_7] : memref<2x1000x128xf32, #tpu.memory_space<vmem>>, vector<1x1000x128xf32>
    %get3A_9 = vector.shape_cast %get3A_8 : vector<1x1000x128xf32> to vector<1000x128xf32>
    %get3A_10 = arith.constant 1 : index
    %get3A_11 = arith.constant 0 : index
    %get3A_12 = arith.constant 0 : index
    %get3A_13 = vector.load %arg1[%get3A_10, %get3A_11, %get3A_12] : memref<2x1000x128xf32, #tpu.memory_space<vmem>>, vector<1x1000x128xf32>
    %get3A_14 = vector.shape_cast %get3A_13 : vector<1x1000x128xf32> to vector<1000x128xf32>
    %add3A_15 = arith.addf %get3A_9, %get3A_14 : vector<1000x128xf32>
    %mul3A = vector.broadcast %rsqrt3A : vector<1000x1xf32> to vector<1000x128xf32>
    %mul3A_16 = arith.mulf %mul3A, %add3A_15 : vector<1000x128xf32>
    %get3A_17 = arith.constant 0 : index
    %get3A_18 = arith.constant 0 : index
    %get3A_19 = vector.load %arg3[%get3A_17, %get3A_18] : memref<1000x128xf32, #tpu.memory_space<vmem>>, vector<1000x128xf32>
    %add3A_20 = arith.addf %mul3A_16, %get3A_19 : vector<1000x128xf32>
    %reduce_sum3A_21 = arith.constant dense<0.000000e+00> : vector<1000xf32>
    %reduce_sum3A_22 = vector.multi_reduction <add>, %add3A_20, %reduce_sum3A_21 [1] : vector<1000x128xf32> to vector<1000xf32>
    %broadcast_in_dim3A_23 = vector.shape_cast %reduce_sum3A_22 : vector<1000xf32> to vector<1000x1xf32>
    %div3A = arith.constant 1.280000e+02 : f32
    %div3A_24 = vector.broadcast %div3A : f32 to vector<1000x1xf32>
    %div3A_25 = arith.divf %broadcast_in_dim3A_23, %div3A_24 : vector<1000x1xf32>
    %sub3A = vector.broadcast %div3A_25 : vector<1000x1xf32> to vector<1000x128xf32>
    %sub3A_26 = arith.subf %add3A_20, %sub3A : vector<1000x128xf32>
    %integer_pow3A = arith.mulf %sub3A_26, %sub3A_26 : vector<1000x128xf32>
    %reduce_sum3A_27 = arith.constant dense<0.000000e+00> : vector<1000xf32>
    %reduce_sum3A_28 = vector.multi_reduction <add>, %integer_pow3A, %reduce_sum3A_27 [1] : vector<1000x128xf32> to vector<1000xf32>
    %broadcast_in_dim3A_29 = vector.shape_cast %reduce_sum3A_28 : vector<1000xf32> to vector<1000x1xf32>
    %div3A_30 = arith.constant 1.280000e+02 : f32
    %div3A_31 = vector.broadcast %div3A_30 : f32 to vector<1000x1xf32>
    %div3A_32 = arith.divf %broadcast_in_dim3A_29, %div3A_31 : vector<1000x1xf32>
    %sub3A_33 = vector.broadcast %div3A_25 : vector<1000x1xf32> to vector<1000x128xf32>
    %sub3A_34 = arith.subf %add3A_20, %sub3A_33 : vector<1000x128xf32>
    %add3A_35 = arith.constant 9.99999974E-6 : f32
    %add3A_36 = vector.broadcast %add3A_35 : f32 to vector<1000x1xf32>
    %add3A_37 = arith.addf %div3A_32, %add3A_36 : vector<1000x1xf32>
    %rsqrt3A_38 = math.rsqrt %add3A_37 : vector<1000x1xf32>
    %mul3A_39 = vector.broadcast %rsqrt3A_38 : vector<1000x1xf32> to vector<1000x128xf32>
    %mul3A_40 = arith.mulf %sub3A_34, %mul3A_39 : vector<1000x128xf32>
    %get3A_41 = arith.constant 0 : index
    %get3A_42 = arith.constant 0 : index
    %get3A_43 = vector.load %arg4[%get3A_41, %get3A_42] : memref<1x128xf32, #tpu.memory_space<vmem>>, vector<1x128xf32>
    %mul3A_44 = vector.broadcast %get3A_43 : vector<1x128xf32> to vector<1000x128xf32>
    %mul3A_45 = arith.mulf %mul3A_40, %mul3A_44 : vector<1000x128xf32>
    %get3A_46 = arith.constant 0 : index
    %get3A_47 = arith.constant 0 : index
    %get3A_48 = vector.load %arg5[%get3A_46, %get3A_47] : memref<1x128xf32, #tpu.memory_space<vmem>>, vector<1x128xf32>
    %add3A_49 = vector.broadcast %get3A_48 : vector<1x128xf32> to vector<1000x128xf32>
    %add3A_50 = arith.addf %mul3A_45, %add3A_49 : vector<1000x128xf32>
    %swap3A = arith.constant 0 : index
    %swap3A_51 = arith.constant 0 : index
    %swap3A_52 = vector.load %arg6[%swap3A, %swap3A_51] : memref<1000x128xf32, #tpu.memory_space<vmem>>, vector<1000x128xf32>
    tpu.vector_store %arg6[%swap3A, %swap3A_51], %add3A_50 {strides = array<i32>} : memref<1000x128xf32, #tpu.memory_space<vmem>>, vector<1000x128xf32>,
    return
  }
  func.func @transform_0(%arg0: i32) -> (i32, i32, i32) {
    %c0_i32 = arith.constant 0 : i32
    %c0_i32_0 = arith.constant 0 : i32
    %c0_i32_1 = arith.constant 0 : i32
    return %c0_i32, %arg0, %c0_i32_0 : i32, i32, i32
  }
  func.func @transform_1(%arg0: i32) -> (i32, i32) {
    %c0_i32 = arith.constant 0 : i32
    %c0_i32_0 = arith.constant 0 : i32
    return %arg0, %c0_i32 : i32, i32
  }
  func.func @transform_2(%arg0: i32) -> (i32, i32) {
    %c0_i32 = arith.constant 0 : i32
    %c0_i32_0 = arith.constant 0 : i32
    return %arg0, %c0_i32 : i32, i32
  }
  func.func @transform_3(%arg0: i32) -> (i32, i32) {
    %c0_i32 = arith.constant 0 : i32
    %c0_i32_0 = arith.constant 0 : i32
    %c0_i32_1 = arith.constant 0 : i32
    return %c0_i32, %c0_i32_0 : i32, i32
  }
  func.func @transform_4(%arg0: i32) -> (i32, i32) {
    %c0_i32 = arith.constant 0 : i32
    %c0_i32_0 = arith.constant 0 : i32
    %c0_i32_1 = arith.constant 0 : i32
    return %c0_i32, %c0_i32_0 : i32, i32
  }
  func.func @transform_5(%arg0: i32) -> (i32, i32) {
    %c0_i32 = arith.constant 0 : i32
    %c0_i32_0 = arith.constant 0 : i32
    return %arg0, %c0_i32 : i32, i32
  }
}

</mosaic_0001>

<sc_bundles>
// kernel: kernel.11.cloned.1.call-start
scs
__scs_entry_jumppad:
0x0: {  	(pc) =	sbr.rel $0x88, $3  }
0x1: {  	(tag) =	ssettag $0x0;
	lr =	simm.s32 $0x1  }
0x2: {  	[smem:$0x3F99] =	sst lr;
	_ =	strace $0xD0000000  }
0x3: {  	_ = 	snop  }
0x4: {  	_ = 	snop  }
0x5: {  	_ = 	snop  }
0x6: {  	_ = 	snop  }
0x7: {  	_ = 	snop  }
__scs_overlays_trampoline_lowered:
0x8: {  	[smem:$0x3FA8] =	sst s0  }
0x9: {  	[smem:$0x3FA9] =	sst s1  }
0xa: {  	[smem:$0x3FAA] =	sst s2  }
0xb: {  	[smem:$0x3FAB] =	sst s3  }
0xc: {  	[smem:$0x3FAC] =	sst s4  }
0xd: {  	[smem:$0x3FAD] =	sst s5  }
0xe: {  	[smem:$0x3FAE] =	sst s6  }
0xf: {  	[smem:$0x3FAF] =	sst s7  }
0x10: {  	[smem:$0x3FB0] =	sst s8  }
0x11: {  	[smem:$0x3FB1] =	sst s9;
	s0 =	simm.s32 @!p0 $0x0  }
0x12: {  	s1 =	sld [smem:$0x3F97];
	s0 =	simm.s32 @p0 $0x1  }
0x13: {  	[smem:$0x3FB2] =	sst s0;
	s0 =	simm.s32 @!p1 $0x0  }
0x14: {  	s2 =	sld [smem:$0x3F96];
	s0 =	simm.s32 @p1 $0x1  }
0x15: {  	[smem:$0x3FB3] =	sst s0;
	s0 =	simm.s32 @!p2 $0x0  }
0x16: {  	s3 =	sld [smem:$0x3FDB];
	s0 =	simm.s32 @p2 $0x1  }
0x17: {  	s4 =	simm.s32 $0x1BF5;
	[smem:$0x3FB5] =	sst s0  }
0x18: {  	s0 =	sld [smem:$0x3F98];
	_ =	swait.ge [sflag:s4], $0x0  }
0x19: {  	s7 =	sld [smem:$0x3F99]  }
0x1a: {  	s8 =	sadd.s32 $0xFFFFE003, lr  }
0x1b: {  	s9 =	sadd.s32 $0xFFFFFEF7, lr;
	s5 =	simm.s32 $0xFFFFFFFF;
	p2 =	slt.u32 s8, $0xFFFFF086  }
0x1c: {  	p1 =	slt.u32 s9, $0xF7A;
	s5 =	simm.s32 @!p2 $0x0  }
0x1d: {  	s5 =	simm.s32 @p1 $0x1;
	p0 =	seq.s32 s7, s2  }
0x1e: {  	s7 =	smul.u32 @!p0 $0xF7A, s2;
	p2 =	seq.s32 @!p0 s5, $0x0  }
0x1f: {  	s9 =	smul.u32 $0xF7A, s1;
	s8 =	simm.s32 @!p0 $0x1BF5;
	p2 =	por !p2, p0  }
0x20: {  	[sflag:s8] =	ssyncset.s32 @!p0 $0xFFFFF086;
	s6 =	sadd.s32 @!p0 s3, s7;
	s7 =	simm.s32 @!p0 $0x108  }
0x21: {  	s3 =	sadd.s32 s3, s9;
	s6 =	sadd.s32 @!p0 $0x88, s6;
	s7 =	simm.s32 @p2 $0x1082  }
0x22: {  	[simem:s7], [sflag:s8] =	dma.local @!p0 [hbm:s6], $0xF7A  }
0x23: {  	s9 =	sor.u32 $0xD0000000, s2;
	s6 =	simm.s32 $0x108;
	_ =	swait.ge @!p0 [sflag:s8], $0x0  }
0x24: {  	s3 =	sadd.s32 $0x88, s3;
	s6 =	simm.s32 @!p1 $0x1082;
	[sflag:s4] =	ssyncset.s32 $0xFFFFF086  }
0x25: {  	[simem:s6], [sflag:s4] =	dma.local [hbm:s3], $0xF7A  }
0x26: {  	[smem:$0x3F99] =	sst s1;
	(tag) =	ssettag s2;
	_ =	strace s9  }
0x27: {  	s1 =	sld [smem:$0x3FA9]  }
0x28: {  	s2 =	sld [smem:$0x3FAA]  }
0x29: {  	s4 =	sld [smem:$0x3FAC]  }
0x2a: {  	p0 =	seq.s32 s5, $0x0;
	s5 =	sld [smem:$0x3FAD]  }
0x2b: {  	s6 =	sld [smem:$0x3FAE]  }
0x2c: {  	s7 =	sld [smem:$0x3FAF]  }
0x2d: {  	s3 =	simm.s32 $0x108;
	s8 =	sld [smem:$0x3FB0]  }
0x2e: {  	s3 =	simm.s32 @!p0 $0x1082;
	s9 =	sld [smem:$0x3FB1]  }
0x2f: {  	lr =	sadd.s32 s0, s3;
	s0 =	sld [smem:$0x3FA8]  }
0x30: {  	s3 =	sld [smem:$0x3FAB]  }
0x31: {  	[smem:$0x3FB4] =	sst s10  }
0x32: {  	s10 =	sld [smem:$0x3FB2];
	_ =	sdelay $0x3  }
0x33: {  	p0 =	seq.s32 s10, $0x1;
	s10 =	sld [smem:$0x3FB4];
	_ =	sdelay $0x3  }
0x34: {  	[smem:$0x3FB4] =	sst s10  }
0x35: {  	s10 =	sld [smem:$0x3FB3];
	_ =	sdelay $0x3  }
0x36: {  	p1 =	seq.s32 s10, $0x1;
	s10 =	sld [smem:$0x3FB4];
	_ =	sdelay $0x3  }
0x37: {  	[smem:$0x3FB4] =	sst s10  }
0x38: {  	s10 =	sld [smem:$0x3FB5]  }
0x39: {  	_ = 	snop;
	(pc) =	sbr.ind lr, $3  }
0x3a: {  	_ = 	snop  }
0x3b: {  	_ = 	snop  }
0x3c: {  	p2 =	seq.s32 s10, $0x1;
	s10 =	sld [smem:$0x3FB4]  }
0x3d: {  	_ =	shalt  }
0x3e: {  	_ =	shalt  }
0x3f: {  	_ =	shalt  }
0x40: {  	_ =	shalt  }
0x41: {  	_ =	shalt  }
0x42: {  	_ =	shalt  }
0x43: {  	_ =	shalt  }
0x44: {  	_ =	shalt  }
0x45: {  	_ =	shalt  }
0x46: {  	_ =	shalt  }
0x47: {  	_ =	shalt  }
0x48: {  	_ =	shalt  }
0x49: {  	_ =	shalt  }
0x4a: {  	_ =	shalt  }
0x4b: {  	_ =	shalt  }
0x4c: {  	_ =	shalt  }
0x4d: {  	_ =	shalt  }
0x4e: {  	_ =	shalt  }
0x4f: {  	_ =	shalt  }
0x50: {  	_ =	shalt  }
0x51: {  	_ =	shalt  }
0x52: {  	_ =	shalt  }
0x53: {  	_ =	shalt  }
0x54: {  	_ =	shalt  }
0x55: {  	_ =	shalt  }
0x56: {  	_ =	shalt  }
0x57: {  	_ =	shalt  }
0x58: {  	_ =	shalt  }
0x59: {  	_ =	shalt  }
0x5a: {  	_ =	shalt  }
0x5b: {  	_ =	shalt  }
0x5c: {  	_ =	shalt  }
0x5d: {  	_ =	shalt  }
0x5e: {  	_ =	shalt  }
0x5f: {  	_ =	shalt  }
0x60: {  	_ =	shalt  }
0x61: {  	_ =	shalt  }
0x62: {  	_ =	shalt  }
0x63: {  	_ =	shalt  }
0x64: {  	_ =	shalt  }
0x65: {  	_ =	shalt  }
0x66: {  	_ =	shalt  }
0x67: {  	_ =	shalt  }
0x68: {  	_ =	shalt  }
0x69: {  	_ =	shalt  }
0x6a: {  	_ =	shalt  }
0x6b: {  	_ =	shalt  }
0x6c: {  	_ =	shalt  }
0x6d: {  	_ =	shalt  }
0x6e: {  	_ =	shalt  }
0x6f: {  	_ =	shalt  }
0x70: {  	_ =	shalt  }
0x71: {  	_ =	shalt  }
0x72: {  	_ =	shalt  }
0x73: {  	_ =	shalt  }
0x74: {  	_ =	shalt  }
0x75: {  	_ =	shalt  }
0x76: {  	_ =	shalt  }
0x77: {  	_ =	shalt  }
0x78: {  	_ =	shalt  }
0x79: {  	_ =	shalt  }
0x7a: {  	_ =	shalt  }
0x7b: {  	_ =	shalt  }
0x7c: {  	_ =	shalt  }
0x7d: {  	_ =	shalt  }
0x7e: {  	_ =	shalt  }
0x7f: {  	_ =	shalt  }
0x80: {  	_ =	shalt  }
0x81: {  	_ =	shalt  }
0x82: {  	_ =	shalt  }
0x83: {  	_ =	shalt  }
0x84: {  	_ =	shalt  }
0x85: {  	_ =	shalt  }
0x86: {  	_ =	shalt  }
0x87: {  	_ =	shalt  }
.Lfunc_end0:
.L_simem_size_0:
called_computation.1_lowered:
.L_overlay_start_0:
0x88: {  	s2 =	sld [smem:$0x3FD9]  }
0x89: {  	s3 =	sld [smem:$0x3FFE];
	_ =	sdelay $0x1  }
0x8a: {  	s1 =	srdreg.scid  }
0x8b: {  	s0 =	sand.u32 $0x1, s1  }
0x8c: {  	s17 =	sshll.u32 s0, $0xA;
	s2 =	sadd.s32 s3, s2  }
0x8d: {  	s2 =	sadd.s32 s2, s17  }
0x8e: {  	[smem:$0x3FC0] =	sst s2  }
0x8f: {  	_ = 	snop  }
0x90: {  	s2 =	sld [smem:$0x3FD0];
	(tm) =	ssettm $0x1  }
0x91: {  	s18 =	sld [smem:$0x3FFB];
	_ =	sdelay $0x3  }
0x92: {  	_ =	strace s18  }
0x93: {  	s3 =	sld [smem:$0x3FFC];
	_ =	sdelay $0x3  }
0x94: {  	_ =	strace s3  }
0x95: {  	s3 =	sld [smem:$0x3FFD];
	_ =	sdelay $0x3  }
0x96: {  	_ =	strace s3  }
0x97: {  	_ =	strace $0x8FFFFFFF  }
0x98: {  	s19 =	sld [smem:$0x3FDB];
	_ =	sdelay $0x1  }
0x99: {  	s4 =	simm.s32 $_scs_section_size  }
0x9a: {  	s5 =	simm.s32 $_size__tile_overlayer_lowered;
	s6 =	simm.s32 $_tile_overlayer_lowered  }
0x9b: {  	s22 =	simm.s32 $0x1BFF;
	s21 =	sshll.u32 s6, $0x1;
	s3 =	sadd.s32 s4, s19  }
0x9c: {  	s7 =	simm.s32 $0x0;
	s20 =	sshll.u32 s5, $0x1;
	s5 =	sadd.s32 s21, s3  }
0x9d: {  	[timem:s7], [sflag:s22] =	dma.local [hbm:s5], s20  }
0x9e: {  	_ =	swait.ge [sflag:s22], s20  }
0x9f: {  	s4 =	ssub.s32 $0x0, s20;
	[sflag:s22] =	ssyncset.done $0x0  }
0xa0: {  	[sflag:s22] =	ssyncadd.s32 s4;
	_ =	sdelay $0x1  }
0xa1: {  	s23 =	simm.s32 $0x1B8B  }
0xa2: {  	_ =	swait.ge [sflag:s23], $0x1  }
0xa3: {  	[sflag:s23] =	ssyncset.done $0x0  }
0xa4: {  	s25 =	simm.s32 $0x1B8E;
	s24 =	sld [smem:$0x3FFE];
	[sflag:s23] =	ssyncadd.s32 $0xFFFFFFFF  }
0xa5: {  	s26 =	simm.s32 $execute0_lowered;
	[smem:$0x3FD2] =	sst s25  }
0xa6: {  	s5 =	sshll.u32 s26, $0x1;
	_ =	strace $0x80000049;
	[dreg:$0x1] =	wrdreg $0xFFFFFFFF  }
0xa7: {  	s28 =	simm.s32 $_size_execute0_lowered;
	s3 =	sadd.s32 s3, s5;
	[dreg:$0x0] =	wrdreg $0x0  }
0xa8: {  	s5 =	sshll.u32 s28, $0x1;
	[dreg:$0x2] =	wrdreg s3  }
0xa9: {  	[dreg:$0x3] =	wrdreg s5  }
0xaa: {  	[dreg:$0x4] =	wrdreg $0xC0  }
0xab: {  	_ =	task [dreg:s7], $0x5FFFF  }
0xac: {  	[dreg:$0x1] =	wrdreg $0xFFFFFFFF  }
0xad: {  	[dreg:$0x0] =	wrdreg $0x60  }
0xae: {  	[dreg:$0x2] =	wrdreg s2  }
0xaf: {  	[dreg:$0x3] =	wrdreg s24  }
0xb0: {  	[dreg:$0x4] =	wrdreg $0x28000  }
0xb1: {  	[dreg:$0x5] =	wrdreg $0x9  }
0xb2: {  	_ =	task.clear_ibuf [dreg:s7], $0x6FFFF;
	_ =	strace $0x90000049  }
0xb3: {  	s29 =	simm.s32 $0x9;
	_ =	strace $0x8000004B  }
0xb4: {  	_ =	swait.ge [sflag:s29], $0x1  }
0xb5: {  	[sflag:s29] =	ssyncadd.s32 $0xFFFFFFFF  }
0xb6: {  	_ =	strace $0x9000004B  }
0xb7: {  	_ =	sfence  }
0xb8: {  	s30 =	sld [smem:$0x0];
	_ =	sdelay $0x2  }
0xb9: {  	s31 =	sshll.u32 s1, $0xD;
	s1 =	sshrl.u32 s1, $0x2  }
0xba: {  	s3 =	sand.u32 $0x4000, s31;
	s1 =	sadd.s32 s1, s30  }
0xbb: {  	s0 =	sor.u32 s3, s0;
	s1 =	sshll.u32 s1, $0x11  }
0xbc: {  	s0 =	sor.u32 s1, s0  }
0xbd: {  	s0 =	sadd.s32 $0x8F2B, s0  }
0xbe: {  	[sflag:s0] =	ssyncadd.remote.s32 $0x1  }
0xbf: {  	_ =	sfence.sel $0xFFFF  }
0xc0: {  	[dreg:$0x0] =	wrdreg $0xFFFFFFFF;
	(pc) =	sbr.abs _section_cstart, $3  }
0xc1: {  	[dreg:$0x1] =	wrdreg $0xFFFFFFFF  }
0xc2: {  	_ =	task.clear_ibuf [dreg:s7], $0x2FFFF;
	_ =	strace $0x9FFFFFFF  }
0xc3: {  	(tm) =	ssettm $0x7FFFFFFF  }
tec
execute0_lowered:
.L_overlay_start_1:
0x0: {  	(tag) =	ssettag $0x1  }
0x1: {  	s1 =	rddreg [dreg:$0x0]  }
0x2: {  	s6 =	rddreg [dreg:$0x1]  }
0x3: {  	s2 =	rddreg [dreg:$0x2];
	s3 =	srdreg.scid  }
0x4: {  	s4 =	simm.s32 $0x0;
	s16 =	simm.s32 $0x80;
	s17 =	simm.s32 $0x16400  }
0x5: {  	s18 =	simm.s32 $0x1;
	s19 =	simm.s32 $0x1A400;
	s20 =	simm.s32 $0x2  }
0x6: {  	s21 =	simm.s32 $0x3;
	s22 =	simm.s32 $0x4;
	s23 =	simm.s32 $0x2680  }
0x7: {  	s28 =	simm.s32 $0x2780;
	s29 =	simm.s32 $0x0;
	s7 =	sand.u32 $0x1, s3  }
0x8: {  	s3 =	stileid.u32;
	[smem:$0x7FF] =	sst s4;
	s10 =	sadd.s32 $0xCE00, s6  }
0x9: {  	s11 =	sadd.s32 $0x2E00, s6;
	s5 =	sadd.s32 $0x16E00, s6;
	s8 =	smul.u32 $0x13C000, s7  }
0xa: {  	s9 =	smul.u32 $0x13C00, s3;
	_ =	strace $0x8000004A;
	s24 =	sshll.u32 s7, $0x4  }
0xb: {  	s7 =	ssub.s32 $0x2, s7;
	s12 =	smul.u32 $0x4F000, s3;
	s26 =	sshll.u32 s3, $0x6  }
0xc: {  	s13 =	sshrl.u32 s7, $0x1;
	s8 =	sadd.s32 s9, s8;
	s9 =	sor.u32 s3, s24  }
0xd: {  	s13 =	ssub.s32 s7, s13;
	s25 =	sshrl.u32 s12, $0x2;
	s24 =	simm.s32 $0x1300  }
0xe: {  	s8 =	sshrl.u32 s8, $0x3;
	s9 =	smul.u32 $0x2800, s9;
	s15 =	sadd.s32 s25, s2  }
0xf: {  	s12 =	smax.u32 s13, $0x1;
	s25 =	simm.s32 $0x2700;
	s14 =	sadd.s32 s8, s6  }
0x10: {  	s6 =	sor.u32 $0x1C05, s26;
	s13 =	sshrl.u32 s15, $0x3;
	s30 =	sshrl.u32 s9, $0x3  }
0x11: {  	s15 =	simm.s32 $0x1400;
	s26 =	simm.s32 $0x1380;
	s31 =	sadd.s32 $0x280, s30  }
0x12: {  	s7 =	sadd.s32 s10, s30;
	s8 =	sadd.s32 s11, s30;
	s9 =	sadd.s32 s10, s31  }
0x13: {  	s10 =	sadd.s32 s11, s31;
	s11 =	sadd.s32 $0x19600, s14;
	s14 =	simm.s32 $0x5  }
.LBB2_1:
0x14: {  	[spmem:s13], [sflag:s6] =	dma.local [hbm:s5], $0x2780  }
0x15: {  	_ =	swait.ge [sflag:s14], $0x2780  }
0x16: {  	[sflag:s14] =	ssyncset.done $0x0  }
0x17: {  	[sflag:s14] =	ssyncadd.s32 $0xFFFFD880  }
0x18: {  	[bflag:$0x0] =	sbarrier.arrive $0xFFFF  }
0x19: {  	[tilespmem:s4], [sflag:$0x5] =	stream.linear.gather [hbm4b:s7+s4], $0x1400, $0x38;
	[tilespmem:$0x1E400] =	vst v63  }
0x1a: {  	_ =	swait.ge [sflag:s14], $0x1400  }
0x1b: {  	[sflag:s14] =	ssyncset.done $0x0  }
0x1c: {  	[sflag:s14] =	ssyncadd.s32 $0xFFFFEC00  }
0x1d: {  	[tilespmem:s15], [sflag:$0x5] =	stream.linear.gather [hbm4b:s8+s4], $0x1400, $0x38;
	[tilespmem:$0x1E400] =	vst v63  }
0x1e: {  	_ =	swait.ge [sflag:s14], $0x1400  }
0x1f: {  	[sflag:s14] =	ssyncset.done $0x0  }
0x20: {  	[sflag:s14] =	ssyncadd.s32 $0xFFFFEC00  }
0x21: {  	[tilespmem:s17], [sflag:$0x1] =	stream.indirect.gather [hbm4b:s1+s16], $0x80, s4, s16, $0xb8;
	[tilespmem:$0x1E400] =	vst v63  }
0x22: {  	_ =	swait.ge [sflag:s18], $0x4000  }
0x23: {  	[sflag:s18] =	ssyncset.done $0x0  }
0x24: {  	[sflag:s18] =	ssyncadd.s32 $0xFFFFC000  }
0x25: {  	[spmem:s2] =	stream.indirect.scatter.add.f32 [tilespmem:s17], [sflag:$0x3], $0x80, s15, s16, $0xb8;
	[tilespmem:$0x1E400] =	vst v63  }
0x26: {  	_ = 	snop  }
0x27: {  	[tilespmem:s19], [sflag:$0x2] =	stream.indirect.gather [hbm4b:s1+s16], $0x80, s16, s16, $0xb8;
	[tilespmem:$0x1E400] =	vst v63  }
0x28: {  	_ =	swait.ge [sflag:s20], $0x4000  }
0x29: {  	[sflag:s20] =	ssyncset.done $0x0  }
0x2a: {  	s30 =	simm.s32 $0x1480;
	[sflag:s20] =	ssyncadd.s32 $0xFFFFC000  }
0x2b: {  	[spmem:s2] =	stream.indirect.scatter.add.f32 [tilespmem:s19], [sflag:$0x4], $0x80, s30, s16, $0xb8;
	[tilespmem:$0x1E400] =	vst v63  }
0x2c: {  	_ =	swait.ge [sflag:s21], $0x4000  }
0x2d: {  	[sflag:s21] =	ssyncset.done $0x0  }
0x2e: {  	s30 =	simm.s32 $0x100;
	[sflag:s21] =	ssyncadd.s32 $0xFFFFC000  }
0x2f: {  	[tilespmem:s17], [sflag:$0x1] =	stream.indirect.gather [hbm4b:s1+s16], $0x80, s30, s16, $0xb8;
	[tilespmem:$0x1E400] =	vst v63  }
0x30: {  	_ =	swait.ge [sflag:s18], $0x4000  }
0x31: {  	[sflag:s18] =	ssyncset.done $0x0  }
0x32: {  	s30 =	simm.s32 $0x1500;
	[sflag:s18] =	ssyncadd.s32 $0xFFFFC000  }
0x33: {  	[spmem:s2] =	stream.indirect.scatter.add.f32 [tilespmem:s17], [sflag:$0x3], $0x80, s30, s16, $0xb8;
	[tilespmem:$0x1E400] =	vst v63  }
0x34: {  	_ =	swait.ge [sflag:s22], $0x4000  }
0x35: {  	[sflag:s22] =	ssyncset.done $0x0  }
0x36: {  	s31 =	simm.s32 $0x180;
	s30 =	simm.s32 $0xFFFFBC00;
	[sflag:s22] =	ssyncadd.s32 $0xFFFFC000  }
.LBB2_2:
0x37: {  	[tilespmem:s19], [sflag:$0x2] =	stream.indirect.gather [hbm4b:s1+s16], $0x80, s31, s16, $0xb8;
	[tilespmem:$0x1E400] =	vst v63  }
0x38: {  	s31 =	smov.u32 s30  }
0x39: {  	p0 =	sne.s32 s30, $0xFFFFFC00;
	s30 =	sadd.s32 $0x400, s30;
	_ =	swait.ge [sflag:s20], $0x4000  }
0x3a: {  	s31 =	sshra.s32 s31, $0x2;
	[sflag:s20] =	ssyncset.done $0x0  }
0x3b: {  	s0 =	sadd.s32 $0x2680, s31;
	[sflag:s20] =	ssyncadd.s32 $0xFFFFC000  }
0x3c: {  	[spmem:s2] =	stream.indirect.scatter.add.f32 [tilespmem:s19], [sflag:$0x4], $0x80, s0, s16, $0xb8;
	[tilespmem:$0x1E400] =	vst v63  }
0x3d: {  	_ =	swait.ge [sflag:s21], $0x4000  }
0x3e: {  	[sflag:s21] =	ssyncset.done $0x0  }
0x3f: {  	s0 =	sadd.s32 $0x1300, s31;
	[sflag:s21] =	ssyncadd.s32 $0xFFFFC000  }
0x40: {  	[tilespmem:s17], [sflag:$0x1] =	stream.indirect.gather [hbm4b:s1+s16], $0x80, s0, s16, $0xb8;
	[tilespmem:$0x1E400] =	vst v63  }
0x41: {  	_ =	swait.ge [sflag:s18], $0x4000  }
0x42: {  	[sflag:s18] =	ssyncset.done $0x0  }
.Ltmp0:
0x43: {  	s0 =	sadd.s32 $0x2700, s31;
	[sflag:s18] =	ssyncadd.s32 $0xFFFFC000;
	(pc) =	sbr.rel @p0 .LBB2_2-.Ltmp0, $4  }
0x44: {  	[spmem:s2] =	stream.indirect.scatter.add.f32 [tilespmem:s17], [sflag:$0x3], $0x80, s0, s16, $0xb8;
	[tilespmem:$0x1E400] =	vst v63  }
0x45: {  	_ =	swait.ge [sflag:s22], $0x4000  }
0x46: {  	[sflag:s22] =	ssyncset.done $0x0  }
0x47: {  	s31 =	sadd.s32 $0x1380, s31;
	[sflag:s22] =	ssyncadd.s32 $0xFFFFC000  }
0x48: {  	[tilespmem:s19], [sflag:$0x2] =	stream.indirect.gather [hbm4b:s1+s16], $0x80, s31, s16, $0xb8;
	[tilespmem:$0x1E400] =	vst v63  }
0x49: {  	_ =	swait.ge [sflag:s20], $0x4000  }
0x4a: {  	[sflag:s20] =	ssyncset.done $0x0  }
0x4b: {  	[sflag:s20] =	ssyncadd.s32 $0xFFFFC000  }
0x4c: {  	[spmem:s2] =	stream.indirect.scatter.add.f32 [tilespmem:s19], [sflag:$0x4], $0x80, s23, s16, $0xb8;
	[tilespmem:$0x1E400] =	vst v63  }
0x4d: {  	_ =	swait.ge [sflag:s21], $0x4000  }
0x4e: {  	[sflag:s21] =	ssyncset.done $0x0  }
0x4f: {  	[sflag:s21] =	ssyncadd.s32 $0xFFFFC000  }
0x50: {  	[tilespmem:s17], [sflag:$0x1] =	stream.indirect.gather [hbm4b:s1+s16], $0x80, s24, s16, $0xb8;
	[tilespmem:$0x1E400] =	vst v63  }
0x51: {  	_ =	swait.ge [sflag:s18], $0x4000  }
0x52: {  	[sflag:s18] =	ssyncset.done $0x0  }
0x53: {  	[sflag:s18] =	ssyncadd.s32 $0xFFFFC000  }
0x54: {  	[spmem:s2] =	stream.indirect.scatter.add.f32 [tilespmem:s17], [sflag:$0x3], $0x80, s25, s16, $0xb8;
	[tilespmem:$0x1E400] =	vst v63  }
0x55: {  	_ =	swait.ge [sflag:s22], $0x4000  }
0x56: {  	[sflag:s22] =	ssyncset.done $0x0  }
0x57: {  	[sflag:s22] =	ssyncadd.s32 $0xFFFFC000  }
0x58: {  	[tilespmem:s19], [sflag:$0x2] =	stream.indirect.gather [hbm4b:s1+s16], $0x80, s26, s16, $0xb8;
	[tilespmem:$0x1E400] =	vst v63  }
0x59: {  	_ =	swait.ge [sflag:s20], $0x4000  }
0x5a: {  	[sflag:s20] =	ssyncset.done $0x0  }
0x5b: {  	[sflag:s20] =	ssyncadd.s32 $0xFFFFC000  }
0x5c: {  	[spmem:s2] =	stream.indirect.scatter.add.f32 [tilespmem:s19], [sflag:$0x4], $0x80, s28, s16, $0xb8;
	[tilespmem:$0x1E400] =	vst v63  }
0x5d: {  	_ =	swait.ge [sflag:s21], $0x4000  }
0x5e: {  	[sflag:s21] =	ssyncset.done $0x0  }
0x5f: {  	[sflag:s21] =	ssyncadd.s32 $0xFFFFC000  }
0x60: {  	_ =	swait.ge [sflag:s22], $0x4000  }
0x61: {  	[sflag:s22] =	ssyncset.done $0x0  }
0x62: {  	[sflag:s22] =	ssyncadd.s32 $0xFFFFC000  }
0x63: {  	[tilespmem:s4], [sflag:$0x5] =	stream.linear.gather [hbm4b:s9+s4], $0x1400, $0x38;
	[tilespmem:$0x1E400] =	vst v63  }
0x64: {  	_ =	swait.ge [sflag:s14], $0x1400  }
0x65: {  	[sflag:s14] =	ssyncset.done $0x0  }
0x66: {  	[sflag:s14] =	ssyncadd.s32 $0xFFFFEC00  }
0x67: {  	[tilespmem:s15], [sflag:$0x5] =	stream.linear.gather [hbm4b:s10+s4], $0x1400, $0x38;
	[tilespmem:$0x1E400] =	vst v63  }
0x68: {  	_ =	swait.ge [sflag:s14], $0x1400  }
0x69: {  	[sflag:s14] =	ssyncset.done $0x0  }
0x6a: {  	[sflag:s14] =	ssyncadd.s32 $0xFFFFEC00  }
0x6b: {  	[tilespmem:s17], [sflag:$0x1] =	stream.indirect.gather [hbm4b:s1+s16], $0x80, s4, s16, $0xb8;
	[tilespmem:$0x1E400] =	vst v63  }
0x6c: {  	_ =	swait.ge [sflag:s18], $0x4000  }
0x6d: {  	[sflag:s18] =	ssyncset.done $0x0  }
0x6e: {  	[sflag:s18] =	ssyncadd.s32 $0xFFFFC000  }
0x6f: {  	[spmem:s2] =	stream.indirect.scatter.add.f32 [tilespmem:s17], [sflag:$0x3], $0x80, s15, s16, $0xb8;
	[tilespmem:$0x1E400] =	vst v63  }
0x70: {  	_ = 	snop  }
0x71: {  	[tilespmem:s19], [sflag:$0x2] =	stream.indirect.gather [hbm4b:s1+s16], $0x80, s16, s16, $0xb8;
	[tilespmem:$0x1E400] =	vst v63  }
0x72: {  	_ =	swait.ge [sflag:s20], $0x4000  }
0x73: {  	[sflag:s20] =	ssyncset.done $0x0  }
0x74: {  	s0 =	simm.s32 $0x1480;
	[sflag:s20] =	ssyncadd.s32 $0xFFFFC000  }
0x75: {  	[spmem:s2] =	stream.indirect.scatter.add.f32 [tilespmem:s19], [sflag:$0x4], $0x80, s0, s16, $0xb8;
	[tilespmem:$0x1E400] =	vst v63  }
0x76: {  	_ =	swait.ge [sflag:s21], $0x4000  }
0x77: {  	[sflag:s21] =	ssyncset.done $0x0  }
0x78: {  	s0 =	simm.s32 $0x100;
	[sflag:s21] =	ssyncadd.s32 $0xFFFFC000  }
0x79: {  	[tilespmem:s17], [sflag:$0x1] =	stream.indirect.gather [hbm4b:s1+s16], $0x80, s0, s16, $0xb8;
	[tilespmem:$0x1E400] =	vst v63  }
0x7a: {  	_ =	swait.ge [sflag:s18], $0x4000  }
0x7b: {  	[sflag:s18] =	ssyncset.done $0x0  }
0x7c: {  	s0 =	simm.s32 $0x1500;
	[sflag:s18] =	ssyncadd.s32 $0xFFFFC000  }
0x7d: {  	[spmem:s2] =	stream.indirect.scatter.add.f32 [tilespmem:s17], [sflag:$0x3], $0x80, s0, s16, $0xb8;
	[tilespmem:$0x1E400] =	vst v63  }
0x7e: {  	_ =	swait.ge [sflag:s22], $0x4000  }
0x7f: {  	[sflag:s22] =	ssyncset.done $0x0  }
0x80: {  	s30 =	simm.s32 $0xFFFFBC00;
	s31 =	simm.s32 $0x180;
	[sflag:s22] =	ssyncadd.s32 $0xFFFFC000  }
.LBB2_4:
0x81: {  	[tilespmem:s19], [sflag:$0x2] =	stream.indirect.gather [hbm4b:s1+s16], $0x80, s31, s16, $0xb8;
	[tilespmem:$0x1E400] =	vst v63  }
0x82: {  	s0 =	smov.u32 s30  }
0x83: {  	p0 =	sne.s32 s30, $0xFFFFFC00;
	s30 =	sadd.s32 $0x400, s30;
	_ =	swait.ge [sflag:s20], $0x4000  }
0x84: {  	s0 =	sshra.s32 s0, $0x2;
	[sflag:s20] =	ssyncset.done $0x0  }
0x85: {  	s31 =	sadd.s32 $0x2680, s0;
	[sflag:s20] =	ssyncadd.s32 $0xFFFFC000  }
0x86: {  	[spmem:s2] =	stream.indirect.scatter.add.f32 [tilespmem:s19], [sflag:$0x4], $0x80, s31, s16, $0xb8;
	[tilespmem:$0x1E400] =	vst v63  }
0x87: {  	_ =	swait.ge [sflag:s21], $0x4000  }
0x88: {  	[sflag:s21] =	ssyncset.done $0x0  }
0x89: {  	s31 =	sadd.s32 $0x1300, s0;
	[sflag:s21] =	ssyncadd.s32 $0xFFFFC000  }
0x8a: {  	[tilespmem:s17], [sflag:$0x1] =	stream.indirect.gather [hbm4b:s1+s16], $0x80, s31, s16, $0xb8;
	[tilespmem:$0x1E400] =	vst v63  }
0x8b: {  	_ =	swait.ge [sflag:s18], $0x4000  }
0x8c: {  	[sflag:s18] =	ssyncset.done $0x0  }
.Ltmp1:
0x8d: {  	s31 =	sadd.s32 $0x2700, s0;
	[sflag:s18] =	ssyncadd.s32 $0xFFFFC000;
	(pc) =	sbr.rel @p0 .LBB2_4-.Ltmp1, $4  }
0x8e: {  	[spmem:s2] =	stream.indirect.scatter.add.f32 [tilespmem:s17], [sflag:$0x3], $0x80, s31, s16, $0xb8;
	[tilespmem:$0x1E400] =	vst v63  }
0x8f: {  	_ =	swait.ge [sflag:s22], $0x4000  }
0x90: {  	[sflag:s22] =	ssyncset.done $0x0  }
0x91: {  	s31 =	sadd.s32 $0x1380, s0;
	[sflag:s22] =	ssyncadd.s32 $0xFFFFC000  }
0x92: {  	[tilespmem:s19], [sflag:$0x2] =	stream.indirect.gather [hbm4b:s1+s16], $0x80, s31, s16, $0xb8;
	[tilespmem:$0x1E400] =	vst v63  }
0x93: {  	_ =	swait.ge [sflag:s20], $0x4000  }
0x94: {  	[sflag:s20] =	ssyncset.done $0x0  }
0x95: {  	[sflag:s20] =	ssyncadd.s32 $0xFFFFC000  }
0x96: {  	[spmem:s2] =	stream.indirect.scatter.add.f32 [tilespmem:s19], [sflag:$0x4], $0x80, s23, s16, $0xb8;
	[tilespmem:$0x1E400] =	vst v63  }
0x97: {  	_ =	swait.ge [sflag:s21], $0x4000  }
0x98: {  	[sflag:s21] =	ssyncset.done $0x0  }
0x99: {  	[sflag:s21] =	ssyncadd.s32 $0xFFFFC000  }
0x9a: {  	[tilespmem:s17], [sflag:$0x1] =	stream.indirect.gather [hbm4b:s1+s16], $0x80, s24, s16, $0xb8;
	[tilespmem:$0x1E400] =	vst v63  }
0x9b: {  	_ =	swait.ge [sflag:s18], $0x4000  }
0x9c: {  	[sflag:s18] =	ssyncset.done $0x0  }
0x9d: {  	[sflag:s18] =	ssyncadd.s32 $0xFFFFC000  }
0x9e: {  	[spmem:s2] =	stream.indirect.scatter.add.f32 [tilespmem:s17], [sflag:$0x3], $0x80, s25, s16, $0xb8;
	[tilespmem:$0x1E400] =	vst v63  }
0x9f: {  	_ =	swait.ge [sflag:s22], $0x4000  }
0xa0: {  	[sflag:s22] =	ssyncset.done $0x0  }
0xa1: {  	[sflag:s22] =	ssyncadd.s32 $0xFFFFC000  }
0xa2: {  	[tilespmem:s19], [sflag:$0x2] =	stream.indirect.gather [hbm4b:s1+s16], $0x80, s26, s16, $0xb8;
	[tilespmem:$0x1E400] =	vst v63  }
0xa3: {  	_ =	swait.ge [sflag:s20], $0x4000  }
0xa4: {  	[sflag:s20] =	ssyncset.done $0x0  }
0xa5: {  	[sflag:s20] =	ssyncadd.s32 $0xFFFFC000  }
0xa6: {  	[spmem:s2] =	stream.indirect.scatter.add.f32 [tilespmem:s19], [sflag:$0x4], $0x80, s28, s16, $0xb8;
	[tilespmem:$0x1E400] =	vst v63  }
0xa7: {  	_ =	swait.ge [sflag:s21], $0x4000  }
0xa8: {  	[sflag:s21] =	ssyncset.done $0x0  }
0xa9: {  	[sflag:s21] =	ssyncadd.s32 $0xFFFFC000  }
0xaa: {  	_ =	swait.ge [sflag:s22], $0x4000  }
0xab: {  	s29 =	sadd.s32 $0x1, s29;
	[sflag:s22] =	ssyncset.done $0x0  }
0xac: {  	p0 =	sne.s32 s29, s12;
	[sflag:s22] =	ssyncadd.s32 $0xFFFFC000  }
.Ltmp2:
0xad: {  	[bflag:$0x0] =	sbarrier.arrive $0xFFFF;
	(pc) =	sbr.rel @p0 .LBB2_1-.Ltmp2, $4  }
0xae: {  	[hbm:s11], [sflag:s6] =	dma.local [spmem:s13], $0x2780  }
0xaf: {  	_ =	swait.ge [sflag:s14], $0x2780  }
0xb0: {  	[sflag:s14] =	ssyncset.done $0x0  }
0xb1: {  	[sflag:s14] =	ssyncadd.s32 $0xFFFFD880  }
0xb2: {  	_ =	sfence.sel $0x180000  }
0xb3: {  	[bflag:$0x0] =	sbarrier.arrive $0xFFFF  }
0xb4: {  	_ =	strace $0x9000004A  }
0xb5: {  	[bflag:$0x2] =	sbarrier.arrive $0xFFFF  }
0xb6: {  	p0 =	sne.s32 s3, $0x0;
	s0 =	rddreg [dreg:$0x3]  }
0xb7: {  	s0 =	sadd.s32 @!p0 $0x100000, s0  }
0xb8: {  	[sflag:s0] =	ssyncadd.tile.s32 @!p0 $0x1;
	_ =	shalt  }
.Lfunc_end2:
_tile_overlayer_lowered:
.L_overlay_start_2:
0xb9: {  	(tag) =	ssettag $0x2  }
0xba: {  	s0 =	rddreg [dreg:$0x0];
	s2 =	stileid.u32  }
0xbb: {  	s1 =	rddreg [dreg:$0x1];
	p0 =	sne.s32 s2, $0x0  }
0xbc: {  	s3 =	rddreg [dreg:$0x2];
	[bflag:$0x3] =	sbarrier.arrive $0xFFFF;
	s2 =	simm.s32 @!p0 $0x1C05  }
0xbd: {  	[timem:s3], [sflag:s2] =	dma.local @!p0 [hbm:s0], s1  }
0xbe: {  	s0 =	simm.s32 @!p0 $0x5  }
0xbf: {  	_ =	swait.ge @!p0 [sflag:s0], s1  }
0xc0: {  	s1 =	ssub.s32 @!p0 $0x0, s1;
	[sflag:s0] =	ssyncset.done @!p0 $0x0  }
0xc1: {  	[sflag:s0] =	ssyncadd.s32 @!p0 s1  }
0xc2: {  	[bflag:$0x3] =	sbarrier.arrive $0xFFFF  }
0xc3: {  	_ =	shalt  }

// kernel: kernel.14.cloned.1.call-start
scs
__scs_entry_jumppad:
0x0: {  	(pc) =	sbr.rel $0x88, $3  }
0x1: {  	(tag) =	ssettag $0x0;
	lr =	simm.s32 $0x1  }
0x2: {  	[smem:$0x3F99] =	sst lr;
	_ =	strace $0xD0000000  }
0x3: {  	_ = 	snop  }
0x4: {  	_ = 	snop  }
0x5: {  	_ = 	snop  }
0x6: {  	_ = 	snop  }
0x7: {  	_ = 	snop  }
__scs_overlays_trampoline_lowered:
0x8: {  	[smem:$0x3FA8] =	sst s0  }
0x9: {  	[smem:$0x3FA9] =	sst s1  }
0xa: {  	[smem:$0x3FAA] =	sst s2  }
0xb: {  	[smem:$0x3FAB] =	sst s3  }
0xc: {  	[smem:$0x3FAC] =	sst s4  }
0xd: {  	[smem:$0x3FAD] =	sst s5  }
0xe: {  	[smem:$0x3FAE] =	sst s6  }
0xf: {  	[smem:$0x3FAF] =	sst s7  }
0x10: {  	[smem:$0x3FB0] =	sst s8  }
0x11: {  	[smem:$0x3FB1] =	sst s9;
	s0 =	simm.s32 @!p0 $0x0  }
0x12: {  	s1 =	sld [smem:$0x3F97];
	s0 =	simm.s32 @p0 $0x1  }
0x13: {  	[smem:$0x3FB2] =	sst s0;
	s0 =	simm.s32 @!p1 $0x0  }
0x14: {  	s2 =	sld [smem:$0x3F96];
	s0 =	simm.s32 @p1 $0x1  }
0x15: {  	[smem:$0x3FB3] =	sst s0;
	s0 =	simm.s32 @!p2 $0x0  }
0x16: {  	s3 =	sld [smem:$0x3FDB];
	s0 =	simm.s32 @p2 $0x1  }
0x17: {  	s4 =	simm.s32 $0x1BF5;
	[smem:$0x3FB5] =	sst s0  }
0x18: {  	s0 =	sld [smem:$0x3F98];
	_ =	swait.ge [sflag:s4], $0x0  }
0x19: {  	s7 =	sld [smem:$0x3F99]  }
0x1a: {  	s8 =	sadd.s32 $0xFFFFE003, lr  }
0x1b: {  	s9 =	sadd.s32 $0xFFFFFEF7, lr;
	s5 =	simm.s32 $0xFFFFFFFF;
	p2 =	slt.u32 s8, $0xFFFFF086  }
0x1c: {  	p1 =	slt.u32 s9, $0xF7A;
	s5 =	simm.s32 @!p2 $0x0  }
0x1d: {  	s5 =	simm.s32 @p1 $0x1;
	p0 =	seq.s32 s7, s2  }
0x1e: {  	s7 =	smul.u32 @!p0 $0xF7A, s2;
	p2 =	seq.s32 @!p0 s5, $0x0  }
0x1f: {  	s9 =	smul.u32 $0xF7A, s1;
	s8 =	simm.s32 @!p0 $0x1BF5;
	p2 =	por !p2, p0  }
0x20: {  	[sflag:s8] =	ssyncset.s32 @!p0 $0xFFFFF086;
	s6 =	sadd.s32 @!p0 s3, s7;
	s7 =	simm.s32 @!p0 $0x108  }
0x21: {  	s3 =	sadd.s32 s3, s9;
	s6 =	sadd.s32 @!p0 $0x88, s6;
	s7 =	simm.s32 @p2 $0x1082  }
0x22: {  	[simem:s7], [sflag:s8] =	dma.local @!p0 [hbm:s6], $0xF7A  }
0x23: {  	s9 =	sor.u32 $0xD0000000, s2;
	s6 =	simm.s32 $0x108;
	_ =	swait.ge @!p0 [sflag:s8], $0x0  }
0x24: {  	s3 =	sadd.s32 $0x88, s3;
	s6 =	simm.s32 @!p1 $0x1082;
	[sflag:s4] =	ssyncset.s32 $0xFFFFF086  }
0x25: {  	[simem:s6], [sflag:s4] =	dma.local [hbm:s3], $0xF7A  }
0x26: {  	[smem:$0x3F99] =	sst s1;
	(tag) =	ssettag s2;
	_ =	strace s9  }
0x27: {  	s1 =	sld [smem:$0x3FA9]  }
0x28: {  	s2 =	sld [smem:$0x3FAA]  }
0x29: {  	s4 =	sld [smem:$0x3FAC]  }
0x2a: {  	p0 =	seq.s32 s5, $0x0;
	s5 =	sld [smem:$0x3FAD]  }
0x2b: {  	s6 =	sld [smem:$0x3FAE]  }
0x2c: {  	s7 =	sld [smem:$0x3FAF]  }
0x2d: {  	s3 =	simm.s32 $0x108;
	s8 =	sld [smem:$0x3FB0]  }
0x2e: {  	s3 =	simm.s32 @!p0 $0x1082;
	s9 =	sld [smem:$0x3FB1]  }
0x2f: {  	lr =	sadd.s32 s0, s3;
	s0 =	sld [smem:$0x3FA8]  }
0x30: {  	s3 =	sld [smem:$0x3FAB]  }
0x31: {  	[smem:$0x3FB4] =	sst s10  }
0x32: {  	s10 =	sld [smem:$0x3FB2];
	_ =	sdelay $0x3  }
0x33: {  	p0 =	seq.s32 s10, $0x1;
	s10 =	sld [smem:$0x3FB4];
	_ =	sdelay $0x3  }
0x34: {  	[smem:$0x3FB4] =	sst s10  }
0x35: {  	s10 =	sld [smem:$0x3FB3];
	_ =	sdelay $0x3  }
0x36: {  	p1 =	seq.s32 s10, $0x1;
	s10 =	sld [smem:$0x3FB4];
	_ =	sdelay $0x3  }
0x37: {  	[smem:$0x3FB4] =	sst s10  }
0x38: {  	s10 =	sld [smem:$0x3FB5]  }
0x39: {  	_ = 	snop;
	(pc) =	sbr.ind lr, $3  }
0x3a: {  	_ = 	snop  }
0x3b: {  	_ = 	snop  }
0x3c: {  	p2 =	seq.s32 s10, $0x1;
	s10 =	sld [smem:$0x3FB4]  }
0x3d: {  	_ =	shalt  }
0x3e: {  	_ =	shalt  }
0x3f: {  	_ =	shalt  }
0x40: {  	_ =	shalt  }
0x41: {  	_ =	shalt  }
0x42: {  	_ =	shalt  }
0x43: {  	_ =	shalt  }
0x44: {  	_ =	shalt  }
0x45: {  	_ =	shalt  }
0x46: {  	_ =	shalt  }
0x47: {  	_ =	shalt  }
0x48: {  	_ =	shalt  }
0x49: {  	_ =	shalt  }
0x4a: {  	_ =	shalt  }
0x4b: {  	_ =	shalt  }
0x4c: {  	_ =	shalt  }
0x4d: {  	_ =	shalt  }
0x4e: {  	_ =	shalt  }
0x4f: {  	_ =	shalt  }
0x50: {  	_ =	shalt  }
0x51: {  	_ =	shalt  }
0x52: {  	_ =	shalt  }
0x53: {  	_ =	shalt  }
0x54: {  	_ =	shalt  }
0x55: {  	_ =	shalt  }
0x56: {  	_ =	shalt  }
0x57: {  	_ =	shalt  }
0x58: {  	_ =	shalt  }
0x59: {  	_ =	shalt  }
0x5a: {  	_ =	shalt  }
0x5b: {  	_ =	shalt  }
0x5c: {  	_ =	shalt  }
0x5d: {  	_ =	shalt  }
0x5e: {  	_ =	shalt  }
0x5f: {  	_ =	shalt  }
0x60: {  	_ =	shalt  }
0x61: {  	_ =	shalt  }
0x62: {  	_ =	shalt  }
0x63: {  	_ =	shalt  }
0x64: {  	_ =	shalt  }
0x65: {  	_ =	shalt  }
0x66: {  	_ =	shalt  }
0x67: {  	_ =	shalt  }
0x68: {  	_ =	shalt  }
0x69: {  	_ =	shalt  }
0x6a: {  	_ =	shalt  }
0x6b: {  	_ =	shalt  }
0x6c: {  	_ =	shalt  }
0x6d: {  	_ =	shalt  }
0x6e: {  	_ =	shalt  }
0x6f: {  	_ =	shalt  }
0x70: {  	_ =	shalt  }
0x71: {  	_ =	shalt  }
0x72: {  	_ =	shalt  }
0x73: {  	_ =	shalt  }
0x74: {  	_ =	shalt  }
0x75: {  	_ =	shalt  }
0x76: {  	_ =	shalt  }
0x77: {  	_ =	shalt  }
0x78: {  	_ =	shalt  }
0x79: {  	_ =	shalt  }
0x7a: {  	_ =	shalt  }
0x7b: {  	_ =	shalt  }
0x7c: {  	_ =	shalt  }
0x7d: {  	_ =	shalt  }
0x7e: {  	_ =	shalt  }
0x7f: {  	_ =	shalt  }
0x80: {  	_ =	shalt  }
0x81: {  	_ =	shalt  }
0x82: {  	_ =	shalt  }
0x83: {  	_ =	shalt  }
0x84: {  	_ =	shalt  }
0x85: {  	_ =	shalt  }
0x86: {  	_ =	shalt  }
0x87: {  	_ =	shalt  }
.Lfunc_end0:
.L_simem_size_0:
called_computation.2_lowered:
.L_overlay_start_0:
0x88: {  	s2 =	sld [smem:$0x3FD9]  }
0x89: {  	s3 =	sld [smem:$0x3FFE];
	_ =	sdelay $0x1  }
0x8a: {  	s1 =	srdreg.scid  }
0x8b: {  	s0 =	sand.u32 $0x1, s1  }
0x8c: {  	s17 =	sshll.u32 s0, $0xA;
	s2 =	sadd.s32 s3, s2  }
0x8d: {  	s2 =	sadd.s32 s2, s17  }
0x8e: {  	[smem:$0x3FC0] =	sst s2  }
0x8f: {  	_ = 	snop  }
0x90: {  	s2 =	sld [smem:$0x3FD0];
	(tm) =	ssettm $0x1  }
0x91: {  	s18 =	sld [smem:$0x3FFB];
	_ =	sdelay $0x3  }
0x92: {  	_ =	strace s18  }
0x93: {  	s3 =	sld [smem:$0x3FFC];
	_ =	sdelay $0x3  }
0x94: {  	_ =	strace s3  }
0x95: {  	s3 =	sld [smem:$0x3FFD];
	_ =	sdelay $0x3  }
0x96: {  	_ =	strace s3  }
0x97: {  	_ =	strace $0x8FFFFFFF  }
0x98: {  	s19 =	sld [smem:$0x3FDB];
	_ =	sdelay $0x1  }
0x99: {  	s4 =	simm.s32 $_scs_section_size  }
0x9a: {  	s5 =	simm.s32 $_size__tile_overlayer_lowered;
	s6 =	simm.s32 $_tile_overlayer_lowered  }
0x9b: {  	s22 =	simm.s32 $0x1BFF;
	s21 =	sshll.u32 s6, $0x1;
	s3 =	sadd.s32 s4, s19  }
0x9c: {  	s7 =	simm.s32 $0x0;
	s20 =	sshll.u32 s5, $0x1;
	s5 =	sadd.s32 s21, s3  }
0x9d: {  	[timem:s7], [sflag:s22] =	dma.local [hbm:s5], s20  }
0x9e: {  	_ =	swait.ge [sflag:s22], s20  }
0x9f: {  	s4 =	ssub.s32 $0x0, s20;
	[sflag:s22] =	ssyncset.done $0x0  }
0xa0: {  	[sflag:s22] =	ssyncadd.s32 s4;
	_ =	sdelay $0x1  }
0xa1: {  	s23 =	simm.s32 $0x1B8B  }
0xa2: {  	_ =	swait.ge [sflag:s23], $0x1  }
0xa3: {  	[sflag:s23] =	ssyncset.done $0x0  }
0xa4: {  	s25 =	simm.s32 $0x1B8E;
	s24 =	sld [smem:$0x3FFE];
	[sflag:s23] =	ssyncadd.s32 $0xFFFFFFFF  }
0xa5: {  	s26 =	simm.s32 $execute0_lowered;
	[smem:$0x3FD2] =	sst s25  }
0xa6: {  	s5 =	sshll.u32 s26, $0x1;
	_ =	strace $0x8000004C;
	[dreg:$0x1] =	wrdreg $0xFFFFFFFF  }
0xa7: {  	s28 =	simm.s32 $_size_execute0_lowered;
	s3 =	sadd.s32 s3, s5;
	[dreg:$0x0] =	wrdreg $0x0  }
0xa8: {  	s5 =	sshll.u32 s28, $0x1;
	[dreg:$0x2] =	wrdreg s3  }
0xa9: {  	[dreg:$0x3] =	wrdreg s5  }
0xaa: {  	[dreg:$0x4] =	wrdreg $0xC0  }
0xab: {  	_ =	task [dreg:s7], $0x5FFFF  }
0xac: {  	[dreg:$0x1] =	wrdreg $0xFFFFFFFF  }
0xad: {  	[dreg:$0x0] =	wrdreg $0x60  }
0xae: {  	[dreg:$0x2] =	wrdreg s2  }
0xaf: {  	[dreg:$0x3] =	wrdreg s24  }
0xb0: {  	[dreg:$0x4] =	wrdreg $0x28000  }
0xb1: {  	[dreg:$0x5] =	wrdreg $0x9  }
0xb2: {  	_ =	task.clear_ibuf [dreg:s7], $0x6FFFF;
	_ =	strace $0x9000004C  }
0xb3: {  	s29 =	simm.s32 $0x9;
	_ =	strace $0x8000004E  }
0xb4: {  	_ =	swait.ge [sflag:s29], $0x1  }
0xb5: {  	[sflag:s29] =	ssyncadd.s32 $0xFFFFFFFF  }
0xb6: {  	_ =	strace $0x9000004E  }
0xb7: {  	_ =	sfence  }
0xb8: {  	s30 =	sld [smem:$0x0];
	_ =	sdelay $0x2  }
0xb9: {  	s31 =	sshll.u32 s1, $0xD;
	s1 =	sshrl.u32 s1, $0x2  }
0xba: {  	s3 =	sand.u32 $0x4000, s31;
	s1 =	sadd.s32 s1, s30  }
0xbb: {  	s0 =	sor.u32 s3, s0;
	s1 =	sshll.u32 s1, $0x11  }
0xbc: {  	s0 =	sor.u32 s1, s0  }
0xbd: {  	s0 =	sadd.s32 $0x8F2B, s0  }
0xbe: {  	[sflag:s0] =	ssyncadd.remote.s32 $0x1  }
0xbf: {  	_ =	sfence.sel $0xFFFF  }
0xc0: {  	[dreg:$0x0] =	wrdreg $0xFFFFFFFF;
	(pc) =	sbr.abs _section_cstart, $3  }
0xc1: {  	[dreg:$0x1] =	wrdreg $0xFFFFFFFF  }
0xc2: {  	_ =	task.clear_ibuf [dreg:s7], $0x2FFFF;
	_ =	strace $0x9FFFFFFF  }
0xc3: {  	(tm) =	ssettm $0x7FFFFFFF  }
tec
execute0_lowered:
.L_overlay_start_1:
0x0: {  	(tag) =	ssettag $0x1  }
0x1: {  	s1 =	rddreg [dreg:$0x0]  }
0x2: {  	s6 =	rddreg [dreg:$0x1]  }
0x3: {  	s2 =	rddreg [dreg:$0x2];
	s3 =	srdreg.scid  }
0x4: {  	s4 =	simm.s32 $0x0;
	s16 =	simm.s32 $0x80;
	s17 =	simm.s32 $0x16400  }
0x5: {  	s18 =	simm.s32 $0x1;
	s19 =	simm.s32 $0x1A400;
	s20 =	simm.s32 $0x2  }
0x6: {  	s21 =	simm.s32 $0x3;
	s22 =	simm.s32 $0x4;
	s23 =	simm.s32 $0x2680  }
0x7: {  	s28 =	simm.s32 $0x2780;
	s29 =	simm.s32 $0x0;
	s7 =	sand.u32 $0x1, s3  }
0x8: {  	s3 =	stileid.u32;
	[smem:$0x7FF] =	sst s4;
	s10 =	sadd.s32 $0xCE00, s6  }
0x9: {  	s11 =	sadd.s32 $0x2E00, s6;
	s5 =	sadd.s32 $0x16E00, s6;
	s8 =	smul.u32 $0x13C000, s7  }
0xa: {  	s9 =	smul.u32 $0x13C00, s3;
	_ =	strace $0x8000004D;
	s24 =	sshll.u32 s7, $0x4  }
0xb: {  	s7 =	ssub.s32 $0x2, s7;
	s12 =	smul.u32 $0x4F000, s3;
	s26 =	sshll.u32 s3, $0x6  }
0xc: {  	s13 =	sshrl.u32 s7, $0x1;
	s8 =	sadd.s32 s9, s8;
	s9 =	sor.u32 s3, s24  }
0xd: {  	s13 =	ssub.s32 s7, s13;
	s25 =	sshrl.u32 s12, $0x2;
	s24 =	simm.s32 $0x1300  }
0xe: {  	s8 =	sshrl.u32 s8, $0x3;
	s9 =	smul.u32 $0x2800, s9;
	s15 =	sadd.s32 s25, s2  }
0xf: {  	s12 =	smax.u32 s13, $0x1;
	s25 =	simm.s32 $0x2700;
	s14 =	sadd.s32 s8, s6  }
0x10: {  	s6 =	sor.u32 $0x1C05, s26;
	s13 =	sshrl.u32 s15, $0x3;
	s30 =	sshrl.u32 s9, $0x3  }
0x11: {  	s15 =	simm.s32 $0x1400;
	s26 =	simm.s32 $0x1380;
	s31 =	sadd.s32 $0x280, s30  }
0x12: {  	s7 =	sadd.s32 s10, s30;
	s8 =	sadd.s32 s11, s30;
	s9 =	sadd.s32 s10, s31  }
0x13: {  	s10 =	sadd.s32 s11, s31;
	s11 =	sadd.s32 $0x19600, s14;
	s14 =	simm.s32 $0x5  }
.LBB2_1:
0x14: {  	[spmem:s13], [sflag:s6] =	dma.local [hbm:s5], $0x2780  }
0x15: {  	_ =	swait.ge [sflag:s14], $0x2780  }
0x16: {  	[sflag:s14] =	ssyncset.done $0x0  }
0x17: {  	[sflag:s14] =	ssyncadd.s32 $0xFFFFD880  }
0x18: {  	[bflag:$0x0] =	sbarrier.arrive $0xFFFF  }
0x19: {  	[tilespmem:s4], [sflag:$0x5] =	stream.linear.gather [hbm4b:s7+s4], $0x1400, $0x38;
	[tilespmem:$0x1E400] =	vst v63  }
0x1a: {  	_ =	swait.ge [sflag:s14], $0x1400  }
0x1b: {  	[sflag:s14] =	ssyncset.done $0x0  }
0x1c: {  	[sflag:s14] =	ssyncadd.s32 $0xFFFFEC00  }
0x1d: {  	[tilespmem:s15], [sflag:$0x5] =	stream.linear.gather [hbm4b:s8+s4], $0x1400, $0x38;
	[tilespmem:$0x1E400] =	vst v63  }
0x1e: {  	_ =	swait.ge [sflag:s14], $0x1400  }
0x1f: {  	[sflag:s14] =	ssyncset.done $0x0  }
0x20: {  	[sflag:s14] =	ssyncadd.s32 $0xFFFFEC00  }
0x21: {  	[tilespmem:s17], [sflag:$0x1] =	stream.indirect.gather [hbm4b:s1+s16], $0x80, s4, s16, $0xb8;
	[tilespmem:$0x1E400] =	vst v63  }
0x22: {  	_ =	swait.ge [sflag:s18], $0x4000  }
0x23: {  	[sflag:s18] =	ssyncset.done $0x0  }
0x24: {  	[sflag:s18] =	ssyncadd.s32 $0xFFFFC000  }
0x25: {  	[spmem:s2] =	stream.indirect.scatter.add.f32 [tilespmem:s17], [sflag:$0x3], $0x80, s15, s16, $0xb8;
	[tilespmem:$0x1E400] =	vst v63  }
0x26: {  	_ = 	snop  }
0x27: {  	[tilespmem:s19], [sflag:$0x2] =	stream.indirect.gather [hbm4b:s1+s16], $0x80, s16, s16, $0xb8;
	[tilespmem:$0x1E400] =	vst v63  }
0x28: {  	_ =	swait.ge [sflag:s20], $0x4000  }
0x29: {  	[sflag:s20] =	ssyncset.done $0x0  }
0x2a: {  	s30 =	simm.s32 $0x1480;
	[sflag:s20] =	ssyncadd.s32 $0xFFFFC000  }
0x2b: {  	[spmem:s2] =	stream.indirect.scatter.add.f32 [tilespmem:s19], [sflag:$0x4], $0x80, s30, s16, $0xb8;
	[tilespmem:$0x1E400] =	vst v63  }
0x2c: {  	_ =	swait.ge [sflag:s21], $0x4000  }
0x2d: {  	[sflag:s21] =	ssyncset.done $0x0  }
0x2e: {  	s30 =	simm.s32 $0x100;
	[sflag:s21] =	ssyncadd.s32 $0xFFFFC000  }
0x2f: {  	[tilespmem:s17], [sflag:$0x1] =	stream.indirect.gather [hbm4b:s1+s16], $0x80, s30, s16, $0xb8;
	[tilespmem:$0x1E400] =	vst v63  }
0x30: {  	_ =	swait.ge [sflag:s18], $0x4000  }
0x31: {  	[sflag:s18] =	ssyncset.done $0x0  }
0x32: {  	s30 =	simm.s32 $0x1500;
	[sflag:s18] =	ssyncadd.s32 $0xFFFFC000  }
0x33: {  	[spmem:s2] =	stream.indirect.scatter.add.f32 [tilespmem:s17], [sflag:$0x3], $0x80, s30, s16, $0xb8;
	[tilespmem:$0x1E400] =	vst v63  }
0x34: {  	_ =	swait.ge [sflag:s22], $0x4000  }
0x35: {  	[sflag:s22] =	ssyncset.done $0x0  }
0x36: {  	s31 =	simm.s32 $0x180;
	s30 =	simm.s32 $0xFFFFBC00;
	[sflag:s22] =	ssyncadd.s32 $0xFFFFC000  }
.LBB2_2:
0x37: {  	[tilespmem:s19], [sflag:$0x2] =	stream.indirect.gather [hbm4b:s1+s16], $0x80, s31, s16, $0xb8;
	[tilespmem:$0x1E400] =	vst v63  }
0x38: {  	s31 =	smov.u32 s30  }
0x39: {  	p0 =	sne.s32 s30, $0xFFFFFC00;
	s30 =	sadd.s32 $0x400, s30;
	_ =	swait.ge [sflag:s20], $0x4000  }
0x3a: {  	s31 =	sshra.s32 s31, $0x2;
	[sflag:s20] =	ssyncset.done $0x0  }
0x3b: {  	s0 =	sadd.s32 $0x2680, s31;
	[sflag:s20] =	ssyncadd.s32 $0xFFFFC000  }
0x3c: {  	[spmem:s2] =	stream.indirect.scatter.add.f32 [tilespmem:s19], [sflag:$0x4], $0x80, s0, s16, $0xb8;
	[tilespmem:$0x1E400] =	vst v63  }
0x3d: {  	_ =	swait.ge [sflag:s21], $0x4000  }
0x3e: {  	[sflag:s21] =	ssyncset.done $0x0  }
0x3f: {  	s0 =	sadd.s32 $0x1300, s31;
	[sflag:s21] =	ssyncadd.s32 $0xFFFFC000  }
0x40: {  	[tilespmem:s17], [sflag:$0x1] =	stream.indirect.gather [hbm4b:s1+s16], $0x80, s0, s16, $0xb8;
	[tilespmem:$0x1E400] =	vst v63  }
0x41: {  	_ =	swait.ge [sflag:s18], $0x4000  }
0x42: {  	[sflag:s18] =	ssyncset.done $0x0  }
.Ltmp0:
0x43: {  	s0 =	sadd.s32 $0x2700, s31;
	[sflag:s18] =	ssyncadd.s32 $0xFFFFC000;
	(pc) =	sbr.rel @p0 .LBB2_2-.Ltmp0, $4  }
0x44: {  	[spmem:s2] =	stream.indirect.scatter.add.f32 [tilespmem:s17], [sflag:$0x3], $0x80, s0, s16, $0xb8;
	[tilespmem:$0x1E400] =	vst v63  }
0x45: {  	_ =	swait.ge [sflag:s22], $0x4000  }
0x46: {  	[sflag:s22] =	ssyncset.done $0x0  }
0x47: {  	s31 =	sadd.s32 $0x1380, s31;
	[sflag:s22] =	ssyncadd.s32 $0xFFFFC000  }
0x48: {  	[tilespmem:s19], [sflag:$0x2] =	stream.indirect.gather [hbm4b:s1+s16], $0x80, s31, s16, $0xb8;
	[tilespmem:$0x1E400] =	vst v63  }
0x49: {  	_ =	swait.ge [sflag:s20], $0x4000  }
0x4a: {  	[sflag:s20] =	ssyncset.done $0x0  }
0x4b: {  	[sflag:s20] =	ssyncadd.s32 $0xFFFFC000  }
0x4c: {  	[spmem:s2] =	stream.indirect.scatter.add.f32 [tilespmem:s19], [sflag:$0x4], $0x80, s23, s16, $0xb8;
	[tilespmem:$0x1E400] =	vst v63  }
0x4d: {  	_ =	swait.ge [sflag:s21], $0x4000  }
0x4e: {  	[sflag:s21] =	ssyncset.done $0x0  }
0x4f: {  	[sflag:s21] =	ssyncadd.s32 $0xFFFFC000  }
0x50: {  	[tilespmem:s17], [sflag:$0x1] =	stream.indirect.gather [hbm4b:s1+s16], $0x80, s24, s16, $0xb8;
	[tilespmem:$0x1E400] =	vst v63  }
0x51: {  	_ =	swait.ge [sflag:s18], $0x4000  }
0x52: {  	[sflag:s18] =	ssyncset.done $0x0  }
0x53: {  	[sflag:s18] =	ssyncadd.s32 $0xFFFFC000  }
0x54: {  	[spmem:s2] =	stream.indirect.scatter.add.f32 [tilespmem:s17], [sflag:$0x3], $0x80, s25, s16, $0xb8;
	[tilespmem:$0x1E400] =	vst v63  }
0x55: {  	_ =	swait.ge [sflag:s22], $0x4000  }
0x56: {  	[sflag:s22] =	ssyncset.done $0x0  }
0x57: {  	[sflag:s22] =	ssyncadd.s32 $0xFFFFC000  }
0x58: {  	[tilespmem:s19], [sflag:$0x2] =	stream.indirect.gather [hbm4b:s1+s16], $0x80, s26, s16, $0xb8;
	[tilespmem:$0x1E400] =	vst v63  }
0x59: {  	_ =	swait.ge [sflag:s20], $0x4000  }
0x5a: {  	[sflag:s20] =	ssyncset.done $0x0  }
0x5b: {  	[sflag:s20] =	ssyncadd.s32 $0xFFFFC000  }
0x5c: {  	[spmem:s2] =	stream.indirect.scatter.add.f32 [tilespmem:s19], [sflag:$0x4], $0x80, s28, s16, $0xb8;
	[tilespmem:$0x1E400] =	vst v63  }
0x5d: {  	_ =	swait.ge [sflag:s21], $0x4000  }
0x5e: {  	[sflag:s21] =	ssyncset.done $0x0  }
0x5f: {  	[sflag:s21] =	ssyncadd.s32 $0xFFFFC000  }
0x60: {  	_ =	swait.ge [sflag:s22], $0x4000  }
0x61: {  	[sflag:s22] =	ssyncset.done $0x0  }
0x62: {  	[sflag:s22] =	ssyncadd.s32 $0xFFFFC000  }
0x63: {  	[tilespmem:s4], [sflag:$0x5] =	stream.linear.gather [hbm4b:s9+s4], $0x1400, $0x38;
	[tilespmem:$0x1E400] =	vst v63  }
0x64: {  	_ =	swait.ge [sflag:s14], $0x1400  }
0x65: {  	[sflag:s14] =	ssyncset.done $0x0  }
0x66: {  	[sflag:s14] =	ssyncadd.s32 $0xFFFFEC00  }
0x67: {  	[tilespmem:s15], [sflag:$0x5] =	stream.linear.gather [hbm4b:s10+s4], $0x1400, $0x38;
	[tilespmem:$0x1E400] =	vst v63  }
0x68: {  	_ =	swait.ge [sflag:s14], $0x1400  }
0x69: {  	[sflag:s14] =	ssyncset.done $0x0  }
0x6a: {  	[sflag:s14] =	ssyncadd.s32 $0xFFFFEC00  }
0x6b: {  	[tilespmem:s17], [sflag:$0x1] =	stream.indirect.gather [hbm4b:s1+s16], $0x80, s4, s16, $0xb8;
	[tilespmem:$0x1E400] =	vst v63  }
0x6c: {  	_ =	swait.ge [sflag:s18], $0x4000  }
0x6d: {  	[sflag:s18] =	ssyncset.done $0x0  }
0x6e: {  	[sflag:s18] =	ssyncadd.s32 $0xFFFFC000  }
0x6f: {  	[spmem:s2] =	stream.indirect.scatter.add.f32 [tilespmem:s17], [sflag:$0x3], $0x80, s15, s16, $0xb8;
	[tilespmem:$0x1E400] =	vst v63  }
0x70: {  	_ = 	snop  }
0x71: {  	[tilespmem:s19], [sflag:$0x2] =	stream.indirect.gather [hbm4b:s1+s16], $0x80, s16, s16, $0xb8;
	[tilespmem:$0x1E400] =	vst v63  }
0x72: {  	_ =	swait.ge [sflag:s20], $0x4000  }
0x73: {  	[sflag:s20] =	ssyncset.done $0x0  }
0x74: {  	s0 =	simm.s32 $0x1480;
	[sflag:s20] =	ssyncadd.s32 $0xFFFFC000  }
0x75: {  	[spmem:s2] =	stream.indirect.scatter.add.f32 [tilespmem:s19], [sflag:$0x4], $0x80, s0, s16, $0xb8;
	[tilespmem:$0x1E400] =	vst v63  }
0x76: {  	_ =	swait.ge [sflag:s21], $0x4000  }
0x77: {  	[sflag:s21] =	ssyncset.done $0x0  }
0x78: {  	s0 =	simm.s32 $0x100;
	[sflag:s21] =	ssyncadd.s32 $0xFFFFC000  }
0x79: {  	[tilespmem:s17], [sflag:$0x1] =	stream.indirect.gather [hbm4b:s1+s16], $0x80, s0, s16, $0xb8;
	[tilespmem:$0x1E400] =	vst v63  }
0x7a: {  	_ =	swait.ge [sflag:s18], $0x4000  }
0x7b: {  	[sflag:s18] =	ssyncset.done $0x0  }
0x7c: {  	s0 =	simm.s32 $0x1500;
	[sflag:s18] =	ssyncadd.s32 $0xFFFFC000  }
0x7d: {  	[spmem:s2] =	stream.indirect.scatter.add.f32 [tilespmem:s17], [sflag:$0x3], $0x80, s0, s16, $0xb8;
	[tilespmem:$0x1E400] =	vst v63  }
0x7e: {  	_ =	swait.ge [sflag:s22], $0x4000  }
0x7f: {  	[sflag:s22] =	ssyncset.done $0x0  }
0x80: {  	s30 =	simm.s32 $0xFFFFBC00;
	s31 =	simm.s32 $0x180;
	[sflag:s22] =	ssyncadd.s32 $0xFFFFC000  }
.LBB2_4:
0x81: {  	[tilespmem:s19], [sflag:$0x2] =	stream.indirect.gather [hbm4b:s1+s16], $0x80, s31, s16, $0xb8;
	[tilespmem:$0x1E400] =	vst v63  }
0x82: {  	s0 =	smov.u32 s30  }
0x83: {  	p0 =	sne.s32 s30, $0xFFFFFC00;
	s30 =	sadd.s32 $0x400, s30;
	_ =	swait.ge [sflag:s20], $0x4000  }
0x84: {  	s0 =	sshra.s32 s0, $0x2;
	[sflag:s20] =	ssyncset.done $0x0  }
0x85: {  	s31 =	sadd.s32 $0x2680, s0;
	[sflag:s20] =	ssyncadd.s32 $0xFFFFC000  }
0x86: {  	[spmem:s2] =	stream.indirect.scatter.add.f32 [tilespmem:s19], [sflag:$0x4], $0x80, s31, s16, $0xb8;
	[tilespmem:$0x1E400] =	vst v63  }
0x87: {  	_ =	swait.ge [sflag:s21], $0x4000  }
0x88: {  	[sflag:s21] =	ssyncset.done $0x0  }
0x89: {  	s31 =	sadd.s32 $0x1300, s0;
	[sflag:s21] =	ssyncadd.s32 $0xFFFFC000  }
0x8a: {  	[tilespmem:s17], [sflag:$0x1] =	stream.indirect.gather [hbm4b:s1+s16], $0x80, s31, s16, $0xb8;
	[tilespmem:$0x1E400] =	vst v63  }
0x8b: {  	_ =	swait.ge [sflag:s18], $0x4000  }
0x8c: {  	[sflag:s18] =	ssyncset.done $0x0  }
.Ltmp1:
0x8d: {  	s31 =	sadd.s32 $0x2700, s0;
	[sflag:s18] =	ssyncadd.s32 $0xFFFFC000;
	(pc) =	sbr.rel @p0 .LBB2_4-.Ltmp1, $4  }
0x8e: {  	[spmem:s2] =	stream.indirect.scatter.add.f32 [tilespmem:s17], [sflag:$0x3], $0x80, s31, s16, $0xb8;
	[tilespmem:$0x1E400] =	vst v63  }
0x8f: {  	_ =	swait.ge [sflag:s22], $0x4000  }
0x90: {  	[sflag:s22] =	ssyncset.done $0x0  }
0x91: {  	s31 =	sadd.s32 $0x1380, s0;
	[sflag:s22] =	ssyncadd.s32 $0xFFFFC000  }
0x92: {  	[tilespmem:s19], [sflag:$0x2] =	stream.indirect.gather [hbm4b:s1+s16], $0x80, s31, s16, $0xb8;
	[tilespmem:$0x1E400] =	vst v63  }
0x93: {  	_ =	swait.ge [sflag:s20], $0x4000  }
0x94: {  	[sflag:s20] =	ssyncset.done $0x0  }
0x95: {  	[sflag:s20] =	ssyncadd.s32 $0xFFFFC000  }
0x96: {  	[spmem:s2] =	stream.indirect.scatter.add.f32 [tilespmem:s19], [sflag:$0x4], $0x80, s23, s16, $0xb8;
	[tilespmem:$0x1E400] =	vst v63  }
0x97: {  	_ =	swait.ge [sflag:s21], $0x4000  }
0x98: {  	[sflag:s21] =	ssyncset.done $0x0  }
0x99: {  	[sflag:s21] =	ssyncadd.s32 $0xFFFFC000  }
0x9a: {  	[tilespmem:s17], [sflag:$0x1] =	stream.indirect.gather [hbm4b:s1+s16], $0x80, s24, s16, $0xb8;
	[tilespmem:$0x1E400] =	vst v63  }
0x9b: {  	_ =	swait.ge [sflag:s18], $0x4000  }
0x9c: {  	[sflag:s18] =	ssyncset.done $0x0  }
0x9d: {  	[sflag:s18] =	ssyncadd.s32 $0xFFFFC000  }
0x9e: {  	[spmem:s2] =	stream.indirect.scatter.add.f32 [tilespmem:s17], [sflag:$0x3], $0x80, s25, s16, $0xb8;
	[tilespmem:$0x1E400] =	vst v63  }
0x9f: {  	_ =	swait.ge [sflag:s22], $0x4000  }
0xa0: {  	[sflag:s22] =	ssyncset.done $0x0  }
0xa1: {  	[sflag:s22] =	ssyncadd.s32 $0xFFFFC000  }
0xa2: {  	[tilespmem:s19], [sflag:$0x2] =	stream.indirect.gather [hbm4b:s1+s16], $0x80, s26, s16, $0xb8;
	[tilespmem:$0x1E400] =	vst v63  }
0xa3: {  	_ =	swait.ge [sflag:s20], $0x4000  }
0xa4: {  	[sflag:s20] =	ssyncset.done $0x0  }
0xa5: {  	[sflag:s20] =	ssyncadd.s32 $0xFFFFC000  }
0xa6: {  	[spmem:s2] =	stream.indirect.scatter.add.f32 [tilespmem:s19], [sflag:$0x4], $0x80, s28, s16, $0xb8;
	[tilespmem:$0x1E400] =	vst v63  }
0xa7: {  	_ =	swait.ge [sflag:s21], $0x4000  }
0xa8: {  	[sflag:s21] =	ssyncset.done $0x0  }
0xa9: {  	[sflag:s21] =	ssyncadd.s32 $0xFFFFC000  }
0xaa: {  	_ =	swait.ge [sflag:s22], $0x4000  }
0xab: {  	s29 =	sadd.s32 $0x1, s29;
	[sflag:s22] =	ssyncset.done $0x0  }
0xac: {  	p0 =	sne.s32 s29, s12;
	[sflag:s22] =	ssyncadd.s32 $0xFFFFC000  }
.Ltmp2:
0xad: {  	[bflag:$0x0] =	sbarrier.arrive $0xFFFF;
	(pc) =	sbr.rel @p0 .LBB2_1-.Ltmp2, $4  }
0xae: {  	[hbm:s11], [sflag:s6] =	dma.local [spmem:s13], $0x2780  }
0xaf: {  	_ =	swait.ge [sflag:s14], $0x2780  }
0xb0: {  	[sflag:s14] =	ssyncset.done $0x0  }
0xb1: {  	[sflag:s14] =	ssyncadd.s32 $0xFFFFD880  }
0xb2: {  	_ =	sfence.sel $0x180000  }
0xb3: {  	[bflag:$0x0] =	sbarrier.arrive $0xFFFF  }
0xb4: {  	_ =	strace $0x9000004D  }
0xb5: {  	[bflag:$0x2] =	sbarrier.arrive $0xFFFF  }
0xb6: {  	p0 =	sne.s32 s3, $0x0;
	s0 =	rddreg [dreg:$0x3]  }
0xb7: {  	s0 =	sadd.s32 @!p0 $0x100000, s0  }
0xb8: {  	[sflag:s0] =	ssyncadd.tile.s32 @!p0 $0x1;
	_ =	shalt  }
.Lfunc_end2:
_tile_overlayer_lowered:
.L_overlay_start_2:
0xb9: {  	(tag) =	ssettag $0x2  }
0xba: {  	s0 =	rddreg [dreg:$0x0];
	s2 =	stileid.u32  }
0xbb: {  	s1 =	rddreg [dreg:$0x1];
	p0 =	sne.s32 s2, $0x0  }
0xbc: {  	s3 =	rddreg [dreg:$0x2];
	[bflag:$0x3] =	sbarrier.arrive $0xFFFF;
	s2 =	simm.s32 @!p0 $0x1C05  }
0xbd: {  	[timem:s3], [sflag:s2] =	dma.local @!p0 [hbm:s0], s1  }
0xbe: {  	s0 =	simm.s32 @!p0 $0x5  }
0xbf: {  	_ =	swait.ge @!p0 [sflag:s0], s1  }
0xc0: {  	s1 =	ssub.s32 @!p0 $0x0, s1;
	[sflag:s0] =	ssyncset.done @!p0 $0x0  }
0xc1: {  	[sflag:s0] =	ssyncadd.s32 @!p0 s1  }
0xc2: {  	[bflag:$0x3] =	sbarrier.arrive $0xFFFF  }
0xc3: {  	_ =	shalt  }

// kernel: kernel.8.cloned.1.call-start
scs
__scs_entry_jumppad:
0x0: {  	(pc) =	sbr.rel $0x88, $3  }
0x1: {  	(tag) =	ssettag $0x0;
	lr =	simm.s32 $0x1  }
0x2: {  	[smem:$0x3F99] =	sst lr;
	_ =	strace $0xD0000000  }
0x3: {  	_ = 	snop  }
0x4: {  	_ = 	snop  }
0x5: {  	_ = 	snop  }
0x6: {  	_ = 	snop  }
0x7: {  	_ = 	snop  }
__scs_overlays_trampoline_lowered:
0x8: {  	[smem:$0x3FA8] =	sst s0  }
0x9: {  	[smem:$0x3FA9] =	sst s1  }
0xa: {  	[smem:$0x3FAA] =	sst s2  }
0xb: {  	[smem:$0x3FAB] =	sst s3  }
0xc: {  	[smem:$0x3FAC] =	sst s4  }
0xd: {  	[smem:$0x3FAD] =	sst s5  }
0xe: {  	[smem:$0x3FAE] =	sst s6  }
0xf: {  	[smem:$0x3FAF] =	sst s7  }
0x10: {  	[smem:$0x3FB0] =	sst s8  }
0x11: {  	[smem:$0x3FB1] =	sst s9;
	s0 =	simm.s32 @!p0 $0x0  }
0x12: {  	s1 =	sld [smem:$0x3F97];
	s0 =	simm.s32 @p0 $0x1  }
0x13: {  	[smem:$0x3FB2] =	sst s0;
	s0 =	simm.s32 @!p1 $0x0  }
0x14: {  	s2 =	sld [smem:$0x3F96];
	s0 =	simm.s32 @p1 $0x1  }
0x15: {  	[smem:$0x3FB3] =	sst s0;
	s0 =	simm.s32 @!p2 $0x0  }
0x16: {  	s3 =	sld [smem:$0x3FDB];
	s0 =	simm.s32 @p2 $0x1  }
0x17: {  	s4 =	simm.s32 $0x1BF5;
	[smem:$0x3FB5] =	sst s0  }
0x18: {  	s0 =	sld [smem:$0x3F98];
	_ =	swait.ge [sflag:s4], $0x0  }
0x19: {  	s7 =	sld [smem:$0x3F99]  }
0x1a: {  	s8 =	sadd.s32 $0xFFFFE003, lr  }
0x1b: {  	s9 =	sadd.s32 $0xFFFFFEF7, lr;
	s5 =	simm.s32 $0xFFFFFFFF;
	p2 =	slt.u32 s8, $0xFFFFF086  }
0x1c: {  	p1 =	slt.u32 s9, $0xF7A;
	s5 =	simm.s32 @!p2 $0x0  }
0x1d: {  	s5 =	simm.s32 @p1 $0x1;
	p0 =	seq.s32 s7, s2  }
0x1e: {  	s7 =	smul.u32 @!p0 $0xF7A, s2;
	p2 =	seq.s32 @!p0 s5, $0x0  }
0x1f: {  	s9 =	smul.u32 $0xF7A, s1;
	s8 =	simm.s32 @!p0 $0x1BF5;
	p2 =	por !p2, p0  }
0x20: {  	[sflag:s8] =	ssyncset.s32 @!p0 $0xFFFFF086;
	s6 =	sadd.s32 @!p0 s3, s7;
	s7 =	simm.s32 @!p0 $0x108  }
0x21: {  	s3 =	sadd.s32 s3, s9;
	s6 =	sadd.s32 @!p0 $0x88, s6;
	s7 =	simm.s32 @p2 $0x1082  }
0x22: {  	[simem:s7], [sflag:s8] =	dma.local @!p0 [hbm:s6], $0xF7A  }
0x23: {  	s9 =	sor.u32 $0xD0000000, s2;
	s6 =	simm.s32 $0x108;
	_ =	swait.ge @!p0 [sflag:s8], $0x0  }
0x24: {  	s3 =	sadd.s32 $0x88, s3;
	s6 =	simm.s32 @!p1 $0x1082;
	[sflag:s4] =	ssyncset.s32 $0xFFFFF086  }
0x25: {  	[simem:s6], [sflag:s4] =	dma.local [hbm:s3], $0xF7A  }
0x26: {  	[smem:$0x3F99] =	sst s1;
	(tag) =	ssettag s2;
	_ =	strace s9  }
0x27: {  	s1 =	sld [smem:$0x3FA9]  }
0x28: {  	s2 =	sld [smem:$0x3FAA]  }
0x29: {  	s4 =	sld [smem:$0x3FAC]  }
0x2a: {  	p0 =	seq.s32 s5, $0x0;
	s5 =	sld [smem:$0x3FAD]  }
0x2b: {  	s6 =	sld [smem:$0x3FAE]  }
0x2c: {  	s7 =	sld [smem:$0x3FAF]  }
0x2d: {  	s3 =	simm.s32 $0x108;
	s8 =	sld [smem:$0x3FB0]  }
0x2e: {  	s3 =	simm.s32 @!p0 $0x1082;
	s9 =	sld [smem:$0x3FB1]  }
0x2f: {  	lr =	sadd.s32 s0, s3;
	s0 =	sld [smem:$0x3FA8]  }
0x30: {  	s3 =	sld [smem:$0x3FAB]  }
0x31: {  	[smem:$0x3FB4] =	sst s10  }
0x32: {  	s10 =	sld [smem:$0x3FB2];
	_ =	sdelay $0x3  }
0x33: {  	p0 =	seq.s32 s10, $0x1;
	s10 =	sld [smem:$0x3FB4];
	_ =	sdelay $0x3  }
0x34: {  	[smem:$0x3FB4] =	sst s10  }
0x35: {  	s10 =	sld [smem:$0x3FB3];
	_ =	sdelay $0x3  }
0x36: {  	p1 =	seq.s32 s10, $0x1;
	s10 =	sld [smem:$0x3FB4];
	_ =	sdelay $0x3  }
0x37: {  	[smem:$0x3FB4] =	sst s10  }
0x38: {  	s10 =	sld [smem:$0x3FB5]  }
0x39: {  	_ = 	snop;
	(pc) =	sbr.ind lr, $3  }
0x3a: {  	_ = 	snop  }
0x3b: {  	_ = 	snop  }
0x3c: {  	p2 =	seq.s32 s10, $0x1;
	s10 =	sld [smem:$0x3FB4]  }
0x3d: {  	_ =	shalt  }
0x3e: {  	_ =	shalt  }
0x3f: {  	_ =	shalt  }
0x40: {  	_ =	shalt  }
0x41: {  	_ =	shalt  }
0x42: {  	_ =	shalt  }
0x43: {  	_ =	shalt  }
0x44: {  	_ =	shalt  }
0x45: {  	_ =	shalt  }
0x46: {  	_ =	shalt  }
0x47: {  	_ =	shalt  }
0x48: {  	_ =	shalt  }
0x49: {  	_ =	shalt  }
0x4a: {  	_ =	shalt  }
0x4b: {  	_ =	shalt  }
0x4c: {  	_ =	shalt  }
0x4d: {  	_ =	shalt  }
0x4e: {  	_ =	shalt  }
0x4f: {  	_ =	shalt  }
0x50: {  	_ =	shalt  }
0x51: {  	_ =	shalt  }
0x52: {  	_ =	shalt  }
0x53: {  	_ =	shalt  }
0x54: {  	_ =	shalt  }
0x55: {  	_ =	shalt  }
0x56: {  	_ =	shalt  }
0x57: {  	_ =	shalt  }
0x58: {  	_ =	shalt  }
0x59: {  	_ =	shalt  }
0x5a: {  	_ =	shalt  }
0x5b: {  	_ =	shalt  }
0x5c: {  	_ =	shalt  }
0x5d: {  	_ =	shalt  }
0x5e: {  	_ =	shalt  }
0x5f: {  	_ =	shalt  }
0x60: {  	_ =	shalt  }
0x61: {  	_ =	shalt  }
0x62: {  	_ =	shalt  }
0x63: {  	_ =	shalt  }
0x64: {  	_ =	shalt  }
0x65: {  	_ =	shalt  }
0x66: {  	_ =	shalt  }
0x67: {  	_ =	shalt  }
0x68: {  	_ =	shalt  }
0x69: {  	_ =	shalt  }
0x6a: {  	_ =	shalt  }
0x6b: {  	_ =	shalt  }
0x6c: {  	_ =	shalt  }
0x6d: {  	_ =	shalt  }
0x6e: {  	_ =	shalt  }
0x6f: {  	_ =	shalt  }
0x70: {  	_ =	shalt  }
0x71: {  	_ =	shalt  }
0x72: {  	_ =	shalt  }
0x73: {  	_ =	shalt  }
0x74: {  	_ =	shalt  }
0x75: {  	_ =	shalt  }
0x76: {  	_ =	shalt  }
0x77: {  	_ =	shalt  }
0x78: {  	_ =	shalt  }
0x79: {  	_ =	shalt  }
0x7a: {  	_ =	shalt  }
0x7b: {  	_ =	shalt  }
0x7c: {  	_ =	shalt  }
0x7d: {  	_ =	shalt  }
0x7e: {  	_ =	shalt  }
0x7f: {  	_ =	shalt  }
0x80: {  	_ =	shalt  }
0x81: {  	_ =	shalt  }
0x82: {  	_ =	shalt  }
0x83: {  	_ =	shalt  }
0x84: {  	_ =	shalt  }
0x85: {  	_ =	shalt  }
0x86: {  	_ =	shalt  }
0x87: {  	_ =	shalt  }
.Lfunc_end0:
.L_simem_size_0:
called_computation_lowered:
.L_overlay_start_0:
0x88: {  	s2 =	sld [smem:$0x3FD9]  }
0x89: {  	s3 =	sld [smem:$0x3FFE];
	_ =	sdelay $0x1  }
0x8a: {  	s1 =	srdreg.scid  }
0x8b: {  	s0 =	sand.u32 $0x1, s1  }
0x8c: {  	s17 =	sshll.u32 s0, $0xA;
	s2 =	sadd.s32 s3, s2  }
0x8d: {  	s2 =	sadd.s32 s2, s17  }
0x8e: {  	[smem:$0x3FC0] =	sst s2  }
0x8f: {  	_ = 	snop  }
0x90: {  	s2 =	sld [smem:$0x3FD0];
	(tm) =	ssettm $0x1  }
0x91: {  	s18 =	sld [smem:$0x3FFB];
	_ =	sdelay $0x3  }
0x92: {  	_ =	strace s18  }
0x93: {  	s3 =	sld [smem:$0x3FFC];
	_ =	sdelay $0x3  }
0x94: {  	_ =	strace s3  }
0x95: {  	s3 =	sld [smem:$0x3FFD];
	_ =	sdelay $0x3  }
0x96: {  	_ =	strace s3  }
0x97: {  	_ =	strace $0x8FFFFFFF  }
0x98: {  	s19 =	sld [smem:$0x3FDB];
	_ =	sdelay $0x1  }
0x99: {  	s4 =	simm.s32 $_scs_section_size  }
0x9a: {  	s5 =	simm.s32 $_size__tile_overlayer_lowered;
	s6 =	simm.s32 $_tile_overlayer_lowered  }
0x9b: {  	s22 =	simm.s32 $0x1BFF;
	s21 =	sshll.u32 s6, $0x1;
	s3 =	sadd.s32 s4, s19  }
0x9c: {  	s7 =	simm.s32 $0x0;
	s20 =	sshll.u32 s5, $0x1;
	s5 =	sadd.s32 s21, s3  }
0x9d: {  	[timem:s7], [sflag:s22] =	dma.local [hbm:s5], s20  }
0x9e: {  	_ =	swait.ge [sflag:s22], s20  }
0x9f: {  	s4 =	ssub.s32 $0x0, s20;
	[sflag:s22] =	ssyncset.done $0x0  }
0xa0: {  	[sflag:s22] =	ssyncadd.s32 s4;
	_ =	sdelay $0x1  }
0xa1: {  	s23 =	simm.s32 $0x1B8B  }
0xa2: {  	_ =	swait.ge [sflag:s23], $0x1  }
0xa3: {  	[sflag:s23] =	ssyncset.done $0x0  }
0xa4: {  	s25 =	simm.s32 $0x1B8E;
	s24 =	sld [smem:$0x3FFE];
	[sflag:s23] =	ssyncadd.s32 $0xFFFFFFFF  }
0xa5: {  	s26 =	simm.s32 $execute0_lowered;
	[smem:$0x3FD2] =	sst s25  }
0xa6: {  	s5 =	sshll.u32 s26, $0x1;
	_ =	strace $0x80000046;
	[dreg:$0x1] =	wrdreg $0xFFFFFFFF  }
0xa7: {  	s28 =	simm.s32 $_size_execute0_lowered;
	s3 =	sadd.s32 s3, s5;
	[dreg:$0x0] =	wrdreg $0x0  }
0xa8: {  	s5 =	sshll.u32 s28, $0x1;
	[dreg:$0x2] =	wrdreg s3  }
0xa9: {  	[dreg:$0x3] =	wrdreg s5  }
0xaa: {  	[dreg:$0x4] =	wrdreg $0xC0  }
0xab: {  	_ =	task [dreg:s7], $0x5FFFF  }
0xac: {  	[dreg:$0x1] =	wrdreg $0xFFFFFFFF  }
0xad: {  	[dreg:$0x0] =	wrdreg $0x60  }
0xae: {  	[dreg:$0x2] =	wrdreg s2  }
0xaf: {  	[dreg:$0x3] =	wrdreg s24  }
0xb0: {  	[dreg:$0x4] =	wrdreg $0x7000  }
0xb1: {  	[dreg:$0x5] =	wrdreg $0x9  }
0xb2: {  	_ =	task.clear_ibuf [dreg:s7], $0x6FFFF;
	_ =	strace $0x90000046  }
0xb3: {  	s29 =	simm.s32 $0x9;
	_ =	strace $0x80000048  }
0xb4: {  	_ =	swait.ge [sflag:s29], $0x1  }
0xb5: {  	[sflag:s29] =	ssyncadd.s32 $0xFFFFFFFF  }
0xb6: {  	_ =	strace $0x90000048  }
0xb7: {  	_ =	sfence  }
0xb8: {  	s30 =	sld [smem:$0x0];
	_ =	sdelay $0x2  }
0xb9: {  	s31 =	sshll.u32 s1, $0xD;
	s1 =	sshrl.u32 s1, $0x2  }
0xba: {  	s3 =	sand.u32 $0x4000, s31;
	s1 =	sadd.s32 s1, s30  }
0xbb: {  	s0 =	sor.u32 s3, s0;
	s1 =	sshll.u32 s1, $0x11  }
0xbc: {  	s0 =	sor.u32 s1, s0  }
0xbd: {  	s0 =	sadd.s32 $0x8F2B, s0  }
0xbe: {  	[sflag:s0] =	ssyncadd.remote.s32 $0x1  }
0xbf: {  	_ =	sfence.sel $0xFFFF  }
0xc0: {  	[dreg:$0x0] =	wrdreg $0xFFFFFFFF;
	(pc) =	sbr.abs _section_cstart, $3  }
0xc1: {  	[dreg:$0x1] =	wrdreg $0xFFFFFFFF  }
0xc2: {  	_ =	task.clear_ibuf [dreg:s7], $0x2FFFF;
	_ =	strace $0x9FFFFFFF  }
0xc3: {  	(tm) =	ssettm $0x7FFFFFFF  }
tec
execute0_lowered:
.L_overlay_start_1:
0x0: {  	(tag) =	ssettag $0x1  }
0x1: {  	s7 =	rddreg [dreg:$0x0]  }
0x2: {  	s25 =	rddreg [dreg:$0x1]  }
0x3: {  	s1 =	rddreg [dreg:$0x2];
	s2 =	simm.s32 $0x0  }
0x4: {  	v0 =	vimm.f32 $1.000000000e+00;
	[smem:$0x7FF] =	sst s2  }
0x5: {  	s0 =	rddreg [dreg:$0x3];
	_ =	strace $0x80000047;
	[tilespmem:$0x420] =	vst v0  }
0x6: {  	[tilespmem:$0x430] =	vst v0  }
0x7: {  	[tilespmem:$0x440] =	vst v0  }
0x8: {  	[tilespmem:$0x450] =	vst v0  }
0x9: {  	[tilespmem:$0x460] =	vst v0  }
0xa: {  	v1 =	vimm.f32 $0.0e+00;
	[tilespmem:$0x470] =	vst v0  }
0xb: {  	[tilespmem:$0x480] =	vst v1  }
0xc: {  	[tilespmem:$0x490] =	vst v1  }
0xd: {  	[tilespmem:$0x4A0] =	vst v1  }
0xe: {  	[tilespmem:$0x4B0] =	vst v1  }
0xf: {  	[tilespmem:$0x4C0] =	vst v1  }
0x10: {  	[tilespmem:$0x4D0] =	vst v1  }
0x11: {  	[tilespmem:$0x4E0] =	vst v1  }
0x12: {  	[tilespmem:$0x4F0] =	vst v1  }
0x13: {  	[tilespmem:$0x500] =	vst v1  }
0x14: {  	[tilespmem:$0x510] =	vst v1  }
0x15: {  	[tilespmem:$0x520] =	vst v1  }
0x16: {  	[tilespmem:$0x530] =	vst v1  }
0x17: {  	[tilespmem:$0x540] =	vst v1  }
0x18: {  	[tilespmem:$0x550] =	vst v1  }
0x19: {  	[tilespmem:$0x560] =	vst v1  }
0x1a: {  	[tilespmem:$0x570] =	vst v1  }
0x1b: {  	[tilespmem:$0x400] =	vst v0  }
0x1c: {  	[tilespmem:$0x6F0] =	vst v1  }
0x1d: {  	[tilespmem:$0x6E0] =	vst v1  }
0x1e: {  	[tilespmem:$0x6D0] =	vst v1  }
0x1f: {  	[tilespmem:$0x6C0] =	vst v1  }
0x20: {  	[tilespmem:$0x6B0] =	vst v1  }
0x21: {  	[tilespmem:$0x6A0] =	vst v1  }
0x22: {  	[tilespmem:$0x690] =	vst v1  }
0x23: {  	[tilespmem:$0x680] =	vst v1  }
0x24: {  	[tilespmem:$0x670] =	vst v1  }
0x25: {  	[tilespmem:$0x660] =	vst v1  }
0x26: {  	[tilespmem:$0x650] =	vst v1  }
0x27: {  	[tilespmem:$0x640] =	vst v1  }
0x28: {  	[tilespmem:$0x630] =	vst v1  }
0x29: {  	[tilespmem:$0x620] =	vst v1  }
0x2a: {  	[tilespmem:$0x610] =	vst v1  }
0x2b: {  	[tilespmem:$0x600] =	vst v1  }
0x2c: {  	[tilespmem:$0x5F0] =	vst v1  }
0x2d: {  	[tilespmem:$0x5E0] =	vst v1  }
0x2e: {  	[tilespmem:$0x5D0] =	vst v1  }
0x2f: {  	[tilespmem:$0x5C0] =	vst v1  }
0x30: {  	s3 =	stileid.u32;
	[tilespmem:$0x5B0] =	vst v1  }
0x31: {  	s4 =	srdreg.scid;
	s24 =	smul.u32 $0xA00, s3;
	[tilespmem:$0x5A0] =	vst v1  }
0x32: {  	s26 =	sand.u32 $0x1, s4;
	[tilespmem:$0x590] =	vst v1  }
0x33: {  	s6 =	simm.s32 $0x480;
	s5 =	sshll.u32 s26, $0x4;
	[tilespmem:$0x580] =	vst v1;
	s4 =	sshrl.u32 s24, $0x2  }
0x34: {  	[tilespmem:$0x410] =	vst v0;
	s8 =	sor.u32 s3, s5;
	s5 =	simm.s32 $0x1;
	s4 =	sadd.s32 s4, s1  }
0x35: {  	[spmem:s4] =	stream.linear.scatter [tilespmem:s6], [sflag:$0x1], $0x280, $0x38;
	[tilespmem:$0x980] =	vst v63  }
0x36: {  	s8 =	smul.u32 $0x2800, s8;
	_ =	swait.ge [sflag:s5], $0x280  }
0x37: {  	[sflag:s5] =	ssyncset.done $0x0  }
0x38: {  	s8 =	sshrl.u32 s8, $0x3;
	[sflag:s5] =	ssyncadd.s32 $0xFFFFFD80  }
0x39: {  	s7 =	sadd.s32 s7, s8;
	[bflag:$0x0] =	sbarrier.arrive $0xFFFF  }
0x3a: {  	[tilespmem:s2], [sflag:$0x1] =	stream.linear.gather [hbm4b:s7+s2], $0x400, $0x38;
	[tilespmem:$0x980] =	vst v63  }
0x3b: {  	_ =	swait.ge [sflag:s5], $0x400  }
0x3c: {  	[sflag:s5] =	ssyncset.done $0x0  }
0x3d: {  	s9 =	simm.s32 $0x400;
	s8 =	simm.s32 $0x80;
	[sflag:s5] =	ssyncadd.s32 $0xFFFFFC00  }
0x3e: {  	[spmem:s1] =	stream.indirect.scatter.add.f32 [tilespmem:s9], [sflag:$0x1], $0x1, s2, s8, $0xb8;
	[tilespmem:$0x980] =	vst v63  }
0x3f: {  	_ =	swait.ge [sflag:s5], $0x80  }
0x40: {  	[sflag:s5] =	ssyncset.done $0x0  }
0x41: {  	[sflag:s5] =	ssyncadd.s32 $0xFFFFFF80  }
0x42: {  	[spmem:s1] =	stream.indirect.scatter.add.f32 [tilespmem:s9], [sflag:$0x1], $0x1, s8, s8, $0xb8;
	[tilespmem:$0x980] =	vst v63  }
0x43: {  	_ =	swait.ge [sflag:s5], $0x80  }
0x44: {  	[sflag:s5] =	ssyncset.done $0x0  }
0x45: {  	s10 =	simm.s32 $0x100;
	[sflag:s5] =	ssyncadd.s32 $0xFFFFFF80  }
0x46: {  	[spmem:s1] =	stream.indirect.scatter.add.f32 [tilespmem:s9], [sflag:$0x1], $0x1, s10, s8, $0xb8;
	[tilespmem:$0x980] =	vst v63  }
0x47: {  	_ =	swait.ge [sflag:s5], $0x80  }
0x48: {  	[sflag:s5] =	ssyncset.done $0x0  }
0x49: {  	s11 =	simm.s32 $0x180;
	[sflag:s5] =	ssyncadd.s32 $0xFFFFFF80  }
0x4a: {  	[spmem:s1] =	stream.indirect.scatter.add.f32 [tilespmem:s9], [sflag:$0x1], $0x1, s11, s8, $0xb8;
	[tilespmem:$0x980] =	vst v63  }
0x4b: {  	_ =	swait.ge [sflag:s5], $0x80  }
0x4c: {  	[sflag:s5] =	ssyncset.done $0x0  }
0x4d: {  	s12 =	simm.s32 $0x200;
	[sflag:s5] =	ssyncadd.s32 $0xFFFFFF80  }
0x4e: {  	[spmem:s1] =	stream.indirect.scatter.add.f32 [tilespmem:s9], [sflag:$0x1], $0x1, s12, s8, $0xb8;
	[tilespmem:$0x980] =	vst v63  }
0x4f: {  	_ =	swait.ge [sflag:s5], $0x80  }
0x50: {  	[sflag:s5] =	ssyncset.done $0x0  }
0x51: {  	s13 =	simm.s32 $0x280;
	[sflag:s5] =	ssyncadd.s32 $0xFFFFFF80  }
0x52: {  	[spmem:s1] =	stream.indirect.scatter.add.f32 [tilespmem:s9], [sflag:$0x1], $0x1, s13, s8, $0xb8;
	[tilespmem:$0x980] =	vst v63  }
0x53: {  	_ =	swait.ge [sflag:s5], $0x80  }
0x54: {  	[sflag:s5] =	ssyncset.done $0x0  }
0x55: {  	s14 =	simm.s32 $0x300;
	[sflag:s5] =	ssyncadd.s32 $0xFFFFFF80  }
0x56: {  	[spmem:s1] =	stream.indirect.scatter.add.f32 [tilespmem:s9], [sflag:$0x1], $0x1, s14, s8, $0xb8;
	[tilespmem:$0x980] =	vst v63  }
0x57: {  	_ =	swait.ge [sflag:s5], $0x80  }
0x58: {  	[sflag:s5] =	ssyncset.done $0x0  }
0x59: {  	s15 =	simm.s32 $0x380;
	[sflag:s5] =	ssyncadd.s32 $0xFFFFFF80  }
0x5a: {  	[spmem:s1] =	stream.indirect.scatter.add.f32 [tilespmem:s9], [sflag:$0x1], $0x1, s15, s8, $0xb8;
	[tilespmem:$0x980] =	vst v63  }
0x5b: {  	_ =	swait.ge [sflag:s5], $0x80  }
0x5c: {  	[sflag:s5] =	ssyncset.done $0x0  }
0x5d: {  	s16 =	sadd.s32 $0x80, s7;
	[sflag:s5] =	ssyncadd.s32 $0xFFFFFF80  }
0x5e: {  	[tilespmem:s2], [sflag:$0x1] =	stream.linear.gather [hbm4b:s16+s2], $0x400, $0x38;
	[tilespmem:$0x980] =	vst v63  }
0x5f: {  	_ =	swait.ge [sflag:s5], $0x400  }
0x60: {  	[sflag:s5] =	ssyncset.done $0x0  }
0x61: {  	[sflag:s5] =	ssyncadd.s32 $0xFFFFFC00  }
0x62: {  	[spmem:s1] =	stream.indirect.scatter.add.f32 [tilespmem:s9], [sflag:$0x1], $0x1, s2, s8, $0xb8;
	[tilespmem:$0x980] =	vst v63  }
0x63: {  	_ =	swait.ge [sflag:s5], $0x80  }
0x64: {  	[sflag:s5] =	ssyncset.done $0x0  }
0x65: {  	[sflag:s5] =	ssyncadd.s32 $0xFFFFFF80  }
0x66: {  	[spmem:s1] =	stream.indirect.scatter.add.f32 [tilespmem:s9], [sflag:$0x1], $0x1, s8, s8, $0xb8;
	[tilespmem:$0x980] =	vst v63  }
0x67: {  	_ =	swait.ge [sflag:s5], $0x80  }
0x68: {  	[sflag:s5] =	ssyncset.done $0x0  }
0x69: {  	[sflag:s5] =	ssyncadd.s32 $0xFFFFFF80  }
0x6a: {  	[spmem:s1] =	stream.indirect.scatter.add.f32 [tilespmem:s9], [sflag:$0x1], $0x1, s10, s8, $0xb8;
	[tilespmem:$0x980] =	vst v63  }
0x6b: {  	_ =	swait.ge [sflag:s5], $0x80  }
0x6c: {  	[sflag:s5] =	ssyncset.done $0x0  }
0x6d: {  	[sflag:s5] =	ssyncadd.s32 $0xFFFFFF80  }
0x6e: {  	[spmem:s1] =	stream.indirect.scatter.add.f32 [tilespmem:s9], [sflag:$0x1], $0x1, s11, s8, $0xb8;
	[tilespmem:$0x980] =	vst v63  }
0x6f: {  	_ =	swait.ge [sflag:s5], $0x80  }
0x70: {  	[sflag:s5] =	ssyncset.done $0x0  }
0x71: {  	[sflag:s5] =	ssyncadd.s32 $0xFFFFFF80  }
0x72: {  	[spmem:s1] =	stream.indirect.scatter.add.f32 [tilespmem:s9], [sflag:$0x1], $0x1, s12, s8, $0xb8;
	[tilespmem:$0x980] =	vst v63  }
0x73: {  	_ =	swait.ge [sflag:s5], $0x80  }
0x74: {  	[sflag:s5] =	ssyncset.done $0x0  }
0x75: {  	[sflag:s5] =	ssyncadd.s32 $0xFFFFFF80  }
0x76: {  	[spmem:s1] =	stream.indirect.scatter.add.f32 [tilespmem:s9], [sflag:$0x1], $0x1, s13, s8, $0xb8;
	[tilespmem:$0x980] =	vst v63  }
0x77: {  	_ =	swait.ge [sflag:s5], $0x80  }
0x78: {  	[sflag:s5] =	ssyncset.done $0x0  }
0x79: {  	[sflag:s5] =	ssyncadd.s32 $0xFFFFFF80  }
0x7a: {  	[spmem:s1] =	stream.indirect.scatter.add.f32 [tilespmem:s9], [sflag:$0x1], $0x1, s14, s8, $0xb8;
	[tilespmem:$0x980] =	vst v63  }
0x7b: {  	_ =	swait.ge [sflag:s5], $0x80  }
0x7c: {  	[sflag:s5] =	ssyncset.done $0x0  }
0x7d: {  	[sflag:s5] =	ssyncadd.s32 $0xFFFFFF80  }
0x7e: {  	[spmem:s1] =	stream.indirect.scatter.add.f32 [tilespmem:s9], [sflag:$0x1], $0x1, s15, s8, $0xb8;
	[tilespmem:$0x980] =	vst v63  }
0x7f: {  	_ =	swait.ge [sflag:s5], $0x80  }
0x80: {  	[sflag:s5] =	ssyncset.done $0x0  }
0x81: {  	s17 =	sadd.s32 $0x100, s7;
	[sflag:s5] =	ssyncadd.s32 $0xFFFFFF80  }
0x82: {  	[tilespmem:s2], [sflag:$0x1] =	stream.linear.gather [hbm4b:s17+s2], $0x400, $0x38;
	[tilespmem:$0x980] =	vst v63  }
0x83: {  	_ =	swait.ge [sflag:s5], $0x400  }
0x84: {  	[sflag:s5] =	ssyncset.done $0x0  }
0x85: {  	[sflag:s5] =	ssyncadd.s32 $0xFFFFFC00  }
0x86: {  	[spmem:s1] =	stream.indirect.scatter.add.f32 [tilespmem:s9], [sflag:$0x1], $0x1, s2, s8, $0xb8;
	[tilespmem:$0x980] =	vst v63  }
0x87: {  	_ =	swait.ge [sflag:s5], $0x80  }
0x88: {  	[sflag:s5] =	ssyncset.done $0x0  }
0x89: {  	[sflag:s5] =	ssyncadd.s32 $0xFFFFFF80  }
0x8a: {  	[spmem:s1] =	stream.indirect.scatter.add.f32 [tilespmem:s9], [sflag:$0x1], $0x1, s8, s8, $0xb8;
	[tilespmem:$0x980] =	vst v63  }
0x8b: {  	_ =	swait.ge [sflag:s5], $0x80  }
0x8c: {  	[sflag:s5] =	ssyncset.done $0x0  }
0x8d: {  	[sflag:s5] =	ssyncadd.s32 $0xFFFFFF80  }
0x8e: {  	[spmem:s1] =	stream.indirect.scatter.add.f32 [tilespmem:s9], [sflag:$0x1], $0x1, s10, s8, $0xb8;
	[tilespmem:$0x980] =	vst v63  }
0x8f: {  	_ =	swait.ge [sflag:s5], $0x80  }
0x90: {  	[sflag:s5] =	ssyncset.done $0x0  }
0x91: {  	[sflag:s5] =	ssyncadd.s32 $0xFFFFFF80  }
0x92: {  	[spmem:s1] =	stream.indirect.scatter.add.f32 [tilespmem:s9], [sflag:$0x1], $0x1, s11, s8, $0xb8;
	[tilespmem:$0x980] =	vst v63  }
0x93: {  	_ =	swait.ge [sflag:s5], $0x80  }
0x94: {  	[sflag:s5] =	ssyncset.done $0x0  }
0x95: {  	[sflag:s5] =	ssyncadd.s32 $0xFFFFFF80  }
0x96: {  	[spmem:s1] =	stream.indirect.scatter.add.f32 [tilespmem:s9], [sflag:$0x1], $0x1, s12, s8, $0xb8;
	[tilespmem:$0x980] =	vst v63  }
0x97: {  	_ =	swait.ge [sflag:s5], $0x80  }
0x98: {  	[sflag:s5] =	ssyncset.done $0x0  }
0x99: {  	[sflag:s5] =	ssyncadd.s32 $0xFFFFFF80  }
0x9a: {  	[spmem:s1] =	stream.indirect.scatter.add.f32 [tilespmem:s9], [sflag:$0x1], $0x1, s13, s8, $0xb8;
	[tilespmem:$0x980] =	vst v63  }
0x9b: {  	_ =	swait.ge [sflag:s5], $0x80  }
0x9c: {  	[sflag:s5] =	ssyncset.done $0x0  }
0x9d: {  	[sflag:s5] =	ssyncadd.s32 $0xFFFFFF80  }
0x9e: {  	[spmem:s1] =	stream.indirect.scatter.add.f32 [tilespmem:s9], [sflag:$0x1], $0x1, s14, s8, $0xb8;
	[tilespmem:$0x980] =	vst v63  }
0x9f: {  	_ =	swait.ge [sflag:s5], $0x80  }
0xa0: {  	[sflag:s5] =	ssyncset.done $0x0  }
0xa1: {  	[sflag:s5] =	ssyncadd.s32 $0xFFFFFF80  }
0xa2: {  	[spmem:s1] =	stream.indirect.scatter.add.f32 [tilespmem:s9], [sflag:$0x1], $0x1, s15, s8, $0xb8;
	[tilespmem:$0x980] =	vst v63  }
0xa3: {  	_ =	swait.ge [sflag:s5], $0x80  }
0xa4: {  	[sflag:s5] =	ssyncset.done $0x0  }
0xa5: {  	s18 =	sadd.s32 $0x180, s7;
	[sflag:s5] =	ssyncadd.s32 $0xFFFFFF80  }
0xa6: {  	[tilespmem:s2], [sflag:$0x1] =	stream.linear.gather [hbm4b:s18+s2], $0x400, $0x38;
	[tilespmem:$0x980] =	vst v63  }
0xa7: {  	_ =	swait.ge [sflag:s5], $0x400  }
0xa8: {  	[sflag:s5] =	ssyncset.done $0x0  }
0xa9: {  	[sflag:s5] =	ssyncadd.s32 $0xFFFFFC00  }
0xaa: {  	[spmem:s1] =	stream.indirect.scatter.add.f32 [tilespmem:s9], [sflag:$0x1], $0x1, s2, s8, $0xb8;
	[tilespmem:$0x980] =	vst v63  }
0xab: {  	_ =	swait.ge [sflag:s5], $0x80  }
0xac: {  	[sflag:s5] =	ssyncset.done $0x0  }
0xad: {  	[sflag:s5] =	ssyncadd.s32 $0xFFFFFF80  }
0xae: {  	[spmem:s1] =	stream.indirect.scatter.add.f32 [tilespmem:s9], [sflag:$0x1], $0x1, s8, s8, $0xb8;
	[tilespmem:$0x980] =	vst v63  }
0xaf: {  	_ =	swait.ge [sflag:s5], $0x80  }
0xb0: {  	[sflag:s5] =	ssyncset.done $0x0  }
0xb1: {  	[sflag:s5] =	ssyncadd.s32 $0xFFFFFF80  }
0xb2: {  	[spmem:s1] =	stream.indirect.scatter.add.f32 [tilespmem:s9], [sflag:$0x1], $0x1, s10, s8, $0xb8;
	[tilespmem:$0x980] =	vst v63  }
0xb3: {  	_ =	swait.ge [sflag:s5], $0x80  }
0xb4: {  	[sflag:s5] =	ssyncset.done $0x0  }
0xb5: {  	[sflag:s5] =	ssyncadd.s32 $0xFFFFFF80  }
0xb6: {  	[spmem:s1] =	stream.indirect.scatter.add.f32 [tilespmem:s9], [sflag:$0x1], $0x1, s11, s8, $0xb8;
	[tilespmem:$0x980] =	vst v63  }
0xb7: {  	_ =	swait.ge [sflag:s5], $0x80  }
0xb8: {  	[sflag:s5] =	ssyncset.done $0x0  }
0xb9: {  	[sflag:s5] =	ssyncadd.s32 $0xFFFFFF80  }
0xba: {  	[spmem:s1] =	stream.indirect.scatter.add.f32 [tilespmem:s9], [sflag:$0x1], $0x1, s12, s8, $0xb8;
	[tilespmem:$0x980] =	vst v63  }
0xbb: {  	_ =	swait.ge [sflag:s5], $0x80  }
0xbc: {  	[sflag:s5] =	ssyncset.done $0x0  }
0xbd: {  	[sflag:s5] =	ssyncadd.s32 $0xFFFFFF80  }
0xbe: {  	[spmem:s1] =	stream.indirect.scatter.add.f32 [tilespmem:s9], [sflag:$0x1], $0x1, s13, s8, $0xb8;
	[tilespmem:$0x980] =	vst v63  }
0xbf: {  	_ =	swait.ge [sflag:s5], $0x80  }
0xc0: {  	[sflag:s5] =	ssyncset.done $0x0  }
0xc1: {  	[sflag:s5] =	ssyncadd.s32 $0xFFFFFF80  }
0xc2: {  	[spmem:s1] =	stream.indirect.scatter.add.f32 [tilespmem:s9], [sflag:$0x1], $0x1, s14, s8, $0xb8;
	[tilespmem:$0x980] =	vst v63  }
0xc3: {  	_ =	swait.ge [sflag:s5], $0x80  }
0xc4: {  	[sflag:s5] =	ssyncset.done $0x0  }
0xc5: {  	[sflag:s5] =	ssyncadd.s32 $0xFFFFFF80  }
0xc6: {  	[spmem:s1] =	stream.indirect.scatter.add.f32 [tilespmem:s9], [sflag:$0x1], $0x1, s15, s8, $0xb8;
	[tilespmem:$0x980] =	vst v63  }
0xc7: {  	_ =	swait.ge [sflag:s5], $0x80  }
0xc8: {  	[sflag:s5] =	ssyncset.done $0x0  }
0xc9: {  	s19 =	sadd.s32 $0x200, s7;
	[sflag:s5] =	ssyncadd.s32 $0xFFFFFF80  }
0xca: {  	[tilespmem:s2], [sflag:$0x1] =	stream.linear.gather [hbm4b:s19+s2], $0x400, $0x38;
	[tilespmem:$0x980] =	vst v63  }
0xcb: {  	_ =	swait.ge [sflag:s5], $0x400  }
0xcc: {  	[sflag:s5] =	ssyncset.done $0x0  }
0xcd: {  	[sflag:s5] =	ssyncadd.s32 $0xFFFFFC00  }
0xce: {  	[spmem:s1] =	stream.indirect.scatter.add.f32 [tilespmem:s9], [sflag:$0x1], $0x1, s2, s8, $0xb8;
	[tilespmem:$0x980] =	vst v63  }
0xcf: {  	_ =	swait.ge [sflag:s5], $0x80  }
0xd0: {  	[sflag:s5] =	ssyncset.done $0x0  }
0xd1: {  	[sflag:s5] =	ssyncadd.s32 $0xFFFFFF80  }
0xd2: {  	[spmem:s1] =	stream.indirect.scatter.add.f32 [tilespmem:s9], [sflag:$0x1], $0x1, s8, s8, $0xb8;
	[tilespmem:$0x980] =	vst v63  }
0xd3: {  	_ =	swait.ge [sflag:s5], $0x80  }
0xd4: {  	[sflag:s5] =	ssyncset.done $0x0  }
0xd5: {  	[sflag:s5] =	ssyncadd.s32 $0xFFFFFF80  }
0xd6: {  	[spmem:s1] =	stream.indirect.scatter.add.f32 [tilespmem:s9], [sflag:$0x1], $0x1, s10, s8, $0xb8;
	[tilespmem:$0x980] =	vst v63  }
0xd7: {  	_ =	swait.ge [sflag:s5], $0x80  }
0xd8: {  	[sflag:s5] =	ssyncset.done $0x0  }
0xd9: {  	[sflag:s5] =	ssyncadd.s32 $0xFFFFFF80  }
0xda: {  	[spmem:s1] =	stream.indirect.scatter.add.f32 [tilespmem:s9], [sflag:$0x1], $0x1, s11, s8, $0xb8;
	[tilespmem:$0x980] =	vst v63  }
0xdb: {  	_ =	swait.ge [sflag:s5], $0x80  }
0xdc: {  	[sflag:s5] =	ssyncset.done $0x0  }
0xdd: {  	[sflag:s5] =	ssyncadd.s32 $0xFFFFFF80  }
0xde: {  	[spmem:s1] =	stream.indirect.scatter.add.f32 [tilespmem:s9], [sflag:$0x1], $0x1, s12, s8, $0xb8;
	[tilespmem:$0x980] =	vst v63  }
0xdf: {  	_ =	swait.ge [sflag:s5], $0x80  }
0xe0: {  	[sflag:s5] =	ssyncset.done $0x0  }
0xe1: {  	[sflag:s5] =	ssyncadd.s32 $0xFFFFFF80  }
0xe2: {  	[spmem:s1] =	stream.indirect.scatter.add.f32 [tilespmem:s9], [sflag:$0x1], $0x1, s13, s8, $0xb8;
	[tilespmem:$0x980] =	vst v63  }
0xe3: {  	_ =	swait.ge [sflag:s5], $0x80  }
0xe4: {  	[sflag:s5] =	ssyncset.done $0x0  }
0xe5: {  	[sflag:s5] =	ssyncadd.s32 $0xFFFFFF80  }
0xe6: {  	[spmem:s1] =	stream.indirect.scatter.add.f32 [tilespmem:s9], [sflag:$0x1], $0x1, s14, s8, $0xb8;
	[tilespmem:$0x980] =	vst v63  }
0xe7: {  	_ =	swait.ge [sflag:s5], $0x80  }
0xe8: {  	[sflag:s5] =	ssyncset.done $0x0  }
0xe9: {  	[sflag:s5] =	ssyncadd.s32 $0xFFFFFF80  }
0xea: {  	[spmem:s1] =	stream.indirect.scatter.add.f32 [tilespmem:s9], [sflag:$0x1], $0x1, s15, s8, $0xb8;
	[tilespmem:$0x980] =	vst v63  }
0xeb: {  	_ =	swait.ge [sflag:s5], $0x80  }
0xec: {  	[sflag:s5] =	ssyncset.done $0x0  }
0xed: {  	s20 =	sadd.s32 $0x280, s7;
	[sflag:s5] =	ssyncadd.s32 $0xFFFFFF80  }
0xee: {  	[tilespmem:s2], [sflag:$0x1] =	stream.linear.gather [hbm4b:s20+s2], $0x400, $0x38;
	[tilespmem:$0x980] =	vst v63  }
0xef: {  	_ =	swait.ge [sflag:s5], $0x400  }
0xf0: {  	[sflag:s5] =	ssyncset.done $0x0  }
0xf1: {  	[sflag:s5] =	ssyncadd.s32 $0xFFFFFC00  }
0xf2: {  	[spmem:s1] =	stream.indirect.scatter.add.f32 [tilespmem:s9], [sflag:$0x1], $0x1, s2, s8, $0xb8;
	[tilespmem:$0x980] =	vst v63  }
0xf3: {  	_ =	swait.ge [sflag:s5], $0x80  }
0xf4: {  	[sflag:s5] =	ssyncset.done $0x0  }
0xf5: {  	[sflag:s5] =	ssyncadd.s32 $0xFFFFFF80  }
0xf6: {  	[spmem:s1] =	stream.indirect.scatter.add.f32 [tilespmem:s9], [sflag:$0x1], $0x1, s8, s8, $0xb8;
	[tilespmem:$0x980] =	vst v63  }
0xf7: {  	_ =	swait.ge [sflag:s5], $0x80  }
0xf8: {  	[sflag:s5] =	ssyncset.done $0x0  }
0xf9: {  	[sflag:s5] =	ssyncadd.s32 $0xFFFFFF80  }
0xfa: {  	[spmem:s1] =	stream.indirect.scatter.add.f32 [tilespmem:s9], [sflag:$0x1], $0x1, s10, s8, $0xb8;
	[tilespmem:$0x980] =	vst v63  }
0xfb: {  	_ =	swait.ge [sflag:s5], $0x80  }
0xfc: {  	[sflag:s5] =	ssyncset.done $0x0  }
0xfd: {  	[sflag:s5] =	ssyncadd.s32 $0xFFFFFF80  }
0xfe: {  	[spmem:s1] =	stream.indirect.scatter.add.f32 [tilespmem:s9], [sflag:$0x1], $0x1, s11, s8, $0xb8;
	[tilespmem:$0x980] =	vst v63  }
0xff: {  	_ =	swait.ge [sflag:s5], $0x80  }
0x100: {  	[sflag:s5] =	ssyncset.done $0x0  }
0x101: {  	[sflag:s5] =	ssyncadd.s32 $0xFFFFFF80  }
0x102: {  	[spmem:s1] =	stream.indirect.scatter.add.f32 [tilespmem:s9], [sflag:$0x1], $0x1, s12, s8, $0xb8;
	[tilespmem:$0x980] =	vst v63  }
0x103: {  	_ =	swait.ge [sflag:s5], $0x80  }
0x104: {  	[sflag:s5] =	ssyncset.done $0x0  }
0x105: {  	[sflag:s5] =	ssyncadd.s32 $0xFFFFFF80  }
0x106: {  	[spmem:s1] =	stream.indirect.scatter.add.f32 [tilespmem:s9], [sflag:$0x1], $0x1, s13, s8, $0xb8;
	[tilespmem:$0x980] =	vst v63  }
0x107: {  	_ =	swait.ge [sflag:s5], $0x80  }
0x108: {  	[sflag:s5] =	ssyncset.done $0x0  }
0x109: {  	[sflag:s5] =	ssyncadd.s32 $0xFFFFFF80  }
0x10a: {  	[spmem:s1] =	stream.indirect.scatter.add.f32 [tilespmem:s9], [sflag:$0x1], $0x1, s14, s8, $0xb8;
	[tilespmem:$0x980] =	vst v63  }
0x10b: {  	_ =	swait.ge [sflag:s5], $0x80  }
0x10c: {  	[sflag:s5] =	ssyncset.done $0x0  }
0x10d: {  	[sflag:s5] =	ssyncadd.s32 $0xFFFFFF80  }
0x10e: {  	[spmem:s1] =	stream.indirect.scatter.add.f32 [tilespmem:s9], [sflag:$0x1], $0x1, s15, s8, $0xb8;
	[tilespmem:$0x980] =	vst v63  }
0x10f: {  	_ =	swait.ge [sflag:s5], $0x80  }
0x110: {  	[sflag:s5] =	ssyncset.done $0x0  }
0x111: {  	s21 =	sadd.s32 $0x300, s7;
	[sflag:s5] =	ssyncadd.s32 $0xFFFFFF80  }
0x112: {  	[tilespmem:s2], [sflag:$0x1] =	stream.linear.gather [hbm4b:s21+s2], $0x400, $0x38;
	[tilespmem:$0x980] =	vst v63  }
0x113: {  	_ =	swait.ge [sflag:s5], $0x400  }
0x114: {  	[sflag:s5] =	ssyncset.done $0x0  }
0x115: {  	[sflag:s5] =	ssyncadd.s32 $0xFFFFFC00  }
0x116: {  	[spmem:s1] =	stream.indirect.scatter.add.f32 [tilespmem:s9], [sflag:$0x1], $0x1, s2, s8, $0xb8;
	[tilespmem:$0x980] =	vst v63  }
0x117: {  	_ =	swait.ge [sflag:s5], $0x80  }
0x118: {  	[sflag:s5] =	ssyncset.done $0x0  }
0x119: {  	[sflag:s5] =	ssyncadd.s32 $0xFFFFFF80  }
0x11a: {  	[spmem:s1] =	stream.indirect.scatter.add.f32 [tilespmem:s9], [sflag:$0x1], $0x1, s8, s8, $0xb8;
	[tilespmem:$0x980] =	vst v63  }
0x11b: {  	_ =	swait.ge [sflag:s5], $0x80  }
0x11c: {  	[sflag:s5] =	ssyncset.done $0x0  }
0x11d: {  	[sflag:s5] =	ssyncadd.s32 $0xFFFFFF80  }
0x11e: {  	[spmem:s1] =	stream.indirect.scatter.add.f32 [tilespmem:s9], [sflag:$0x1], $0x1, s10, s8, $0xb8;
	[tilespmem:$0x980] =	vst v63  }
0x11f: {  	_ =	swait.ge [sflag:s5], $0x80  }
0x120: {  	[sflag:s5] =	ssyncset.done $0x0  }
0x121: {  	[sflag:s5] =	ssyncadd.s32 $0xFFFFFF80  }
0x122: {  	[spmem:s1] =	stream.indirect.scatter.add.f32 [tilespmem:s9], [sflag:$0x1], $0x1, s11, s8, $0xb8;
	[tilespmem:$0x980] =	vst v63  }
0x123: {  	_ =	swait.ge [sflag:s5], $0x80  }
0x124: {  	[sflag:s5] =	ssyncset.done $0x0  }
0x125: {  	[sflag:s5] =	ssyncadd.s32 $0xFFFFFF80  }
0x126: {  	[spmem:s1] =	stream.indirect.scatter.add.f32 [tilespmem:s9], [sflag:$0x1], $0x1, s12, s8, $0xb8;
	[tilespmem:$0x980] =	vst v63  }
0x127: {  	_ =	swait.ge [sflag:s5], $0x80  }
0x128: {  	[sflag:s5] =	ssyncset.done $0x0  }
0x129: {  	[sflag:s5] =	ssyncadd.s32 $0xFFFFFF80  }
0x12a: {  	[spmem:s1] =	stream.indirect.scatter.add.f32 [tilespmem:s9], [sflag:$0x1], $0x1, s13, s8, $0xb8;
	[tilespmem:$0x980] =	vst v63  }
0x12b: {  	_ =	swait.ge [sflag:s5], $0x80  }
0x12c: {  	[sflag:s5] =	ssyncset.done $0x0  }
0x12d: {  	[sflag:s5] =	ssyncadd.s32 $0xFFFFFF80  }
0x12e: {  	[spmem:s1] =	stream.indirect.scatter.add.f32 [tilespmem:s9], [sflag:$0x1], $0x1, s14, s8, $0xb8;
	[tilespmem:$0x980] =	vst v63  }
0x12f: {  	_ =	swait.ge [sflag:s5], $0x80  }
0x130: {  	[sflag:s5] =	ssyncset.done $0x0  }
0x131: {  	[sflag:s5] =	ssyncadd.s32 $0xFFFFFF80  }
0x132: {  	[spmem:s1] =	stream.indirect.scatter.add.f32 [tilespmem:s9], [sflag:$0x1], $0x1, s15, s8, $0xb8;
	[tilespmem:$0x980] =	vst v63  }
0x133: {  	_ =	swait.ge [sflag:s5], $0x80  }
0x134: {  	[sflag:s5] =	ssyncset.done $0x0  }
0x135: {  	s22 =	sadd.s32 $0x380, s7;
	[sflag:s5] =	ssyncadd.s32 $0xFFFFFF80  }
0x136: {  	[tilespmem:s2], [sflag:$0x1] =	stream.linear.gather [hbm4b:s22+s2], $0x400, $0x38;
	[tilespmem:$0x980] =	vst v63  }
0x137: {  	_ =	swait.ge [sflag:s5], $0x400  }
0x138: {  	[sflag:s5] =	ssyncset.done $0x0  }
0x139: {  	[sflag:s5] =	ssyncadd.s32 $0xFFFFFC00  }
0x13a: {  	[spmem:s1] =	stream.indirect.scatter.add.f32 [tilespmem:s9], [sflag:$0x1], $0x1, s2, s8, $0xb8;
	[tilespmem:$0x980] =	vst v63  }
0x13b: {  	_ =	swait.ge [sflag:s5], $0x80  }
0x13c: {  	[sflag:s5] =	ssyncset.done $0x0  }
0x13d: {  	[sflag:s5] =	ssyncadd.s32 $0xFFFFFF80  }
0x13e: {  	[spmem:s1] =	stream.indirect.scatter.add.f32 [tilespmem:s9], [sflag:$0x1], $0x1, s8, s8, $0xb8;
	[tilespmem:$0x980] =	vst v63  }
0x13f: {  	_ =	swait.ge [sflag:s5], $0x80  }
0x140: {  	[sflag:s5] =	ssyncset.done $0x0  }
0x141: {  	[sflag:s5] =	ssyncadd.s32 $0xFFFFFF80  }
0x142: {  	[spmem:s1] =	stream.indirect.scatter.add.f32 [tilespmem:s9], [sflag:$0x1], $0x1, s10, s8, $0xb8;
	[tilespmem:$0x980] =	vst v63  }
0x143: {  	_ =	swait.ge [sflag:s5], $0x80  }
0x144: {  	[sflag:s5] =	ssyncset.done $0x0  }
0x145: {  	[sflag:s5] =	ssyncadd.s32 $0xFFFFFF80  }
0x146: {  	[spmem:s1] =	stream.indirect.scatter.add.f32 [tilespmem:s9], [sflag:$0x1], $0x1, s11, s8, $0xb8;
	[tilespmem:$0x980] =	vst v63  }
0x147: {  	_ =	swait.ge [sflag:s5], $0x80  }
0x148: {  	[sflag:s5] =	ssyncset.done $0x0  }
0x149: {  	[sflag:s5] =	ssyncadd.s32 $0xFFFFFF80  }
0x14a: {  	[spmem:s1] =	stream.indirect.scatter.add.f32 [tilespmem:s9], [sflag:$0x1], $0x1, s12, s8, $0xb8;
	[tilespmem:$0x980] =	vst v63  }
0x14b: {  	_ =	swait.ge [sflag:s5], $0x80  }
0x14c: {  	[sflag:s5] =	ssyncset.done $0x0  }
0x14d: {  	[sflag:s5] =	ssyncadd.s32 $0xFFFFFF80  }
0x14e: {  	[spmem:s1] =	stream.indirect.scatter.add.f32 [tilespmem:s9], [sflag:$0x1], $0x1, s13, s8, $0xb8;
	[tilespmem:$0x980] =	vst v63  }
0x14f: {  	_ =	swait.ge [sflag:s5], $0x80  }
0x150: {  	[sflag:s5] =	ssyncset.done $0x0  }
0x151: {  	[sflag:s5] =	ssyncadd.s32 $0xFFFFFF80  }
0x152: {  	[spmem:s1] =	stream.indirect.scatter.add.f32 [tilespmem:s9], [sflag:$0x1], $0x1, s14, s8, $0xb8;
	[tilespmem:$0x980] =	vst v63  }
0x153: {  	_ =	swait.ge [sflag:s5], $0x80  }
0x154: {  	[sflag:s5] =	ssyncset.done $0x0  }
0x155: {  	[sflag:s5] =	ssyncadd.s32 $0xFFFFFF80  }
0x156: {  	[spmem:s1] =	stream.indirect.scatter.add.f32 [tilespmem:s9], [sflag:$0x1], $0x1, s15, s8, $0xb8;
	[tilespmem:$0x980] =	vst v63  }
0x157: {  	_ =	swait.ge [sflag:s5], $0x80  }
0x158: {  	[sflag:s5] =	ssyncset.done $0x0  }
0x159: {  	s23 =	sadd.s32 $0x400, s7;
	[sflag:s5] =	ssyncadd.s32 $0xFFFFFF80  }
0x15a: {  	[tilespmem:s2], [sflag:$0x1] =	stream.linear.gather [hbm4b:s23+s2], $0x400, $0x38;
	[tilespmem:$0x980] =	vst v63  }
0x15b: {  	_ =	swait.ge [sflag:s5], $0x400  }
0x15c: {  	[sflag:s5] =	ssyncset.done $0x0  }
0x15d: {  	[sflag:s5] =	ssyncadd.s32 $0xFFFFFC00  }
0x15e: {  	[spmem:s1] =	stream.indirect.scatter.add.f32 [tilespmem:s9], [sflag:$0x1], $0x1, s2, s8, $0xb8;
	[tilespmem:$0x980] =	vst v63  }
0x15f: {  	_ =	swait.ge [sflag:s5], $0x80  }
0x160: {  	[sflag:s5] =	ssyncset.done $0x0  }
0x161: {  	[sflag:s5] =	ssyncadd.s32 $0xFFFFFF80  }
0x162: {  	[spmem:s1] =	stream.indirect.scatter.add.f32 [tilespmem:s9], [sflag:$0x1], $0x1, s8, s8, $0xb8;
	[tilespmem:$0x980] =	vst v63  }
0x163: {  	_ =	swait.ge [sflag:s5], $0x80  }
0x164: {  	[sflag:s5] =	ssyncset.done $0x0  }
0x165: {  	[sflag:s5] =	ssyncadd.s32 $0xFFFFFF80  }
0x166: {  	[spmem:s1] =	stream.indirect.scatter.add.f32 [tilespmem:s9], [sflag:$0x1], $0x1, s10, s8, $0xb8;
	[tilespmem:$0x980] =	vst v63  }
0x167: {  	_ =	swait.ge [sflag:s5], $0x80  }
0x168: {  	[sflag:s5] =	ssyncset.done $0x0  }
0x169: {  	[sflag:s5] =	ssyncadd.s32 $0xFFFFFF80  }
0x16a: {  	[spmem:s1] =	stream.indirect.scatter.add.f32 [tilespmem:s9], [sflag:$0x1], $0x1, s11, s8, $0xb8;
	[tilespmem:$0x980] =	vst v63  }
0x16b: {  	_ =	swait.ge [sflag:s5], $0x80  }
0x16c: {  	[sflag:s5] =	ssyncset.done $0x0  }
0x16d: {  	[sflag:s5] =	ssyncadd.s32 $0xFFFFFF80  }
0x16e: {  	[spmem:s1] =	stream.indirect.scatter.add.f32 [tilespmem:s9], [sflag:$0x1], $0x1, s12, s8, $0xb8;
	[tilespmem:$0x980] =	vst v63  }
0x16f: {  	_ =	swait.ge [sflag:s5], $0x80  }
0x170: {  	[sflag:s5] =	ssyncset.done $0x0  }
0x171: {  	[sflag:s5] =	ssyncadd.s32 $0xFFFFFF80  }
0x172: {  	[spmem:s1] =	stream.indirect.scatter.add.f32 [tilespmem:s9], [sflag:$0x1], $0x1, s13, s8, $0xb8;
	[tilespmem:$0x980] =	vst v63  }
0x173: {  	_ =	swait.ge [sflag:s5], $0x80  }
0x174: {  	[sflag:s5] =	ssyncset.done $0x0  }
0x175: {  	[sflag:s5] =	ssyncadd.s32 $0xFFFFFF80  }
0x176: {  	[spmem:s1] =	stream.indirect.scatter.add.f32 [tilespmem:s9], [sflag:$0x1], $0x1, s14, s8, $0xb8;
	[tilespmem:$0x980] =	vst v63  }
0x177: {  	_ =	swait.ge [sflag:s5], $0x80  }
0x178: {  	[sflag:s5] =	ssyncset.done $0x0  }
0x179: {  	[sflag:s5] =	ssyncadd.s32 $0xFFFFFF80  }
0x17a: {  	[spmem:s1] =	stream.indirect.scatter.add.f32 [tilespmem:s9], [sflag:$0x1], $0x1, s15, s8, $0xb8;
	[tilespmem:$0x980] =	vst v63  }
0x17b: {  	_ =	swait.ge [sflag:s5], $0x80  }
0x17c: {  	[sflag:s5] =	ssyncset.done $0x0  }
0x17d: {  	s24 =	sadd.s32 $0x480, s7;
	[sflag:s5] =	ssyncadd.s32 $0xFFFFFF80  }
0x17e: {  	[tilespmem:s2], [sflag:$0x1] =	stream.linear.gather [hbm4b:s24+s2], $0x400, $0x38;
	[tilespmem:$0x980] =	vst v63  }
0x17f: {  	_ =	swait.ge [sflag:s5], $0x400  }
0x180: {  	[sflag:s5] =	ssyncset.done $0x0  }
0x181: {  	[sflag:s5] =	ssyncadd.s32 $0xFFFFFC00  }
0x182: {  	[spmem:s1] =	stream.indirect.scatter.add.f32 [tilespmem:s9], [sflag:$0x1], $0x1, s2, s8, $0xb8;
	[tilespmem:$0x980] =	vst v63  }
0x183: {  	_ =	swait.ge [sflag:s5], $0x80  }
0x184: {  	[sflag:s5] =	ssyncset.done $0x0  }
0x185: {  	[sflag:s5] =	ssyncadd.s32 $0xFFFFFF80  }
0x186: {  	[spmem:s1] =	stream.indirect.scatter.add.f32 [tilespmem:s9], [sflag:$0x1], $0x1, s8, s8, $0xb8;
	[tilespmem:$0x980] =	vst v63  }
0x187: {  	_ =	swait.ge [sflag:s5], $0x80  }
0x188: {  	[sflag:s5] =	ssyncset.done $0x0  }
0x189: {  	[sflag:s5] =	ssyncadd.s32 $0xFFFFFF80  }
0x18a: {  	[spmem:s1] =	stream.indirect.scatter.add.f32 [tilespmem:s9], [sflag:$0x1], $0x1, s10, s8, $0xb8;
	[tilespmem:$0x980] =	vst v63  }
0x18b: {  	_ =	swait.ge [sflag:s5], $0x80  }
0x18c: {  	[sflag:s5] =	ssyncset.done $0x0  }
0x18d: {  	[sflag:s5] =	ssyncadd.s32 $0xFFFFFF80  }
0x18e: {  	[spmem:s1] =	stream.indirect.scatter.add.f32 [tilespmem:s9], [sflag:$0x1], $0x1, s11, s8, $0xb8;
	[tilespmem:$0x980] =	vst v63  }
0x18f: {  	_ =	swait.ge [sflag:s5], $0x80  }
0x190: {  	[sflag:s5] =	ssyncset.done $0x0  }
0x191: {  	[sflag:s5] =	ssyncadd.s32 $0xFFFFFF80  }
0x192: {  	[spmem:s1] =	stream.indirect.scatter.add.f32 [tilespmem:s9], [sflag:$0x1], $0x1, s12, s8, $0xb8;
	[tilespmem:$0x980] =	vst v63  }
0x193: {  	_ =	swait.ge [sflag:s5], $0x80  }
0x194: {  	[sflag:s5] =	ssyncset.done $0x0  }
0x195: {  	[sflag:s5] =	ssyncadd.s32 $0xFFFFFF80  }
0x196: {  	[spmem:s1] =	stream.indirect.scatter.add.f32 [tilespmem:s9], [sflag:$0x1], $0x1, s13, s8, $0xb8;
	[tilespmem:$0x980] =	vst v63  }
0x197: {  	_ =	swait.ge [sflag:s5], $0x80  }
0x198: {  	s30 =	simm.s32 $0x10;
	[sflag:s5] =	ssyncset.done $0x0  }
0x199: {  	s28 =	smul.u32 $0x500, s3;
	s29 =	sshll.u32 s26, $0x7;
	[sflag:s5] =	ssyncadd.s32 $0xFFFFFF80  }
0x19a: {  	[spmem:s1] =	stream.indirect.scatter.add.f32 [tilespmem:s9], [sflag:$0x1], $0x1, s14, s8, $0xb8;
	[tilespmem:$0x980] =	vst v63  }
0x19b: {  	s26 =	ssub.s32 $0x2, s26;
	s28 =	sor.u32 s29, s28;
	_ =	swait.ge [sflag:s5], $0x80  }
0x19c: {  	s29 =	sshrl.u32 s26, $0x1;
	s28 =	sshrl.u32 s28, $0x3;
	[sflag:s5] =	ssyncset.done $0x0  }
0x19d: {  	s26 =	ssub.s32 s26, s29;
	s29 =	simm.s32 $0x20;
	[sflag:s5] =	ssyncadd.s32 $0xFFFFFF80  }
0x19e: {  	[spmem:s1] =	stream.indirect.scatter.add.f32 [tilespmem:s9], [sflag:$0x1], $0x1, s15, s8, $0xb8;
	[tilespmem:$0x980] =	vst v63  }
0x19f: {  	s25 =	sadd.s32 s28, s25;
	s31 =	smax.u32 s26, $0x1;
	_ =	swait.ge [sflag:s5], $0x80  }
0x1a0: {  	s28 =	sshll.u32 s3, $0x6;
	p0 =	sne.s32 s31, $0x1;
	[sflag:s5] =	ssyncset.done $0x0  }
.Ltmp0:
0x1a1: {  	s25 =	sadd.s32 $0x2400, s25;
	[sflag:s5] =	ssyncadd.s32 $0xFFFFFF80;
	(pc) =	sbr.rel @!p0 .LBB2_2-.Ltmp0, $4  }
0x1a2: {  	s26 =	sor.u32 $0x1C01, s28;
	s28 =	sshrl.u32 s4, $0x3;
	[bflag:$0x0] =	sbarrier.arrive $0xFFFF  }
0x1a3: {  	[hbm:s25@s29], [sflag:s26] =	dma.strided [spmem:s28@s30], $0x50, s5, $0x10   }
0x1a4: {  	_ =	swait.ge [sflag:s5], $0x50  }
0x1a5: {  	s31 =	sadd.s32 $0xFFFFFFFF, s31;
	[sflag:s5] =	ssyncset.done $0x0  }
.LBB2_1:
0x1a6: {  	p0 =	sne.s32 s31, $0x1;
	s31 =	sadd.s32 $0xFFFFFFFF, s31;
	[sflag:s5] =	ssyncadd.s32 $0xFFFFFFB0  }
0x1a7: {  	[tilespmem:$0x420] =	vst v0  }
0x1a8: {  	[tilespmem:$0x430] =	vst v0  }
0x1a9: {  	[tilespmem:$0x440] =	vst v0  }
0x1aa: {  	[tilespmem:$0x450] =	vst v0  }
0x1ab: {  	[tilespmem:$0x460] =	vst v0  }
0x1ac: {  	[tilespmem:$0x470] =	vst v0  }
0x1ad: {  	[tilespmem:$0x480] =	vst v1  }
0x1ae: {  	[tilespmem:$0x490] =	vst v1  }
0x1af: {  	[tilespmem:$0x4A0] =	vst v1  }
0x1b0: {  	[tilespmem:$0x4B0] =	vst v1  }
0x1b1: {  	[tilespmem:$0x4C0] =	vst v1  }
0x1b2: {  	[tilespmem:$0x4D0] =	vst v1  }
0x1b3: {  	[tilespmem:$0x4E0] =	vst v1  }
0x1b4: {  	[tilespmem:$0x4F0] =	vst v1  }
0x1b5: {  	[tilespmem:$0x500] =	vst v1  }
0x1b6: {  	[tilespmem:$0x510] =	vst v1  }
0x1b7: {  	[tilespmem:$0x520] =	vst v1  }
0x1b8: {  	[tilespmem:$0x530] =	vst v1  }
0x1b9: {  	[tilespmem:$0x540] =	vst v1  }
0x1ba: {  	[tilespmem:$0x550] =	vst v1  }
0x1bb: {  	[tilespmem:$0x560] =	vst v1  }
0x1bc: {  	[tilespmem:$0x570] =	vst v1  }
0x1bd: {  	[tilespmem:$0x400] =	vst v0  }
0x1be: {  	[tilespmem:$0x6F0] =	vst v1  }
0x1bf: {  	[tilespmem:$0x6E0] =	vst v1  }
0x1c0: {  	[tilespmem:$0x6D0] =	vst v1  }
0x1c1: {  	[tilespmem:$0x6C0] =	vst v1  }
0x1c2: {  	[tilespmem:$0x6B0] =	vst v1  }
0x1c3: {  	[tilespmem:$0x6A0] =	vst v1  }
0x1c4: {  	[tilespmem:$0x690] =	vst v1  }
0x1c5: {  	[tilespmem:$0x680] =	vst v1  }
0x1c6: {  	[tilespmem:$0x670] =	vst v1  }
0x1c7: {  	[tilespmem:$0x660] =	vst v1  }
0x1c8: {  	[tilespmem:$0x650] =	vst v1  }
0x1c9: {  	[tilespmem:$0x640] =	vst v1  }
0x1ca: {  	[tilespmem:$0x630] =	vst v1  }
0x1cb: {  	[tilespmem:$0x620] =	vst v1  }
0x1cc: {  	[tilespmem:$0x610] =	vst v1  }
0x1cd: {  	[tilespmem:$0x600] =	vst v1  }
0x1ce: {  	[tilespmem:$0x5F0] =	vst v1  }
0x1cf: {  	[tilespmem:$0x5E0] =	vst v1  }
0x1d0: {  	[tilespmem:$0x5D0] =	vst v1  }
0x1d1: {  	[tilespmem:$0x5C0] =	vst v1  }
0x1d2: {  	[tilespmem:$0x5B0] =	vst v1  }
0x1d3: {  	[tilespmem:$0x5A0] =	vst v1  }
0x1d4: {  	[tilespmem:$0x590] =	vst v1  }
0x1d5: {  	[tilespmem:$0x580] =	vst v1  }
0x1d6: {  	[tilespmem:$0x410] =	vst v0  }
0x1d7: {  	[spmem:s4] =	stream.linear.scatter [tilespmem:s6], [sflag:$0x1], $0x280, $0x38;
	[tilespmem:$0x980] =	vst v63  }
0x1d8: {  	_ =	swait.ge [sflag:s5], $0x280  }
0x1d9: {  	[sflag:s5] =	ssyncset.done $0x0  }
0x1da: {  	[sflag:s5] =	ssyncadd.s32 $0xFFFFFD80  }
0x1db: {  	[bflag:$0x0] =	sbarrier.arrive $0xFFFF  }
0x1dc: {  	[tilespmem:s2], [sflag:$0x1] =	stream.linear.gather [hbm4b:s7+s2], $0x400, $0x38;
	[tilespmem:$0x980] =	vst v63  }
0x1dd: {  	_ =	swait.ge [sflag:s5], $0x400  }
0x1de: {  	[sflag:s5] =	ssyncset.done $0x0  }
0x1df: {  	[sflag:s5] =	ssyncadd.s32 $0xFFFFFC00  }
0x1e0: {  	[spmem:s1] =	stream.indirect.scatter.add.f32 [tilespmem:s9], [sflag:$0x1], $0x1, s2, s8, $0xb8;
	[tilespmem:$0x980] =	vst v63  }
0x1e1: {  	_ =	swait.ge [sflag:s5], $0x80  }
0x1e2: {  	[sflag:s5] =	ssyncset.done $0x0  }
0x1e3: {  	[sflag:s5] =	ssyncadd.s32 $0xFFFFFF80  }
0x1e4: {  	[spmem:s1] =	stream.indirect.scatter.add.f32 [tilespmem:s9], [sflag:$0x1], $0x1, s8, s8, $0xb8;
	[tilespmem:$0x980] =	vst v63  }
0x1e5: {  	_ =	swait.ge [sflag:s5], $0x80  }
0x1e6: {  	[sflag:s5] =	ssyncset.done $0x0  }
0x1e7: {  	[sflag:s5] =	ssyncadd.s32 $0xFFFFFF80  }
0x1e8: {  	[spmem:s1] =	stream.indirect.scatter.add.f32 [tilespmem:s9], [sflag:$0x1], $0x1, s10, s8, $0xb8;
	[tilespmem:$0x980] =	vst v63  }
0x1e9: {  	_ =	swait.ge [sflag:s5], $0x80  }
0x1ea: {  	[sflag:s5] =	ssyncset.done $0x0  }
0x1eb: {  	[sflag:s5] =	ssyncadd.s32 $0xFFFFFF80  }
0x1ec: {  	[spmem:s1] =	stream.indirect.scatter.add.f32 [tilespmem:s9], [sflag:$0x1], $0x1, s11, s8, $0xb8;
	[tilespmem:$0x980] =	vst v63  }
0x1ed: {  	_ =	swait.ge [sflag:s5], $0x80  }
0x1ee: {  	[sflag:s5] =	ssyncset.done $0x0  }
0x1ef: {  	[sflag:s5] =	ssyncadd.s32 $0xFFFFFF80  }
0x1f0: {  	[spmem:s1] =	stream.indirect.scatter.add.f32 [tilespmem:s9], [sflag:$0x1], $0x1, s12, s8, $0xb8;
	[tilespmem:$0x980] =	vst v63  }
0x1f1: {  	_ =	swait.ge [sflag:s5], $0x80  }
0x1f2: {  	[sflag:s5] =	ssyncset.done $0x0  }
0x1f3: {  	[sflag:s5] =	ssyncadd.s32 $0xFFFFFF80  }
0x1f4: {  	[spmem:s1] =	stream.indirect.scatter.add.f32 [tilespmem:s9], [sflag:$0x1], $0x1, s13, s8, $0xb8;
	[tilespmem:$0x980] =	vst v63  }
0x1f5: {  	_ =	swait.ge [sflag:s5], $0x80  }
0x1f6: {  	[sflag:s5] =	ssyncset.done $0x0  }
0x1f7: {  	[sflag:s5] =	ssyncadd.s32 $0xFFFFFF80  }
0x1f8: {  	[spmem:s1] =	stream.indirect.scatter.add.f32 [tilespmem:s9], [sflag:$0x1], $0x1, s14, s8, $0xb8;
	[tilespmem:$0x980] =	vst v63  }
0x1f9: {  	_ =	swait.ge [sflag:s5], $0x80  }
0x1fa: {  	[sflag:s5] =	ssyncset.done $0x0  }
0x1fb: {  	[sflag:s5] =	ssyncadd.s32 $0xFFFFFF80  }
0x1fc: {  	[spmem:s1] =	stream.indirect.scatter.add.f32 [tilespmem:s9], [sflag:$0x1], $0x1, s15, s8, $0xb8;
	[tilespmem:$0x980] =	vst v63  }
0x1fd: {  	_ =	swait.ge [sflag:s5], $0x80  }
0x1fe: {  	[sflag:s5] =	ssyncset.done $0x0  }
0x1ff: {  	[sflag:s5] =	ssyncadd.s32 $0xFFFFFF80  }
0x200: {  	[tilespmem:s2], [sflag:$0x1] =	stream.linear.gather [hbm4b:s16+s2], $0x400, $0x38;
	[tilespmem:$0x980] =	vst v63  }
0x201: {  	_ =	swait.ge [sflag:s5], $0x400  }
0x202: {  	[sflag:s5] =	ssyncset.done $0x0  }
0x203: {  	[sflag:s5] =	ssyncadd.s32 $0xFFFFFC00  }
0x204: {  	[spmem:s1] =	stream.indirect.scatter.add.f32 [tilespmem:s9], [sflag:$0x1], $0x1, s2, s8, $0xb8;
	[tilespmem:$0x980] =	vst v63  }
0x205: {  	_ =	swait.ge [sflag:s5], $0x80  }
0x206: {  	[sflag:s5] =	ssyncset.done $0x0  }
0x207: {  	[sflag:s5] =	ssyncadd.s32 $0xFFFFFF80  }
0x208: {  	[spmem:s1] =	stream.indirect.scatter.add.f32 [tilespmem:s9], [sflag:$0x1], $0x1, s8, s8, $0xb8;
	[tilespmem:$0x980] =	vst v63  }
0x209: {  	_ =	swait.ge [sflag:s5], $0x80  }
0x20a: {  	[sflag:s5] =	ssyncset.done $0x0  }
0x20b: {  	[sflag:s5] =	ssyncadd.s32 $0xFFFFFF80  }
0x20c: {  	[spmem:s1] =	stream.indirect.scatter.add.f32 [tilespmem:s9], [sflag:$0x1], $0x1, s10, s8, $0xb8;
	[tilespmem:$0x980] =	vst v63  }
0x20d: {  	_ =	swait.ge [sflag:s5], $0x80  }
0x20e: {  	[sflag:s5] =	ssyncset.done $0x0  }
0x20f: {  	[sflag:s5] =	ssyncadd.s32 $0xFFFFFF80  }
0x210: {  	[spmem:s1] =	stream.indirect.scatter.add.f32 [tilespmem:s9], [sflag:$0x1], $0x1, s11, s8, $0xb8;
	[tilespmem:$0x980] =	vst v63  }
0x211: {  	_ =	swait.ge [sflag:s5], $0x80  }
0x212: {  	[sflag:s5] =	ssyncset.done $0x0  }
0x213: {  	[sflag:s5] =	ssyncadd.s32 $0xFFFFFF80  }
0x214: {  	[spmem:s1] =	stream.indirect.scatter.add.f32 [tilespmem:s9], [sflag:$0x1], $0x1, s12, s8, $0xb8;
	[tilespmem:$0x980] =	vst v63  }
0x215: {  	_ =	swait.ge [sflag:s5], $0x80  }
0x216: {  	[sflag:s5] =	ssyncset.done $0x0  }
0x217: {  	[sflag:s5] =	ssyncadd.s32 $0xFFFFFF80  }
0x218: {  	[spmem:s1] =	stream.indirect.scatter.add.f32 [tilespmem:s9], [sflag:$0x1], $0x1, s13, s8, $0xb8;
	[tilespmem:$0x980] =	vst v63  }
0x219: {  	_ =	swait.ge [sflag:s5], $0x80  }
0x21a: {  	[sflag:s5] =	ssyncset.done $0x0  }
0x21b: {  	[sflag:s5] =	ssyncadd.s32 $0xFFFFFF80  }
0x21c: {  	[spmem:s1] =	stream.indirect.scatter.add.f32 [tilespmem:s9], [sflag:$0x1], $0x1, s14, s8, $0xb8;
	[tilespmem:$0x980] =	vst v63  }
0x21d: {  	_ =	swait.ge [sflag:s5], $0x80  }
0x21e: {  	[sflag:s5] =	ssyncset.done $0x0  }
0x21f: {  	[sflag:s5] =	ssyncadd.s32 $0xFFFFFF80  }
0x220: {  	[spmem:s1] =	stream.indirect.scatter.add.f32 [tilespmem:s9], [sflag:$0x1], $0x1, s15, s8, $0xb8;
	[tilespmem:$0x980] =	vst v63  }
0x221: {  	_ =	swait.ge [sflag:s5], $0x80  }
0x222: {  	[sflag:s5] =	ssyncset.done $0x0  }
0x223: {  	[sflag:s5] =	ssyncadd.s32 $0xFFFFFF80  }
0x224: {  	[tilespmem:s2], [sflag:$0x1] =	stream.linear.gather [hbm4b:s17+s2], $0x400, $0x38;
	[tilespmem:$0x980] =	vst v63  }
0x225: {  	_ =	swait.ge [sflag:s5], $0x400  }
0x226: {  	[sflag:s5] =	ssyncset.done $0x0  }
0x227: {  	[sflag:s5] =	ssyncadd.s32 $0xFFFFFC00  }
0x228: {  	[spmem:s1] =	stream.indirect.scatter.add.f32 [tilespmem:s9], [sflag:$0x1], $0x1, s2, s8, $0xb8;
	[tilespmem:$0x980] =	vst v63  }
0x229: {  	_ =	swait.ge [sflag:s5], $0x80  }
0x22a: {  	[sflag:s5] =	ssyncset.done $0x0  }
0x22b: {  	[sflag:s5] =	ssyncadd.s32 $0xFFFFFF80  }
0x22c: {  	[spmem:s1] =	stream.indirect.scatter.add.f32 [tilespmem:s9], [sflag:$0x1], $0x1, s8, s8, $0xb8;
	[tilespmem:$0x980] =	vst v63  }
0x22d: {  	_ =	swait.ge [sflag:s5], $0x80  }
0x22e: {  	[sflag:s5] =	ssyncset.done $0x0  }
0x22f: {  	[sflag:s5] =	ssyncadd.s32 $0xFFFFFF80  }
0x230: {  	[spmem:s1] =	stream.indirect.scatter.add.f32 [tilespmem:s9], [sflag:$0x1], $0x1, s10, s8, $0xb8;
	[tilespmem:$0x980] =	vst v63  }
0x231: {  	_ =	swait.ge [sflag:s5], $0x80  }
0x232: {  	[sflag:s5] =	ssyncset.done $0x0  }
0x233: {  	[sflag:s5] =	ssyncadd.s32 $0xFFFFFF80  }
0x234: {  	[spmem:s1] =	stream.indirect.scatter.add.f32 [tilespmem:s9], [sflag:$0x1], $0x1, s11, s8, $0xb8;
	[tilespmem:$0x980] =	vst v63  }
0x235: {  	_ =	swait.ge [sflag:s5], $0x80  }
0x236: {  	[sflag:s5] =	ssyncset.done $0x0  }
0x237: {  	[sflag:s5] =	ssyncadd.s32 $0xFFFFFF80  }
0x238: {  	[spmem:s1] =	stream.indirect.scatter.add.f32 [tilespmem:s9], [sflag:$0x1], $0x1, s12, s8, $0xb8;
	[tilespmem:$0x980] =	vst v63  }
0x239: {  	_ =	swait.ge [sflag:s5], $0x80  }
0x23a: {  	[sflag:s5] =	ssyncset.done $0x0  }
0x23b: {  	[sflag:s5] =	ssyncadd.s32 $0xFFFFFF80  }
0x23c: {  	[spmem:s1] =	stream.indirect.scatter.add.f32 [tilespmem:s9], [sflag:$0x1], $0x1, s13, s8, $0xb8;
	[tilespmem:$0x980] =	vst v63  }
0x23d: {  	_ =	swait.ge [sflag:s5], $0x80  }
0x23e: {  	[sflag:s5] =	ssyncset.done $0x0  }
0x23f: {  	[sflag:s5] =	ssyncadd.s32 $0xFFFFFF80  }
0x240: {  	[spmem:s1] =	stream.indirect.scatter.add.f32 [tilespmem:s9], [sflag:$0x1], $0x1, s14, s8, $0xb8;
	[tilespmem:$0x980] =	vst v63  }
0x241: {  	_ =	swait.ge [sflag:s5], $0x80  }
0x242: {  	[sflag:s5] =	ssyncset.done $0x0  }
0x243: {  	[sflag:s5] =	ssyncadd.s32 $0xFFFFFF80  }
0x244: {  	[spmem:s1] =	stream.indirect.scatter.add.f32 [tilespmem:s9], [sflag:$0x1], $0x1, s15, s8, $0xb8;
	[tilespmem:$0x980] =	vst v63  }
0x245: {  	_ =	swait.ge [sflag:s5], $0x80  }
0x246: {  	[sflag:s5] =	ssyncset.done $0x0  }
0x247: {  	[sflag:s5] =	ssyncadd.s32 $0xFFFFFF80  }
0x248: {  	[tilespmem:s2], [sflag:$0x1] =	stream.linear.gather [hbm4b:s18+s2], $0x400, $0x38;
	[tilespmem:$0x980] =	vst v63  }
0x249: {  	_ =	swait.ge [sflag:s5], $0x400  }
0x24a: {  	[sflag:s5] =	ssyncset.done $0x0  }
0x24b: {  	[sflag:s5] =	ssyncadd.s32 $0xFFFFFC00  }
0x24c: {  	[spmem:s1] =	stream.indirect.scatter.add.f32 [tilespmem:s9], [sflag:$0x1], $0x1, s2, s8, $0xb8;
	[tilespmem:$0x980] =	vst v63  }
0x24d: {  	_ =	swait.ge [sflag:s5], $0x80  }
0x24e: {  	[sflag:s5] =	ssyncset.done $0x0  }
0x24f: {  	[sflag:s5] =	ssyncadd.s32 $0xFFFFFF80  }
0x250: {  	[spmem:s1] =	stream.indirect.scatter.add.f32 [tilespmem:s9], [sflag:$0x1], $0x1, s8, s8, $0xb8;
	[tilespmem:$0x980] =	vst v63  }
0x251: {  	_ =	swait.ge [sflag:s5], $0x80  }
0x252: {  	[sflag:s5] =	ssyncset.done $0x0  }
0x253: {  	[sflag:s5] =	ssyncadd.s32 $0xFFFFFF80  }
0x254: {  	[spmem:s1] =	stream.indirect.scatter.add.f32 [tilespmem:s9], [sflag:$0x1], $0x1, s10, s8, $0xb8;
	[tilespmem:$0x980] =	vst v63  }
0x255: {  	_ =	swait.ge [sflag:s5], $0x80  }
0x256: {  	[sflag:s5] =	ssyncset.done $0x0  }
0x257: {  	[sflag:s5] =	ssyncadd.s32 $0xFFFFFF80  }
0x258: {  	[spmem:s1] =	stream.indirect.scatter.add.f32 [tilespmem:s9], [sflag:$0x1], $0x1, s11, s8, $0xb8;
	[tilespmem:$0x980] =	vst v63  }
0x259: {  	_ =	swait.ge [sflag:s5], $0x80  }
0x25a: {  	[sflag:s5] =	ssyncset.done $0x0  }
0x25b: {  	[sflag:s5] =	ssyncadd.s32 $0xFFFFFF80  }
0x25c: {  	[spmem:s1] =	stream.indirect.scatter.add.f32 [tilespmem:s9], [sflag:$0x1], $0x1, s12, s8, $0xb8;
	[tilespmem:$0x980] =	vst v63  }
0x25d: {  	_ =	swait.ge [sflag:s5], $0x80  }
0x25e: {  	[sflag:s5] =	ssyncset.done $0x0  }
0x25f: {  	[sflag:s5] =	ssyncadd.s32 $0xFFFFFF80  }
0x260: {  	[spmem:s1] =	stream.indirect.scatter.add.f32 [tilespmem:s9], [sflag:$0x1], $0x1, s13, s8, $0xb8;
	[tilespmem:$0x980] =	vst v63  }
0x261: {  	_ =	swait.ge [sflag:s5], $0x80  }
0x262: {  	[sflag:s5] =	ssyncset.done $0x0  }
0x263: {  	[sflag:s5] =	ssyncadd.s32 $0xFFFFFF80  }
0x264: {  	[spmem:s1] =	stream.indirect.scatter.add.f32 [tilespmem:s9], [sflag:$0x1], $0x1, s14, s8, $0xb8;
	[tilespmem:$0x980] =	vst v63  }
0x265: {  	_ =	swait.ge [sflag:s5], $0x80  }
0x266: {  	[sflag:s5] =	ssyncset.done $0x0  }
0x267: {  	[sflag:s5] =	ssyncadd.s32 $0xFFFFFF80  }
0x268: {  	[spmem:s1] =	stream.indirect.scatter.add.f32 [tilespmem:s9], [sflag:$0x1], $0x1, s15, s8, $0xb8;
	[tilespmem:$0x980] =	vst v63  }
0x269: {  	_ =	swait.ge [sflag:s5], $0x80  }
0x26a: {  	[sflag:s5] =	ssyncset.done $0x0  }
0x26b: {  	[sflag:s5] =	ssyncadd.s32 $0xFFFFFF80  }
0x26c: {  	[tilespmem:s2], [sflag:$0x1] =	stream.linear.gather [hbm4b:s19+s2], $0x400, $0x38;
	[tilespmem:$0x980] =	vst v63  }
0x26d: {  	_ =	swait.ge [sflag:s5], $0x400  }
0x26e: {  	[sflag:s5] =	ssyncset.done $0x0  }
0x26f: {  	[sflag:s5] =	ssyncadd.s32 $0xFFFFFC00  }
0x270: {  	[spmem:s1] =	stream.indirect.scatter.add.f32 [tilespmem:s9], [sflag:$0x1], $0x1, s2, s8, $0xb8;
	[tilespmem:$0x980] =	vst v63  }
0x271: {  	_ =	swait.ge [sflag:s5], $0x80  }
0x272: {  	[sflag:s5] =	ssyncset.done $0x0  }
0x273: {  	[sflag:s5] =	ssyncadd.s32 $0xFFFFFF80  }
0x274: {  	[spmem:s1] =	stream.indirect.scatter.add.f32 [tilespmem:s9], [sflag:$0x1], $0x1, s8, s8, $0xb8;
	[tilespmem:$0x980] =	vst v63  }
0x275: {  	_ =	swait.ge [sflag:s5], $0x80  }
0x276: {  	[sflag:s5] =	ssyncset.done $0x0  }
0x277: {  	[sflag:s5] =	ssyncadd.s32 $0xFFFFFF80  }
0x278: {  	[spmem:s1] =	stream.indirect.scatter.add.f32 [tilespmem:s9], [sflag:$0x1], $0x1, s10, s8, $0xb8;
	[tilespmem:$0x980] =	vst v63  }
0x279: {  	_ =	swait.ge [sflag:s5], $0x80  }
0x27a: {  	[sflag:s5] =	ssyncset.done $0x0  }
0x27b: {  	[sflag:s5] =	ssyncadd.s32 $0xFFFFFF80  }
0x27c: {  	[spmem:s1] =	stream.indirect.scatter.add.f32 [tilespmem:s9], [sflag:$0x1], $0x1, s11, s8, $0xb8;
	[tilespmem:$0x980] =	vst v63  }
0x27d: {  	_ =	swait.ge [sflag:s5], $0x80  }
0x27e: {  	[sflag:s5] =	ssyncset.done $0x0  }
0x27f: {  	[sflag:s5] =	ssyncadd.s32 $0xFFFFFF80  }
0x280: {  	[spmem:s1] =	stream.indirect.scatter.add.f32 [tilespmem:s9], [sflag:$0x1], $0x1, s12, s8, $0xb8;
	[tilespmem:$0x980] =	vst v63  }
0x281: {  	_ =	swait.ge [sflag:s5], $0x80  }
0x282: {  	[sflag:s5] =	ssyncset.done $0x0  }
0x283: {  	[sflag:s5] =	ssyncadd.s32 $0xFFFFFF80  }
0x284: {  	[spmem:s1] =	stream.indirect.scatter.add.f32 [tilespmem:s9], [sflag:$0x1], $0x1, s13, s8, $0xb8;
	[tilespmem:$0x980] =	vst v63  }
0x285: {  	_ =	swait.ge [sflag:s5], $0x80  }
0x286: {  	[sflag:s5] =	ssyncset.done $0x0  }
0x287: {  	[sflag:s5] =	ssyncadd.s32 $0xFFFFFF80  }
0x288: {  	[spmem:s1] =	stream.indirect.scatter.add.f32 [tilespmem:s9], [sflag:$0x1], $0x1, s14, s8, $0xb8;
	[tilespmem:$0x980] =	vst v63  }
0x289: {  	_ =	swait.ge [sflag:s5], $0x80  }
0x28a: {  	[sflag:s5] =	ssyncset.done $0x0  }
0x28b: {  	[sflag:s5] =	ssyncadd.s32 $0xFFFFFF80  }
0x28c: {  	[spmem:s1] =	stream.indirect.scatter.add.f32 [tilespmem:s9], [sflag:$0x1], $0x1, s15, s8, $0xb8;
	[tilespmem:$0x980] =	vst v63  }
0x28d: {  	_ =	swait.ge [sflag:s5], $0x80  }
0x28e: {  	[sflag:s5] =	ssyncset.done $0x0  }
0x28f: {  	[sflag:s5] =	ssyncadd.s32 $0xFFFFFF80  }
0x290: {  	[tilespmem:s2], [sflag:$0x1] =	stream.linear.gather [hbm4b:s20+s2], $0x400, $0x38;
	[tilespmem:$0x980] =	vst v63  }
0x291: {  	_ =	swait.ge [sflag:s5], $0x400  }
0x292: {  	[sflag:s5] =	ssyncset.done $0x0  }
0x293: {  	[sflag:s5] =	ssyncadd.s32 $0xFFFFFC00  }
0x294: {  	[spmem:s1] =	stream.indirect.scatter.add.f32 [tilespmem:s9], [sflag:$0x1], $0x1, s2, s8, $0xb8;
	[tilespmem:$0x980] =	vst v63  }
0x295: {  	_ =	swait.ge [sflag:s5], $0x80  }
0x296: {  	[sflag:s5] =	ssyncset.done $0x0  }
0x297: {  	[sflag:s5] =	ssyncadd.s32 $0xFFFFFF80  }
0x298: {  	[spmem:s1] =	stream.indirect.scatter.add.f32 [tilespmem:s9], [sflag:$0x1], $0x1, s8, s8, $0xb8;
	[tilespmem:$0x980] =	vst v63  }
0x299: {  	_ =	swait.ge [sflag:s5], $0x80  }
0x29a: {  	[sflag:s5] =	ssyncset.done $0x0  }
0x29b: {  	[sflag:s5] =	ssyncadd.s32 $0xFFFFFF80  }
0x29c: {  	[spmem:s1] =	stream.indirect.scatter.add.f32 [tilespmem:s9], [sflag:$0x1], $0x1, s10, s8, $0xb8;
	[tilespmem:$0x980] =	vst v63  }
0x29d: {  	_ =	swait.ge [sflag:s5], $0x80  }
0x29e: {  	[sflag:s5] =	ssyncset.done $0x0  }
0x29f: {  	[sflag:s5] =	ssyncadd.s32 $0xFFFFFF80  }
0x2a0: {  	[spmem:s1] =	stream.indirect.scatter.add.f32 [tilespmem:s9], [sflag:$0x1], $0x1, s11, s8, $0xb8;
	[tilespmem:$0x980] =	vst v63  }
0x2a1: {  	_ =	swait.ge [sflag:s5], $0x80  }
0x2a2: {  	[sflag:s5] =	ssyncset.done $0x0  }
0x2a3: {  	[sflag:s5] =	ssyncadd.s32 $0xFFFFFF80  }
0x2a4: {  	[spmem:s1] =	stream.indirect.scatter.add.f32 [tilespmem:s9], [sflag:$0x1], $0x1, s12, s8, $0xb8;
	[tilespmem:$0x980] =	vst v63  }
0x2a5: {  	_ =	swait.ge [sflag:s5], $0x80  }
0x2a6: {  	[sflag:s5] =	ssyncset.done $0x0  }
0x2a7: {  	[sflag:s5] =	ssyncadd.s32 $0xFFFFFF80  }
0x2a8: {  	[spmem:s1] =	stream.indirect.scatter.add.f32 [tilespmem:s9], [sflag:$0x1], $0x1, s13, s8, $0xb8;
	[tilespmem:$0x980] =	vst v63  }
0x2a9: {  	_ =	swait.ge [sflag:s5], $0x80  }
0x2aa: {  	[sflag:s5] =	ssyncset.done $0x0  }
0x2ab: {  	[sflag:s5] =	ssyncadd.s32 $0xFFFFFF80  }
0x2ac: {  	[spmem:s1] =	stream.indirect.scatter.add.f32 [tilespmem:s9], [sflag:$0x1], $0x1, s14, s8, $0xb8;
	[tilespmem:$0x980] =	vst v63  }
0x2ad: {  	_ =	swait.ge [sflag:s5], $0x80  }
0x2ae: {  	[sflag:s5] =	ssyncset.done $0x0  }
0x2af: {  	[sflag:s5] =	ssyncadd.s32 $0xFFFFFF80  }
0x2b0: {  	[spmem:s1] =	stream.indirect.scatter.add.f32 [tilespmem:s9], [sflag:$0x1], $0x1, s15, s8, $0xb8;
	[tilespmem:$0x980] =	vst v63  }
0x2b1: {  	_ =	swait.ge [sflag:s5], $0x80  }
0x2b2: {  	[sflag:s5] =	ssyncset.done $0x0  }
0x2b3: {  	[sflag:s5] =	ssyncadd.s32 $0xFFFFFF80  }
0x2b4: {  	[tilespmem:s2], [sflag:$0x1] =	stream.linear.gather [hbm4b:s21+s2], $0x400, $0x38;
	[tilespmem:$0x980] =	vst v63  }
0x2b5: {  	_ =	swait.ge [sflag:s5], $0x400  }
0x2b6: {  	[sflag:s5] =	ssyncset.done $0x0  }
0x2b7: {  	[sflag:s5] =	ssyncadd.s32 $0xFFFFFC00  }
0x2b8: {  	[spmem:s1] =	stream.indirect.scatter.add.f32 [tilespmem:s9], [sflag:$0x1], $0x1, s2, s8, $0xb8;
	[tilespmem:$0x980] =	vst v63  }
0x2b9: {  	_ =	swait.ge [sflag:s5], $0x80  }
0x2ba: {  	[sflag:s5] =	ssyncset.done $0x0  }
0x2bb: {  	[sflag:s5] =	ssyncadd.s32 $0xFFFFFF80  }
0x2bc: {  	[spmem:s1] =	stream.indirect.scatter.add.f32 [tilespmem:s9], [sflag:$0x1], $0x1, s8, s8, $0xb8;
	[tilespmem:$0x980] =	vst v63  }
0x2bd: {  	_ =	swait.ge [sflag:s5], $0x80  }
0x2be: {  	[sflag:s5] =	ssyncset.done $0x0  }
0x2bf: {  	[sflag:s5] =	ssyncadd.s32 $0xFFFFFF80  }
0x2c0: {  	[spmem:s1] =	stream.indirect.scatter.add.f32 [tilespmem:s9], [sflag:$0x1], $0x1, s10, s8, $0xb8;
	[tilespmem:$0x980] =	vst v63  }
0x2c1: {  	_ =	swait.ge [sflag:s5], $0x80  }
0x2c2: {  	[sflag:s5] =	ssyncset.done $0x0  }
0x2c3: {  	[sflag:s5] =	ssyncadd.s32 $0xFFFFFF80  }
0x2c4: {  	[spmem:s1] =	stream.indirect.scatter.add.f32 [tilespmem:s9], [sflag:$0x1], $0x1, s11, s8, $0xb8;
	[tilespmem:$0x980] =	vst v63  }
0x2c5: {  	_ =	swait.ge [sflag:s5], $0x80  }
0x2c6: {  	[sflag:s5] =	ssyncset.done $0x0  }
0x2c7: {  	[sflag:s5] =	ssyncadd.s32 $0xFFFFFF80  }
0x2c8: {  	[spmem:s1] =	stream.indirect.scatter.add.f32 [tilespmem:s9], [sflag:$0x1], $0x1, s12, s8, $0xb8;
	[tilespmem:$0x980] =	vst v63  }
0x2c9: {  	_ =	swait.ge [sflag:s5], $0x80  }
0x2ca: {  	[sflag:s5] =	ssyncset.done $0x0  }
0x2cb: {  	[sflag:s5] =	ssyncadd.s32 $0xFFFFFF80  }
0x2cc: {  	[spmem:s1] =	stream.indirect.scatter.add.f32 [tilespmem:s9], [sflag:$0x1], $0x1, s13, s8, $0xb8;
	[tilespmem:$0x980] =	vst v63  }
0x2cd: {  	_ =	swait.ge [sflag:s5], $0x80  }
0x2ce: {  	[sflag:s5] =	ssyncset.done $0x0  }
0x2cf: {  	[sflag:s5] =	ssyncadd.s32 $0xFFFFFF80  }
0x2d0: {  	[spmem:s1] =	stream.indirect.scatter.add.f32 [tilespmem:s9], [sflag:$0x1], $0x1, s14, s8, $0xb8;
	[tilespmem:$0x980] =	vst v63  }
0x2d1: {  	_ =	swait.ge [sflag:s5], $0x80  }
0x2d2: {  	[sflag:s5] =	ssyncset.done $0x0  }
0x2d3: {  	[sflag:s5] =	ssyncadd.s32 $0xFFFFFF80  }
0x2d4: {  	[spmem:s1] =	stream.indirect.scatter.add.f32 [tilespmem:s9], [sflag:$0x1], $0x1, s15, s8, $0xb8;
	[tilespmem:$0x980] =	vst v63  }
0x2d5: {  	_ =	swait.ge [sflag:s5], $0x80  }
0x2d6: {  	[sflag:s5] =	ssyncset.done $0x0  }
0x2d7: {  	[sflag:s5] =	ssyncadd.s32 $0xFFFFFF80  }
0x2d8: {  	[tilespmem:s2], [sflag:$0x1] =	stream.linear.gather [hbm4b:s22+s2], $0x400, $0x38;
	[tilespmem:$0x980] =	vst v63  }
0x2d9: {  	_ =	swait.ge [sflag:s5], $0x400  }
0x2da: {  	[sflag:s5] =	ssyncset.done $0x0  }
0x2db: {  	[sflag:s5] =	ssyncadd.s32 $0xFFFFFC00  }
0x2dc: {  	[spmem:s1] =	stream.indirect.scatter.add.f32 [tilespmem:s9], [sflag:$0x1], $0x1, s2, s8, $0xb8;
	[tilespmem:$0x980] =	vst v63  }
0x2dd: {  	_ =	swait.ge [sflag:s5], $0x80  }
0x2de: {  	[sflag:s5] =	ssyncset.done $0x0  }
0x2df: {  	[sflag:s5] =	ssyncadd.s32 $0xFFFFFF80  }
0x2e0: {  	[spmem:s1] =	stream.indirect.scatter.add.f32 [tilespmem:s9], [sflag:$0x1], $0x1, s8, s8, $0xb8;
	[tilespmem:$0x980] =	vst v63  }
0x2e1: {  	_ =	swait.ge [sflag:s5], $0x80  }
0x2e2: {  	[sflag:s5] =	ssyncset.done $0x0  }
0x2e3: {  	[sflag:s5] =	ssyncadd.s32 $0xFFFFFF80  }
0x2e4: {  	[spmem:s1] =	stream.indirect.scatter.add.f32 [tilespmem:s9], [sflag:$0x1], $0x1, s10, s8, $0xb8;
	[tilespmem:$0x980] =	vst v63  }
0x2e5: {  	_ =	swait.ge [sflag:s5], $0x80  }
0x2e6: {  	[sflag:s5] =	ssyncset.done $0x0  }
0x2e7: {  	[sflag:s5] =	ssyncadd.s32 $0xFFFFFF80  }
0x2e8: {  	[spmem:s1] =	stream.indirect.scatter.add.f32 [tilespmem:s9], [sflag:$0x1], $0x1, s11, s8, $0xb8;
	[tilespmem:$0x980] =	vst v63  }
0x2e9: {  	_ =	swait.ge [sflag:s5], $0x80  }
0x2ea: {  	[sflag:s5] =	ssyncset.done $0x0  }
0x2eb: {  	[sflag:s5] =	ssyncadd.s32 $0xFFFFFF80  }
0x2ec: {  	[spmem:s1] =	stream.indirect.scatter.add.f32 [tilespmem:s9], [sflag:$0x1], $0x1, s12, s8, $0xb8;
	[tilespmem:$0x980] =	vst v63  }
0x2ed: {  	_ =	swait.ge [sflag:s5], $0x80  }
0x2ee: {  	[sflag:s5] =	ssyncset.done $0x0  }
0x2ef: {  	[sflag:s5] =	ssyncadd.s32 $0xFFFFFF80  }
0x2f0: {  	[spmem:s1] =	stream.indirect.scatter.add.f32 [tilespmem:s9], [sflag:$0x1], $0x1, s13, s8, $0xb8;
	[tilespmem:$0x980] =	vst v63  }
0x2f1: {  	_ =	swait.ge [sflag:s5], $0x80  }
0x2f2: {  	[sflag:s5] =	ssyncset.done $0x0  }
0x2f3: {  	[sflag:s5] =	ssyncadd.s32 $0xFFFFFF80  }
0x2f4: {  	[spmem:s1] =	stream.indirect.scatter.add.f32 [tilespmem:s9], [sflag:$0x1], $0x1, s14, s8, $0xb8;
	[tilespmem:$0x980] =	vst v63  }
0x2f5: {  	_ =	swait.ge [sflag:s5], $0x80  }
0x2f6: {  	[sflag:s5] =	ssyncset.done $0x0  }
0x2f7: {  	[sflag:s5] =	ssyncadd.s32 $0xFFFFFF80  }
0x2f8: {  	[spmem:s1] =	stream.indirect.scatter.add.f32 [tilespmem:s9], [sflag:$0x1], $0x1, s15, s8, $0xb8;
	[tilespmem:$0x980] =	vst v63  }
0x2f9: {  	_ =	swait.ge [sflag:s5], $0x80  }
0x2fa: {  	[sflag:s5] =	ssyncset.done $0x0  }
0x2fb: {  	[sflag:s5] =	ssyncadd.s32 $0xFFFFFF80  }
0x2fc: {  	[tilespmem:s2], [sflag:$0x1] =	stream.linear.gather [hbm4b:s23+s2], $0x400, $0x38;
	[tilespmem:$0x980] =	vst v63  }
0x2fd: {  	_ =	swait.ge [sflag:s5], $0x400  }
0x2fe: {  	[sflag:s5] =	ssyncset.done $0x0  }
0x2ff: {  	[sflag:s5] =	ssyncadd.s32 $0xFFFFFC00  }
0x300: {  	[spmem:s1] =	stream.indirect.scatter.add.f32 [tilespmem:s9], [sflag:$0x1], $0x1, s2, s8, $0xb8;
	[tilespmem:$0x980] =	vst v63  }
0x301: {  	_ =	swait.ge [sflag:s5], $0x80  }
0x302: {  	[sflag:s5] =	ssyncset.done $0x0  }
0x303: {  	[sflag:s5] =	ssyncadd.s32 $0xFFFFFF80  }
0x304: {  	[spmem:s1] =	stream.indirect.scatter.add.f32 [tilespmem:s9], [sflag:$0x1], $0x1, s8, s8, $0xb8;
	[tilespmem:$0x980] =	vst v63  }
0x305: {  	_ =	swait.ge [sflag:s5], $0x80  }
0x306: {  	[sflag:s5] =	ssyncset.done $0x0  }
0x307: {  	[sflag:s5] =	ssyncadd.s32 $0xFFFFFF80  }
0x308: {  	[spmem:s1] =	stream.indirect.scatter.add.f32 [tilespmem:s9], [sflag:$0x1], $0x1, s10, s8, $0xb8;
	[tilespmem:$0x980] =	vst v63  }
0x309: {  	_ =	swait.ge [sflag:s5], $0x80  }
0x30a: {  	[sflag:s5] =	ssyncset.done $0x0  }
0x30b: {  	[sflag:s5] =	ssyncadd.s32 $0xFFFFFF80  }
0x30c: {  	[spmem:s1] =	stream.indirect.scatter.add.f32 [tilespmem:s9], [sflag:$0x1], $0x1, s11, s8, $0xb8;
	[tilespmem:$0x980] =	vst v63  }
0x30d: {  	_ =	swait.ge [sflag:s5], $0x80  }
0x30e: {  	[sflag:s5] =	ssyncset.done $0x0  }
0x30f: {  	[sflag:s5] =	ssyncadd.s32 $0xFFFFFF80  }
0x310: {  	[spmem:s1] =	stream.indirect.scatter.add.f32 [tilespmem:s9], [sflag:$0x1], $0x1, s12, s8, $0xb8;
	[tilespmem:$0x980] =	vst v63  }
0x311: {  	_ =	swait.ge [sflag:s5], $0x80  }
0x312: {  	[sflag:s5] =	ssyncset.done $0x0  }
0x313: {  	[sflag:s5] =	ssyncadd.s32 $0xFFFFFF80  }
0x314: {  	[spmem:s1] =	stream.indirect.scatter.add.f32 [tilespmem:s9], [sflag:$0x1], $0x1, s13, s8, $0xb8;
	[tilespmem:$0x980] =	vst v63  }
0x315: {  	_ =	swait.ge [sflag:s5], $0x80  }
0x316: {  	[sflag:s5] =	ssyncset.done $0x0  }
0x317: {  	[sflag:s5] =	ssyncadd.s32 $0xFFFFFF80  }
0x318: {  	[spmem:s1] =	stream.indirect.scatter.add.f32 [tilespmem:s9], [sflag:$0x1], $0x1, s14, s8, $0xb8;
	[tilespmem:$0x980] =	vst v63  }
0x319: {  	_ =	swait.ge [sflag:s5], $0x80  }
0x31a: {  	[sflag:s5] =	ssyncset.done $0x0  }
0x31b: {  	[sflag:s5] =	ssyncadd.s32 $0xFFFFFF80  }
0x31c: {  	[spmem:s1] =	stream.indirect.scatter.add.f32 [tilespmem:s9], [sflag:$0x1], $0x1, s15, s8, $0xb8;
	[tilespmem:$0x980] =	vst v63  }
0x31d: {  	_ =	swait.ge [sflag:s5], $0x80  }
0x31e: {  	[sflag:s5] =	ssyncset.done $0x0  }
0x31f: {  	[sflag:s5] =	ssyncadd.s32 $0xFFFFFF80  }
0x320: {  	[tilespmem:s2], [sflag:$0x1] =	stream.linear.gather [hbm4b:s24+s2], $0x400, $0x38;
	[tilespmem:$0x980] =	vst v63  }
0x321: {  	_ =	swait.ge [sflag:s5], $0x400  }
0x322: {  	[sflag:s5] =	ssyncset.done $0x0  }
0x323: {  	[sflag:s5] =	ssyncadd.s32 $0xFFFFFC00  }
0x324: {  	[spmem:s1] =	stream.indirect.scatter.add.f32 [tilespmem:s9], [sflag:$0x1], $0x1, s2, s8, $0xb8;
	[tilespmem:$0x980] =	vst v63  }
0x325: {  	_ =	swait.ge [sflag:s5], $0x80  }
0x326: {  	[sflag:s5] =	ssyncset.done $0x0  }
0x327: {  	[sflag:s5] =	ssyncadd.s32 $0xFFFFFF80  }
0x328: {  	[spmem:s1] =	stream.indirect.scatter.add.f32 [tilespmem:s9], [sflag:$0x1], $0x1, s8, s8, $0xb8;
	[tilespmem:$0x980] =	vst v63  }
0x329: {  	_ =	swait.ge [sflag:s5], $0x80  }
0x32a: {  	[sflag:s5] =	ssyncset.done $0x0  }
0x32b: {  	[sflag:s5] =	ssyncadd.s32 $0xFFFFFF80  }
0x32c: {  	[spmem:s1] =	stream.indirect.scatter.add.f32 [tilespmem:s9], [sflag:$0x1], $0x1, s10, s8, $0xb8;
	[tilespmem:$0x980] =	vst v63  }
0x32d: {  	_ =	swait.ge [sflag:s5], $0x80  }
0x32e: {  	[sflag:s5] =	ssyncset.done $0x0  }
0x32f: {  	[sflag:s5] =	ssyncadd.s32 $0xFFFFFF80  }
0x330: {  	[spmem:s1] =	stream.indirect.scatter.add.f32 [tilespmem:s9], [sflag:$0x1], $0x1, s11, s8, $0xb8;
	[tilespmem:$0x980] =	vst v63  }
0x331: {  	_ =	swait.ge [sflag:s5], $0x80  }
0x332: {  	[sflag:s5] =	ssyncset.done $0x0  }
0x333: {  	[sflag:s5] =	ssyncadd.s32 $0xFFFFFF80  }
0x334: {  	[spmem:s1] =	stream.indirect.scatter.add.f32 [tilespmem:s9], [sflag:$0x1], $0x1, s12, s8, $0xb8;
	[tilespmem:$0x980] =	vst v63  }
0x335: {  	_ =	swait.ge [sflag:s5], $0x80  }
0x336: {  	[sflag:s5] =	ssyncset.done $0x0  }
0x337: {  	[sflag:s5] =	ssyncadd.s32 $0xFFFFFF80  }
0x338: {  	[spmem:s1] =	stream.indirect.scatter.add.f32 [tilespmem:s9], [sflag:$0x1], $0x1, s13, s8, $0xb8;
	[tilespmem:$0x980] =	vst v63  }
0x339: {  	_ =	swait.ge [sflag:s5], $0x80  }
0x33a: {  	[sflag:s5] =	ssyncset.done $0x0  }
0x33b: {  	[sflag:s5] =	ssyncadd.s32 $0xFFFFFF80  }
0x33c: {  	[spmem:s1] =	stream.indirect.scatter.add.f32 [tilespmem:s9], [sflag:$0x1], $0x1, s14, s8, $0xb8;
	[tilespmem:$0x980] =	vst v63  }
0x33d: {  	_ =	swait.ge [sflag:s5], $0x80  }
0x33e: {  	[sflag:s5] =	ssyncset.done $0x0  }
0x33f: {  	[sflag:s5] =	ssyncadd.s32 $0xFFFFFF80  }
0x340: {  	[spmem:s1] =	stream.indirect.scatter.add.f32 [tilespmem:s9], [sflag:$0x1], $0x1, s15, s8, $0xb8;
	[tilespmem:$0x980] =	vst v63  }
0x341: {  	_ =	swait.ge [sflag:s5], $0x80  }
0x342: {  	[sflag:s5] =	ssyncset.done $0x0  }
.Ltmp1:
0x343: {  	[sflag:s5] =	ssyncadd.s32 $0xFFFFFF80;
	(pc) =	sbr.rel @p0 .LBB2_1-.Ltmp1, $4  }
0x344: {  	[bflag:$0x0] =	sbarrier.arrive $0xFFFF  }
0x345: {  	[hbm:s25@s29], [sflag:s26] =	dma.strided [spmem:s28@s30], $0x50, s5, $0x10   }
0x346: {  	_ =	swait.ge [sflag:s5], $0x50  }
0x347: {  	[sflag:s5] =	ssyncset.done $0x0  }
.LBB2_2:
0x348: {  	[sflag:s5] =	ssyncadd.s32 $0xFFFFFFB0  }
0x349: {  	_ =	sfence.sel $0x180000  }
0x34a: {  	[bflag:$0x0] =	sbarrier.arrive $0xFFFF  }
0x34b: {  	p0 =	sne.s32 s3, $0x0;
	_ =	strace $0x90000047  }
0x34c: {  	s0 =	sadd.s32 @!p0 $0x100000, s0;
	[bflag:$0x2] =	sbarrier.arrive $0xFFFF  }
0x34d: {  	[sflag:s0] =	ssyncadd.tile.s32 @!p0 $0x1;
	_ =	shalt  }
.Lfunc_end2:
_tile_overlayer_lowered:
.L_overlay_start_2:
0x34e: {  	(tag) =	ssettag $0x2  }
0x34f: {  	s0 =	rddreg [dreg:$0x0];
	s2 =	stileid.u32  }
0x350: {  	s1 =	rddreg [dreg:$0x1];
	p0 =	sne.s32 s2, $0x0  }
0x351: {  	s3 =	rddreg [dreg:$0x2];
	[bflag:$0x3] =	sbarrier.arrive $0xFFFF;
	s2 =	simm.s32 @!p0 $0x1C01  }
0x352: {  	[timem:s3], [sflag:s2] =	dma.local @!p0 [hbm:s0], s1  }
0x353: {  	s0 =	simm.s32 @!p0 $0x1  }
0x354: {  	_ =	swait.ge @!p0 [sflag:s0], s1  }
0x355: {  	s1 =	ssub.s32 @!p0 $0x0, s1;
	[sflag:s0] =	ssyncset.done @!p0 $0x0  }
0x356: {  	[sflag:s0] =	ssyncadd.s32 @!p0 s1  }
0x357: {  	[bflag:$0x3] =	sbarrier.arrive $0xFFFF  }
0x358: {  	_ =	shalt  }

</sc_bundles>
